<compile_context>
chip_gen: v7x
topology: tpu7x:2x2x1
jax: 0.10.2.dev20260603
libtpu: 0.0.44.dev20260713+nightly
codegen_flags: <defaults>
</compile_context>

<pallas_src>
import functools

import jax
import jax.numpy as jnp
from jax import lax
from jax.experimental import pallas as pl
from jax.experimental.pallas import tpu as pltpu
from jax.experimental.pallas import tpu_sc as plsc

B, K, Z, H = 4, 256, 128, 128
ISC = 64
KTC = K - ISC
NWORK = 32
WPB = NWORK // B
RPW = ISC // WPB
_IT = 4
_NZC = Z // 16


def _prep_kernel(z_ref, p_ref, w1_ref, b1_ref, w2_ref, b2_ref,
                 m1_ref, m2_ref, nmt_ref):
    z = z_ref[0]
    m1_ref[0] = jnp.dot(z, w1_ref[...], preferred_element_type=jnp.float32) + b1_ref[...]
    m2_ref[0] = jnp.dot(z, w2_ref[...], preferred_element_type=jnp.float32) + b2_ref[...]
    neg = jnp.float32(-jnp.inf)
    nmt_ref[0] = jnp.where(p_ref[0].T != 0, jnp.float32(0), neg)


def _sc_body(m2_hbm, nmt_hbm, out_hbm, m2_v, nm_v, mo_v, sem):
    c = lax.axis_index("c")
    s = lax.axis_index("s")
    wid = s * 2 + c
    b = wid // WPB
    i0 = (wid % WPB) * RPW
    pltpu.sync_copy(m2_hbm.at[b], m2_v)
    pltpu.sync_copy(nmt_hbm.at[b, pl.ds(i0, RPW)], nm_v)
    neg = jnp.float32(-jnp.inf)

    def tbody(t, carry):
        def jgbody(jg, accs, t=t):
            mv = [nm_v[t * _IT + u, pl.ds(16 * jg, 16)] for u in range(_IT)]
            for jj in range(16):
                row = [m2_v[16 * jg + jj, pl.ds(16 * zc, 16)]
                       for zc in range(_NZC)]
                accs = tuple(
                    tuple(jnp.maximum(accs[u][zc], row[zc] + mv[u][jj])
                          for zc in range(_NZC))
                    for u in range(_IT))
            return accs

        init = tuple(tuple(jnp.full((16,), neg, jnp.float32)
                           for _ in range(_NZC)) for _ in range(_IT))
        accs = lax.fori_loop(0, K // 16, jgbody, init)
        for u in range(_IT):
            for zc in range(_NZC):
                mo_v[t * _IT + u, pl.ds(16 * zc, 16)] = accs[u][zc]
        return carry

    lax.fori_loop(0, RPW // _IT, tbody, 0)
    pltpu.sync_copy(mo_v, out_hbm.at[b, pl.ds(i0, RPW)])


def _tcmax_kernel(p_ref, m2_ref, mt_ref):
    m2 = m2_ref[0]
    neg = jnp.float32(-jnp.inf)
    nm = jnp.where(p_ref[0] != 0, jnp.float32(0), neg)
    rows = []
    for i in range(ISC, K):
        s = m2 + nm[:, i:i + 1]
        rows.append(jnp.max(s, axis=0, keepdims=True))
    mt_ref[0] = jnp.concatenate(rows, axis=0)


def _post_kernel(z_ref, m1_ref, msc_ref, mtc_ref, wut_ref, wub_ref, bu_ref,
                 out_ref):
    neg = jnp.float32(-jnp.inf)
    M = jnp.concatenate([msc_ref[0], mtc_ref[0]], axis=0)
    m = jnp.where(M == neg, neg, jax.nn.relu(m1_ref[0] + M))
    acc = jnp.dot(z_ref[0], wut_ref[...], preferred_element_type=jnp.float32)
    acc = acc + jnp.dot(m, wub_ref[...], preferred_element_type=jnp.float32)
    out_ref[0] = jax.nn.relu(acc + bu_ref[...])


@jax.jit
def kernel(z, P, W_M1, b_M1, W_M2, b_M2, W_U, b_U):
    m1, m2, nmt = pl.pallas_call(
        _prep_kernel,
        grid=(B,),
        in_specs=[
            pl.BlockSpec((1, K, Z), lambda b: (b, 0, 0)),
            pl.BlockSpec((1, K, K), lambda b: (b, 0, 0)),
            pl.BlockSpec((Z, Z), lambda b: (0, 0)),
            pl.BlockSpec((1, Z), lambda b: (0, 0)),
            pl.BlockSpec((Z, Z), lambda b: (0, 0)),
            pl.BlockSpec((1, Z), lambda b: (0, 0)),
        ],
        out_specs=(
            pl.BlockSpec((1, K, Z), lambda b: (b, 0, 0)),
            pl.BlockSpec((1, K, Z), lambda b: (b, 0, 0)),
            pl.BlockSpec((1, K, K), lambda b: (b, 0, 0)),
        ),
        out_shape=(
            jax.ShapeDtypeStruct((B, K, Z), jnp.float32),
            jax.ShapeDtypeStruct((B, K, Z), jnp.float32),
            jax.ShapeDtypeStruct((B, K, K), jnp.float32),
        ),
    )(z, P, W_M1, b_M1.reshape(1, Z), W_M2, b_M2.reshape(1, Z))

    mesh = plsc.VectorSubcoreMesh(core_axis_name="c", subcore_axis_name="s")
    sc_agg = functools.partial(
        pl.kernel,
        mesh=mesh,
        out_type=jax.ShapeDtypeStruct((B, ISC, Z), jnp.float32),
        scratch_types=[
            pltpu.VMEM((K, Z), jnp.float32),
            pltpu.VMEM((RPW, K), jnp.float32),
            pltpu.VMEM((RPW, Z), jnp.float32),
            pltpu.SemaphoreType.DMA,
        ],
    )(_sc_body)
    M_sc = sc_agg(m2, nmt)

    M_tc = pl.pallas_call(
        _tcmax_kernel,
        grid=(B,),
        in_specs=[
            pl.BlockSpec((1, K, K), lambda b: (b, 0, 0)),
            pl.BlockSpec((1, K, Z), lambda b: (b, 0, 0)),
        ],
        out_specs=pl.BlockSpec((1, KTC, Z), lambda b: (b, 0, 0)),
        out_shape=jax.ShapeDtypeStruct((B, KTC, Z), jnp.float32),
    )(P, m2)

    out = pl.pallas_call(
        _post_kernel,
        grid=(B,),
        in_specs=[
            pl.BlockSpec((1, K, Z), lambda b: (b, 0, 0)),
            pl.BlockSpec((1, K, Z), lambda b: (b, 0, 0)),
            pl.BlockSpec((1, ISC, Z), lambda b: (b, 0, 0)),
            pl.BlockSpec((1, KTC, Z), lambda b: (b, 0, 0)),
            pl.BlockSpec((Z, H), lambda b: (0, 0)),
            pl.BlockSpec((Z, H), lambda b: (0, 0)),
            pl.BlockSpec((1, H), lambda b: (0, 0)),
        ],
        out_specs=pl.BlockSpec((1, K, H), lambda b: (b, 0, 0)),
        out_shape=jax.ShapeDtypeStruct((B, K, H), jnp.float32),
    )(z, m1, M_sc, M_tc, W_U[:Z], W_U[Z:], b_U.reshape(1, H))
    return out

# --- scband reference (transcript-rebuilt; emitter-appended) ---
"""Pipeline reference for scband-proc-72206990181060 (READ-ONLY COPY).

The authoritative reference and input builder live on the scoring server;
editing this copy changes nothing except your own understanding.
"""

import jax, jax.numpy as jnp
import numpy as np


def setup_inputs(seed: int = 0) -> dict:
    key = jax.random.key(seed)
    ks = jax.random.split(key, 8)
    B, K, Z, H = 4, 256, 128, 128
    z = jax.random.normal(ks[0], (B, K, Z), dtype=jnp.float32)
    # dense adjacency mask, density ~0.5 so every node has neighbors
    P = jax.random.randint(ks[1], (B, K, K), 0, 2, dtype=jnp.int32)
    W_M1 = jax.random.normal(ks[2], (Z, Z), dtype=jnp.float32) / np.sqrt(Z)
    b_M1 = jnp.zeros((Z,), dtype=jnp.float32)
    W_M2 = jax.random.normal(ks[3], (Z, Z), dtype=jnp.float32) / np.sqrt(Z)
    b_M2 = jnp.zeros((Z,), dtype=jnp.float32)
    W_U = jax.random.normal(ks[4], (2 * Z, H), dtype=jnp.float32) / np.sqrt(2 * Z)
    b_U = jnp.zeros((H,), dtype=jnp.float32)
    return {"z": z, "P": P, "W_M1": W_M1, "b_M1": b_M1,
            "W_M2": W_M2, "b_M2": b_M2, "W_U": W_U, "b_U": b_U}


def reference(z, P, W_M1, b_M1, W_M2, b_M2, W_U, b_U):
    # m1z, m2z: [B, K, Z]
    m1z = z @ W_M1 + b_M1
    m2z = z @ W_M2 + b_M2
    # torch loop: m[b, i] = max_{j : P[b, j, i] != 0} relu(m1z[b, i] + m2z[b, j])
    # vectorized: s[b, i, j, :] = relu(m1z[b, i] + m2z[b, j])
    s = jax.nn.relu(m1z[:, :, None, :] + m2z[:, None, :, :])  # [B, K(i), K(j), Z]
    mask = jnp.transpose(P != 0, (0, 2, 1))  # [B, K(i), K(j)]
    s_masked = jnp.where(mask[..., None], s, -jnp.inf)
    m = jnp.max(s_masked, axis=2)  # [B, K, Z]
    out = jax.nn.relu(jnp.concatenate((z, m), axis=-1) @ W_U + b_U)
    return out

if __name__ == "__main__":
    import jax
    _d = setup_inputs()
    print(jax.jit(kernel)(*tuple(_d.values())))

</pallas_src>

<mosaic_0001>
#map = affine_map<(d0, d1) -> (0, 0, 0)>
module attributes {stable_mosaic.version = 14 : i64} {
  func.func @_sc_body(%arg0: i32, %arg1: i32, %arg2: memref<4x256x128xf32, #tpu.memory_space<hbm>>, %arg3: memref<4x256x256xf32, #tpu.memory_space<hbm>>, %arg4: memref<4x64x128xf32, #tpu.memory_space<hbm>>, %arg5: memref<256x128xf32, #tpu.memory_space<vmem>>, %arg6: memref<8x256xf32, #tpu.memory_space<vmem>>, %arg7: memref<8x128xf32, #tpu.memory_space<vmem>>, %arg8: memref<!tpu.dma_semaphore, #tpu.memory_space<semaphore_mem>>) attributes {dimension_semantics = [#tpu.dimension_semantics<core_parallel>, #tpu.dimension_semantics<subcore_parallel>], iteration_bounds = array<i64: 2, 16>, scalar_prefetch = 0 : i64, scratch_operands = 4 : i64, tpu.core_type = #tpu.core_type<sc_vector_subcore>, window_params = [{transform_indices = #map}, {transform_indices = #map}, {transform_indices = #map}]} {
    %mul3A = arith.constant 2 : i32
    %mul3A_0 = arith.muli %arg1, %mul3A : i32
    %add3A = arith.addi %mul3A_0, %arg0 : i32
    %jit3A = arith.constant 8 : i32
    %div3A = arith.divsi %add3A, %jit3A : i32
    %sign3A = arith.constant 0 : i32
    %sign3A_1 = arith.cmpi sgt, %add3A, %sign3A : i32
    %sign3A_2 = arith.extui %sign3A_1 : i1 to i32
    %sign3A_3 = arith.constant 0 : i32
    %sign3A_4 = arith.cmpi slt, %add3A, %sign3A_3 : i32
    %sign3A_5 = arith.extui %sign3A_4 : i1 to i32
    %sign3A_6 = arith.subi %sign3A_2, %sign3A_5 : i32
    %sign3A_7 = arith.constant 0 : i32
    %sign3A_8 = arith.cmpi sgt, %jit3A, %sign3A_7 : i32
    %sign3A_9 = arith.extui %sign3A_8 : i1 to i32
    %sign3A_10 = arith.constant 0 : i32
    %sign3A_11 = arith.cmpi slt, %jit3A, %sign3A_10 : i32
    %sign3A_12 = arith.extui %sign3A_11 : i1 to i32
    %sign3A_13 = arith.subi %sign3A_9, %sign3A_12 : i32
    %ne3A = arith.cmpi ne, %sign3A_6, %sign3A_13 : i32
    %rem3A = arith.remsi %add3A, %jit3A : i32
    %ne3A_14 = arith.constant 0 : i32
    %ne3A_15 = arith.cmpi ne, %rem3A, %ne3A_14 : i32
    %and3A = arith.andi %ne3A, %ne3A_15 : i1
    %sub3A = arith.constant 1 : i32
    %sub3A_16 = arith.subi %div3A, %sub3A : i32
    %select_n3A = arith.select %and3A, %sub3A_16, %div3A : i32
    %jit3A_17 = arith.constant 8 : i32
    %eq3A = arith.constant 0 : i32
    %eq3A_18 = arith.cmpi eq, %jit3A_17, %eq3A : i32
    %jit3A_19 = arith.constant 1 : i32
    %select_n3A_20 = arith.select %eq3A_18, %jit3A_19, %jit3A_17 : i32
    %rem3A_21 = arith.remsi %add3A, %select_n3A_20 : i32
    %ne3A_22 = arith.constant 0 : i32
    %ne3A_23 = arith.cmpi ne, %rem3A_21, %ne3A_22 : i32
    %lt3A = arith.constant 0 : i32
    %lt3A_24 = arith.cmpi slt, %rem3A_21, %lt3A : i32
    %lt3A_25 = arith.constant 0 : i32
    %lt3A_26 = arith.cmpi slt, %select_n3A_20, %lt3A_25 : i32
    %ne3A_27 = arith.xori %lt3A_24, %lt3A_26 : i1
    %and3A_28 = arith.andi %ne3A_27, %ne3A_23 : i1
    %add3A_29 = arith.addi %rem3A_21, %select_n3A_20 : i32
    %select_n3A_30 = arith.select %and3A_28, %add3A_29, %rem3A_21 : i32
    %mul3A_31 = arith.constant 8 : i32
    %mul3A_32 = arith.muli %select_n3A_30, %mul3A_31 : i32
    "tpu.region"() ({
      %run_scoped3A = tpu.sem_alloc : memref<!tpu.dma_semaphore, #tpu.memory_space<semaphore_mem>>
      %dma_start3A = arith.constant 0 : i32
      %dma_start3A_39 = arith.constant 0 : i32
      %dma_start3A_40 = tpu.memref_slice %arg2[%select_n3A, %dma_start3A, %dma_start3A_39] : memref<4x256x128xf32, #tpu.memory_space<hbm>> -> memref<1x256x128xf32, #tpu.memory_space<hbm>>
      %dma_start3A_41 = tpu.memref_squeeze %dma_start3A_40 : memref<1x256x128xf32, #tpu.memory_space<hbm>> -> memref<256x128xf32, #tpu.memory_space<hbm>>
      %dma_start3A_42 = arith.constant 0 : i32
      %dma_start3A_43 = arith.constant 0 : i32
      %dma_start3A_44 = tpu.memref_slice %arg2[%select_n3A, %dma_start3A_42, %dma_start3A_43] : memref<4x256x128xf32, #tpu.memory_space<hbm>> -> memref<1x256x128xf32, #tpu.memory_space<hbm>>
      %dma_start3A_45 = tpu.memref_squeeze %dma_start3A_44 : memref<1x256x128xf32, #tpu.memory_space<hbm>> -> memref<256x128xf32, #tpu.memory_space<hbm>>
      tpu.enqueue_dma source(%dma_start3A_45 : memref<256x128xf32, #tpu.memory_space<hbm>>) target(%arg5 : memref<256x128xf32, #tpu.memory_space<vmem>>) target_semaphore(%run_scoped3A : memref<!tpu.dma_semaphore, #tpu.memory_space<semaphore_mem>>)
      %dma_wait3A = arith.constant 0 : i32
      %dma_wait3A_46 = arith.constant 0 : i32
      %dma_wait3A_47 = tpu.memref_slice %arg2[%select_n3A, %dma_wait3A, %dma_wait3A_46] : memref<4x256x128xf32, #tpu.memory_space<hbm>> -> memref<1x256x128xf32, #tpu.memory_space<hbm>>
      %dma_wait3A_48 = tpu.memref_squeeze %dma_wait3A_47 : memref<1x256x128xf32, #tpu.memory_space<hbm>> -> memref<256x128xf32, #tpu.memory_space<hbm>>
      %dma_wait3A_49 = arith.constant 0 : i32
      %dma_wait3A_50 = arith.constant 0 : i32
      %dma_wait3A_51 = tpu.memref_slice %arg2[%select_n3A, %dma_wait3A_49, %dma_wait3A_50] : memref<4x256x128xf32, #tpu.memory_space<hbm>> -> memref<1x256x128xf32, #tpu.memory_space<hbm>>
      %dma_wait3A_52 = tpu.memref_squeeze %dma_wait3A_51 : memref<1x256x128xf32, #tpu.memory_space<hbm>> -> memref<256x128xf32, #tpu.memory_space<hbm>>
      tpu.wait_dma2 semaphore(%run_scoped3A : memref<!tpu.dma_semaphore, #tpu.memory_space<semaphore_mem>>) src(%dma_wait3A_52 : memref<256x128xf32, #tpu.memory_space<hbm>>) dst(%arg5 : memref<256x128xf32, #tpu.memory_space<vmem>>)
      tpu.yield
    }) : () -> ()
    "tpu.region"() ({
      %run_scoped3A = tpu.sem_alloc : memref<!tpu.dma_semaphore, #tpu.memory_space<semaphore_mem>>
      %dma_start3A = arith.constant 0 : i32
      %dma_start3A_39 = tpu.memref_slice %arg3[%select_n3A, %mul3A_32, %dma_start3A] : memref<4x256x256xf32, #tpu.memory_space<hbm>> -> memref<1x8x256xf32, #tpu.memory_space<hbm>>
      %dma_start3A_40 = tpu.memref_squeeze %dma_start3A_39 : memref<1x8x256xf32, #tpu.memory_space<hbm>> -> memref<8x256xf32, #tpu.memory_space<hbm>>
      %dma_start3A_41 = arith.constant 0 : i32
      %dma_start3A_42 = tpu.memref_slice %arg3[%select_n3A, %mul3A_32, %dma_start3A_41] : memref<4x256x256xf32, #tpu.memory_space<hbm>> -> memref<1x8x256xf32, #tpu.memory_space<hbm>>
      %dma_start3A_43 = tpu.memref_squeeze %dma_start3A_42 : memref<1x8x256xf32, #tpu.memory_space<hbm>> -> memref<8x256xf32, #tpu.memory_space<hbm>>
      tpu.enqueue_dma source(%dma_start3A_43 : memref<8x256xf32, #tpu.memory_space<hbm>>) target(%arg6 : memref<8x256xf32, #tpu.memory_space<vmem>>) target_semaphore(%run_scoped3A : memref<!tpu.dma_semaphore, #tpu.memory_space<semaphore_mem>>)
      %dma_wait3A = arith.constant 0 : i32
      %dma_wait3A_44 = tpu.memref_slice %arg3[%select_n3A, %mul3A_32, %dma_wait3A] : memref<4x256x256xf32, #tpu.memory_space<hbm>> -> memref<1x8x256xf32, #tpu.memory_space<hbm>>
      %dma_wait3A_45 = tpu.memref_squeeze %dma_wait3A_44 : memref<1x8x256xf32, #tpu.memory_space<hbm>> -> memref<8x256xf32, #tpu.memory_space<hbm>>
      %dma_wait3A_46 = arith.constant 0 : i32
      %dma_wait3A_47 = tpu.memref_slice %arg3[%select_n3A, %mul3A_32, %dma_wait3A_46] : memref<4x256x256xf32, #tpu.memory_space<hbm>> -> memref<1x8x256xf32, #tpu.memory_space<hbm>>
      %dma_wait3A_48 = tpu.memref_squeeze %dma_wait3A_47 : memref<1x8x256xf32, #tpu.memory_space<hbm>> -> memref<8x256xf32, #tpu.memory_space<hbm>>
      tpu.wait_dma2 semaphore(%run_scoped3A : memref<!tpu.dma_semaphore, #tpu.memory_space<semaphore_mem>>) src(%dma_wait3A_48 : memref<8x256xf32, #tpu.memory_space<hbm>>) dst(%arg6 : memref<8x256xf32, #tpu.memory_space<vmem>>)
      tpu.yield
    }) : () -> ()
    %scan3A = arith.constant 0 : i32
    %scan3A_33 = arith.constant 0xFF800000 : f32
    %scan3A_34 = arith.constant 0 : i32
    %scan3A_35 = arith.constant 2 : i32
    %scan3A_36 = arith.addi %scan3A_34, %scan3A_35 : i32
    %scan3A_37 = arith.constant 1 : i32
    scf.for %scan3A_39 = %scan3A_34 to %scan3A_36 step %scan3A_37  : i32 {
      %broadcast_in_dim3A = vector.broadcast %scan3A_33 : f32 to vector<16xf32>
      %broadcast_in_dim3A_40 = vector.broadcast %scan3A_33 : f32 to vector<16xf32>
      %broadcast_in_dim3A_41 = vector.broadcast %scan3A_33 : f32 to vector<16xf32>
      %broadcast_in_dim3A_42 = vector.broadcast %scan3A_33 : f32 to vector<16xf32>
      %broadcast_in_dim3A_43 = vector.broadcast %scan3A_33 : f32 to vector<16xf32>
      %broadcast_in_dim3A_44 = vector.broadcast %scan3A_33 : f32 to vector<16xf32>
      %broadcast_in_dim3A_45 = vector.broadcast %scan3A_33 : f32 to vector<16xf32>
      %broadcast_in_dim3A_46 = vector.broadcast %scan3A_33 : f32 to vector<16xf32>
      %broadcast_in_dim3A_47 = vector.broadcast %scan3A_33 : f32 to vector<16xf32>
      %broadcast_in_dim3A_48 = vector.broadcast %scan3A_33 : f32 to vector<16xf32>
      %broadcast_in_dim3A_49 = vector.broadcast %scan3A_33 : f32 to vector<16xf32>
      %broadcast_in_dim3A_50 = vector.broadcast %scan3A_33 : f32 to vector<16xf32>
      %broadcast_in_dim3A_51 = vector.broadcast %scan3A_33 : f32 to vector<16xf32>
      %broadcast_in_dim3A_52 = vector.broadcast %scan3A_33 : f32 to vector<16xf32>
      %broadcast_in_dim3A_53 = vector.broadcast %scan3A_33 : f32 to vector<16xf32>
      %broadcast_in_dim3A_54 = vector.broadcast %scan3A_33 : f32 to vector<16xf32>
      %broadcast_in_dim3A_55 = vector.broadcast %scan3A_33 : f32 to vector<16xf32>
      %broadcast_in_dim3A_56 = vector.broadcast %scan3A_33 : f32 to vector<16xf32>
      %broadcast_in_dim3A_57 = vector.broadcast %scan3A_33 : f32 to vector<16xf32>
      %broadcast_in_dim3A_58 = vector.broadcast %scan3A_33 : f32 to vector<16xf32>
      %broadcast_in_dim3A_59 = vector.broadcast %scan3A_33 : f32 to vector<16xf32>
      %broadcast_in_dim3A_60 = vector.broadcast %scan3A_33 : f32 to vector<16xf32>
      %broadcast_in_dim3A_61 = vector.broadcast %scan3A_33 : f32 to vector<16xf32>
      %broadcast_in_dim3A_62 = vector.broadcast %scan3A_33 : f32 to vector<16xf32>
      %broadcast_in_dim3A_63 = vector.broadcast %scan3A_33 : f32 to vector<16xf32>
      %broadcast_in_dim3A_64 = vector.broadcast %scan3A_33 : f32 to vector<16xf32>
      %broadcast_in_dim3A_65 = vector.broadcast %scan3A_33 : f32 to vector<16xf32>
      %broadcast_in_dim3A_66 = vector.broadcast %scan3A_33 : f32 to vector<16xf32>
      %broadcast_in_dim3A_67 = vector.broadcast %scan3A_33 : f32 to vector<16xf32>
      %broadcast_in_dim3A_68 = vector.broadcast %scan3A_33 : f32 to vector<16xf32>
      %broadcast_in_dim3A_69 = vector.broadcast %scan3A_33 : f32 to vector<16xf32>
      %broadcast_in_dim3A_70 = vector.broadcast %scan3A_33 : f32 to vector<16xf32>
      %scan3A_71 = arith.constant 0 : i32
      %scan3A_72 = arith.constant 16 : i32
      %scan3A_73 = arith.addi %scan3A_71, %scan3A_72 : i32
      %scan3A_74 = arith.constant 1 : i32
      %scan3A_75:32 = scf.for %scan3A_364 = %scan3A_71 to %scan3A_73 step %scan3A_74 iter_args(%scan3A_365 = %broadcast_in_dim3A, %scan3A_366 = %broadcast_in_dim3A_40, %scan3A_367 = %broadcast_in_dim3A_41, %scan3A_368 = %broadcast_in_dim3A_42, %scan3A_369 = %broadcast_in_dim3A_43, %scan3A_370 = %broadcast_in_dim3A_44, %scan3A_371 = %broadcast_in_dim3A_45, %scan3A_372 = %broadcast_in_dim3A_46, %scan3A_373 = %broadcast_in_dim3A_47, %scan3A_374 = %broadcast_in_dim3A_48, %scan3A_375 = %broadcast_in_dim3A_49, %scan3A_376 = %broadcast_in_dim3A_50, %scan3A_377 = %broadcast_in_dim3A_51, %scan3A_378 = %broadcast_in_dim3A_52, %scan3A_379 = %broadcast_in_dim3A_53, %scan3A_380 = %broadcast_in_dim3A_54, %scan3A_381 = %broadcast_in_dim3A_55, %scan3A_382 = %broadcast_in_dim3A_56, %scan3A_383 = %broadcast_in_dim3A_57, %scan3A_384 = %broadcast_in_dim3A_58, %scan3A_385 = %broadcast_in_dim3A_59, %scan3A_386 = %broadcast_in_dim3A_60, %scan3A_387 = %broadcast_in_dim3A_61, %scan3A_388 = %broadcast_in_dim3A_62, %scan3A_389 = %broadcast_in_dim3A_63, %scan3A_390 = %broadcast_in_dim3A_64, %scan3A_391 = %broadcast_in_dim3A_65, %scan3A_392 = %broadcast_in_dim3A_66, %scan3A_393 = %broadcast_in_dim3A_67, %scan3A_394 = %broadcast_in_dim3A_68, %scan3A_395 = %broadcast_in_dim3A_69, %scan3A_396 = %broadcast_in_dim3A_70) -> (vector<16xf32>, vector<16xf32>, vector<16xf32>, vector<16xf32>, vector<16xf32>, vector<16xf32>, vector<16xf32>, vector<16xf32>, vector<16xf32>, vector<16xf32>, vector<16xf32>, vector<16xf32>, vector<16xf32>, vector<16xf32>, vector<16xf32>, vector<16xf32>, vector<16xf32>, vector<16xf32>, vector<16xf32>, vector<16xf32>, vector<16xf32>, vector<16xf32>, vector<16xf32>, vector<16xf32>, vector<16xf32>, vector<16xf32>, vector<16xf32>, vector<16xf32>, vector<16xf32>, vector<16xf32>, vector<16xf32>, vector<16xf32>)  : i32 {
        %mul3A_397 = arith.constant 4 : i32
        %mul3A_398 = arith.muli %scan3A_39, %mul3A_397 : i32
        %add3A_399 = arith.constant 0 : i32
        %add3A_400 = arith.addi %mul3A_398, %add3A_399 : i32
        %mul3A_401 = arith.constant 16 : i32
        %mul3A_402 = arith.muli %mul3A_401, %scan3A_364 : i32
        %get3A = arith.index_cast %add3A_400 : i32 to index
        %get3A_403 = arith.index_cast %mul3A_402 : i32 to index
        %get3A_404 = tpu.vector_load %arg6[%get3A, %get3A_403] {strides = array<i32>} : memref<8x256xf32, #tpu.memory_space<vmem>>, vector<1x16xf32>,
        %get3A_405 = vector.shape_cast %get3A_404 : vector<1x16xf32> to vector<16xf32>
        %mul3A_406 = arith.constant 4 : i32
        %mul3A_407 = arith.muli %scan3A_39, %mul3A_406 : i32
        %add3A_408 = arith.constant 1 : i32
        %add3A_409 = arith.addi %mul3A_407, %add3A_408 : i32
        %mul3A_410 = arith.constant 16 : i32
        %mul3A_411 = arith.muli %mul3A_410, %scan3A_364 : i32
        %get3A_412 = arith.index_cast %add3A_409 : i32 to index
        %get3A_413 = arith.index_cast %mul3A_411 : i32 to index
        %get3A_414 = tpu.vector_load %arg6[%get3A_412, %get3A_413] {strides = array<i32>} : memref<8x256xf32, #tpu.memory_space<vmem>>, vector<1x16xf32>,
        %get3A_415 = vector.shape_cast %get3A_414 : vector<1x16xf32> to vector<16xf32>
        %mul3A_416 = arith.constant 4 : i32
        %mul3A_417 = arith.muli %scan3A_39, %mul3A_416 : i32
        %add3A_418 = arith.constant 2 : i32
        %add3A_419 = arith.addi %mul3A_417, %add3A_418 : i32
        %mul3A_420 = arith.constant 16 : i32
        %mul3A_421 = arith.muli %mul3A_420, %scan3A_364 : i32
        %get3A_422 = arith.index_cast %add3A_419 : i32 to index
        %get3A_423 = arith.index_cast %mul3A_421 : i32 to index
        %get3A_424 = tpu.vector_load %arg6[%get3A_422, %get3A_423] {strides = array<i32>} : memref<8x256xf32, #tpu.memory_space<vmem>>, vector<1x16xf32>,
        %get3A_425 = vector.shape_cast %get3A_424 : vector<1x16xf32> to vector<16xf32>
        %mul3A_426 = arith.constant 4 : i32
        %mul3A_427 = arith.muli %scan3A_39, %mul3A_426 : i32
        %add3A_428 = arith.constant 3 : i32
        %add3A_429 = arith.addi %mul3A_427, %add3A_428 : i32
        %mul3A_430 = arith.constant 16 : i32
        %mul3A_431 = arith.muli %mul3A_430, %scan3A_364 : i32
        %get3A_432 = arith.index_cast %add3A_429 : i32 to index
        %get3A_433 = arith.index_cast %mul3A_431 : i32 to index
        %get3A_434 = tpu.vector_load %arg6[%get3A_432, %get3A_433] {strides = array<i32>} : memref<8x256xf32, #tpu.memory_space<vmem>>, vector<1x16xf32>,
        %get3A_435 = vector.shape_cast %get3A_434 : vector<1x16xf32> to vector<16xf32>
        %mul3A_436 = arith.constant 16 : i32
        %mul3A_437 = arith.muli %mul3A_436, %scan3A_364 : i32
        %add3A_438 = arith.constant 0 : i32
        %add3A_439 = arith.addi %mul3A_437, %add3A_438 : i32
        %get3A_440 = arith.index_cast %add3A_439 : i32 to index
        %get3A_441 = arith.constant 0 : index
        %get3A_442 = tpu.vector_load %arg5[%get3A_440, %get3A_441] {strides = array<i32>} : memref<256x128xf32, #tpu.memory_space<vmem>>, vector<1x16xf32>,
        %get3A_443 = vector.shape_cast %get3A_442 : vector<1x16xf32> to vector<16xf32>
        %mul3A_444 = arith.constant 16 : i32
        %mul3A_445 = arith.muli %mul3A_444, %scan3A_364 : i32
        %add3A_446 = arith.constant 0 : i32
        %add3A_447 = arith.addi %mul3A_445, %add3A_446 : i32
        %get3A_448 = arith.index_cast %add3A_447 : i32 to index
        %get3A_449 = arith.constant 16 : index
        %get3A_450 = tpu.vector_load %arg5[%get3A_448, %get3A_449] {strides = array<i32>} : memref<256x128xf32, #tpu.memory_space<vmem>>, vector<1x16xf32>,
        %get3A_451 = vector.shape_cast %get3A_450 : vector<1x16xf32> to vector<16xf32>
        %mul3A_452 = arith.constant 16 : i32
        %mul3A_453 = arith.muli %mul3A_452, %scan3A_364 : i32
        %add3A_454 = arith.constant 0 : i32
        %add3A_455 = arith.addi %mul3A_453, %add3A_454 : i32
        %get3A_456 = arith.index_cast %add3A_455 : i32 to index
        %get3A_457 = arith.constant 32 : index
        %get3A_458 = tpu.vector_load %arg5[%get3A_456, %get3A_457] {strides = array<i32>} : memref<256x128xf32, #tpu.memory_space<vmem>>, vector<1x16xf32>,
        %get3A_459 = vector.shape_cast %get3A_458 : vector<1x16xf32> to vector<16xf32>
        %mul3A_460 = arith.constant 16 : i32
        %mul3A_461 = arith.muli %mul3A_460, %scan3A_364 : i32
        %add3A_462 = arith.constant 0 : i32
        %add3A_463 = arith.addi %mul3A_461, %add3A_462 : i32
        %get3A_464 = arith.index_cast %add3A_463 : i32 to index
        %get3A_465 = arith.constant 48 : index
        %get3A_466 = tpu.vector_load %arg5[%get3A_464, %get3A_465] {strides = array<i32>} : memref<256x128xf32, #tpu.memory_space<vmem>>, vector<1x16xf32>,
        %get3A_467 = vector.shape_cast %get3A_466 : vector<1x16xf32> to vector<16xf32>
        %mul3A_468 = arith.constant 16 : i32
        %mul3A_469 = arith.muli %mul3A_468, %scan3A_364 : i32
        %add3A_470 = arith.constant 0 : i32
        %add3A_471 = arith.addi %mul3A_469, %add3A_470 : i32
        %get3A_472 = arith.index_cast %add3A_471 : i32 to index
        %get3A_473 = arith.constant 64 : index
        %get3A_474 = tpu.vector_load %arg5[%get3A_472, %get3A_473] {strides = array<i32>} : memref<256x128xf32, #tpu.memory_space<vmem>>, vector<1x16xf32>,
        %get3A_475 = vector.shape_cast %get3A_474 : vector<1x16xf32> to vector<16xf32>
        %mul3A_476 = arith.constant 16 : i32
        %mul3A_477 = arith.muli %mul3A_476, %scan3A_364 : i32
        %add3A_478 = arith.constant 0 : i32
        %add3A_479 = arith.addi %mul3A_477, %add3A_478 : i32
        %get3A_480 = arith.index_cast %add3A_479 : i32 to index
        %get3A_481 = arith.constant 80 : index
        %get3A_482 = tpu.vector_load %arg5[%get3A_480, %get3A_481] {strides = array<i32>} : memref<256x128xf32, #tpu.memory_space<vmem>>, vector<1x16xf32>,
        %get3A_483 = vector.shape_cast %get3A_482 : vector<1x16xf32> to vector<16xf32>
        %mul3A_484 = arith.constant 16 : i32
        %mul3A_485 = arith.muli %mul3A_484, %scan3A_364 : i32
        %add3A_486 = arith.constant 0 : i32
        %add3A_487 = arith.addi %mul3A_485, %add3A_486 : i32
        %get3A_488 = arith.index_cast %add3A_487 : i32 to index
        %get3A_489 = arith.constant 96 : index
        %get3A_490 = tpu.vector_load %arg5[%get3A_488, %get3A_489] {strides = array<i32>} : memref<256x128xf32, #tpu.memory_space<vmem>>, vector<1x16xf32>,
        %get3A_491 = vector.shape_cast %get3A_490 : vector<1x16xf32> to vector<16xf32>
        %mul3A_492 = arith.constant 16 : i32
        %mul3A_493 = arith.muli %mul3A_492, %scan3A_364 : i32
        %add3A_494 = arith.constant 0 : i32
        %add3A_495 = arith.addi %mul3A_493, %add3A_494 : i32
        %get3A_496 = arith.index_cast %add3A_495 : i32 to index
        %get3A_497 = arith.constant 112 : index
        %get3A_498 = tpu.vector_load %arg5[%get3A_496, %get3A_497] {strides = array<i32>} : memref<256x128xf32, #tpu.memory_space<vmem>>, vector<1x16xf32>,
        %get3A_499 = vector.shape_cast %get3A_498 : vector<1x16xf32> to vector<16xf32>
        %slice3A = vector.extract_strided_slice %get3A_405 {offsets = [0], sizes = [1], strides = [1]} : vector<16xf32> to vector<1xf32>
        %squeeze3A = vector.extract %slice3A[0] : f32 from vector<1xf32>
        %add3A_500 = vector.broadcast %squeeze3A : f32 to vector<16xf32>
        %add3A_501 = arith.addf %get3A_443, %add3A_500 : vector<16xf32>
        %max3A = arith.maximumf %scan3A_365, %add3A_501 : vector<16xf32>
        %slice3A_502 = vector.extract_strided_slice %get3A_405 {offsets = [0], sizes = [1], strides = [1]} : vector<16xf32> to vector<1xf32>
        %squeeze3A_503 = vector.extract %slice3A_502[0] : f32 from vector<1xf32>
        %add3A_504 = vector.broadcast %squeeze3A_503 : f32 to vector<16xf32>
        %add3A_505 = arith.addf %get3A_451, %add3A_504 : vector<16xf32>
        %max3A_506 = arith.maximumf %scan3A_366, %add3A_505 : vector<16xf32>
        %slice3A_507 = vector.extract_strided_slice %get3A_405 {offsets = [0], sizes = [1], strides = [1]} : vector<16xf32> to vector<1xf32>
        %squeeze3A_508 = vector.extract %slice3A_507[0] : f32 from vector<1xf32>
        %add3A_509 = vector.broadcast %squeeze3A_508 : f32 to vector<16xf32>
        %add3A_510 = arith.addf %get3A_459, %add3A_509 : vector<16xf32>
        %max3A_511 = arith.maximumf %scan3A_367, %add3A_510 : vector<16xf32>
        %slice3A_512 = vector.extract_strided_slice %get3A_405 {offsets = [0], sizes = [1], strides = [1]} : vector<16xf32> to vector<1xf32>
        %squeeze3A_513 = vector.extract %slice3A_512[0] : f32 from vector<1xf32>
        %add3A_514 = vector.broadcast %squeeze3A_513 : f32 to vector<16xf32>
        %add3A_515 = arith.addf %get3A_467, %add3A_514 : vector<16xf32>
        %max3A_516 = arith.maximumf %scan3A_368, %add3A_515 : vector<16xf32>
        %slice3A_517 = vector.extract_strided_slice %get3A_405 {offsets = [0], sizes = [1], strides = [1]} : vector<16xf32> to vector<1xf32>
        %squeeze3A_518 = vector.extract %slice3A_517[0] : f32 from vector<1xf32>
        %add3A_519 = vector.broadcast %squeeze3A_518 : f32 to vector<16xf32>
        %add3A_520 = arith.addf %get3A_475, %add3A_519 : vector<16xf32>
        %max3A_521 = arith.maximumf %scan3A_369, %add3A_520 : vector<16xf32>
        %slice3A_522 = vector.extract_strided_slice %get3A_405 {offsets = [0], sizes = [1], strides = [1]} : vector<16xf32> to vector<1xf32>
        %squeeze3A_523 = vector.extract %slice3A_522[0] : f32 from vector<1xf32>
        %add3A_524 = vector.broadcast %squeeze3A_523 : f32 to vector<16xf32>
        %add3A_525 = arith.addf %get3A_483, %add3A_524 : vector<16xf32>
        %max3A_526 = arith.maximumf %scan3A_370, %add3A_525 : vector<16xf32>
        %slice3A_527 = vector.extract_strided_slice %get3A_405 {offsets = [0], sizes = [1], strides = [1]} : vector<16xf32> to vector<1xf32>
        %squeeze3A_528 = vector.extract %slice3A_527[0] : f32 from vector<1xf32>
        %add3A_529 = vector.broadcast %squeeze3A_528 : f32 to vector<16xf32>
        %add3A_530 = arith.addf %get3A_491, %add3A_529 : vector<16xf32>
        %max3A_531 = arith.maximumf %scan3A_371, %add3A_530 : vector<16xf32>
        %slice3A_532 = vector.extract_strided_slice %get3A_405 {offsets = [0], sizes = [1], strides = [1]} : vector<16xf32> to vector<1xf32>
        %squeeze3A_533 = vector.extract %slice3A_532[0] : f32 from vector<1xf32>
        %add3A_534 = vector.broadcast %squeeze3A_533 : f32 to vector<16xf32>
        %add3A_535 = arith.addf %get3A_499, %add3A_534 : vector<16xf32>
        %max3A_536 = arith.maximumf %scan3A_372, %add3A_535 : vector<16xf32>
        %slice3A_537 = vector.extract_strided_slice %get3A_415 {offsets = [0], sizes = [1], strides = [1]} : vector<16xf32> to vector<1xf32>
        %squeeze3A_538 = vector.extract %slice3A_537[0] : f32 from vector<1xf32>
        %add3A_539 = vector.broadcast %squeeze3A_538 : f32 to vector<16xf32>
        %add3A_540 = arith.addf %get3A_443, %add3A_539 : vector<16xf32>
        %max3A_541 = arith.maximumf %scan3A_373, %add3A_540 : vector<16xf32>
        %slice3A_542 = vector.extract_strided_slice %get3A_415 {offsets = [0], sizes = [1], strides = [1]} : vector<16xf32> to vector<1xf32>
        %squeeze3A_543 = vector.extract %slice3A_542[0] : f32 from vector<1xf32>
        %add3A_544 = vector.broadcast %squeeze3A_543 : f32 to vector<16xf32>
        %add3A_545 = arith.addf %get3A_451, %add3A_544 : vector<16xf32>
        %max3A_546 = arith.maximumf %scan3A_374, %add3A_545 : vector<16xf32>
        %slice3A_547 = vector.extract_strided_slice %get3A_415 {offsets = [0], sizes = [1], strides = [1]} : vector<16xf32> to vector<1xf32>
        %squeeze3A_548 = vector.extract %slice3A_547[0] : f32 from vector<1xf32>
        %add3A_549 = vector.broadcast %squeeze3A_548 : f32 to vector<16xf32>
        %add3A_550 = arith.addf %get3A_459, %add3A_549 : vector<16xf32>
        %max3A_551 = arith.maximumf %scan3A_375, %add3A_550 : vector<16xf32>
        %slice3A_552 = vector.extract_strided_slice %get3A_415 {offsets = [0], sizes = [1], strides = [1]} : vector<16xf32> to vector<1xf32>
        %squeeze3A_553 = vector.extract %slice3A_552[0] : f32 from vector<1xf32>
        %add3A_554 = vector.broadcast %squeeze3A_553 : f32 to vector<16xf32>
        %add3A_555 = arith.addf %get3A_467, %add3A_554 : vector<16xf32>
        %max3A_556 = arith.maximumf %scan3A_376, %add3A_555 : vector<16xf32>
        %slice3A_557 = vector.extract_strided_slice %get3A_415 {offsets = [0], sizes = [1], strides = [1]} : vector<16xf32> to vector<1xf32>
        %squeeze3A_558 = vector.extract %slice3A_557[0] : f32 from vector<1xf32>
        %add3A_559 = vector.broadcast %squeeze3A_558 : f32 to vector<16xf32>
        %add3A_560 = arith.addf %get3A_475, %add3A_559 : vector<16xf32>
        %max3A_561 = arith.maximumf %scan3A_377, %add3A_560 : vector<16xf32>
        %slice3A_562 = vector.extract_strided_slice %get3A_415 {offsets = [0], sizes = [1], strides = [1]} : vector<16xf32> to vector<1xf32>
        %squeeze3A_563 = vector.extract %slice3A_562[0] : f32 from vector<1xf32>
        %add3A_564 = vector.broadcast %squeeze3A_563 : f32 to vector<16xf32>
        %add3A_565 = arith.addf %get3A_483, %add3A_564 : vector<16xf32>
        %max3A_566 = arith.maximumf %scan3A_378, %add3A_565 : vector<16xf32>
        %slice3A_567 = vector.extract_strided_slice %get3A_415 {offsets = [0], sizes = [1], strides = [1]} : vector<16xf32> to vector<1xf32>
        %squeeze3A_568 = vector.extract %slice3A_567[0] : f32 from vector<1xf32>
        %add3A_569 = vector.broadcast %squeeze3A_568 : f32 to vector<16xf32>
        %add3A_570 = arith.addf %get3A_491, %add3A_569 : vector<16xf32>
        %max3A_571 = arith.maximumf %scan3A_379, %add3A_570 : vector<16xf32>
        %slice3A_572 = vector.extract_strided_slice %get3A_415 {offsets = [0], sizes = [1], strides = [1]} : vector<16xf32> to vector<1xf32>
        %squeeze3A_573 = vector.extract %slice3A_572[0] : f32 from vector<1xf32>
        %add3A_574 = vector.broadcast %squeeze3A_573 : f32 to vector<16xf32>
        %add3A_575 = arith.addf %get3A_499, %add3A_574 : vector<16xf32>
        %max3A_576 = arith.maximumf %scan3A_380, %add3A_575 : vector<16xf32>
        %slice3A_577 = vector.extract_strided_slice %get3A_425 {offsets = [0], sizes = [1], strides = [1]} : vector<16xf32> to vector<1xf32>
        %squeeze3A_578 = vector.extract %slice3A_577[0] : f32 from vector<1xf32>
        %add3A_579 = vector.broadcast %squeeze3A_578 : f32 to vector<16xf32>
        %add3A_580 = arith.addf %get3A_443, %add3A_579 : vector<16xf32>
        %max3A_581 = arith.maximumf %scan3A_381, %add3A_580 : vector<16xf32>
        %slice3A_582 = vector.extract_strided_slice %get3A_425 {offsets = [0], sizes = [1], strides = [1]} : vector<16xf32> to vector<1xf32>
        %squeeze3A_583 = vector.extract %slice3A_582[0] : f32 from vector<1xf32>
        %add3A_584 = vector.broadcast %squeeze3A_583 : f32 to vector<16xf32>
        %add3A_585 = arith.addf %get3A_451, %add3A_584 : vector<16xf32>
        %max3A_586 = arith.maximumf %scan3A_382, %add3A_585 : vector<16xf32>
        %slice3A_587 = vector.extract_strided_slice %get3A_425 {offsets = [0], sizes = [1], strides = [1]} : vector<16xf32> to vector<1xf32>
        %squeeze3A_588 = vector.extract %slice3A_587[0] : f32 from vector<1xf32>
        %add3A_589 = vector.broadcast %squeeze3A_588 : f32 to vector<16xf32>
        %add3A_590 = arith.addf %get3A_459, %add3A_589 : vector<16xf32>
        %max3A_591 = arith.maximumf %scan3A_383, %add3A_590 : vector<16xf32>
        %slice3A_592 = vector.extract_strided_slice %get3A_425 {offsets = [0], sizes = [1], strides = [1]} : vector<16xf32> to vector<1xf32>
        %squeeze3A_593 = vector.extract %slice3A_592[0] : f32 from vector<1xf32>
        %add3A_594 = vector.broadcast %squeeze3A_593 : f32 to vector<16xf32>
        %add3A_595 = arith.addf %get3A_467, %add3A_594 : vector<16xf32>
        %max3A_596 = arith.maximumf %scan3A_384, %add3A_595 : vector<16xf32>
        %slice3A_597 = vector.extract_strided_slice %get3A_425 {offsets = [0], sizes = [1], strides = [1]} : vector<16xf32> to vector<1xf32>
        %squeeze3A_598 = vector.extract %slice3A_597[0] : f32 from vector<1xf32>
        %add3A_599 = vector.broadcast %squeeze3A_598 : f32 to vector<16xf32>
        %add3A_600 = arith.addf %get3A_475, %add3A_599 : vector<16xf32>
        %max3A_601 = arith.maximumf %scan3A_385, %add3A_600 : vector<16xf32>
        %slice3A_602 = vector.extract_strided_slice %get3A_425 {offsets = [0], sizes = [1], strides = [1]} : vector<16xf32> to vector<1xf32>
        %squeeze3A_603 = vector.extract %slice3A_602[0] : f32 from vector<1xf32>
        %add3A_604 = vector.broadcast %squeeze3A_603 : f32 to vector<16xf32>
        %add3A_605 = arith.addf %get3A_483, %add3A_604 : vector<16xf32>
        %max3A_606 = arith.maximumf %scan3A_386, %add3A_605 : vector<16xf32>
        %slice3A_607 = vector.extract_strided_slice %get3A_425 {offsets = [0], sizes = [1], strides = [1]} : vector<16xf32> to vector<1xf32>
        %squeeze3A_608 = vector.extract %slice3A_607[0] : f32 from vector<1xf32>
        %add3A_609 = vector.broadcast %squeeze3A_608 : f32 to vector<16xf32>
        %add3A_610 = arith.addf %get3A_491, %add3A_609 : vector<16xf32>
        %max3A_611 = arith.maximumf %scan3A_387, %add3A_610 : vector<16xf32>
        %slice3A_612 = vector.extract_strided_slice %get3A_425 {offsets = [0], sizes = [1], strides = [1]} : vector<16xf32> to vector<1xf32>
        %squeeze3A_613 = vector.extract %slice3A_612[0] : f32 from vector<1xf32>
        %add3A_614 = vector.broadcast %squeeze3A_613 : f32 to vector<16xf32>
        %add3A_615 = arith.addf %get3A_499, %add3A_614 : vector<16xf32>
        %max3A_616 = arith.maximumf %scan3A_388, %add3A_615 : vector<16xf32>
        %slice3A_617 = vector.extract_strided_slice %get3A_435 {offsets = [0], sizes = [1], strides = [1]} : vector<16xf32> to vector<1xf32>
        %squeeze3A_618 = vector.extract %slice3A_617[0] : f32 from vector<1xf32>
        %add3A_619 = vector.broadcast %squeeze3A_618 : f32 to vector<16xf32>
        %add3A_620 = arith.addf %get3A_443, %add3A_619 : vector<16xf32>
        %max3A_621 = arith.maximumf %scan3A_389, %add3A_620 : vector<16xf32>
        %slice3A_622 = vector.extract_strided_slice %get3A_435 {offsets = [0], sizes = [1], strides = [1]} : vector<16xf32> to vector<1xf32>
        %squeeze3A_623 = vector.extract %slice3A_622[0] : f32 from vector<1xf32>
        %add3A_624 = vector.broadcast %squeeze3A_623 : f32 to vector<16xf32>
        %add3A_625 = arith.addf %get3A_451, %add3A_624 : vector<16xf32>
        %max3A_626 = arith.maximumf %scan3A_390, %add3A_625 : vector<16xf32>
        %slice3A_627 = vector.extract_strided_slice %get3A_435 {offsets = [0], sizes = [1], strides = [1]} : vector<16xf32> to vector<1xf32>
        %squeeze3A_628 = vector.extract %slice3A_627[0] : f32 from vector<1xf32>
        %add3A_629 = vector.broadcast %squeeze3A_628 : f32 to vector<16xf32>
        %add3A_630 = arith.addf %get3A_459, %add3A_629 : vector<16xf32>
        %max3A_631 = arith.maximumf %scan3A_391, %add3A_630 : vector<16xf32>
        %slice3A_632 = vector.extract_strided_slice %get3A_435 {offsets = [0], sizes = [1], strides = [1]} : vector<16xf32> to vector<1xf32>
        %squeeze3A_633 = vector.extract %slice3A_632[0] : f32 from vector<1xf32>
        %add3A_634 = vector.broadcast %squeeze3A_633 : f32 to vector<16xf32>
        %add3A_635 = arith.addf %get3A_467, %add3A_634 : vector<16xf32>
        %max3A_636 = arith.maximumf %scan3A_392, %add3A_635 : vector<16xf32>
        %slice3A_637 = vector.extract_strided_slice %get3A_435 {offsets = [0], sizes = [1], strides = [1]} : vector<16xf32> to vector<1xf32>
        %squeeze3A_638 = vector.extract %slice3A_637[0] : f32 from vector<1xf32>
        %add3A_639 = vector.broadcast %squeeze3A_638 : f32 to vector<16xf32>
        %add3A_640 = arith.addf %get3A_475, %add3A_639 : vector<16xf32>
        %max3A_641 = arith.maximumf %scan3A_393, %add3A_640 : vector<16xf32>
        %slice3A_642 = vector.extract_strided_slice %get3A_435 {offsets = [0], sizes = [1], strides = [1]} : vector<16xf32> to vector<1xf32>
        %squeeze3A_643 = vector.extract %slice3A_642[0] : f32 from vector<1xf32>
        %add3A_644 = vector.broadcast %squeeze3A_643 : f32 to vector<16xf32>
        %add3A_645 = arith.addf %get3A_483, %add3A_644 : vector<16xf32>
        %max3A_646 = arith.maximumf %scan3A_394, %add3A_645 : vector<16xf32>
        %slice3A_647 = vector.extract_strided_slice %get3A_435 {offsets = [0], sizes = [1], strides = [1]} : vector<16xf32> to vector<1xf32>
        %squeeze3A_648 = vector.extract %slice3A_647[0] : f32 from vector<1xf32>
        %add3A_649 = vector.broadcast %squeeze3A_648 : f32 to vector<16xf32>
        %add3A_650 = arith.addf %get3A_491, %add3A_649 : vector<16xf32>
        %max3A_651 = arith.maximumf %scan3A_395, %add3A_650 : vector<16xf32>
        %slice3A_652 = vector.extract_strided_slice %get3A_435 {offsets = [0], sizes = [1], strides = [1]} : vector<16xf32> to vector<1xf32>
        %squeeze3A_653 = vector.extract %slice3A_652[0] : f32 from vector<1xf32>
        %add3A_654 = vector.broadcast %squeeze3A_653 : f32 to vector<16xf32>
        %add3A_655 = arith.addf %get3A_499, %add3A_654 : vector<16xf32>
        %max3A_656 = arith.maximumf %scan3A_396, %add3A_655 : vector<16xf32>
        %mul3A_657 = arith.constant 16 : i32
        %mul3A_658 = arith.muli %mul3A_657, %scan3A_364 : i32
        %add3A_659 = arith.constant 1 : i32
        %add3A_660 = arith.addi %mul3A_658, %add3A_659 : i32
        %get3A_661 = arith.index_cast %add3A_660 : i32 to index
        %get3A_662 = arith.constant 0 : index
        %get3A_663 = tpu.vector_load %arg5[%get3A_661, %get3A_662] {strides = array<i32>} : memref<256x128xf32, #tpu.memory_space<vmem>>, vector<1x16xf32>,
        %get3A_664 = vector.shape_cast %get3A_663 : vector<1x16xf32> to vector<16xf32>
        %mul3A_665 = arith.constant 16 : i32
        %mul3A_666 = arith.muli %mul3A_665, %scan3A_364 : i32
        %add3A_667 = arith.constant 1 : i32
        %add3A_668 = arith.addi %mul3A_666, %add3A_667 : i32
        %get3A_669 = arith.index_cast %add3A_668 : i32 to index
        %get3A_670 = arith.constant 16 : index
        %get3A_671 = tpu.vector_load %arg5[%get3A_669, %get3A_670] {strides = array<i32>} : memref<256x128xf32, #tpu.memory_space<vmem>>, vector<1x16xf32>,
        %get3A_672 = vector.shape_cast %get3A_671 : vector<1x16xf32> to vector<16xf32>
        %mul3A_673 = arith.constant 16 : i32
        %mul3A_674 = arith.muli %mul3A_673, %scan3A_364 : i32
        %add3A_675 = arith.constant 1 : i32
        %add3A_676 = arith.addi %mul3A_674, %add3A_675 : i32
        %get3A_677 = arith.index_cast %add3A_676 : i32 to index
        %get3A_678 = arith.constant 32 : index
        %get3A_679 = tpu.vector_load %arg5[%get3A_677, %get3A_678] {strides = array<i32>} : memref<256x128xf32, #tpu.memory_space<vmem>>, vector<1x16xf32>,
        %get3A_680 = vector.shape_cast %get3A_679 : vector<1x16xf32> to vector<16xf32>
        %mul3A_681 = arith.constant 16 : i32
        %mul3A_682 = arith.muli %mul3A_681, %scan3A_364 : i32
        %add3A_683 = arith.constant 1 : i32
        %add3A_684 = arith.addi %mul3A_682, %add3A_683 : i32
        %get3A_685 = arith.index_cast %add3A_684 : i32 to index
        %get3A_686 = arith.constant 48 : index
        %get3A_687 = tpu.vector_load %arg5[%get3A_685, %get3A_686] {strides = array<i32>} : memref<256x128xf32, #tpu.memory_space<vmem>>, vector<1x16xf32>,
        %get3A_688 = vector.shape_cast %get3A_687 : vector<1x16xf32> to vector<16xf32>
        %mul3A_689 = arith.constant 16 : i32
        %mul3A_690 = arith.muli %mul3A_689, %scan3A_364 : i32
        %add3A_691 = arith.constant 1 : i32
        %add3A_692 = arith.addi %mul3A_690, %add3A_691 : i32
        %get3A_693 = arith.index_cast %add3A_692 : i32 to index
        %get3A_694 = arith.constant 64 : index
        %get3A_695 = tpu.vector_load %arg5[%get3A_693, %get3A_694] {strides = array<i32>} : memref<256x128xf32, #tpu.memory_space<vmem>>, vector<1x16xf32>,
        %get3A_696 = vector.shape_cast %get3A_695 : vector<1x16xf32> to vector<16xf32>
        %mul3A_697 = arith.constant 16 : i32
        %mul3A_698 = arith.muli %mul3A_697, %scan3A_364 : i32
        %add3A_699 = arith.constant 1 : i32
        %add3A_700 = arith.addi %mul3A_698, %add3A_699 : i32
        %get3A_701 = arith.index_cast %add3A_700 : i32 to index
        %get3A_702 = arith.constant 80 : index
        %get3A_703 = tpu.vector_load %arg5[%get3A_701, %get3A_702] {strides = array<i32>} : memref<256x128xf32, #tpu.memory_space<vmem>>, vector<1x16xf32>,
        %get3A_704 = vector.shape_cast %get3A_703 : vector<1x16xf32> to vector<16xf32>
        %mul3A_705 = arith.constant 16 : i32
        %mul3A_706 = arith.muli %mul3A_705, %scan3A_364 : i32
        %add3A_707 = arith.constant 1 : i32
        %add3A_708 = arith.addi %mul3A_706, %add3A_707 : i32
        %get3A_709 = arith.index_cast %add3A_708 : i32 to index
        %get3A_710 = arith.constant 96 : index
        %get3A_711 = tpu.vector_load %arg5[%get3A_709, %get3A_710] {strides = array<i32>} : memref<256x128xf32, #tpu.memory_space<vmem>>, vector<1x16xf32>,
        %get3A_712 = vector.shape_cast %get3A_711 : vector<1x16xf32> to vector<16xf32>
        %mul3A_713 = arith.constant 16 : i32
        %mul3A_714 = arith.muli %mul3A_713, %scan3A_364 : i32
        %add3A_715 = arith.constant 1 : i32
        %add3A_716 = arith.addi %mul3A_714, %add3A_715 : i32
        %get3A_717 = arith.index_cast %add3A_716 : i32 to index
        %get3A_718 = arith.constant 112 : index
        %get3A_719 = tpu.vector_load %arg5[%get3A_717, %get3A_718] {strides = array<i32>} : memref<256x128xf32, #tpu.memory_space<vmem>>, vector<1x16xf32>,
        %get3A_720 = vector.shape_cast %get3A_719 : vector<1x16xf32> to vector<16xf32>
        %slice3A_721 = vector.extract_strided_slice %get3A_405 {offsets = [1], sizes = [1], strides = [1]} : vector<16xf32> to vector<1xf32>
        %squeeze3A_722 = vector.extract %slice3A_721[0] : f32 from vector<1xf32>
        %add3A_723 = vector.broadcast %squeeze3A_722 : f32 to vector<16xf32>
        %add3A_724 = arith.addf %get3A_664, %add3A_723 : vector<16xf32>
        %max3A_725 = arith.maximumf %max3A, %add3A_724 : vector<16xf32>
        %slice3A_726 = vector.extract_strided_slice %get3A_405 {offsets = [1], sizes = [1], strides = [1]} : vector<16xf32> to vector<1xf32>
        %squeeze3A_727 = vector.extract %slice3A_726[0] : f32 from vector<1xf32>
        %add3A_728 = vector.broadcast %squeeze3A_727 : f32 to vector<16xf32>
        %add3A_729 = arith.addf %get3A_672, %add3A_728 : vector<16xf32>
        %max3A_730 = arith.maximumf %max3A_506, %add3A_729 : vector<16xf32>
        %slice3A_731 = vector.extract_strided_slice %get3A_405 {offsets = [1], sizes = [1], strides = [1]} : vector<16xf32> to vector<1xf32>
        %squeeze3A_732 = vector.extract %slice3A_731[0] : f32 from vector<1xf32>
        %add3A_733 = vector.broadcast %squeeze3A_732 : f32 to vector<16xf32>
        %add3A_734 = arith.addf %get3A_680, %add3A_733 : vector<16xf32>
        %max3A_735 = arith.maximumf %max3A_511, %add3A_734 : vector<16xf32>
        %slice3A_736 = vector.extract_strided_slice %get3A_405 {offsets = [1], sizes = [1], strides = [1]} : vector<16xf32> to vector<1xf32>
        %squeeze3A_737 = vector.extract %slice3A_736[0] : f32 from vector<1xf32>
        %add3A_738 = vector.broadcast %squeeze3A_737 : f32 to vector<16xf32>
        %add3A_739 = arith.addf %get3A_688, %add3A_738 : vector<16xf32>
        %max3A_740 = arith.maximumf %max3A_516, %add3A_739 : vector<16xf32>
        %slice3A_741 = vector.extract_strided_slice %get3A_405 {offsets = [1], sizes = [1], strides = [1]} : vector<16xf32> to vector<1xf32>
        %squeeze3A_742 = vector.extract %slice3A_741[0] : f32 from vector<1xf32>
        %add3A_743 = vector.broadcast %squeeze3A_742 : f32 to vector<16xf32>
        %add3A_744 = arith.addf %get3A_696, %add3A_743 : vector<16xf32>
        %max3A_745 = arith.maximumf %max3A_521, %add3A_744 : vector<16xf32>
        %slice3A_746 = vector.extract_strided_slice %get3A_405 {offsets = [1], sizes = [1], strides = [1]} : vector<16xf32> to vector<1xf32>
        %squeeze3A_747 = vector.extract %slice3A_746[0] : f32 from vector<1xf32>
        %add3A_748 = vector.broadcast %squeeze3A_747 : f32 to vector<16xf32>
        %add3A_749 = arith.addf %get3A_704, %add3A_748 : vector<16xf32>
        %max3A_750 = arith.maximumf %max3A_526, %add3A_749 : vector<16xf32>
        %slice3A_751 = vector.extract_strided_slice %get3A_405 {offsets = [1], sizes = [1], strides = [1]} : vector<16xf32> to vector<1xf32>
        %squeeze3A_752 = vector.extract %slice3A_751[0] : f32 from vector<1xf32>
        %add3A_753 = vector.broadcast %squeeze3A_752 : f32 to vector<16xf32>
        %add3A_754 = arith.addf %get3A_712, %add3A_753 : vector<16xf32>
        %max3A_755 = arith.maximumf %max3A_531, %add3A_754 : vector<16xf32>
        %slice3A_756 = vector.extract_strided_slice %get3A_405 {offsets = [1], sizes = [1], strides = [1]} : vector<16xf32> to vector<1xf32>
        %squeeze3A_757 = vector.extract %slice3A_756[0] : f32 from vector<1xf32>
        %add3A_758 = vector.broadcast %squeeze3A_757 : f32 to vector<16xf32>
        %add3A_759 = arith.addf %get3A_720, %add3A_758 : vector<16xf32>
        %max3A_760 = arith.maximumf %max3A_536, %add3A_759 : vector<16xf32>
        %slice3A_761 = vector.extract_strided_slice %get3A_415 {offsets = [1], sizes = [1], strides = [1]} : vector<16xf32> to vector<1xf32>
        %squeeze3A_762 = vector.extract %slice3A_761[0] : f32 from vector<1xf32>
        %add3A_763 = vector.broadcast %squeeze3A_762 : f32 to vector<16xf32>
        %add3A_764 = arith.addf %get3A_664, %add3A_763 : vector<16xf32>
        %max3A_765 = arith.maximumf %max3A_541, %add3A_764 : vector<16xf32>
        %slice3A_766 = vector.extract_strided_slice %get3A_415 {offsets = [1], sizes = [1], strides = [1]} : vector<16xf32> to vector<1xf32>
        %squeeze3A_767 = vector.extract %slice3A_766[0] : f32 from vector<1xf32>
        %add3A_768 = vector.broadcast %squeeze3A_767 : f32 to vector<16xf32>
        %add3A_769 = arith.addf %get3A_672, %add3A_768 : vector<16xf32>
        %max3A_770 = arith.maximumf %max3A_546, %add3A_769 : vector<16xf32>
        %slice3A_771 = vector.extract_strided_slice %get3A_415 {offsets = [1], sizes = [1], strides = [1]} : vector<16xf32> to vector<1xf32>
        %squeeze3A_772 = vector.extract %slice3A_771[0] : f32 from vector<1xf32>
        %add3A_773 = vector.broadcast %squeeze3A_772 : f32 to vector<16xf32>
        %add3A_774 = arith.addf %get3A_680, %add3A_773 : vector<16xf32>
        %max3A_775 = arith.maximumf %max3A_551, %add3A_774 : vector<16xf32>
        %slice3A_776 = vector.extract_strided_slice %get3A_415 {offsets = [1], sizes = [1], strides = [1]} : vector<16xf32> to vector<1xf32>
        %squeeze3A_777 = vector.extract %slice3A_776[0] : f32 from vector<1xf32>
        %add3A_778 = vector.broadcast %squeeze3A_777 : f32 to vector<16xf32>
        %add3A_779 = arith.addf %get3A_688, %add3A_778 : vector<16xf32>
        %max3A_780 = arith.maximumf %max3A_556, %add3A_779 : vector<16xf32>
        %slice3A_781 = vector.extract_strided_slice %get3A_415 {offsets = [1], sizes = [1], strides = [1]} : vector<16xf32> to vector<1xf32>
        %squeeze3A_782 = vector.extract %slice3A_781[0] : f32 from vector<1xf32>
        %add3A_783 = vector.broadcast %squeeze3A_782 : f32 to vector<16xf32>
        %add3A_784 = arith.addf %get3A_696, %add3A_783 : vector<16xf32>
        %max3A_785 = arith.maximumf %max3A_561, %add3A_784 : vector<16xf32>
        %slice3A_786 = vector.extract_strided_slice %get3A_415 {offsets = [1], sizes = [1], strides = [1]} : vector<16xf32> to vector<1xf32>
        %squeeze3A_787 = vector.extract %slice3A_786[0] : f32 from vector<1xf32>
        %add3A_788 = vector.broadcast %squeeze3A_787 : f32 to vector<16xf32>
        %add3A_789 = arith.addf %get3A_704, %add3A_788 : vector<16xf32>
        %max3A_790 = arith.maximumf %max3A_566, %add3A_789 : vector<16xf32>
        %slice3A_791 = vector.extract_strided_slice %get3A_415 {offsets = [1], sizes = [1], strides = [1]} : vector<16xf32> to vector<1xf32>
        %squeeze3A_792 = vector.extract %slice3A_791[0] : f32 from vector<1xf32>
        %add3A_793 = vector.broadcast %squeeze3A_792 : f32 to vector<16xf32>
        %add3A_794 = arith.addf %get3A_712, %add3A_793 : vector<16xf32>
        %max3A_795 = arith.maximumf %max3A_571, %add3A_794 : vector<16xf32>
        %slice3A_796 = vector.extract_strided_slice %get3A_415 {offsets = [1], sizes = [1], strides = [1]} : vector<16xf32> to vector<1xf32>
        %squeeze3A_797 = vector.extract %slice3A_796[0] : f32 from vector<1xf32>
        %add3A_798 = vector.broadcast %squeeze3A_797 : f32 to vector<16xf32>
        %add3A_799 = arith.addf %get3A_720, %add3A_798 : vector<16xf32>
        %max3A_800 = arith.maximumf %max3A_576, %add3A_799 : vector<16xf32>
        %slice3A_801 = vector.extract_strided_slice %get3A_425 {offsets = [1], sizes = [1], strides = [1]} : vector<16xf32> to vector<1xf32>
        %squeeze3A_802 = vector.extract %slice3A_801[0] : f32 from vector<1xf32>
        %add3A_803 = vector.broadcast %squeeze3A_802 : f32 to vector<16xf32>
        %add3A_804 = arith.addf %get3A_664, %add3A_803 : vector<16xf32>
        %max3A_805 = arith.maximumf %max3A_581, %add3A_804 : vector<16xf32>
        %slice3A_806 = vector.extract_strided_slice %get3A_425 {offsets = [1], sizes = [1], strides = [1]} : vector<16xf32> to vector<1xf32>
        %squeeze3A_807 = vector.extract %slice3A_806[0] : f32 from vector<1xf32>
        %add3A_808 = vector.broadcast %squeeze3A_807 : f32 to vector<16xf32>
        %add3A_809 = arith.addf %get3A_672, %add3A_808 : vector<16xf32>
        %max3A_810 = arith.maximumf %max3A_586, %add3A_809 : vector<16xf32>
        %slice3A_811 = vector.extract_strided_slice %get3A_425 {offsets = [1], sizes = [1], strides = [1]} : vector<16xf32> to vector<1xf32>
        %squeeze3A_812 = vector.extract %slice3A_811[0] : f32 from vector<1xf32>
        %add3A_813 = vector.broadcast %squeeze3A_812 : f32 to vector<16xf32>
        %add3A_814 = arith.addf %get3A_680, %add3A_813 : vector<16xf32>
        %max3A_815 = arith.maximumf %max3A_591, %add3A_814 : vector<16xf32>
        %slice3A_816 = vector.extract_strided_slice %get3A_425 {offsets = [1], sizes = [1], strides = [1]} : vector<16xf32> to vector<1xf32>
        %squeeze3A_817 = vector.extract %slice3A_816[0] : f32 from vector<1xf32>
        %add3A_818 = vector.broadcast %squeeze3A_817 : f32 to vector<16xf32>
        %add3A_819 = arith.addf %get3A_688, %add3A_818 : vector<16xf32>
        %max3A_820 = arith.maximumf %max3A_596, %add3A_819 : vector<16xf32>
        %slice3A_821 = vector.extract_strided_slice %get3A_425 {offsets = [1], sizes = [1], strides = [1]} : vector<16xf32> to vector<1xf32>
        %squeeze3A_822 = vector.extract %slice3A_821[0] : f32 from vector<1xf32>
        %add3A_823 = vector.broadcast %squeeze3A_822 : f32 to vector<16xf32>
        %add3A_824 = arith.addf %get3A_696, %add3A_823 : vector<16xf32>
        %max3A_825 = arith.maximumf %max3A_601, %add3A_824 : vector<16xf32>
        %slice3A_826 = vector.extract_strided_slice %get3A_425 {offsets = [1], sizes = [1], strides = [1]} : vector<16xf32> to vector<1xf32>
        %squeeze3A_827 = vector.extract %slice3A_826[0] : f32 from vector<1xf32>
        %add3A_828 = vector.broadcast %squeeze3A_827 : f32 to vector<16xf32>
        %add3A_829 = arith.addf %get3A_704, %add3A_828 : vector<16xf32>
        %max3A_830 = arith.maximumf %max3A_606, %add3A_829 : vector<16xf32>
        %slice3A_831 = vector.extract_strided_slice %get3A_425 {offsets = [1], sizes = [1], strides = [1]} : vector<16xf32> to vector<1xf32>
        %squeeze3A_832 = vector.extract %slice3A_831[0] : f32 from vector<1xf32>
        %add3A_833 = vector.broadcast %squeeze3A_832 : f32 to vector<16xf32>
        %add3A_834 = arith.addf %get3A_712, %add3A_833 : vector<16xf32>
        %max3A_835 = arith.maximumf %max3A_611, %add3A_834 : vector<16xf32>
        %slice3A_836 = vector.extract_strided_slice %get3A_425 {offsets = [1], sizes = [1], strides = [1]} : vector<16xf32> to vector<1xf32>
        %squeeze3A_837 = vector.extract %slice3A_836[0] : f32 from vector<1xf32>
        %add3A_838 = vector.broadcast %squeeze3A_837 : f32 to vector<16xf32>
        %add3A_839 = arith.addf %get3A_720, %add3A_838 : vector<16xf32>
        %max3A_840 = arith.maximumf %max3A_616, %add3A_839 : vector<16xf32>
        %slice3A_841 = vector.extract_strided_slice %get3A_435 {offsets = [1], sizes = [1], strides = [1]} : vector<16xf32> to vector<1xf32>
        %squeeze3A_842 = vector.extract %slice3A_841[0] : f32 from vector<1xf32>
        %add3A_843 = vector.broadcast %squeeze3A_842 : f32 to vector<16xf32>
        %add3A_844 = arith.addf %get3A_664, %add3A_843 : vector<16xf32>
        %max3A_845 = arith.maximumf %max3A_621, %add3A_844 : vector<16xf32>
        %slice3A_846 = vector.extract_strided_slice %get3A_435 {offsets = [1], sizes = [1], strides = [1]} : vector<16xf32> to vector<1xf32>
        %squeeze3A_847 = vector.extract %slice3A_846[0] : f32 from vector<1xf32>
        %add3A_848 = vector.broadcast %squeeze3A_847 : f32 to vector<16xf32>
        %add3A_849 = arith.addf %get3A_672, %add3A_848 : vector<16xf32>
        %max3A_850 = arith.maximumf %max3A_626, %add3A_849 : vector<16xf32>
        %slice3A_851 = vector.extract_strided_slice %get3A_435 {offsets = [1], sizes = [1], strides = [1]} : vector<16xf32> to vector<1xf32>
        %squeeze3A_852 = vector.extract %slice3A_851[0] : f32 from vector<1xf32>
        %add3A_853 = vector.broadcast %squeeze3A_852 : f32 to vector<16xf32>
        %add3A_854 = arith.addf %get3A_680, %add3A_853 : vector<16xf32>
        %max3A_855 = arith.maximumf %max3A_631, %add3A_854 : vector<16xf32>
        %slice3A_856 = vector.extract_strided_slice %get3A_435 {offsets = [1], sizes = [1], strides = [1]} : vector<16xf32> to vector<1xf32>
        %squeeze3A_857 = vector.extract %slice3A_856[0] : f32 from vector<1xf32>
        %add3A_858 = vector.broadcast %squeeze3A_857 : f32 to vector<16xf32>
        %add3A_859 = arith.addf %get3A_688, %add3A_858 : vector<16xf32>
        %max3A_860 = arith.maximumf %max3A_636, %add3A_859 : vector<16xf32>
        %slice3A_861 = vector.extract_strided_slice %get3A_435 {offsets = [1], sizes = [1], strides = [1]} : vector<16xf32> to vector<1xf32>
        %squeeze3A_862 = vector.extract %slice3A_861[0] : f32 from vector<1xf32>
        %add3A_863 = vector.broadcast %squeeze3A_862 : f32 to vector<16xf32>
        %add3A_864 = arith.addf %get3A_696, %add3A_863 : vector<16xf32>
        %max3A_865 = arith.maximumf %max3A_641, %add3A_864 : vector<16xf32>
        %slice3A_866 = vector.extract_strided_slice %get3A_435 {offsets = [1], sizes = [1], strides = [1]} : vector<16xf32> to vector<1xf32>
        %squeeze3A_867 = vector.extract %slice3A_866[0] : f32 from vector<1xf32>
        %add3A_868 = vector.broadcast %squeeze3A_867 : f32 to vector<16xf32>
        %add3A_869 = arith.addf %get3A_704, %add3A_868 : vector<16xf32>
        %max3A_870 = arith.maximumf %max3A_646, %add3A_869 : vector<16xf32>
        %slice3A_871 = vector.extract_strided_slice %get3A_435 {offsets = [1], sizes = [1], strides = [1]} : vector<16xf32> to vector<1xf32>
        %squeeze3A_872 = vector.extract %slice3A_871[0] : f32 from vector<1xf32>
        %add3A_873 = vector.broadcast %squeeze3A_872 : f32 to vector<16xf32>
        %add3A_874 = arith.addf %get3A_712, %add3A_873 : vector<16xf32>
        %max3A_875 = arith.maximumf %max3A_651, %add3A_874 : vector<16xf32>
        %slice3A_876 = vector.extract_strided_slice %get3A_435 {offsets = [1], sizes = [1], strides = [1]} : vector<16xf32> to vector<1xf32>
        %squeeze3A_877 = vector.extract %slice3A_876[0] : f32 from vector<1xf32>
        %add3A_878 = vector.broadcast %squeeze3A_877 : f32 to vector<16xf32>
        %add3A_879 = arith.addf %get3A_720, %add3A_878 : vector<16xf32>
        %max3A_880 = arith.maximumf %max3A_656, %add3A_879 : vector<16xf32>
        %mul3A_881 = arith.constant 16 : i32
        %mul3A_882 = arith.muli %mul3A_881, %scan3A_364 : i32
        %add3A_883 = arith.constant 2 : i32
        %add3A_884 = arith.addi %mul3A_882, %add3A_883 : i32
        %get3A_885 = arith.index_cast %add3A_884 : i32 to index
        %get3A_886 = arith.constant 0 : index
        %get3A_887 = tpu.vector_load %arg5[%get3A_885, %get3A_886] {strides = array<i32>} : memref<256x128xf32, #tpu.memory_space<vmem>>, vector<1x16xf32>,
        %get3A_888 = vector.shape_cast %get3A_887 : vector<1x16xf32> to vector<16xf32>
        %mul3A_889 = arith.constant 16 : i32
        %mul3A_890 = arith.muli %mul3A_889, %scan3A_364 : i32
        %add3A_891 = arith.constant 2 : i32
        %add3A_892 = arith.addi %mul3A_890, %add3A_891 : i32
        %get3A_893 = arith.index_cast %add3A_892 : i32 to index
        %get3A_894 = arith.constant 16 : index
        %get3A_895 = tpu.vector_load %arg5[%get3A_893, %get3A_894] {strides = array<i32>} : memref<256x128xf32, #tpu.memory_space<vmem>>, vector<1x16xf32>,
        %get3A_896 = vector.shape_cast %get3A_895 : vector<1x16xf32> to vector<16xf32>
        %mul3A_897 = arith.constant 16 : i32
        %mul3A_898 = arith.muli %mul3A_897, %scan3A_364 : i32
        %add3A_899 = arith.constant 2 : i32
        %add3A_900 = arith.addi %mul3A_898, %add3A_899 : i32
        %get3A_901 = arith.index_cast %add3A_900 : i32 to index
        %get3A_902 = arith.constant 32 : index
        %get3A_903 = tpu.vector_load %arg5[%get3A_901, %get3A_902] {strides = array<i32>} : memref<256x128xf32, #tpu.memory_space<vmem>>, vector<1x16xf32>,
        %get3A_904 = vector.shape_cast %get3A_903 : vector<1x16xf32> to vector<16xf32>
        %mul3A_905 = arith.constant 16 : i32
        %mul3A_906 = arith.muli %mul3A_905, %scan3A_364 : i32
        %add3A_907 = arith.constant 2 : i32
        %add3A_908 = arith.addi %mul3A_906, %add3A_907 : i32
        %get3A_909 = arith.index_cast %add3A_908 : i32 to index
        %get3A_910 = arith.constant 48 : index
        %get3A_911 = tpu.vector_load %arg5[%get3A_909, %get3A_910] {strides = array<i32>} : memref<256x128xf32, #tpu.memory_space<vmem>>, vector<1x16xf32>,
        %get3A_912 = vector.shape_cast %get3A_911 : vector<1x16xf32> to vector<16xf32>
        %mul3A_913 = arith.constant 16 : i32
        %mul3A_914 = arith.muli %mul3A_913, %scan3A_364 : i32
        %add3A_915 = arith.constant 2 : i32
        %add3A_916 = arith.addi %mul3A_914, %add3A_915 : i32
        %get3A_917 = arith.index_cast %add3A_916 : i32 to index
        %get3A_918 = arith.constant 64 : index
        %get3A_919 = tpu.vector_load %arg5[%get3A_917, %get3A_918] {strides = array<i32>} : memref<256x128xf32, #tpu.memory_space<vmem>>, vector<1x16xf32>,
        %get3A_920 = vector.shape_cast %get3A_919 : vector<1x16xf32> to vector<16xf32>
        %mul3A_921 = arith.constant 16 : i32
        %mul3A_922 = arith.muli %mul3A_921, %scan3A_364 : i32
        %add3A_923 = arith.constant 2 : i32
        %add3A_924 = arith.addi %mul3A_922, %add3A_923 : i32
        %get3A_925 = arith.index_cast %add3A_924 : i32 to index
        %get3A_926 = arith.constant 80 : index
        %get3A_927 = tpu.vector_load %arg5[%get3A_925, %get3A_926] {strides = array<i32>} : memref<256x128xf32, #tpu.memory_space<vmem>>, vector<1x16xf32>,
        %get3A_928 = vector.shape_cast %get3A_927 : vector<1x16xf32> to vector<16xf32>
        %mul3A_929 = arith.constant 16 : i32
        %mul3A_930 = arith.muli %mul3A_929, %scan3A_364 : i32
        %add3A_931 = arith.constant 2 : i32
        %add3A_932 = arith.addi %mul3A_930, %add3A_931 : i32
        %get3A_933 = arith.index_cast %add3A_932 : i32 to index
        %get3A_934 = arith.constant 96 : index
        %get3A_935 = tpu.vector_load %arg5[%get3A_933, %get3A_934] {strides = array<i32>} : memref<256x128xf32, #tpu.memory_space<vmem>>, vector<1x16xf32>,
        %get3A_936 = vector.shape_cast %get3A_935 : vector<1x16xf32> to vector<16xf32>
        %mul3A_937 = arith.constant 16 : i32
        %mul3A_938 = arith.muli %mul3A_937, %scan3A_364 : i32
        %add3A_939 = arith.constant 2 : i32
        %add3A_940 = arith.addi %mul3A_938, %add3A_939 : i32
        %get3A_941 = arith.index_cast %add3A_940 : i32 to index
        %get3A_942 = arith.constant 112 : index
        %get3A_943 = tpu.vector_load %arg5[%get3A_941, %get3A_942] {strides = array<i32>} : memref<256x128xf32, #tpu.memory_space<vmem>>, vector<1x16xf32>,
        %get3A_944 = vector.shape_cast %get3A_943 : vector<1x16xf32> to vector<16xf32>
        %slice3A_945 = vector.extract_strided_slice %get3A_405 {offsets = [2], sizes = [1], strides = [1]} : vector<16xf32> to vector<1xf32>
        %squeeze3A_946 = vector.extract %slice3A_945[0] : f32 from vector<1xf32>
        %add3A_947 = vector.broadcast %squeeze3A_946 : f32 to vector<16xf32>
        %add3A_948 = arith.addf %get3A_888, %add3A_947 : vector<16xf32>
        %max3A_949 = arith.maximumf %max3A_725, %add3A_948 : vector<16xf32>
        %slice3A_950 = vector.extract_strided_slice %get3A_405 {offsets = [2], sizes = [1], strides = [1]} : vector<16xf32> to vector<1xf32>
        %squeeze3A_951 = vector.extract %slice3A_950[0] : f32 from vector<1xf32>
        %add3A_952 = vector.broadcast %squeeze3A_951 : f32 to vector<16xf32>
        %add3A_953 = arith.addf %get3A_896, %add3A_952 : vector<16xf32>
        %max3A_954 = arith.maximumf %max3A_730, %add3A_953 : vector<16xf32>
        %slice3A_955 = vector.extract_strided_slice %get3A_405 {offsets = [2], sizes = [1], strides = [1]} : vector<16xf32> to vector<1xf32>
        %squeeze3A_956 = vector.extract %slice3A_955[0] : f32 from vector<1xf32>
        %add3A_957 = vector.broadcast %squeeze3A_956 : f32 to vector<16xf32>
        %add3A_958 = arith.addf %get3A_904, %add3A_957 : vector<16xf32>
        %max3A_959 = arith.maximumf %max3A_735, %add3A_958 : vector<16xf32>
        %slice3A_960 = vector.extract_strided_slice %get3A_405 {offsets = [2], sizes = [1], strides = [1]} : vector<16xf32> to vector<1xf32>
        %squeeze3A_961 = vector.extract %slice3A_960[0] : f32 from vector<1xf32>
        %add3A_962 = vector.broadcast %squeeze3A_961 : f32 to vector<16xf32>
        %add3A_963 = arith.addf %get3A_912, %add3A_962 : vector<16xf32>
        %max3A_964 = arith.maximumf %max3A_740, %add3A_963 : vector<16xf32>
        %slice3A_965 = vector.extract_strided_slice %get3A_405 {offsets = [2], sizes = [1], strides = [1]} : vector<16xf32> to vector<1xf32>
        %squeeze3A_966 = vector.extract %slice3A_965[0] : f32 from vector<1xf32>
        %add3A_967 = vector.broadcast %squeeze3A_966 : f32 to vector<16xf32>
        %add3A_968 = arith.addf %get3A_920, %add3A_967 : vector<16xf32>
        %max3A_969 = arith.maximumf %max3A_745, %add3A_968 : vector<16xf32>
        %slice3A_970 = vector.extract_strided_slice %get3A_405 {offsets = [2], sizes = [1], strides = [1]} : vector<16xf32> to vector<1xf32>
        %squeeze3A_971 = vector.extract %slice3A_970[0] : f32 from vector<1xf32>
        %add3A_972 = vector.broadcast %squeeze3A_971 : f32 to vector<16xf32>
        %add3A_973 = arith.addf %get3A_928, %add3A_972 : vector<16xf32>
        %max3A_974 = arith.maximumf %max3A_750, %add3A_973 : vector<16xf32>
        %slice3A_975 = vector.extract_strided_slice %get3A_405 {offsets = [2], sizes = [1], strides = [1]} : vector<16xf32> to vector<1xf32>
        %squeeze3A_976 = vector.extract %slice3A_975[0] : f32 from vector<1xf32>
        %add3A_977 = vector.broadcast %squeeze3A_976 : f32 to vector<16xf32>
        %add3A_978 = arith.addf %get3A_936, %add3A_977 : vector<16xf32>
        %max3A_979 = arith.maximumf %max3A_755, %add3A_978 : vector<16xf32>
        %slice3A_980 = vector.extract_strided_slice %get3A_405 {offsets = [2], sizes = [1], strides = [1]} : vector<16xf32> to vector<1xf32>
        %squeeze3A_981 = vector.extract %slice3A_980[0] : f32 from vector<1xf32>
        %add3A_982 = vector.broadcast %squeeze3A_981 : f32 to vector<16xf32>
        %add3A_983 = arith.addf %get3A_944, %add3A_982 : vector<16xf32>
        %max3A_984 = arith.maximumf %max3A_760, %add3A_983 : vector<16xf32>
        %slice3A_985 = vector.extract_strided_slice %get3A_415 {offsets = [2], sizes = [1], strides = [1]} : vector<16xf32> to vector<1xf32>
        %squeeze3A_986 = vector.extract %slice3A_985[0] : f32 from vector<1xf32>
        %add3A_987 = vector.broadcast %squeeze3A_986 : f32 to vector<16xf32>
        %add3A_988 = arith.addf %get3A_888, %add3A_987 : vector<16xf32>
        %max3A_989 = arith.maximumf %max3A_765, %add3A_988 : vector<16xf32>
        %slice3A_990 = vector.extract_strided_slice %get3A_415 {offsets = [2], sizes = [1], strides = [1]} : vector<16xf32> to vector<1xf32>
        %squeeze3A_991 = vector.extract %slice3A_990[0] : f32 from vector<1xf32>
        %add3A_992 = vector.broadcast %squeeze3A_991 : f32 to vector<16xf32>
        %add3A_993 = arith.addf %get3A_896, %add3A_992 : vector<16xf32>
        %max3A_994 = arith.maximumf %max3A_770, %add3A_993 : vector<16xf32>
        %slice3A_995 = vector.extract_strided_slice %get3A_415 {offsets = [2], sizes = [1], strides = [1]} : vector<16xf32> to vector<1xf32>
        %squeeze3A_996 = vector.extract %slice3A_995[0] : f32 from vector<1xf32>
        %add3A_997 = vector.broadcast %squeeze3A_996 : f32 to vector<16xf32>
        %add3A_998 = arith.addf %get3A_904, %add3A_997 : vector<16xf32>
        %max3A_999 = arith.maximumf %max3A_775, %add3A_998 : vector<16xf32>
        %slice3A_1000 = vector.extract_strided_slice %get3A_415 {offsets = [2], sizes = [1], strides = [1]} : vector<16xf32> to vector<1xf32>
        %squeeze3A_1001 = vector.extract %slice3A_1000[0] : f32 from vector<1xf32>
        %add3A_1002 = vector.broadcast %squeeze3A_1001 : f32 to vector<16xf32>
        %add3A_1003 = arith.addf %get3A_912, %add3A_1002 : vector<16xf32>
        %max3A_1004 = arith.maximumf %max3A_780, %add3A_1003 : vector<16xf32>
        %slice3A_1005 = vector.extract_strided_slice %get3A_415 {offsets = [2], sizes = [1], strides = [1]} : vector<16xf32> to vector<1xf32>
        %squeeze3A_1006 = vector.extract %slice3A_1005[0] : f32 from vector<1xf32>
        %add3A_1007 = vector.broadcast %squeeze3A_1006 : f32 to vector<16xf32>
        %add3A_1008 = arith.addf %get3A_920, %add3A_1007 : vector<16xf32>
        %max3A_1009 = arith.maximumf %max3A_785, %add3A_1008 : vector<16xf32>
        %slice3A_1010 = vector.extract_strided_slice %get3A_415 {offsets = [2], sizes = [1], strides = [1]} : vector<16xf32> to vector<1xf32>
        %squeeze3A_1011 = vector.extract %slice3A_1010[0] : f32 from vector<1xf32>
        %add3A_1012 = vector.broadcast %squeeze3A_1011 : f32 to vector<16xf32>
        %add3A_1013 = arith.addf %get3A_928, %add3A_1012 : vector<16xf32>
        %max3A_1014 = arith.maximumf %max3A_790, %add3A_1013 : vector<16xf32>
        %slice3A_1015 = vector.extract_strided_slice %get3A_415 {offsets = [2], sizes = [1], strides = [1]} : vector<16xf32> to vector<1xf32>
        %squeeze3A_1016 = vector.extract %slice3A_1015[0] : f32 from vector<1xf32>
        %add3A_1017 = vector.broadcast %squeeze3A_1016 : f32 to vector<16xf32>
        %add3A_1018 = arith.addf %get3A_936, %add3A_1017 : vector<16xf32>
        %max3A_1019 = arith.maximumf %max3A_795, %add3A_1018 : vector<16xf32>
        %slice3A_1020 = vector.extract_strided_slice %get3A_415 {offsets = [2], sizes = [1], strides = [1]} : vector<16xf32> to vector<1xf32>
        %squeeze3A_1021 = vector.extract %slice3A_1020[0] : f32 from vector<1xf32>
        %add3A_1022 = vector.broadcast %squeeze3A_1021 : f32 to vector<16xf32>
        %add3A_1023 = arith.addf %get3A_944, %add3A_1022 : vector<16xf32>
        %max3A_1024 = arith.maximumf %max3A_800, %add3A_1023 : vector<16xf32>
        %slice3A_1025 = vector.extract_strided_slice %get3A_425 {offsets = [2], sizes = [1], strides = [1]} : vector<16xf32> to vector<1xf32>
        %squeeze3A_1026 = vector.extract %slice3A_1025[0] : f32 from vector<1xf32>
        %add3A_1027 = vector.broadcast %squeeze3A_1026 : f32 to vector<16xf32>
        %add3A_1028 = arith.addf %get3A_888, %add3A_1027 : vector<16xf32>
        %max3A_1029 = arith.maximumf %max3A_805, %add3A_1028 : vector<16xf32>
        %slice3A_1030 = vector.extract_strided_slice %get3A_425 {offsets = [2], sizes = [1], strides = [1]} : vector<16xf32> to vector<1xf32>
        %squeeze3A_1031 = vector.extract %slice3A_1030[0] : f32 from vector<1xf32>
        %add3A_1032 = vector.broadcast %squeeze3A_1031 : f32 to vector<16xf32>
        %add3A_1033 = arith.addf %get3A_896, %add3A_1032 : vector<16xf32>
        %max3A_1034 = arith.maximumf %max3A_810, %add3A_1033 : vector<16xf32>
        %slice3A_1035 = vector.extract_strided_slice %get3A_425 {offsets = [2], sizes = [1], strides = [1]} : vector<16xf32> to vector<1xf32>
        %squeeze3A_1036 = vector.extract %slice3A_1035[0] : f32 from vector<1xf32>
        %add3A_1037 = vector.broadcast %squeeze3A_1036 : f32 to vector<16xf32>
        %add3A_1038 = arith.addf %get3A_904, %add3A_1037 : vector<16xf32>
        %max3A_1039 = arith.maximumf %max3A_815, %add3A_1038 : vector<16xf32>
        %slice3A_1040 = vector.extract_strided_slice %get3A_425 {offsets = [2], sizes = [1], strides = [1]} : vector<16xf32> to vector<1xf32>
        %squeeze3A_1041 = vector.extract %slice3A_1040[0] : f32 from vector<1xf32>
        %add3A_1042 = vector.broadcast %squeeze3A_1041 : f32 to vector<16xf32>
        %add3A_1043 = arith.addf %get3A_912, %add3A_1042 : vector<16xf32>
        %max3A_1044 = arith.maximumf %max3A_820, %add3A_1043 : vector<16xf32>
        %slice3A_1045 = vector.extract_strided_slice %get3A_425 {offsets = [2], sizes = [1], strides = [1]} : vector<16xf32> to vector<1xf32>
        %squeeze3A_1046 = vector.extract %slice3A_1045[0] : f32 from vector<1xf32>
        %add3A_1047 = vector.broadcast %squeeze3A_1046 : f32 to vector<16xf32>
        %add3A_1048 = arith.addf %get3A_920, %add3A_1047 : vector<16xf32>
        %max3A_1049 = arith.maximumf %max3A_825, %add3A_1048 : vector<16xf32>
        %slice3A_1050 = vector.extract_strided_slice %get3A_425 {offsets = [2], sizes = [1], strides = [1]} : vector<16xf32> to vector<1xf32>
        %squeeze3A_1051 = vector.extract %slice3A_1050[0] : f32 from vector<1xf32>
        %add3A_1052 = vector.broadcast %squeeze3A_1051 : f32 to vector<16xf32>
        %add3A_1053 = arith.addf %get3A_928, %add3A_1052 : vector<16xf32>
        %max3A_1054 = arith.maximumf %max3A_830, %add3A_1053 : vector<16xf32>
        %slice3A_1055 = vector.extract_strided_slice %get3A_425 {offsets = [2], sizes = [1], strides = [1]} : vector<16xf32> to vector<1xf32>
        %squeeze3A_1056 = vector.extract %slice3A_1055[0] : f32 from vector<1xf32>
        %add3A_1057 = vector.broadcast %squeeze3A_1056 : f32 to vector<16xf32>
        %add3A_1058 = arith.addf %get3A_936, %add3A_1057 : vector<16xf32>
        %max3A_1059 = arith.maximumf %max3A_835, %add3A_1058 : vector<16xf32>
        %slice3A_1060 = vector.extract_strided_slice %get3A_425 {offsets = [2], sizes = [1], strides = [1]} : vector<16xf32> to vector<1xf32>
        %squeeze3A_1061 = vector.extract %slice3A_1060[0] : f32 from vector<1xf32>
        %add3A_1062 = vector.broadcast %squeeze3A_1061 : f32 to vector<16xf32>
        %add3A_1063 = arith.addf %get3A_944, %add3A_1062 : vector<16xf32>
        %max3A_1064 = arith.maximumf %max3A_840, %add3A_1063 : vector<16xf32>
        %slice3A_1065 = vector.extract_strided_slice %get3A_435 {offsets = [2], sizes = [1], strides = [1]} : vector<16xf32> to vector<1xf32>
        %squeeze3A_1066 = vector.extract %slice3A_1065[0] : f32 from vector<1xf32>
        %add3A_1067 = vector.broadcast %squeeze3A_1066 : f32 to vector<16xf32>
        %add3A_1068 = arith.addf %get3A_888, %add3A_1067 : vector<16xf32>
        %max3A_1069 = arith.maximumf %max3A_845, %add3A_1068 : vector<16xf32>
        %slice3A_1070 = vector.extract_strided_slice %get3A_435 {offsets = [2], sizes = [1], strides = [1]} : vector<16xf32> to vector<1xf32>
        %squeeze3A_1071 = vector.extract %slice3A_1070[0] : f32 from vector<1xf32>
        %add3A_1072 = vector.broadcast %squeeze3A_1071 : f32 to vector<16xf32>
        %add3A_1073 = arith.addf %get3A_896, %add3A_1072 : vector<16xf32>
        %max3A_1074 = arith.maximumf %max3A_850, %add3A_1073 : vector<16xf32>
        %slice3A_1075 = vector.extract_strided_slice %get3A_435 {offsets = [2], sizes = [1], strides = [1]} : vector<16xf32> to vector<1xf32>
        %squeeze3A_1076 = vector.extract %slice3A_1075[0] : f32 from vector<1xf32>
        %add3A_1077 = vector.broadcast %squeeze3A_1076 : f32 to vector<16xf32>
        %add3A_1078 = arith.addf %get3A_904, %add3A_1077 : vector<16xf32>
        %max3A_1079 = arith.maximumf %max3A_855, %add3A_1078 : vector<16xf32>
        %slice3A_1080 = vector.extract_strided_slice %get3A_435 {offsets = [2], sizes = [1], strides = [1]} : vector<16xf32> to vector<1xf32>
        %squeeze3A_1081 = vector.extract %slice3A_1080[0] : f32 from vector<1xf32>
        %add3A_1082 = vector.broadcast %squeeze3A_1081 : f32 to vector<16xf32>
        %add3A_1083 = arith.addf %get3A_912, %add3A_1082 : vector<16xf32>
        %max3A_1084 = arith.maximumf %max3A_860, %add3A_1083 : vector<16xf32>
        %slice3A_1085 = vector.extract_strided_slice %get3A_435 {offsets = [2], sizes = [1], strides = [1]} : vector<16xf32> to vector<1xf32>
        %squeeze3A_1086 = vector.extract %slice3A_1085[0] : f32 from vector<1xf32>
        %add3A_1087 = vector.broadcast %squeeze3A_1086 : f32 to vector<16xf32>
        %add3A_1088 = arith.addf %get3A_920, %add3A_1087 : vector<16xf32>
        %max3A_1089 = arith.maximumf %max3A_865, %add3A_1088 : vector<16xf32>
        %slice3A_1090 = vector.extract_strided_slice %get3A_435 {offsets = [2], sizes = [1], strides = [1]} : vector<16xf32> to vector<1xf32>
        %squeeze3A_1091 = vector.extract %slice3A_1090[0] : f32 from vector<1xf32>
        %add3A_1092 = vector.broadcast %squeeze3A_1091 : f32 to vector<16xf32>
        %add3A_1093 = arith.addf %get3A_928, %add3A_1092 : vector<16xf32>
        %max3A_1094 = arith.maximumf %max3A_870, %add3A_1093 : vector<16xf32>
        %slice3A_1095 = vector.extract_strided_slice %get3A_435 {offsets = [2], sizes = [1], strides = [1]} : vector<16xf32> to vector<1xf32>
        %squeeze3A_1096 = vector.extract %slice3A_1095[0] : f32 from vector<1xf32>
        %add3A_1097 = vector.broadcast %squeeze3A_1096 : f32 to vector<16xf32>
        %add3A_1098 = arith.addf %get3A_936, %add3A_1097 : vector<16xf32>
        %max3A_1099 = arith.maximumf %max3A_875, %add3A_1098 : vector<16xf32>
        %slice3A_1100 = vector.extract_strided_slice %get3A_435 {offsets = [2], sizes = [1], strides = [1]} : vector<16xf32> to vector<1xf32>
        %squeeze3A_1101 = vector.extract %slice3A_1100[0] : f32 from vector<1xf32>
        %add3A_1102 = vector.broadcast %squeeze3A_1101 : f32 to vector<16xf32>
        %add3A_1103 = arith.addf %get3A_944, %add3A_1102 : vector<16xf32>
        %max3A_1104 = arith.maximumf %max3A_880, %add3A_1103 : vector<16xf32>
        %mul3A_1105 = arith.constant 16 : i32
        %mul3A_1106 = arith.muli %mul3A_1105, %scan3A_364 : i32
        %add3A_1107 = arith.constant 3 : i32
        %add3A_1108 = arith.addi %mul3A_1106, %add3A_1107 : i32
        %get3A_1109 = arith.index_cast %add3A_1108 : i32 to index
        %get3A_1110 = arith.constant 0 : index
        %get3A_1111 = tpu.vector_load %arg5[%get3A_1109, %get3A_1110] {strides = array<i32>} : memref<256x128xf32, #tpu.memory_space<vmem>>, vector<1x16xf32>,
        %get3A_1112 = vector.shape_cast %get3A_1111 : vector<1x16xf32> to vector<16xf32>
        %mul3A_1113 = arith.constant 16 : i32
        %mul3A_1114 = arith.muli %mul3A_1113, %scan3A_364 : i32
        %add3A_1115 = arith.constant 3 : i32
        %add3A_1116 = arith.addi %mul3A_1114, %add3A_1115 : i32
        %get3A_1117 = arith.index_cast %add3A_1116 : i32 to index
        %get3A_1118 = arith.constant 16 : index
        %get3A_1119 = tpu.vector_load %arg5[%get3A_1117, %get3A_1118] {strides = array<i32>} : memref<256x128xf32, #tpu.memory_space<vmem>>, vector<1x16xf32>,
        %get3A_1120 = vector.shape_cast %get3A_1119 : vector<1x16xf32> to vector<16xf32>
        %mul3A_1121 = arith.constant 16 : i32
        %mul3A_1122 = arith.muli %mul3A_1121, %scan3A_364 : i32
        %add3A_1123 = arith.constant 3 : i32
        %add3A_1124 = arith.addi %mul3A_1122, %add3A_1123 : i32
        %get3A_1125 = arith.index_cast %add3A_1124 : i32 to index
        %get3A_1126 = arith.constant 32 : index
        %get3A_1127 = tpu.vector_load %arg5[%get3A_1125, %get3A_1126] {strides = array<i32>} : memref<256x128xf32, #tpu.memory_space<vmem>>, vector<1x16xf32>,
        %get3A_1128 = vector.shape_cast %get3A_1127 : vector<1x16xf32> to vector<16xf32>
        %mul3A_1129 = arith.constant 16 : i32
        %mul3A_1130 = arith.muli %mul3A_1129, %scan3A_364 : i32
        %add3A_1131 = arith.constant 3 : i32
        %add3A_1132 = arith.addi %mul3A_1130, %add3A_1131 : i32
        %get3A_1133 = arith.index_cast %add3A_1132 : i32 to index
        %get3A_1134 = arith.constant 48 : index
        %get3A_1135 = tpu.vector_load %arg5[%get3A_1133, %get3A_1134] {strides = array<i32>} : memref<256x128xf32, #tpu.memory_space<vmem>>, vector<1x16xf32>,
        %get3A_1136 = vector.shape_cast %get3A_1135 : vector<1x16xf32> to vector<16xf32>
        %mul3A_1137 = arith.constant 16 : i32
        %mul3A_1138 = arith.muli %mul3A_1137, %scan3A_364 : i32
        %add3A_1139 = arith.constant 3 : i32
        %add3A_1140 = arith.addi %mul3A_1138, %add3A_1139 : i32
        %get3A_1141 = arith.index_cast %add3A_1140 : i32 to index
        %get3A_1142 = arith.constant 64 : index
        %get3A_1143 = tpu.vector_load %arg5[%get3A_1141, %get3A_1142] {strides = array<i32>} : memref<256x128xf32, #tpu.memory_space<vmem>>, vector<1x16xf32>,
        %get3A_1144 = vector.shape_cast %get3A_1143 : vector<1x16xf32> to vector<16xf32>
        %mul3A_1145 = arith.constant 16 : i32
        %mul3A_1146 = arith.muli %mul3A_1145, %scan3A_364 : i32
        %add3A_1147 = arith.constant 3 : i32
        %add3A_1148 = arith.addi %mul3A_1146, %add3A_1147 : i32
        %get3A_1149 = arith.index_cast %add3A_1148 : i32 to index
        %get3A_1150 = arith.constant 80 : index
        %get3A_1151 = tpu.vector_load %arg5[%get3A_1149, %get3A_1150] {strides = array<i32>} : memref<256x128xf32, #tpu.memory_space<vmem>>, vector<1x16xf32>,
        %get3A_1152 = vector.shape_cast %get3A_1151 : vector<1x16xf32> to vector<16xf32>
        %mul3A_1153 = arith.constant 16 : i32
        %mul3A_1154 = arith.muli %mul3A_1153, %scan3A_364 : i32
        %add3A_1155 = arith.constant 3 : i32
        %add3A_1156 = arith.addi %mul3A_1154, %add3A_1155 : i32
        %get3A_1157 = arith.index_cast %add3A_1156 : i32 to index
        %get3A_1158 = arith.constant 96 : index
        %get3A_1159 = tpu.vector_load %arg5[%get3A_1157, %get3A_1158] {strides = array<i32>} : memref<256x128xf32, #tpu.memory_space<vmem>>, vector<1x16xf32>,
        %get3A_1160 = vector.shape_cast %get3A_1159 : vector<1x16xf32> to vector<16xf32>
        %mul3A_1161 = arith.constant 16 : i32
        %mul3A_1162 = arith.muli %mul3A_1161, %scan3A_364 : i32
        %add3A_1163 = arith.constant 3 : i32
        %add3A_1164 = arith.addi %mul3A_1162, %add3A_1163 : i32
        %get3A_1165 = arith.index_cast %add3A_1164 : i32 to index
        %get3A_1166 = arith.constant 112 : index
        %get3A_1167 = tpu.vector_load %arg5[%get3A_1165, %get3A_1166] {strides = array<i32>} : memref<256x128xf32, #tpu.memory_space<vmem>>, vector<1x16xf32>,
        %get3A_1168 = vector.shape_cast %get3A_1167 : vector<1x16xf32> to vector<16xf32>
        %slice3A_1169 = vector.extract_strided_slice %get3A_405 {offsets = [3], sizes = [1], strides = [1]} : vector<16xf32> to vector<1xf32>
        %squeeze3A_1170 = vector.extract %slice3A_1169[0] : f32 from vector<1xf32>
        %add3A_1171 = vector.broadcast %squeeze3A_1170 : f32 to vector<16xf32>
        %add3A_1172 = arith.addf %get3A_1112, %add3A_1171 : vector<16xf32>
        %max3A_1173 = arith.maximumf %max3A_949, %add3A_1172 : vector<16xf32>
        %slice3A_1174 = vector.extract_strided_slice %get3A_405 {offsets = [3], sizes = [1], strides = [1]} : vector<16xf32> to vector<1xf32>
        %squeeze3A_1175 = vector.extract %slice3A_1174[0] : f32 from vector<1xf32>
        %add3A_1176 = vector.broadcast %squeeze3A_1175 : f32 to vector<16xf32>
        %add3A_1177 = arith.addf %get3A_1120, %add3A_1176 : vector<16xf32>
        %max3A_1178 = arith.maximumf %max3A_954, %add3A_1177 : vector<16xf32>
        %slice3A_1179 = vector.extract_strided_slice %get3A_405 {offsets = [3], sizes = [1], strides = [1]} : vector<16xf32> to vector<1xf32>
        %squeeze3A_1180 = vector.extract %slice3A_1179[0] : f32 from vector<1xf32>
        %add3A_1181 = vector.broadcast %squeeze3A_1180 : f32 to vector<16xf32>
        %add3A_1182 = arith.addf %get3A_1128, %add3A_1181 : vector<16xf32>
        %max3A_1183 = arith.maximumf %max3A_959, %add3A_1182 : vector<16xf32>
        %slice3A_1184 = vector.extract_strided_slice %get3A_405 {offsets = [3], sizes = [1], strides = [1]} : vector<16xf32> to vector<1xf32>
        %squeeze3A_1185 = vector.extract %slice3A_1184[0] : f32 from vector<1xf32>
        %add3A_1186 = vector.broadcast %squeeze3A_1185 : f32 to vector<16xf32>
        %add3A_1187 = arith.addf %get3A_1136, %add3A_1186 : vector<16xf32>
        %max3A_1188 = arith.maximumf %max3A_964, %add3A_1187 : vector<16xf32>
        %slice3A_1189 = vector.extract_strided_slice %get3A_405 {offsets = [3], sizes = [1], strides = [1]} : vector<16xf32> to vector<1xf32>
        %squeeze3A_1190 = vector.extract %slice3A_1189[0] : f32 from vector<1xf32>
        %add3A_1191 = vector.broadcast %squeeze3A_1190 : f32 to vector<16xf32>
        %add3A_1192 = arith.addf %get3A_1144, %add3A_1191 : vector<16xf32>
        %max3A_1193 = arith.maximumf %max3A_969, %add3A_1192 : vector<16xf32>
        %slice3A_1194 = vector.extract_strided_slice %get3A_405 {offsets = [3], sizes = [1], strides = [1]} : vector<16xf32> to vector<1xf32>
        %squeeze3A_1195 = vector.extract %slice3A_1194[0] : f32 from vector<1xf32>
        %add3A_1196 = vector.broadcast %squeeze3A_1195 : f32 to vector<16xf32>
        %add3A_1197 = arith.addf %get3A_1152, %add3A_1196 : vector<16xf32>
        %max3A_1198 = arith.maximumf %max3A_974, %add3A_1197 : vector<16xf32>
        %slice3A_1199 = vector.extract_strided_slice %get3A_405 {offsets = [3], sizes = [1], strides = [1]} : vector<16xf32> to vector<1xf32>
        %squeeze3A_1200 = vector.extract %slice3A_1199[0] : f32 from vector<1xf32>
        %add3A_1201 = vector.broadcast %squeeze3A_1200 : f32 to vector<16xf32>
        %add3A_1202 = arith.addf %get3A_1160, %add3A_1201 : vector<16xf32>
        %max3A_1203 = arith.maximumf %max3A_979, %add3A_1202 : vector<16xf32>
        %slice3A_1204 = vector.extract_strided_slice %get3A_405 {offsets = [3], sizes = [1], strides = [1]} : vector<16xf32> to vector<1xf32>
        %squeeze3A_1205 = vector.extract %slice3A_1204[0] : f32 from vector<1xf32>
        %add3A_1206 = vector.broadcast %squeeze3A_1205 : f32 to vector<16xf32>
        %add3A_1207 = arith.addf %get3A_1168, %add3A_1206 : vector<16xf32>
        %max3A_1208 = arith.maximumf %max3A_984, %add3A_1207 : vector<16xf32>
        %slice3A_1209 = vector.extract_strided_slice %get3A_415 {offsets = [3], sizes = [1], strides = [1]} : vector<16xf32> to vector<1xf32>
        %squeeze3A_1210 = vector.extract %slice3A_1209[0] : f32 from vector<1xf32>
        %add3A_1211 = vector.broadcast %squeeze3A_1210 : f32 to vector<16xf32>
        %add3A_1212 = arith.addf %get3A_1112, %add3A_1211 : vector<16xf32>
        %max3A_1213 = arith.maximumf %max3A_989, %add3A_1212 : vector<16xf32>
        %slice3A_1214 = vector.extract_strided_slice %get3A_415 {offsets = [3], sizes = [1], strides = [1]} : vector<16xf32> to vector<1xf32>
        %squeeze3A_1215 = vector.extract %slice3A_1214[0] : f32 from vector<1xf32>
        %add3A_1216 = vector.broadcast %squeeze3A_1215 : f32 to vector<16xf32>
        %add3A_1217 = arith.addf %get3A_1120, %add3A_1216 : vector<16xf32>
        %max3A_1218 = arith.maximumf %max3A_994, %add3A_1217 : vector<16xf32>
        %slice3A_1219 = vector.extract_strided_slice %get3A_415 {offsets = [3], sizes = [1], strides = [1]} : vector<16xf32> to vector<1xf32>
        %squeeze3A_1220 = vector.extract %slice3A_1219[0] : f32 from vector<1xf32>
        %add3A_1221 = vector.broadcast %squeeze3A_1220 : f32 to vector<16xf32>
        %add3A_1222 = arith.addf %get3A_1128, %add3A_1221 : vector<16xf32>
        %max3A_1223 = arith.maximumf %max3A_999, %add3A_1222 : vector<16xf32>
        %slice3A_1224 = vector.extract_strided_slice %get3A_415 {offsets = [3], sizes = [1], strides = [1]} : vector<16xf32> to vector<1xf32>
        %squeeze3A_1225 = vector.extract %slice3A_1224[0] : f32 from vector<1xf32>
        %add3A_1226 = vector.broadcast %squeeze3A_1225 : f32 to vector<16xf32>
        %add3A_1227 = arith.addf %get3A_1136, %add3A_1226 : vector<16xf32>
        %max3A_1228 = arith.maximumf %max3A_1004, %add3A_1227 : vector<16xf32>
        %slice3A_1229 = vector.extract_strided_slice %get3A_415 {offsets = [3], sizes = [1], strides = [1]} : vector<16xf32> to vector<1xf32>
        %squeeze3A_1230 = vector.extract %slice3A_1229[0] : f32 from vector<1xf32>
        %add3A_1231 = vector.broadcast %squeeze3A_1230 : f32 to vector<16xf32>
        %add3A_1232 = arith.addf %get3A_1144, %add3A_1231 : vector<16xf32>
        %max3A_1233 = arith.maximumf %max3A_1009, %add3A_1232 : vector<16xf32>
        %slice3A_1234 = vector.extract_strided_slice %get3A_415 {offsets = [3], sizes = [1], strides = [1]} : vector<16xf32> to vector<1xf32>
        %squeeze3A_1235 = vector.extract %slice3A_1234[0] : f32 from vector<1xf32>
        %add3A_1236 = vector.broadcast %squeeze3A_1235 : f32 to vector<16xf32>
        %add3A_1237 = arith.addf %get3A_1152, %add3A_1236 : vector<16xf32>
        %max3A_1238 = arith.maximumf %max3A_1014, %add3A_1237 : vector<16xf32>
        %slice3A_1239 = vector.extract_strided_slice %get3A_415 {offsets = [3], sizes = [1], strides = [1]} : vector<16xf32> to vector<1xf32>
        %squeeze3A_1240 = vector.extract %slice3A_1239[0] : f32 from vector<1xf32>
        %add3A_1241 = vector.broadcast %squeeze3A_1240 : f32 to vector<16xf32>
        %add3A_1242 = arith.addf %get3A_1160, %add3A_1241 : vector<16xf32>
        %max3A_1243 = arith.maximumf %max3A_1019, %add3A_1242 : vector<16xf32>
        %slice3A_1244 = vector.extract_strided_slice %get3A_415 {offsets = [3], sizes = [1], strides = [1]} : vector<16xf32> to vector<1xf32>
        %squeeze3A_1245 = vector.extract %slice3A_1244[0] : f32 from vector<1xf32>
        %add3A_1246 = vector.broadcast %squeeze3A_1245 : f32 to vector<16xf32>
        %add3A_1247 = arith.addf %get3A_1168, %add3A_1246 : vector<16xf32>
        %max3A_1248 = arith.maximumf %max3A_1024, %add3A_1247 : vector<16xf32>
        %slice3A_1249 = vector.extract_strided_slice %get3A_425 {offsets = [3], sizes = [1], strides = [1]} : vector<16xf32> to vector<1xf32>
        %squeeze3A_1250 = vector.extract %slice3A_1249[0] : f32 from vector<1xf32>
        %add3A_1251 = vector.broadcast %squeeze3A_1250 : f32 to vector<16xf32>
        %add3A_1252 = arith.addf %get3A_1112, %add3A_1251 : vector<16xf32>
        %max3A_1253 = arith.maximumf %max3A_1029, %add3A_1252 : vector<16xf32>
        %slice3A_1254 = vector.extract_strided_slice %get3A_425 {offsets = [3], sizes = [1], strides = [1]} : vector<16xf32> to vector<1xf32>
        %squeeze3A_1255 = vector.extract %slice3A_1254[0] : f32 from vector<1xf32>
        %add3A_1256 = vector.broadcast %squeeze3A_1255 : f32 to vector<16xf32>
        %add3A_1257 = arith.addf %get3A_1120, %add3A_1256 : vector<16xf32>
        %max3A_1258 = arith.maximumf %max3A_1034, %add3A_1257 : vector<16xf32>
        %slice3A_1259 = vector.extract_strided_slice %get3A_425 {offsets = [3], sizes = [1], strides = [1]} : vector<16xf32> to vector<1xf32>
        %squeeze3A_1260 = vector.extract %slice3A_1259[0] : f32 from vector<1xf32>
        %add3A_1261 = vector.broadcast %squeeze3A_1260 : f32 to vector<16xf32>
        %add3A_1262 = arith.addf %get3A_1128, %add3A_1261 : vector<16xf32>
        %max3A_1263 = arith.maximumf %max3A_1039, %add3A_1262 : vector<16xf32>
        %slice3A_1264 = vector.extract_strided_slice %get3A_425 {offsets = [3], sizes = [1], strides = [1]} : vector<16xf32> to vector<1xf32>
        %squeeze3A_1265 = vector.extract %slice3A_1264[0] : f32 from vector<1xf32>
        %add3A_1266 = vector.broadcast %squeeze3A_1265 : f32 to vector<16xf32>
        %add3A_1267 = arith.addf %get3A_1136, %add3A_1266 : vector<16xf32>
        %max3A_1268 = arith.maximumf %max3A_1044, %add3A_1267 : vector<16xf32>
        %slice3A_1269 = vector.extract_strided_slice %get3A_425 {offsets = [3], sizes = [1], strides = [1]} : vector<16xf32> to vector<1xf32>
        %squeeze3A_1270 = vector.extract %slice3A_1269[0] : f32 from vector<1xf32>
        %add3A_1271 = vector.broadcast %squeeze3A_1270 : f32 to vector<16xf32>
        %add3A_1272 = arith.addf %get3A_1144, %add3A_1271 : vector<16xf32>
        %max3A_1273 = arith.maximumf %max3A_1049, %add3A_1272 : vector<16xf32>
        %slice3A_1274 = vector.extract_strided_slice %get3A_425 {offsets = [3], sizes = [1], strides = [1]} : vector<16xf32> to vector<1xf32>
        %squeeze3A_1275 = vector.extract %slice3A_1274[0] : f32 from vector<1xf32>
        %add3A_1276 = vector.broadcast %squeeze3A_1275 : f32 to vector<16xf32>
        %add3A_1277 = arith.addf %get3A_1152, %add3A_1276 : vector<16xf32>
        %max3A_1278 = arith.maximumf %max3A_1054, %add3A_1277 : vector<16xf32>
        %slice3A_1279 = vector.extract_strided_slice %get3A_425 {offsets = [3], sizes = [1], strides = [1]} : vector<16xf32> to vector<1xf32>
        %squeeze3A_1280 = vector.extract %slice3A_1279[0] : f32 from vector<1xf32>
        %add3A_1281 = vector.broadcast %squeeze3A_1280 : f32 to vector<16xf32>
        %add3A_1282 = arith.addf %get3A_1160, %add3A_1281 : vector<16xf32>
        %max3A_1283 = arith.maximumf %max3A_1059, %add3A_1282 : vector<16xf32>
        %slice3A_1284 = vector.extract_strided_slice %get3A_425 {offsets = [3], sizes = [1], strides = [1]} : vector<16xf32> to vector<1xf32>
        %squeeze3A_1285 = vector.extract %slice3A_1284[0] : f32 from vector<1xf32>
        %add3A_1286 = vector.broadcast %squeeze3A_1285 : f32 to vector<16xf32>
        %add3A_1287 = arith.addf %get3A_1168, %add3A_1286 : vector<16xf32>
        %max3A_1288 = arith.maximumf %max3A_1064, %add3A_1287 : vector<16xf32>
        %slice3A_1289 = vector.extract_strided_slice %get3A_435 {offsets = [3], sizes = [1], strides = [1]} : vector<16xf32> to vector<1xf32>
        %squeeze3A_1290 = vector.extract %slice3A_1289[0] : f32 from vector<1xf32>
        %add3A_1291 = vector.broadcast %squeeze3A_1290 : f32 to vector<16xf32>
        %add3A_1292 = arith.addf %get3A_1112, %add3A_1291 : vector<16xf32>
        %max3A_1293 = arith.maximumf %max3A_1069, %add3A_1292 : vector<16xf32>
        %slice3A_1294 = vector.extract_strided_slice %get3A_435 {offsets = [3], sizes = [1], strides = [1]} : vector<16xf32> to vector<1xf32>
        %squeeze3A_1295 = vector.extract %slice3A_1294[0] : f32 from vector<1xf32>
        %add3A_1296 = vector.broadcast %squeeze3A_1295 : f32 to vector<16xf32>
        %add3A_1297 = arith.addf %get3A_1120, %add3A_1296 : vector<16xf32>
        %max3A_1298 = arith.maximumf %max3A_1074, %add3A_1297 : vector<16xf32>
        %slice3A_1299 = vector.extract_strided_slice %get3A_435 {offsets = [3], sizes = [1], strides = [1]} : vector<16xf32> to vector<1xf32>
        %squeeze3A_1300 = vector.extract %slice3A_1299[0] : f32 from vector<1xf32>
        %add3A_1301 = vector.broadcast %squeeze3A_1300 : f32 to vector<16xf32>
        %add3A_1302 = arith.addf %get3A_1128, %add3A_1301 : vector<16xf32>
        %max3A_1303 = arith.maximumf %max3A_1079, %add3A_1302 : vector<16xf32>
        %slice3A_1304 = vector.extract_strided_slice %get3A_435 {offsets = [3], sizes = [1], strides = [1]} : vector<16xf32> to vector<1xf32>
        %squeeze3A_1305 = vector.extract %slice3A_1304[0] : f32 from vector<1xf32>
        %add3A_1306 = vector.broadcast %squeeze3A_1305 : f32 to vector<16xf32>
        %add3A_1307 = arith.addf %get3A_1136, %add3A_1306 : vector<16xf32>
        %max3A_1308 = arith.maximumf %max3A_1084, %add3A_1307 : vector<16xf32>
        %slice3A_1309 = vector.extract_strided_slice %get3A_435 {offsets = [3], sizes = [1], strides = [1]} : vector<16xf32> to vector<1xf32>
        %squeeze3A_1310 = vector.extract %slice3A_1309[0] : f32 from vector<1xf32>
        %add3A_1311 = vector.broadcast %squeeze3A_1310 : f32 to vector<16xf32>
        %add3A_1312 = arith.addf %get3A_1144, %add3A_1311 : vector<16xf32>
        %max3A_1313 = arith.maximumf %max3A_1089, %add3A_1312 : vector<16xf32>
        %slice3A_1314 = vector.extract_strided_slice %get3A_435 {offsets = [3], sizes = [1], strides = [1]} : vector<16xf32> to vector<1xf32>
        %squeeze3A_1315 = vector.extract %slice3A_1314[0] : f32 from vector<1xf32>
        %add3A_1316 = vector.broadcast %squeeze3A_1315 : f32 to vector<16xf32>
        %add3A_1317 = arith.addf %get3A_1152, %add3A_1316 : vector<16xf32>
        %max3A_1318 = arith.maximumf %max3A_1094, %add3A_1317 : vector<16xf32>
        %slice3A_1319 = vector.extract_strided_slice %get3A_435 {offsets = [3], sizes = [1], strides = [1]} : vector<16xf32> to vector<1xf32>
        %squeeze3A_1320 = vector.extract %slice3A_1319[0] : f32 from vector<1xf32>
        %add3A_1321 = vector.broadcast %squeeze3A_1320 : f32 to vector<16xf32>
        %add3A_1322 = arith.addf %get3A_1160, %add3A_1321 : vector<16xf32>
        %max3A_1323 = arith.maximumf %max3A_1099, %add3A_1322 : vector<16xf32>
        %slice3A_1324 = vector.extract_strided_slice %get3A_435 {offsets = [3], sizes = [1], strides = [1]} : vector<16xf32> to vector<1xf32>
        %squeeze3A_1325 = vector.extract %slice3A_1324[0] : f32 from vector<1xf32>
        %add3A_1326 = vector.broadcast %squeeze3A_1325 : f32 to vector<16xf32>
        %add3A_1327 = arith.addf %get3A_1168, %add3A_1326 : vector<16xf32>
        %max3A_1328 = arith.maximumf %max3A_1104, %add3A_1327 : vector<16xf32>
        %mul3A_1329 = arith.constant 16 : i32
        %mul3A_1330 = arith.muli %mul3A_1329, %scan3A_364 : i32
        %add3A_1331 = arith.constant 4 : i32
        %add3A_1332 = arith.addi %mul3A_1330, %add3A_1331 : i32
        %get3A_1333 = arith.index_cast %add3A_1332 : i32 to index
        %get3A_1334 = arith.constant 0 : index
        %get3A_1335 = tpu.vector_load %arg5[%get3A_1333, %get3A_1334] {strides = array<i32>} : memref<256x128xf32, #tpu.memory_space<vmem>>, vector<1x16xf32>,
        %get3A_1336 = vector.shape_cast %get3A_1335 : vector<1x16xf32> to vector<16xf32>
        %mul3A_1337 = arith.constant 16 : i32
        %mul3A_1338 = arith.muli %mul3A_1337, %scan3A_364 : i32
        %add3A_1339 = arith.constant 4 : i32
        %add3A_1340 = arith.addi %mul3A_1338, %add3A_1339 : i32
        %get3A_1341 = arith.index_cast %add3A_1340 : i32 to index
        %get3A_1342 = arith.constant 16 : index
        %get3A_1343 = tpu.vector_load %arg5[%get3A_1341, %get3A_1342] {strides = array<i32>} : memref<256x128xf32, #tpu.memory_space<vmem>>, vector<1x16xf32>,
        %get3A_1344 = vector.shape_cast %get3A_1343 : vector<1x16xf32> to vector<16xf32>
        %mul3A_1345 = arith.constant 16 : i32
        %mul3A_1346 = arith.muli %mul3A_1345, %scan3A_364 : i32
        %add3A_1347 = arith.constant 4 : i32
        %add3A_1348 = arith.addi %mul3A_1346, %add3A_1347 : i32
        %get3A_1349 = arith.index_cast %add3A_1348 : i32 to index
        %get3A_1350 = arith.constant 32 : index
        %get3A_1351 = tpu.vector_load %arg5[%get3A_1349, %get3A_1350] {strides = array<i32>} : memref<256x128xf32, #tpu.memory_space<vmem>>, vector<1x16xf32>,
        %get3A_1352 = vector.shape_cast %get3A_1351 : vector<1x16xf32> to vector<16xf32>
        %mul3A_1353 = arith.constant 16 : i32
        %mul3A_1354 = arith.muli %mul3A_1353, %scan3A_364 : i32
        %add3A_1355 = arith.constant 4 : i32
        %add3A_1356 = arith.addi %mul3A_1354, %add3A_1355 : i32
        %get3A_1357 = arith.index_cast %add3A_1356 : i32 to index
        %get3A_1358 = arith.constant 48 : index
        %get3A_1359 = tpu.vector_load %arg5[%get3A_1357, %get3A_1358] {strides = array<i32>} : memref<256x128xf32, #tpu.memory_space<vmem>>, vector<1x16xf32>,
        %get3A_1360 = vector.shape_cast %get3A_1359 : vector<1x16xf32> to vector<16xf32>
        %mul3A_1361 = arith.constant 16 : i32
        %mul3A_1362 = arith.muli %mul3A_1361, %scan3A_364 : i32
        %add3A_1363 = arith.constant 4 : i32
        %add3A_1364 = arith.addi %mul3A_1362, %add3A_1363 : i32
        %get3A_1365 = arith.index_cast %add3A_1364 : i32 to index
        %get3A_1366 = arith.constant 64 : index
        %get3A_1367 = tpu.vector_load %arg5[%get3A_1365, %get3A_1366] {strides = array<i32>} : memref<256x128xf32, #tpu.memory_space<vmem>>, vector<1x16xf32>,
        %get3A_1368 = vector.shape_cast %get3A_1367 : vector<1x16xf32> to vector<16xf32>
        %mul3A_1369 = arith.constant 16 : i32
        %mul3A_1370 = arith.muli %mul3A_1369, %scan3A_364 : i32
        %add3A_1371 = arith.constant 4 : i32
        %add3A_1372 = arith.addi %mul3A_1370, %add3A_1371 : i32
        %get3A_1373 = arith.index_cast %add3A_1372 : i32 to index
        %get3A_1374 = arith.constant 80 : index
        %get3A_1375 = tpu.vector_load %arg5[%get3A_1373, %get3A_1374] {strides = array<i32>} : memref<256x128xf32, #tpu.memory_space<vmem>>, vector<1x16xf32>,
        %get3A_1376 = vector.shape_cast %get3A_1375 : vector<1x16xf32> to vector<16xf32>
        %mul3A_1377 = arith.constant 16 : i32
        %mul3A_1378 = arith.muli %mul3A_1377, %scan3A_364 : i32
        %add3A_1379 = arith.constant 4 : i32
        %add3A_1380 = arith.addi %mul3A_1378, %add3A_1379 : i32
        %get3A_1381 = arith.index_cast %add3A_1380 : i32 to index
        %get3A_1382 = arith.constant 96 : index
        %get3A_1383 = tpu.vector_load %arg5[%get3A_1381, %get3A_1382] {strides = array<i32>} : memref<256x128xf32, #tpu.memory_space<vmem>>, vector<1x16xf32>,
        %get3A_1384 = vector.shape_cast %get3A_1383 : vector<1x16xf32> to vector<16xf32>
        %mul3A_1385 = arith.constant 16 : i32
        %mul3A_1386 = arith.muli %mul3A_1385, %scan3A_364 : i32
        %add3A_1387 = arith.constant 4 : i32
        %add3A_1388 = arith.addi %mul3A_1386, %add3A_1387 : i32
        %get3A_1389 = arith.index_cast %add3A_1388 : i32 to index
        %get3A_1390 = arith.constant 112 : index
        %get3A_1391 = tpu.vector_load %arg5[%get3A_1389, %get3A_1390] {strides = array<i32>} : memref<256x128xf32, #tpu.memory_space<vmem>>, vector<1x16xf32>,
        %get3A_1392 = vector.shape_cast %get3A_1391 : vector<1x16xf32> to vector<16xf32>
        %slice3A_1393 = vector.extract_strided_slice %get3A_405 {offsets = [4], sizes = [1], strides = [1]} : vector<16xf32> to vector<1xf32>
        %squeeze3A_1394 = vector.extract %slice3A_1393[0] : f32 from vector<1xf32>
        %add3A_1395 = vector.broadcast %squeeze3A_1394 : f32 to vector<16xf32>
        %add3A_1396 = arith.addf %get3A_1336, %add3A_1395 : vector<16xf32>
        %max3A_1397 = arith.maximumf %max3A_1173, %add3A_1396 : vector<16xf32>
        %slice3A_1398 = vector.extract_strided_slice %get3A_405 {offsets = [4], sizes = [1], strides = [1]} : vector<16xf32> to vector<1xf32>
        %squeeze3A_1399 = vector.extract %slice3A_1398[0] : f32 from vector<1xf32>
        %add3A_1400 = vector.broadcast %squeeze3A_1399 : f32 to vector<16xf32>
        %add3A_1401 = arith.addf %get3A_1344, %add3A_1400 : vector<16xf32>
        %max3A_1402 = arith.maximumf %max3A_1178, %add3A_1401 : vector<16xf32>
        %slice3A_1403 = vector.extract_strided_slice %get3A_405 {offsets = [4], sizes = [1], strides = [1]} : vector<16xf32> to vector<1xf32>
        %squeeze3A_1404 = vector.extract %slice3A_1403[0] : f32 from vector<1xf32>
        %add3A_1405 = vector.broadcast %squeeze3A_1404 : f32 to vector<16xf32>
        %add3A_1406 = arith.addf %get3A_1352, %add3A_1405 : vector<16xf32>
        %max3A_1407 = arith.maximumf %max3A_1183, %add3A_1406 : vector<16xf32>
        %slice3A_1408 = vector.extract_strided_slice %get3A_405 {offsets = [4], sizes = [1], strides = [1]} : vector<16xf32> to vector<1xf32>
        %squeeze3A_1409 = vector.extract %slice3A_1408[0] : f32 from vector<1xf32>
        %add3A_1410 = vector.broadcast %squeeze3A_1409 : f32 to vector<16xf32>
        %add3A_1411 = arith.addf %get3A_1360, %add3A_1410 : vector<16xf32>
        %max3A_1412 = arith.maximumf %max3A_1188, %add3A_1411 : vector<16xf32>
        %slice3A_1413 = vector.extract_strided_slice %get3A_405 {offsets = [4], sizes = [1], strides = [1]} : vector<16xf32> to vector<1xf32>
        %squeeze3A_1414 = vector.extract %slice3A_1413[0] : f32 from vector<1xf32>
        %add3A_1415 = vector.broadcast %squeeze3A_1414 : f32 to vector<16xf32>
        %add3A_1416 = arith.addf %get3A_1368, %add3A_1415 : vector<16xf32>
        %max3A_1417 = arith.maximumf %max3A_1193, %add3A_1416 : vector<16xf32>
        %slice3A_1418 = vector.extract_strided_slice %get3A_405 {offsets = [4], sizes = [1], strides = [1]} : vector<16xf32> to vector<1xf32>
        %squeeze3A_1419 = vector.extract %slice3A_1418[0] : f32 from vector<1xf32>
        %add3A_1420 = vector.broadcast %squeeze3A_1419 : f32 to vector<16xf32>
        %add3A_1421 = arith.addf %get3A_1376, %add3A_1420 : vector<16xf32>
        %max3A_1422 = arith.maximumf %max3A_1198, %add3A_1421 : vector<16xf32>
        %slice3A_1423 = vector.extract_strided_slice %get3A_405 {offsets = [4], sizes = [1], strides = [1]} : vector<16xf32> to vector<1xf32>
        %squeeze3A_1424 = vector.extract %slice3A_1423[0] : f32 from vector<1xf32>
        %add3A_1425 = vector.broadcast %squeeze3A_1424 : f32 to vector<16xf32>
        %add3A_1426 = arith.addf %get3A_1384, %add3A_1425 : vector<16xf32>
        %max3A_1427 = arith.maximumf %max3A_1203, %add3A_1426 : vector<16xf32>
        %slice3A_1428 = vector.extract_strided_slice %get3A_405 {offsets = [4], sizes = [1], strides = [1]} : vector<16xf32> to vector<1xf32>
        %squeeze3A_1429 = vector.extract %slice3A_1428[0] : f32 from vector<1xf32>
        %add3A_1430 = vector.broadcast %squeeze3A_1429 : f32 to vector<16xf32>
        %add3A_1431 = arith.addf %get3A_1392, %add3A_1430 : vector<16xf32>
        %max3A_1432 = arith.maximumf %max3A_1208, %add3A_1431 : vector<16xf32>
        %slice3A_1433 = vector.extract_strided_slice %get3A_415 {offsets = [4], sizes = [1], strides = [1]} : vector<16xf32> to vector<1xf32>
        %squeeze3A_1434 = vector.extract %slice3A_1433[0] : f32 from vector<1xf32>
        %add3A_1435 = vector.broadcast %squeeze3A_1434 : f32 to vector<16xf32>
        %add3A_1436 = arith.addf %get3A_1336, %add3A_1435 : vector<16xf32>
        %max3A_1437 = arith.maximumf %max3A_1213, %add3A_1436 : vector<16xf32>
        %slice3A_1438 = vector.extract_strided_slice %get3A_415 {offsets = [4], sizes = [1], strides = [1]} : vector<16xf32> to vector<1xf32>
        %squeeze3A_1439 = vector.extract %slice3A_1438[0] : f32 from vector<1xf32>
        %add3A_1440 = vector.broadcast %squeeze3A_1439 : f32 to vector<16xf32>
        %add3A_1441 = arith.addf %get3A_1344, %add3A_1440 : vector<16xf32>
        %max3A_1442 = arith.maximumf %max3A_1218, %add3A_1441 : vector<16xf32>
        %slice3A_1443 = vector.extract_strided_slice %get3A_415 {offsets = [4], sizes = [1], strides = [1]} : vector<16xf32> to vector<1xf32>
        %squeeze3A_1444 = vector.extract %slice3A_1443[0] : f32 from vector<1xf32>
        %add3A_1445 = vector.broadcast %squeeze3A_1444 : f32 to vector<16xf32>
        %add3A_1446 = arith.addf %get3A_1352, %add3A_1445 : vector<16xf32>
        %max3A_1447 = arith.maximumf %max3A_1223, %add3A_1446 : vector<16xf32>
        %slice3A_1448 = vector.extract_strided_slice %get3A_415 {offsets = [4], sizes = [1], strides = [1]} : vector<16xf32> to vector<1xf32>
        %squeeze3A_1449 = vector.extract %slice3A_1448[0] : f32 from vector<1xf32>
        %add3A_1450 = vector.broadcast %squeeze3A_1449 : f32 to vector<16xf32>
        %add3A_1451 = arith.addf %get3A_1360, %add3A_1450 : vector<16xf32>
        %max3A_1452 = arith.maximumf %max3A_1228, %add3A_1451 : vector<16xf32>
        %slice3A_1453 = vector.extract_strided_slice %get3A_415 {offsets = [4], sizes = [1], strides = [1]} : vector<16xf32> to vector<1xf32>
        %squeeze3A_1454 = vector.extract %slice3A_1453[0] : f32 from vector<1xf32>
        %add3A_1455 = vector.broadcast %squeeze3A_1454 : f32 to vector<16xf32>
        %add3A_1456 = arith.addf %get3A_1368, %add3A_1455 : vector<16xf32>
        %max3A_1457 = arith.maximumf %max3A_1233, %add3A_1456 : vector<16xf32>
        %slice3A_1458 = vector.extract_strided_slice %get3A_415 {offsets = [4], sizes = [1], strides = [1]} : vector<16xf32> to vector<1xf32>
        %squeeze3A_1459 = vector.extract %slice3A_1458[0] : f32 from vector<1xf32>
        %add3A_1460 = vector.broadcast %squeeze3A_1459 : f32 to vector<16xf32>
        %add3A_1461 = arith.addf %get3A_1376, %add3A_1460 : vector<16xf32>
        %max3A_1462 = arith.maximumf %max3A_1238, %add3A_1461 : vector<16xf32>
        %slice3A_1463 = vector.extract_strided_slice %get3A_415 {offsets = [4], sizes = [1], strides = [1]} : vector<16xf32> to vector<1xf32>
        %squeeze3A_1464 = vector.extract %slice3A_1463[0] : f32 from vector<1xf32>
        %add3A_1465 = vector.broadcast %squeeze3A_1464 : f32 to vector<16xf32>
        %add3A_1466 = arith.addf %get3A_1384, %add3A_1465 : vector<16xf32>
        %max3A_1467 = arith.maximumf %max3A_1243, %add3A_1466 : vector<16xf32>
        %slice3A_1468 = vector.extract_strided_slice %get3A_415 {offsets = [4], sizes = [1], strides = [1]} : vector<16xf32> to vector<1xf32>
        %squeeze3A_1469 = vector.extract %slice3A_1468[0] : f32 from vector<1xf32>
        %add3A_1470 = vector.broadcast %squeeze3A_1469 : f32 to vector<16xf32>
        %add3A_1471 = arith.addf %get3A_1392, %add3A_1470 : vector<16xf32>
        %max3A_1472 = arith.maximumf %max3A_1248, %add3A_1471 : vector<16xf32>
        %slice3A_1473 = vector.extract_strided_slice %get3A_425 {offsets = [4], sizes = [1], strides = [1]} : vector<16xf32> to vector<1xf32>
        %squeeze3A_1474 = vector.extract %slice3A_1473[0] : f32 from vector<1xf32>
        %add3A_1475 = vector.broadcast %squeeze3A_1474 : f32 to vector<16xf32>
        %add3A_1476 = arith.addf %get3A_1336, %add3A_1475 : vector<16xf32>
        %max3A_1477 = arith.maximumf %max3A_1253, %add3A_1476 : vector<16xf32>
        %slice3A_1478 = vector.extract_strided_slice %get3A_425 {offsets = [4], sizes = [1], strides = [1]} : vector<16xf32> to vector<1xf32>
        %squeeze3A_1479 = vector.extract %slice3A_1478[0] : f32 from vector<1xf32>
        %add3A_1480 = vector.broadcast %squeeze3A_1479 : f32 to vector<16xf32>
        %add3A_1481 = arith.addf %get3A_1344, %add3A_1480 : vector<16xf32>
        %max3A_1482 = arith.maximumf %max3A_1258, %add3A_1481 : vector<16xf32>
        %slice3A_1483 = vector.extract_strided_slice %get3A_425 {offsets = [4], sizes = [1], strides = [1]} : vector<16xf32> to vector<1xf32>
        %squeeze3A_1484 = vector.extract %slice3A_1483[0] : f32 from vector<1xf32>
        %add3A_1485 = vector.broadcast %squeeze3A_1484 : f32 to vector<16xf32>
        %add3A_1486 = arith.addf %get3A_1352, %add3A_1485 : vector<16xf32>
        %max3A_1487 = arith.maximumf %max3A_1263, %add3A_1486 : vector<16xf32>
        %slice3A_1488 = vector.extract_strided_slice %get3A_425 {offsets = [4], sizes = [1], strides = [1]} : vector<16xf32> to vector<1xf32>
        %squeeze3A_1489 = vector.extract %slice3A_1488[0] : f32 from vector<1xf32>
        %add3A_1490 = vector.broadcast %squeeze3A_1489 : f32 to vector<16xf32>
        %add3A_1491 = arith.addf %get3A_1360, %add3A_1490 : vector<16xf32>
        %max3A_1492 = arith.maximumf %max3A_1268, %add3A_1491 : vector<16xf32>
        %slice3A_1493 = vector.extract_strided_slice %get3A_425 {offsets = [4], sizes = [1], strides = [1]} : vector<16xf32> to vector<1xf32>
        %squeeze3A_1494 = vector.extract %slice3A_1493[0] : f32 from vector<1xf32>
        %add3A_1495 = vector.broadcast %squeeze3A_1494 : f32 to vector<16xf32>
        %add3A_1496 = arith.addf %get3A_1368, %add3A_1495 : vector<16xf32>
        %max3A_1497 = arith.maximumf %max3A_1273, %add3A_1496 : vector<16xf32>
        %slice3A_1498 = vector.extract_strided_slice %get3A_425 {offsets = [4], sizes = [1], strides = [1]} : vector<16xf32> to vector<1xf32>
        %squeeze3A_1499 = vector.extract %slice3A_1498[0] : f32 from vector<1xf32>
        %add3A_1500 = vector.broadcast %squeeze3A_1499 : f32 to vector<16xf32>
        %add3A_1501 = arith.addf %get3A_1376, %add3A_1500 : vector<16xf32>
        %max3A_1502 = arith.maximumf %max3A_1278, %add3A_1501 : vector<16xf32>
        %slice3A_1503 = vector.extract_strided_slice %get3A_425 {offsets = [4], sizes = [1], strides = [1]} : vector<16xf32> to vector<1xf32>
        %squeeze3A_1504 = vector.extract %slice3A_1503[0] : f32 from vector<1xf32>
        %add3A_1505 = vector.broadcast %squeeze3A_1504 : f32 to vector<16xf32>
        %add3A_1506 = arith.addf %get3A_1384, %add3A_1505 : vector<16xf32>
        %max3A_1507 = arith.maximumf %max3A_1283, %add3A_1506 : vector<16xf32>
        %slice3A_1508 = vector.extract_strided_slice %get3A_425 {offsets = [4], sizes = [1], strides = [1]} : vector<16xf32> to vector<1xf32>
        %squeeze3A_1509 = vector.extract %slice3A_1508[0] : f32 from vector<1xf32>
        %add3A_1510 = vector.broadcast %squeeze3A_1509 : f32 to vector<16xf32>
        %add3A_1511 = arith.addf %get3A_1392, %add3A_1510 : vector<16xf32>
        %max3A_1512 = arith.maximumf %max3A_1288, %add3A_1511 : vector<16xf32>
        %slice3A_1513 = vector.extract_strided_slice %get3A_435 {offsets = [4], sizes = [1], strides = [1]} : vector<16xf32> to vector<1xf32>
        %squeeze3A_1514 = vector.extract %slice3A_1513[0] : f32 from vector<1xf32>
        %add3A_1515 = vector.broadcast %squeeze3A_1514 : f32 to vector<16xf32>
        %add3A_1516 = arith.addf %get3A_1336, %add3A_1515 : vector<16xf32>
        %max3A_1517 = arith.maximumf %max3A_1293, %add3A_1516 : vector<16xf32>
        %slice3A_1518 = vector.extract_strided_slice %get3A_435 {offsets = [4], sizes = [1], strides = [1]} : vector<16xf32> to vector<1xf32>
        %squeeze3A_1519 = vector.extract %slice3A_1518[0] : f32 from vector<1xf32>
        %add3A_1520 = vector.broadcast %squeeze3A_1519 : f32 to vector<16xf32>
        %add3A_1521 = arith.addf %get3A_1344, %add3A_1520 : vector<16xf32>
        %max3A_1522 = arith.maximumf %max3A_1298, %add3A_1521 : vector<16xf32>
        %slice3A_1523 = vector.extract_strided_slice %get3A_435 {offsets = [4], sizes = [1], strides = [1]} : vector<16xf32> to vector<1xf32>
        %squeeze3A_1524 = vector.extract %slice3A_1523[0] : f32 from vector<1xf32>
        %add3A_1525 = vector.broadcast %squeeze3A_1524 : f32 to vector<16xf32>
        %add3A_1526 = arith.addf %get3A_1352, %add3A_1525 : vector<16xf32>
        %max3A_1527 = arith.maximumf %max3A_1303, %add3A_1526 : vector<16xf32>
        %slice3A_1528 = vector.extract_strided_slice %get3A_435 {offsets = [4], sizes = [1], strides = [1]} : vector<16xf32> to vector<1xf32>
        %squeeze3A_1529 = vector.extract %slice3A_1528[0] : f32 from vector<1xf32>
        %add3A_1530 = vector.broadcast %squeeze3A_1529 : f32 to vector<16xf32>
        %add3A_1531 = arith.addf %get3A_1360, %add3A_1530 : vector<16xf32>
        %max3A_1532 = arith.maximumf %max3A_1308, %add3A_1531 : vector<16xf32>
        %slice3A_1533 = vector.extract_strided_slice %get3A_435 {offsets = [4], sizes = [1], strides = [1]} : vector<16xf32> to vector<1xf32>
        %squeeze3A_1534 = vector.extract %slice3A_1533[0] : f32 from vector<1xf32>
        %add3A_1535 = vector.broadcast %squeeze3A_1534 : f32 to vector<16xf32>
        %add3A_1536 = arith.addf %get3A_1368, %add3A_1535 : vector<16xf32>
        %max3A_1537 = arith.maximumf %max3A_1313, %add3A_1536 : vector<16xf32>
        %slice3A_1538 = vector.extract_strided_slice %get3A_435 {offsets = [4], sizes = [1], strides = [1]} : vector<16xf32> to vector<1xf32>
        %squeeze3A_1539 = vector.extract %slice3A_1538[0] : f32 from vector<1xf32>
        %add3A_1540 = vector.broadcast %squeeze3A_1539 : f32 to vector<16xf32>
        %add3A_1541 = arith.addf %get3A_1376, %add3A_1540 : vector<16xf32>
        %max3A_1542 = arith.maximumf %max3A_1318, %add3A_1541 : vector<16xf32>
        %slice3A_1543 = vector.extract_strided_slice %get3A_435 {offsets = [4], sizes = [1], strides = [1]} : vector<16xf32> to vector<1xf32>
        %squeeze3A_1544 = vector.extract %slice3A_1543[0] : f32 from vector<1xf32>
        %add3A_1545 = vector.broadcast %squeeze3A_1544 : f32 to vector<16xf32>
        %add3A_1546 = arith.addf %get3A_1384, %add3A_1545 : vector<16xf32>
        %max3A_1547 = arith.maximumf %max3A_1323, %add3A_1546 : vector<16xf32>
        %slice3A_1548 = vector.extract_strided_slice %get3A_435 {offsets = [4], sizes = [1], strides = [1]} : vector<16xf32> to vector<1xf32>
        %squeeze3A_1549 = vector.extract %slice3A_1548[0] : f32 from vector<1xf32>
        %add3A_1550 = vector.broadcast %squeeze3A_1549 : f32 to vector<16xf32>
        %add3A_1551 = arith.addf %get3A_1392, %add3A_1550 : vector<16xf32>
        %max3A_1552 = arith.maximumf %max3A_1328, %add3A_1551 : vector<16xf32>
        %mul3A_1553 = arith.constant 16 : i32
        %mul3A_1554 = arith.muli %mul3A_1553, %scan3A_364 : i32
        %add3A_1555 = arith.constant 5 : i32
        %add3A_1556 = arith.addi %mul3A_1554, %add3A_1555 : i32
        %get3A_1557 = arith.index_cast %add3A_1556 : i32 to index
        %get3A_1558 = arith.constant 0 : index
        %get3A_1559 = tpu.vector_load %arg5[%get3A_1557, %get3A_1558] {strides = array<i32>} : memref<256x128xf32, #tpu.memory_space<vmem>>, vector<1x16xf32>,
        %get3A_1560 = vector.shape_cast %get3A_1559 : vector<1x16xf32> to vector<16xf32>
        %mul3A_1561 = arith.constant 16 : i32
        %mul3A_1562 = arith.muli %mul3A_1561, %scan3A_364 : i32
        %add3A_1563 = arith.constant 5 : i32
        %add3A_1564 = arith.addi %mul3A_1562, %add3A_1563 : i32
        %get3A_1565 = arith.index_cast %add3A_1564 : i32 to index
        %get3A_1566 = arith.constant 16 : index
        %get3A_1567 = tpu.vector_load %arg5[%get3A_1565, %get3A_1566] {strides = array<i32>} : memref<256x128xf32, #tpu.memory_space<vmem>>, vector<1x16xf32>,
        %get3A_1568 = vector.shape_cast %get3A_1567 : vector<1x16xf32> to vector<16xf32>
        %mul3A_1569 = arith.constant 16 : i32
        %mul3A_1570 = arith.muli %mul3A_1569, %scan3A_364 : i32
        %add3A_1571 = arith.constant 5 : i32
        %add3A_1572 = arith.addi %mul3A_1570, %add3A_1571 : i32
        %get3A_1573 = arith.index_cast %add3A_1572 : i32 to index
        %get3A_1574 = arith.constant 32 : index
        %get3A_1575 = tpu.vector_load %arg5[%get3A_1573, %get3A_1574] {strides = array<i32>} : memref<256x128xf32, #tpu.memory_space<vmem>>, vector<1x16xf32>,
        %get3A_1576 = vector.shape_cast %get3A_1575 : vector<1x16xf32> to vector<16xf32>
        %mul3A_1577 = arith.constant 16 : i32
        %mul3A_1578 = arith.muli %mul3A_1577, %scan3A_364 : i32
        %add3A_1579 = arith.constant 5 : i32
        %add3A_1580 = arith.addi %mul3A_1578, %add3A_1579 : i32
        %get3A_1581 = arith.index_cast %add3A_1580 : i32 to index
        %get3A_1582 = arith.constant 48 : index
        %get3A_1583 = tpu.vector_load %arg5[%get3A_1581, %get3A_1582] {strides = array<i32>} : memref<256x128xf32, #tpu.memory_space<vmem>>, vector<1x16xf32>,
        %get3A_1584 = vector.shape_cast %get3A_1583 : vector<1x16xf32> to vector<16xf32>
        %mul3A_1585 = arith.constant 16 : i32
        %mul3A_1586 = arith.muli %mul3A_1585, %scan3A_364 : i32
        %add3A_1587 = arith.constant 5 : i32
        %add3A_1588 = arith.addi %mul3A_1586, %add3A_1587 : i32
        %get3A_1589 = arith.index_cast %add3A_1588 : i32 to index
        %get3A_1590 = arith.constant 64 : index
        %get3A_1591 = tpu.vector_load %arg5[%get3A_1589, %get3A_1590] {strides = array<i32>} : memref<256x128xf32, #tpu.memory_space<vmem>>, vector<1x16xf32>,
        %get3A_1592 = vector.shape_cast %get3A_1591 : vector<1x16xf32> to vector<16xf32>
        %mul3A_1593 = arith.constant 16 : i32
        %mul3A_1594 = arith.muli %mul3A_1593, %scan3A_364 : i32
        %add3A_1595 = arith.constant 5 : i32
        %add3A_1596 = arith.addi %mul3A_1594, %add3A_1595 : i32
        %get3A_1597 = arith.index_cast %add3A_1596 : i32 to index
        %get3A_1598 = arith.constant 80 : index
        %get3A_1599 = tpu.vector_load %arg5[%get3A_1597, %get3A_1598] {strides = array<i32>} : memref<256x128xf32, #tpu.memory_space<vmem>>, vector<1x16xf32>,
        %get3A_1600 = vector.shape_cast %get3A_1599 : vector<1x16xf32> to vector<16xf32>
        %mul3A_1601 = arith.constant 16 : i32
        %mul3A_1602 = arith.muli %mul3A_1601, %scan3A_364 : i32
        %add3A_1603 = arith.constant 5 : i32
        %add3A_1604 = arith.addi %mul3A_1602, %add3A_1603 : i32
        %get3A_1605 = arith.index_cast %add3A_1604 : i32 to index
        %get3A_1606 = arith.constant 96 : index
        %get3A_1607 = tpu.vector_load %arg5[%get3A_1605, %get3A_1606] {strides = array<i32>} : memref<256x128xf32, #tpu.memory_space<vmem>>, vector<1x16xf32>,
        %get3A_1608 = vector.shape_cast %get3A_1607 : vector<1x16xf32> to vector<16xf32>
        %mul3A_1609 = arith.constant 16 : i32
        %mul3A_1610 = arith.muli %mul3A_1609, %scan3A_364 : i32
        %add3A_1611 = arith.constant 5 : i32
        %add3A_1612 = arith.addi %mul3A_1610, %add3A_1611 : i32
        %get3A_1613 = arith.index_cast %add3A_1612 : i32 to index
        %get3A_1614 = arith.constant 112 : index
        %get3A_1615 = tpu.vector_load %arg5[%get3A_1613, %get3A_1614] {strides = array<i32>} : memref<256x128xf32, #tpu.memory_space<vmem>>, vector<1x16xf32>,
        %get3A_1616 = vector.shape_cast %get3A_1615 : vector<1x16xf32> to vector<16xf32>
        %slice3A_1617 = vector.extract_strided_slice %get3A_405 {offsets = [5], sizes = [1], strides = [1]} : vector<16xf32> to vector<1xf32>
        %squeeze3A_1618 = vector.extract %slice3A_1617[0] : f32 from vector<1xf32>
        %add3A_1619 = vector.broadcast %squeeze3A_1618 : f32 to vector<16xf32>
        %add3A_1620 = arith.addf %get3A_1560, %add3A_1619 : vector<16xf32>
        %max3A_1621 = arith.maximumf %max3A_1397, %add3A_1620 : vector<16xf32>
        %slice3A_1622 = vector.extract_strided_slice %get3A_405 {offsets = [5], sizes = [1], strides = [1]} : vector<16xf32> to vector<1xf32>
        %squeeze3A_1623 = vector.extract %slice3A_1622[0] : f32 from vector<1xf32>
        %add3A_1624 = vector.broadcast %squeeze3A_1623 : f32 to vector<16xf32>
        %add3A_1625 = arith.addf %get3A_1568, %add3A_1624 : vector<16xf32>
        %max3A_1626 = arith.maximumf %max3A_1402, %add3A_1625 : vector<16xf32>
        %slice3A_1627 = vector.extract_strided_slice %get3A_405 {offsets = [5], sizes = [1], strides = [1]} : vector<16xf32> to vector<1xf32>
        %squeeze3A_1628 = vector.extract %slice3A_1627[0] : f32 from vector<1xf32>
        %add3A_1629 = vector.broadcast %squeeze3A_1628 : f32 to vector<16xf32>
        %add3A_1630 = arith.addf %get3A_1576, %add3A_1629 : vector<16xf32>
        %max3A_1631 = arith.maximumf %max3A_1407, %add3A_1630 : vector<16xf32>
        %slice3A_1632 = vector.extract_strided_slice %get3A_405 {offsets = [5], sizes = [1], strides = [1]} : vector<16xf32> to vector<1xf32>
        %squeeze3A_1633 = vector.extract %slice3A_1632[0] : f32 from vector<1xf32>
        %add3A_1634 = vector.broadcast %squeeze3A_1633 : f32 to vector<16xf32>
        %add3A_1635 = arith.addf %get3A_1584, %add3A_1634 : vector<16xf32>
        %max3A_1636 = arith.maximumf %max3A_1412, %add3A_1635 : vector<16xf32>
        %slice3A_1637 = vector.extract_strided_slice %get3A_405 {offsets = [5], sizes = [1], strides = [1]} : vector<16xf32> to vector<1xf32>
        %squeeze3A_1638 = vector.extract %slice3A_1637[0] : f32 from vector<1xf32>
        %add3A_1639 = vector.broadcast %squeeze3A_1638 : f32 to vector<16xf32>
        %add3A_1640 = arith.addf %get3A_1592, %add3A_1639 : vector<16xf32>
        %max3A_1641 = arith.maximumf %max3A_1417, %add3A_1640 : vector<16xf32>
        %slice3A_1642 = vector.extract_strided_slice %get3A_405 {offsets = [5], sizes = [1], strides = [1]} : vector<16xf32> to vector<1xf32>
        %squeeze3A_1643 = vector.extract %slice3A_1642[0] : f32 from vector<1xf32>
        %add3A_1644 = vector.broadcast %squeeze3A_1643 : f32 to vector<16xf32>
        %add3A_1645 = arith.addf %get3A_1600, %add3A_1644 : vector<16xf32>
        %max3A_1646 = arith.maximumf %max3A_1422, %add3A_1645 : vector<16xf32>
        %slice3A_1647 = vector.extract_strided_slice %get3A_405 {offsets = [5], sizes = [1], strides = [1]} : vector<16xf32> to vector<1xf32>
        %squeeze3A_1648 = vector.extract %slice3A_1647[0] : f32 from vector<1xf32>
        %add3A_1649 = vector.broadcast %squeeze3A_1648 : f32 to vector<16xf32>
        %add3A_1650 = arith.addf %get3A_1608, %add3A_1649 : vector<16xf32>
        %max3A_1651 = arith.maximumf %max3A_1427, %add3A_1650 : vector<16xf32>
        %slice3A_1652 = vector.extract_strided_slice %get3A_405 {offsets = [5], sizes = [1], strides = [1]} : vector<16xf32> to vector<1xf32>
        %squeeze3A_1653 = vector.extract %slice3A_1652[0] : f32 from vector<1xf32>
        %add3A_1654 = vector.broadcast %squeeze3A_1653 : f32 to vector<16xf32>
        %add3A_1655 = arith.addf %get3A_1616, %add3A_1654 : vector<16xf32>
        %max3A_1656 = arith.maximumf %max3A_1432, %add3A_1655 : vector<16xf32>
        %slice3A_1657 = vector.extract_strided_slice %get3A_415 {offsets = [5], sizes = [1], strides = [1]} : vector<16xf32> to vector<1xf32>
        %squeeze3A_1658 = vector.extract %slice3A_1657[0] : f32 from vector<1xf32>
        %add3A_1659 = vector.broadcast %squeeze3A_1658 : f32 to vector<16xf32>
        %add3A_1660 = arith.addf %get3A_1560, %add3A_1659 : vector<16xf32>
        %max3A_1661 = arith.maximumf %max3A_1437, %add3A_1660 : vector<16xf32>
        %slice3A_1662 = vector.extract_strided_slice %get3A_415 {offsets = [5], sizes = [1], strides = [1]} : vector<16xf32> to vector<1xf32>
        %squeeze3A_1663 = vector.extract %slice3A_1662[0] : f32 from vector<1xf32>
        %add3A_1664 = vector.broadcast %squeeze3A_1663 : f32 to vector<16xf32>
        %add3A_1665 = arith.addf %get3A_1568, %add3A_1664 : vector<16xf32>
        %max3A_1666 = arith.maximumf %max3A_1442, %add3A_1665 : vector<16xf32>
        %slice3A_1667 = vector.extract_strided_slice %get3A_415 {offsets = [5], sizes = [1], strides = [1]} : vector<16xf32> to vector<1xf32>
        %squeeze3A_1668 = vector.extract %slice3A_1667[0] : f32 from vector<1xf32>
        %add3A_1669 = vector.broadcast %squeeze3A_1668 : f32 to vector<16xf32>
        %add3A_1670 = arith.addf %get3A_1576, %add3A_1669 : vector<16xf32>
        %max3A_1671 = arith.maximumf %max3A_1447, %add3A_1670 : vector<16xf32>
        %slice3A_1672 = vector.extract_strided_slice %get3A_415 {offsets = [5], sizes = [1], strides = [1]} : vector<16xf32> to vector<1xf32>
        %squeeze3A_1673 = vector.extract %slice3A_1672[0] : f32 from vector<1xf32>
        %add3A_1674 = vector.broadcast %squeeze3A_1673 : f32 to vector<16xf32>
        %add3A_1675 = arith.addf %get3A_1584, %add3A_1674 : vector<16xf32>
        %max3A_1676 = arith.maximumf %max3A_1452, %add3A_1675 : vector<16xf32>
        %slice3A_1677 = vector.extract_strided_slice %get3A_415 {offsets = [5], sizes = [1], strides = [1]} : vector<16xf32> to vector<1xf32>
        %squeeze3A_1678 = vector.extract %slice3A_1677[0] : f32 from vector<1xf32>
        %add3A_1679 = vector.broadcast %squeeze3A_1678 : f32 to vector<16xf32>
        %add3A_1680 = arith.addf %get3A_1592, %add3A_1679 : vector<16xf32>
        %max3A_1681 = arith.maximumf %max3A_1457, %add3A_1680 : vector<16xf32>
        %slice3A_1682 = vector.extract_strided_slice %get3A_415 {offsets = [5], sizes = [1], strides = [1]} : vector<16xf32> to vector<1xf32>
        %squeeze3A_1683 = vector.extract %slice3A_1682[0] : f32 from vector<1xf32>
        %add3A_1684 = vector.broadcast %squeeze3A_1683 : f32 to vector<16xf32>
        %add3A_1685 = arith.addf %get3A_1600, %add3A_1684 : vector<16xf32>
        %max3A_1686 = arith.maximumf %max3A_1462, %add3A_1685 : vector<16xf32>
        %slice3A_1687 = vector.extract_strided_slice %get3A_415 {offsets = [5], sizes = [1], strides = [1]} : vector<16xf32> to vector<1xf32>
        %squeeze3A_1688 = vector.extract %slice3A_1687[0] : f32 from vector<1xf32>
        %add3A_1689 = vector.broadcast %squeeze3A_1688 : f32 to vector<16xf32>
        %add3A_1690 = arith.addf %get3A_1608, %add3A_1689 : vector<16xf32>
        %max3A_1691 = arith.maximumf %max3A_1467, %add3A_1690 : vector<16xf32>
        %slice3A_1692 = vector.extract_strided_slice %get3A_415 {offsets = [5], sizes = [1], strides = [1]} : vector<16xf32> to vector<1xf32>
        %squeeze3A_1693 = vector.extract %slice3A_1692[0] : f32 from vector<1xf32>
        %add3A_1694 = vector.broadcast %squeeze3A_1693 : f32 to vector<16xf32>
        %add3A_1695 = arith.addf %get3A_1616, %add3A_1694 : vector<16xf32>
        %max3A_1696 = arith.maximumf %max3A_1472, %add3A_1695 : vector<16xf32>
        %slice3A_1697 = vector.extract_strided_slice %get3A_425 {offsets = [5], sizes = [1], strides = [1]} : vector<16xf32> to vector<1xf32>
        %squeeze3A_1698 = vector.extract %slice3A_1697[0] : f32 from vector<1xf32>
        %add3A_1699 = vector.broadcast %squeeze3A_1698 : f32 to vector<16xf32>
        %add3A_1700 = arith.addf %get3A_1560, %add3A_1699 : vector<16xf32>
        %max3A_1701 = arith.maximumf %max3A_1477, %add3A_1700 : vector<16xf32>
        %slice3A_1702 = vector.extract_strided_slice %get3A_425 {offsets = [5], sizes = [1], strides = [1]} : vector<16xf32> to vector<1xf32>
        %squeeze3A_1703 = vector.extract %slice3A_1702[0] : f32 from vector<1xf32>
        %add3A_1704 = vector.broadcast %squeeze3A_1703 : f32 to vector<16xf32>
        %add3A_1705 = arith.addf %get3A_1568, %add3A_1704 : vector<16xf32>
        %max3A_1706 = arith.maximumf %max3A_1482, %add3A_1705 : vector<16xf32>
        %slice3A_1707 = vector.extract_strided_slice %get3A_425 {offsets = [5], sizes = [1], strides = [1]} : vector<16xf32> to vector<1xf32>
        %squeeze3A_1708 = vector.extract %slice3A_1707[0] : f32 from vector<1xf32>
        %add3A_1709 = vector.broadcast %squeeze3A_1708 : f32 to vector<16xf32>
        %add3A_1710 = arith.addf %get3A_1576, %add3A_1709 : vector<16xf32>
        %max3A_1711 = arith.maximumf %max3A_1487, %add3A_1710 : vector<16xf32>
        %slice3A_1712 = vector.extract_strided_slice %get3A_425 {offsets = [5], sizes = [1], strides = [1]} : vector<16xf32> to vector<1xf32>
        %squeeze3A_1713 = vector.extract %slice3A_1712[0] : f32 from vector<1xf32>
        %add3A_1714 = vector.broadcast %squeeze3A_1713 : f32 to vector<16xf32>
        %add3A_1715 = arith.addf %get3A_1584, %add3A_1714 : vector<16xf32>
        %max3A_1716 = arith.maximumf %max3A_1492, %add3A_1715 : vector<16xf32>
        %slice3A_1717 = vector.extract_strided_slice %get3A_425 {offsets = [5], sizes = [1], strides = [1]} : vector<16xf32> to vector<1xf32>
        %squeeze3A_1718 = vector.extract %slice3A_1717[0] : f32 from vector<1xf32>
        %add3A_1719 = vector.broadcast %squeeze3A_1718 : f32 to vector<16xf32>
        %add3A_1720 = arith.addf %get3A_1592, %add3A_1719 : vector<16xf32>
        %max3A_1721 = arith.maximumf %max3A_1497, %add3A_1720 : vector<16xf32>
        %slice3A_1722 = vector.extract_strided_slice %get3A_425 {offsets = [5], sizes = [1], strides = [1]} : vector<16xf32> to vector<1xf32>
        %squeeze3A_1723 = vector.extract %slice3A_1722[0] : f32 from vector<1xf32>
        %add3A_1724 = vector.broadcast %squeeze3A_1723 : f32 to vector<16xf32>
        %add3A_1725 = arith.addf %get3A_1600, %add3A_1724 : vector<16xf32>
        %max3A_1726 = arith.maximumf %max3A_1502, %add3A_1725 : vector<16xf32>
        %slice3A_1727 = vector.extract_strided_slice %get3A_425 {offsets = [5], sizes = [1], strides = [1]} : vector<16xf32> to vector<1xf32>
        %squeeze3A_1728 = vector.extract %slice3A_1727[0] : f32 from vector<1xf32>
        %add3A_1729 = vector.broadcast %squeeze3A_1728 : f32 to vector<16xf32>
        %add3A_1730 = arith.addf %get3A_1608, %add3A_1729 : vector<16xf32>
        %max3A_1731 = arith.maximumf %max3A_1507, %add3A_1730 : vector<16xf32>
        %slice3A_1732 = vector.extract_strided_slice %get3A_425 {offsets = [5], sizes = [1], strides = [1]} : vector<16xf32> to vector<1xf32>
        %squeeze3A_1733 = vector.extract %slice3A_1732[0] : f32 from vector<1xf32>
        %add3A_1734 = vector.broadcast %squeeze3A_1733 : f32 to vector<16xf32>
        %add3A_1735 = arith.addf %get3A_1616, %add3A_1734 : vector<16xf32>
        %max3A_1736 = arith.maximumf %max3A_1512, %add3A_1735 : vector<16xf32>
        %slice3A_1737 = vector.extract_strided_slice %get3A_435 {offsets = [5], sizes = [1], strides = [1]} : vector<16xf32> to vector<1xf32>
        %squeeze3A_1738 = vector.extract %slice3A_1737[0] : f32 from vector<1xf32>
        %add3A_1739 = vector.broadcast %squeeze3A_1738 : f32 to vector<16xf32>
        %add3A_1740 = arith.addf %get3A_1560, %add3A_1739 : vector<16xf32>
        %max3A_1741 = arith.maximumf %max3A_1517, %add3A_1740 : vector<16xf32>
        %slice3A_1742 = vector.extract_strided_slice %get3A_435 {offsets = [5], sizes = [1], strides = [1]} : vector<16xf32> to vector<1xf32>
        %squeeze3A_1743 = vector.extract %slice3A_1742[0] : f32 from vector<1xf32>
        %add3A_1744 = vector.broadcast %squeeze3A_1743 : f32 to vector<16xf32>
        %add3A_1745 = arith.addf %get3A_1568, %add3A_1744 : vector<16xf32>
        %max3A_1746 = arith.maximumf %max3A_1522, %add3A_1745 : vector<16xf32>
        %slice3A_1747 = vector.extract_strided_slice %get3A_435 {offsets = [5], sizes = [1], strides = [1]} : vector<16xf32> to vector<1xf32>
        %squeeze3A_1748 = vector.extract %slice3A_1747[0] : f32 from vector<1xf32>
        %add3A_1749 = vector.broadcast %squeeze3A_1748 : f32 to vector<16xf32>
        %add3A_1750 = arith.addf %get3A_1576, %add3A_1749 : vector<16xf32>
        %max3A_1751 = arith.maximumf %max3A_1527, %add3A_1750 : vector<16xf32>
        %slice3A_1752 = vector.extract_strided_slice %get3A_435 {offsets = [5], sizes = [1], strides = [1]} : vector<16xf32> to vector<1xf32>
        %squeeze3A_1753 = vector.extract %slice3A_1752[0] : f32 from vector<1xf32>
        %add3A_1754 = vector.broadcast %squeeze3A_1753 : f32 to vector<16xf32>
        %add3A_1755 = arith.addf %get3A_1584, %add3A_1754 : vector<16xf32>
        %max3A_1756 = arith.maximumf %max3A_1532, %add3A_1755 : vector<16xf32>
        %slice3A_1757 = vector.extract_strided_slice %get3A_435 {offsets = [5], sizes = [1], strides = [1]} : vector<16xf32> to vector<1xf32>
        %squeeze3A_1758 = vector.extract %slice3A_1757[0] : f32 from vector<1xf32>
        %add3A_1759 = vector.broadcast %squeeze3A_1758 : f32 to vector<16xf32>
        %add3A_1760 = arith.addf %get3A_1592, %add3A_1759 : vector<16xf32>
        %max3A_1761 = arith.maximumf %max3A_1537, %add3A_1760 : vector<16xf32>
        %slice3A_1762 = vector.extract_strided_slice %get3A_435 {offsets = [5], sizes = [1], strides = [1]} : vector<16xf32> to vector<1xf32>
        %squeeze3A_1763 = vector.extract %slice3A_1762[0] : f32 from vector<1xf32>
        %add3A_1764 = vector.broadcast %squeeze3A_1763 : f32 to vector<16xf32>
        %add3A_1765 = arith.addf %get3A_1600, %add3A_1764 : vector<16xf32>
        %max3A_1766 = arith.maximumf %max3A_1542, %add3A_1765 : vector<16xf32>
        %slice3A_1767 = vector.extract_strided_slice %get3A_435 {offsets = [5], sizes = [1], strides = [1]} : vector<16xf32> to vector<1xf32>
        %squeeze3A_1768 = vector.extract %slice3A_1767[0] : f32 from vector<1xf32>
        %add3A_1769 = vector.broadcast %squeeze3A_1768 : f32 to vector<16xf32>
        %add3A_1770 = arith.addf %get3A_1608, %add3A_1769 : vector<16xf32>
        %max3A_1771 = arith.maximumf %max3A_1547, %add3A_1770 : vector<16xf32>
        %slice3A_1772 = vector.extract_strided_slice %get3A_435 {offsets = [5], sizes = [1], strides = [1]} : vector<16xf32> to vector<1xf32>
        %squeeze3A_1773 = vector.extract %slice3A_1772[0] : f32 from vector<1xf32>
        %add3A_1774 = vector.broadcast %squeeze3A_1773 : f32 to vector<16xf32>
        %add3A_1775 = arith.addf %get3A_1616, %add3A_1774 : vector<16xf32>
        %max3A_1776 = arith.maximumf %max3A_1552, %add3A_1775 : vector<16xf32>
        %mul3A_1777 = arith.constant 16 : i32
        %mul3A_1778 = arith.muli %mul3A_1777, %scan3A_364 : i32
        %add3A_1779 = arith.constant 6 : i32
        %add3A_1780 = arith.addi %mul3A_1778, %add3A_1779 : i32
        %get3A_1781 = arith.index_cast %add3A_1780 : i32 to index
        %get3A_1782 = arith.constant 0 : index
        %get3A_1783 = tpu.vector_load %arg5[%get3A_1781, %get3A_1782] {strides = array<i32>} : memref<256x128xf32, #tpu.memory_space<vmem>>, vector<1x16xf32>,
        %get3A_1784 = vector.shape_cast %get3A_1783 : vector<1x16xf32> to vector<16xf32>
        %mul3A_1785 = arith.constant 16 : i32
        %mul3A_1786 = arith.muli %mul3A_1785, %scan3A_364 : i32
        %add3A_1787 = arith.constant 6 : i32
        %add3A_1788 = arith.addi %mul3A_1786, %add3A_1787 : i32
        %get3A_1789 = arith.index_cast %add3A_1788 : i32 to index
        %get3A_1790 = arith.constant 16 : index
        %get3A_1791 = tpu.vector_load %arg5[%get3A_1789, %get3A_1790] {strides = array<i32>} : memref<256x128xf32, #tpu.memory_space<vmem>>, vector<1x16xf32>,
        %get3A_1792 = vector.shape_cast %get3A_1791 : vector<1x16xf32> to vector<16xf32>
        %mul3A_1793 = arith.constant 16 : i32
        %mul3A_1794 = arith.muli %mul3A_1793, %scan3A_364 : i32
        %add3A_1795 = arith.constant 6 : i32
        %add3A_1796 = arith.addi %mul3A_1794, %add3A_1795 : i32
        %get3A_1797 = arith.index_cast %add3A_1796 : i32 to index
        %get3A_1798 = arith.constant 32 : index
        %get3A_1799 = tpu.vector_load %arg5[%get3A_1797, %get3A_1798] {strides = array<i32>} : memref<256x128xf32, #tpu.memory_space<vmem>>, vector<1x16xf32>,
        %get3A_1800 = vector.shape_cast %get3A_1799 : vector<1x16xf32> to vector<16xf32>
        %mul3A_1801 = arith.constant 16 : i32
        %mul3A_1802 = arith.muli %mul3A_1801, %scan3A_364 : i32
        %add3A_1803 = arith.constant 6 : i32
        %add3A_1804 = arith.addi %mul3A_1802, %add3A_1803 : i32
        %get3A_1805 = arith.index_cast %add3A_1804 : i32 to index
        %get3A_1806 = arith.constant 48 : index
        %get3A_1807 = tpu.vector_load %arg5[%get3A_1805, %get3A_1806] {strides = array<i32>} : memref<256x128xf32, #tpu.memory_space<vmem>>, vector<1x16xf32>,
        %get3A_1808 = vector.shape_cast %get3A_1807 : vector<1x16xf32> to vector<16xf32>
        %mul3A_1809 = arith.constant 16 : i32
        %mul3A_1810 = arith.muli %mul3A_1809, %scan3A_364 : i32
        %add3A_1811 = arith.constant 6 : i32
        %add3A_1812 = arith.addi %mul3A_1810, %add3A_1811 : i32
        %get3A_1813 = arith.index_cast %add3A_1812 : i32 to index
        %get3A_1814 = arith.constant 64 : index
        %get3A_1815 = tpu.vector_load %arg5[%get3A_1813, %get3A_1814] {strides = array<i32>} : memref<256x128xf32, #tpu.memory_space<vmem>>, vector<1x16xf32>,
        %get3A_1816 = vector.shape_cast %get3A_1815 : vector<1x16xf32> to vector<16xf32>
        %mul3A_1817 = arith.constant 16 : i32
        %mul3A_1818 = arith.muli %mul3A_1817, %scan3A_364 : i32
        %add3A_1819 = arith.constant 6 : i32
        %add3A_1820 = arith.addi %mul3A_1818, %add3A_1819 : i32
        %get3A_1821 = arith.index_cast %add3A_1820 : i32 to index
        %get3A_1822 = arith.constant 80 : index
        %get3A_1823 = tpu.vector_load %arg5[%get3A_1821, %get3A_1822] {strides = array<i32>} : memref<256x128xf32, #tpu.memory_space<vmem>>, vector<1x16xf32>,
        %get3A_1824 = vector.shape_cast %get3A_1823 : vector<1x16xf32> to vector<16xf32>
        %mul3A_1825 = arith.constant 16 : i32
        %mul3A_1826 = arith.muli %mul3A_1825, %scan3A_364 : i32
        %add3A_1827 = arith.constant 6 : i32
        %add3A_1828 = arith.addi %mul3A_1826, %add3A_1827 : i32
        %get3A_1829 = arith.index_cast %add3A_1828 : i32 to index
        %get3A_1830 = arith.constant 96 : index
        %get3A_1831 = tpu.vector_load %arg5[%get3A_1829, %get3A_1830] {strides = array<i32>} : memref<256x128xf32, #tpu.memory_space<vmem>>, vector<1x16xf32>,
        %get3A_1832 = vector.shape_cast %get3A_1831 : vector<1x16xf32> to vector<16xf32>
        %mul3A_1833 = arith.constant 16 : i32
        %mul3A_1834 = arith.muli %mul3A_1833, %scan3A_364 : i32
        %add3A_1835 = arith.constant 6 : i32
        %add3A_1836 = arith.addi %mul3A_1834, %add3A_1835 : i32
        %get3A_1837 = arith.index_cast %add3A_1836 : i32 to index
        %get3A_1838 = arith.constant 112 : index
        %get3A_1839 = tpu.vector_load %arg5[%get3A_1837, %get3A_1838] {strides = array<i32>} : memref<256x128xf32, #tpu.memory_space<vmem>>, vector<1x16xf32>,
        %get3A_1840 = vector.shape_cast %get3A_1839 : vector<1x16xf32> to vector<16xf32>
        %slice3A_1841 = vector.extract_strided_slice %get3A_405 {offsets = [6], sizes = [1], strides = [1]} : vector<16xf32> to vector<1xf32>
        %squeeze3A_1842 = vector.extract %slice3A_1841[0] : f32 from vector<1xf32>
        %add3A_1843 = vector.broadcast %squeeze3A_1842 : f32 to vector<16xf32>
        %add3A_1844 = arith.addf %get3A_1784, %add3A_1843 : vector<16xf32>
        %max3A_1845 = arith.maximumf %max3A_1621, %add3A_1844 : vector<16xf32>
        %slice3A_1846 = vector.extract_strided_slice %get3A_405 {offsets = [6], sizes = [1], strides = [1]} : vector<16xf32> to vector<1xf32>
        %squeeze3A_1847 = vector.extract %slice3A_1846[0] : f32 from vector<1xf32>
        %add3A_1848 = vector.broadcast %squeeze3A_1847 : f32 to vector<16xf32>
        %add3A_1849 = arith.addf %get3A_1792, %add3A_1848 : vector<16xf32>
        %max3A_1850 = arith.maximumf %max3A_1626, %add3A_1849 : vector<16xf32>
        %slice3A_1851 = vector.extract_strided_slice %get3A_405 {offsets = [6], sizes = [1], strides = [1]} : vector<16xf32> to vector<1xf32>
        %squeeze3A_1852 = vector.extract %slice3A_1851[0] : f32 from vector<1xf32>
        %add3A_1853 = vector.broadcast %squeeze3A_1852 : f32 to vector<16xf32>
        %add3A_1854 = arith.addf %get3A_1800, %add3A_1853 : vector<16xf32>
        %max3A_1855 = arith.maximumf %max3A_1631, %add3A_1854 : vector<16xf32>
        %slice3A_1856 = vector.extract_strided_slice %get3A_405 {offsets = [6], sizes = [1], strides = [1]} : vector<16xf32> to vector<1xf32>
        %squeeze3A_1857 = vector.extract %slice3A_1856[0] : f32 from vector<1xf32>
        %add3A_1858 = vector.broadcast %squeeze3A_1857 : f32 to vector<16xf32>
        %add3A_1859 = arith.addf %get3A_1808, %add3A_1858 : vector<16xf32>
        %max3A_1860 = arith.maximumf %max3A_1636, %add3A_1859 : vector<16xf32>
        %slice3A_1861 = vector.extract_strided_slice %get3A_405 {offsets = [6], sizes = [1], strides = [1]} : vector<16xf32> to vector<1xf32>
        %squeeze3A_1862 = vector.extract %slice3A_1861[0] : f32 from vector<1xf32>
        %add3A_1863 = vector.broadcast %squeeze3A_1862 : f32 to vector<16xf32>
        %add3A_1864 = arith.addf %get3A_1816, %add3A_1863 : vector<16xf32>
        %max3A_1865 = arith.maximumf %max3A_1641, %add3A_1864 : vector<16xf32>
        %slice3A_1866 = vector.extract_strided_slice %get3A_405 {offsets = [6], sizes = [1], strides = [1]} : vector<16xf32> to vector<1xf32>
        %squeeze3A_1867 = vector.extract %slice3A_1866[0] : f32 from vector<1xf32>
        %add3A_1868 = vector.broadcast %squeeze3A_1867 : f32 to vector<16xf32>
        %add3A_1869 = arith.addf %get3A_1824, %add3A_1868 : vector<16xf32>
        %max3A_1870 = arith.maximumf %max3A_1646, %add3A_1869 : vector<16xf32>
        %slice3A_1871 = vector.extract_strided_slice %get3A_405 {offsets = [6], sizes = [1], strides = [1]} : vector<16xf32> to vector<1xf32>
        %squeeze3A_1872 = vector.extract %slice3A_1871[0] : f32 from vector<1xf32>
        %add3A_1873 = vector.broadcast %squeeze3A_1872 : f32 to vector<16xf32>
        %add3A_1874 = arith.addf %get3A_1832, %add3A_1873 : vector<16xf32>
        %max3A_1875 = arith.maximumf %max3A_1651, %add3A_1874 : vector<16xf32>
        %slice3A_1876 = vector.extract_strided_slice %get3A_405 {offsets = [6], sizes = [1], strides = [1]} : vector<16xf32> to vector<1xf32>
        %squeeze3A_1877 = vector.extract %slice3A_1876[0] : f32 from vector<1xf32>
        %add3A_1878 = vector.broadcast %squeeze3A_1877 : f32 to vector<16xf32>
        %add3A_1879 = arith.addf %get3A_1840, %add3A_1878 : vector<16xf32>
        %max3A_1880 = arith.maximumf %max3A_1656, %add3A_1879 : vector<16xf32>
        %slice3A_1881 = vector.extract_strided_slice %get3A_415 {offsets = [6], sizes = [1], strides = [1]} : vector<16xf32> to vector<1xf32>
        %squeeze3A_1882 = vector.extract %slice3A_1881[0] : f32 from vector<1xf32>
        %add3A_1883 = vector.broadcast %squeeze3A_1882 : f32 to vector<16xf32>
        %add3A_1884 = arith.addf %get3A_1784, %add3A_1883 : vector<16xf32>
        %max3A_1885 = arith.maximumf %max3A_1661, %add3A_1884 : vector<16xf32>
        %slice3A_1886 = vector.extract_strided_slice %get3A_415 {offsets = [6], sizes = [1], strides = [1]} : vector<16xf32> to vector<1xf32>
        %squeeze3A_1887 = vector.extract %slice3A_1886[0] : f32 from vector<1xf32>
        %add3A_1888 = vector.broadcast %squeeze3A_1887 : f32 to vector<16xf32>
        %add3A_1889 = arith.addf %get3A_1792, %add3A_1888 : vector<16xf32>
        %max3A_1890 = arith.maximumf %max3A_1666, %add3A_1889 : vector<16xf32>
        %slice3A_1891 = vector.extract_strided_slice %get3A_415 {offsets = [6], sizes = [1], strides = [1]} : vector<16xf32> to vector<1xf32>
        %squeeze3A_1892 = vector.extract %slice3A_1891[0] : f32 from vector<1xf32>
        %add3A_1893 = vector.broadcast %squeeze3A_1892 : f32 to vector<16xf32>
        %add3A_1894 = arith.addf %get3A_1800, %add3A_1893 : vector<16xf32>
        %max3A_1895 = arith.maximumf %max3A_1671, %add3A_1894 : vector<16xf32>
        %slice3A_1896 = vector.extract_strided_slice %get3A_415 {offsets = [6], sizes = [1], strides = [1]} : vector<16xf32> to vector<1xf32>
        %squeeze3A_1897 = vector.extract %slice3A_1896[0] : f32 from vector<1xf32>
        %add3A_1898 = vector.broadcast %squeeze3A_1897 : f32 to vector<16xf32>
        %add3A_1899 = arith.addf %get3A_1808, %add3A_1898 : vector<16xf32>
        %max3A_1900 = arith.maximumf %max3A_1676, %add3A_1899 : vector<16xf32>
        %slice3A_1901 = vector.extract_strided_slice %get3A_415 {offsets = [6], sizes = [1], strides = [1]} : vector<16xf32> to vector<1xf32>
        %squeeze3A_1902 = vector.extract %slice3A_1901[0] : f32 from vector<1xf32>
        %add3A_1903 = vector.broadcast %squeeze3A_1902 : f32 to vector<16xf32>
        %add3A_1904 = arith.addf %get3A_1816, %add3A_1903 : vector<16xf32>
        %max3A_1905 = arith.maximumf %max3A_1681, %add3A_1904 : vector<16xf32>
        %slice3A_1906 = vector.extract_strided_slice %get3A_415 {offsets = [6], sizes = [1], strides = [1]} : vector<16xf32> to vector<1xf32>
        %squeeze3A_1907 = vector.extract %slice3A_1906[0] : f32 from vector<1xf32>
        %add3A_1908 = vector.broadcast %squeeze3A_1907 : f32 to vector<16xf32>
        %add3A_1909 = arith.addf %get3A_1824, %add3A_1908 : vector<16xf32>
        %max3A_1910 = arith.maximumf %max3A_1686, %add3A_1909 : vector<16xf32>
        %slice3A_1911 = vector.extract_strided_slice %get3A_415 {offsets = [6], sizes = [1], strides = [1]} : vector<16xf32> to vector<1xf32>
        %squeeze3A_1912 = vector.extract %slice3A_1911[0] : f32 from vector<1xf32>
        %add3A_1913 = vector.broadcast %squeeze3A_1912 : f32 to vector<16xf32>
        %add3A_1914 = arith.addf %get3A_1832, %add3A_1913 : vector<16xf32>
        %max3A_1915 = arith.maximumf %max3A_1691, %add3A_1914 : vector<16xf32>
        %slice3A_1916 = vector.extract_strided_slice %get3A_415 {offsets = [6], sizes = [1], strides = [1]} : vector<16xf32> to vector<1xf32>
        %squeeze3A_1917 = vector.extract %slice3A_1916[0] : f32 from vector<1xf32>
        %add3A_1918 = vector.broadcast %squeeze3A_1917 : f32 to vector<16xf32>
        %add3A_1919 = arith.addf %get3A_1840, %add3A_1918 : vector<16xf32>
        %max3A_1920 = arith.maximumf %max3A_1696, %add3A_1919 : vector<16xf32>
        %slice3A_1921 = vector.extract_strided_slice %get3A_425 {offsets = [6], sizes = [1], strides = [1]} : vector<16xf32> to vector<1xf32>
        %squeeze3A_1922 = vector.extract %slice3A_1921[0] : f32 from vector<1xf32>
        %add3A_1923 = vector.broadcast %squeeze3A_1922 : f32 to vector<16xf32>
        %add3A_1924 = arith.addf %get3A_1784, %add3A_1923 : vector<16xf32>
        %max3A_1925 = arith.maximumf %max3A_1701, %add3A_1924 : vector<16xf32>
        %slice3A_1926 = vector.extract_strided_slice %get3A_425 {offsets = [6], sizes = [1], strides = [1]} : vector<16xf32> to vector<1xf32>
        %squeeze3A_1927 = vector.extract %slice3A_1926[0] : f32 from vector<1xf32>
        %add3A_1928 = vector.broadcast %squeeze3A_1927 : f32 to vector<16xf32>
        %add3A_1929 = arith.addf %get3A_1792, %add3A_1928 : vector<16xf32>
        %max3A_1930 = arith.maximumf %max3A_1706, %add3A_1929 : vector<16xf32>
        %slice3A_1931 = vector.extract_strided_slice %get3A_425 {offsets = [6], sizes = [1], strides = [1]} : vector<16xf32> to vector<1xf32>
        %squeeze3A_1932 = vector.extract %slice3A_1931[0] : f32 from vector<1xf32>
        %add3A_1933 = vector.broadcast %squeeze3A_1932 : f32 to vector<16xf32>
        %add3A_1934 = arith.addf %get3A_1800, %add3A_1933 : vector<16xf32>
        %max3A_1935 = arith.maximumf %max3A_1711, %add3A_1934 : vector<16xf32>
        %slice3A_1936 = vector.extract_strided_slice %get3A_425 {offsets = [6], sizes = [1], strides = [1]} : vector<16xf32> to vector<1xf32>
        %squeeze3A_1937 = vector.extract %slice3A_1936[0] : f32 from vector<1xf32>
        %add3A_1938 = vector.broadcast %squeeze3A_1937 : f32 to vector<16xf32>
        %add3A_1939 = arith.addf %get3A_1808, %add3A_1938 : vector<16xf32>
        %max3A_1940 = arith.maximumf %max3A_1716, %add3A_1939 : vector<16xf32>
        %slice3A_1941 = vector.extract_strided_slice %get3A_425 {offsets = [6], sizes = [1], strides = [1]} : vector<16xf32> to vector<1xf32>
        %squeeze3A_1942 = vector.extract %slice3A_1941[0] : f32 from vector<1xf32>
        %add3A_1943 = vector.broadcast %squeeze3A_1942 : f32 to vector<16xf32>
        %add3A_1944 = arith.addf %get3A_1816, %add3A_1943 : vector<16xf32>
        %max3A_1945 = arith.maximumf %max3A_1721, %add3A_1944 : vector<16xf32>
        %slice3A_1946 = vector.extract_strided_slice %get3A_425 {offsets = [6], sizes = [1], strides = [1]} : vector<16xf32> to vector<1xf32>
        %squeeze3A_1947 = vector.extract %slice3A_1946[0] : f32 from vector<1xf32>
        %add3A_1948 = vector.broadcast %squeeze3A_1947 : f32 to vector<16xf32>
        %add3A_1949 = arith.addf %get3A_1824, %add3A_1948 : vector<16xf32>
        %max3A_1950 = arith.maximumf %max3A_1726, %add3A_1949 : vector<16xf32>
        %slice3A_1951 = vector.extract_strided_slice %get3A_425 {offsets = [6], sizes = [1], strides = [1]} : vector<16xf32> to vector<1xf32>
        %squeeze3A_1952 = vector.extract %slice3A_1951[0] : f32 from vector<1xf32>
        %add3A_1953 = vector.broadcast %squeeze3A_1952 : f32 to vector<16xf32>
        %add3A_1954 = arith.addf %get3A_1832, %add3A_1953 : vector<16xf32>
        %max3A_1955 = arith.maximumf %max3A_1731, %add3A_1954 : vector<16xf32>
        %slice3A_1956 = vector.extract_strided_slice %get3A_425 {offsets = [6], sizes = [1], strides = [1]} : vector<16xf32> to vector<1xf32>
        %squeeze3A_1957 = vector.extract %slice3A_1956[0] : f32 from vector<1xf32>
        %add3A_1958 = vector.broadcast %squeeze3A_1957 : f32 to vector<16xf32>
        %add3A_1959 = arith.addf %get3A_1840, %add3A_1958 : vector<16xf32>
        %max3A_1960 = arith.maximumf %max3A_1736, %add3A_1959 : vector<16xf32>
        %slice3A_1961 = vector.extract_strided_slice %get3A_435 {offsets = [6], sizes = [1], strides = [1]} : vector<16xf32> to vector<1xf32>
        %squeeze3A_1962 = vector.extract %slice3A_1961[0] : f32 from vector<1xf32>
        %add3A_1963 = vector.broadcast %squeeze3A_1962 : f32 to vector<16xf32>
        %add3A_1964 = arith.addf %get3A_1784, %add3A_1963 : vector<16xf32>
        %max3A_1965 = arith.maximumf %max3A_1741, %add3A_1964 : vector<16xf32>
        %slice3A_1966 = vector.extract_strided_slice %get3A_435 {offsets = [6], sizes = [1], strides = [1]} : vector<16xf32> to vector<1xf32>
        %squeeze3A_1967 = vector.extract %slice3A_1966[0] : f32 from vector<1xf32>
        %add3A_1968 = vector.broadcast %squeeze3A_1967 : f32 to vector<16xf32>
        %add3A_1969 = arith.addf %get3A_1792, %add3A_1968 : vector<16xf32>
        %max3A_1970 = arith.maximumf %max3A_1746, %add3A_1969 : vector<16xf32>
        %slice3A_1971 = vector.extract_strided_slice %get3A_435 {offsets = [6], sizes = [1], strides = [1]} : vector<16xf32> to vector<1xf32>
        %squeeze3A_1972 = vector.extract %slice3A_1971[0] : f32 from vector<1xf32>
        %add3A_1973 = vector.broadcast %squeeze3A_1972 : f32 to vector<16xf32>
        %add3A_1974 = arith.addf %get3A_1800, %add3A_1973 : vector<16xf32>
        %max3A_1975 = arith.maximumf %max3A_1751, %add3A_1974 : vector<16xf32>
        %slice3A_1976 = vector.extract_strided_slice %get3A_435 {offsets = [6], sizes = [1], strides = [1]} : vector<16xf32> to vector<1xf32>
        %squeeze3A_1977 = vector.extract %slice3A_1976[0] : f32 from vector<1xf32>
        %add3A_1978 = vector.broadcast %squeeze3A_1977 : f32 to vector<16xf32>
        %add3A_1979 = arith.addf %get3A_1808, %add3A_1978 : vector<16xf32>
        %max3A_1980 = arith.maximumf %max3A_1756, %add3A_1979 : vector<16xf32>
        %slice3A_1981 = vector.extract_strided_slice %get3A_435 {offsets = [6], sizes = [1], strides = [1]} : vector<16xf32> to vector<1xf32>
        %squeeze3A_1982 = vector.extract %slice3A_1981[0] : f32 from vector<1xf32>
        %add3A_1983 = vector.broadcast %squeeze3A_1982 : f32 to vector<16xf32>
        %add3A_1984 = arith.addf %get3A_1816, %add3A_1983 : vector<16xf32>
        %max3A_1985 = arith.maximumf %max3A_1761, %add3A_1984 : vector<16xf32>
        %slice3A_1986 = vector.extract_strided_slice %get3A_435 {offsets = [6], sizes = [1], strides = [1]} : vector<16xf32> to vector<1xf32>
        %squeeze3A_1987 = vector.extract %slice3A_1986[0] : f32 from vector<1xf32>
        %add3A_1988 = vector.broadcast %squeeze3A_1987 : f32 to vector<16xf32>
        %add3A_1989 = arith.addf %get3A_1824, %add3A_1988 : vector<16xf32>
        %max3A_1990 = arith.maximumf %max3A_1766, %add3A_1989 : vector<16xf32>
        %slice3A_1991 = vector.extract_strided_slice %get3A_435 {offsets = [6], sizes = [1], strides = [1]} : vector<16xf32> to vector<1xf32>
        %squeeze3A_1992 = vector.extract %slice3A_1991[0] : f32 from vector<1xf32>
        %add3A_1993 = vector.broadcast %squeeze3A_1992 : f32 to vector<16xf32>
        %add3A_1994 = arith.addf %get3A_1832, %add3A_1993 : vector<16xf32>
        %max3A_1995 = arith.maximumf %max3A_1771, %add3A_1994 : vector<16xf32>
        %slice3A_1996 = vector.extract_strided_slice %get3A_435 {offsets = [6], sizes = [1], strides = [1]} : vector<16xf32> to vector<1xf32>
        %squeeze3A_1997 = vector.extract %slice3A_1996[0] : f32 from vector<1xf32>
        %add3A_1998 = vector.broadcast %squeeze3A_1997 : f32 to vector<16xf32>
        %add3A_1999 = arith.addf %get3A_1840, %add3A_1998 : vector<16xf32>
        %max3A_2000 = arith.maximumf %max3A_1776, %add3A_1999 : vector<16xf32>
        %mul3A_2001 = arith.constant 16 : i32
        %mul3A_2002 = arith.muli %mul3A_2001, %scan3A_364 : i32
        %add3A_2003 = arith.constant 7 : i32
        %add3A_2004 = arith.addi %mul3A_2002, %add3A_2003 : i32
        %get3A_2005 = arith.index_cast %add3A_2004 : i32 to index
        %get3A_2006 = arith.constant 0 : index
        %get3A_2007 = tpu.vector_load %arg5[%get3A_2005, %get3A_2006] {strides = array<i32>} : memref<256x128xf32, #tpu.memory_space<vmem>>, vector<1x16xf32>,
        %get3A_2008 = vector.shape_cast %get3A_2007 : vector<1x16xf32> to vector<16xf32>
        %mul3A_2009 = arith.constant 16 : i32
        %mul3A_2010 = arith.muli %mul3A_2009, %scan3A_364 : i32
        %add3A_2011 = arith.constant 7 : i32
        %add3A_2012 = arith.addi %mul3A_2010, %add3A_2011 : i32
        %get3A_2013 = arith.index_cast %add3A_2012 : i32 to index
        %get3A_2014 = arith.constant 16 : index
        %get3A_2015 = tpu.vector_load %arg5[%get3A_2013, %get3A_2014] {strides = array<i32>} : memref<256x128xf32, #tpu.memory_space<vmem>>, vector<1x16xf32>,
        %get3A_2016 = vector.shape_cast %get3A_2015 : vector<1x16xf32> to vector<16xf32>
        %mul3A_2017 = arith.constant 16 : i32
        %mul3A_2018 = arith.muli %mul3A_2017, %scan3A_364 : i32
        %add3A_2019 = arith.constant 7 : i32
        %add3A_2020 = arith.addi %mul3A_2018, %add3A_2019 : i32
        %get3A_2021 = arith.index_cast %add3A_2020 : i32 to index
        %get3A_2022 = arith.constant 32 : index
        %get3A_2023 = tpu.vector_load %arg5[%get3A_2021, %get3A_2022] {strides = array<i32>} : memref<256x128xf32, #tpu.memory_space<vmem>>, vector<1x16xf32>,
        %get3A_2024 = vector.shape_cast %get3A_2023 : vector<1x16xf32> to vector<16xf32>
        %mul3A_2025 = arith.constant 16 : i32
        %mul3A_2026 = arith.muli %mul3A_2025, %scan3A_364 : i32
        %add3A_2027 = arith.constant 7 : i32
        %add3A_2028 = arith.addi %mul3A_2026, %add3A_2027 : i32
        %get3A_2029 = arith.index_cast %add3A_2028 : i32 to index
        %get3A_2030 = arith.constant 48 : index
        %get3A_2031 = tpu.vector_load %arg5[%get3A_2029, %get3A_2030] {strides = array<i32>} : memref<256x128xf32, #tpu.memory_space<vmem>>, vector<1x16xf32>,
        %get3A_2032 = vector.shape_cast %get3A_2031 : vector<1x16xf32> to vector<16xf32>
        %mul3A_2033 = arith.constant 16 : i32
        %mul3A_2034 = arith.muli %mul3A_2033, %scan3A_364 : i32
        %add3A_2035 = arith.constant 7 : i32
        %add3A_2036 = arith.addi %mul3A_2034, %add3A_2035 : i32
        %get3A_2037 = arith.index_cast %add3A_2036 : i32 to index
        %get3A_2038 = arith.constant 64 : index
        %get3A_2039 = tpu.vector_load %arg5[%get3A_2037, %get3A_2038] {strides = array<i32>} : memref<256x128xf32, #tpu.memory_space<vmem>>, vector<1x16xf32>,
        %get3A_2040 = vector.shape_cast %get3A_2039 : vector<1x16xf32> to vector<16xf32>
        %mul3A_2041 = arith.constant 16 : i32
        %mul3A_2042 = arith.muli %mul3A_2041, %scan3A_364 : i32
        %add3A_2043 = arith.constant 7 : i32
        %add3A_2044 = arith.addi %mul3A_2042, %add3A_2043 : i32
        %get3A_2045 = arith.index_cast %add3A_2044 : i32 to index
        %get3A_2046 = arith.constant 80 : index
        %get3A_2047 = tpu.vector_load %arg5[%get3A_2045, %get3A_2046] {strides = array<i32>} : memref<256x128xf32, #tpu.memory_space<vmem>>, vector<1x16xf32>,
        %get3A_2048 = vector.shape_cast %get3A_2047 : vector<1x16xf32> to vector<16xf32>
        %mul3A_2049 = arith.constant 16 : i32
        %mul3A_2050 = arith.muli %mul3A_2049, %scan3A_364 : i32
        %add3A_2051 = arith.constant 7 : i32
        %add3A_2052 = arith.addi %mul3A_2050, %add3A_2051 : i32
        %get3A_2053 = arith.index_cast %add3A_2052 : i32 to index
        %get3A_2054 = arith.constant 96 : index
        %get3A_2055 = tpu.vector_load %arg5[%get3A_2053, %get3A_2054] {strides = array<i32>} : memref<256x128xf32, #tpu.memory_space<vmem>>, vector<1x16xf32>,
        %get3A_2056 = vector.shape_cast %get3A_2055 : vector<1x16xf32> to vector<16xf32>
        %mul3A_2057 = arith.constant 16 : i32
        %mul3A_2058 = arith.muli %mul3A_2057, %scan3A_364 : i32
        %add3A_2059 = arith.constant 7 : i32
        %add3A_2060 = arith.addi %mul3A_2058, %add3A_2059 : i32
        %get3A_2061 = arith.index_cast %add3A_2060 : i32 to index
        %get3A_2062 = arith.constant 112 : index
        %get3A_2063 = tpu.vector_load %arg5[%get3A_2061, %get3A_2062] {strides = array<i32>} : memref<256x128xf32, #tpu.memory_space<vmem>>, vector<1x16xf32>,
        %get3A_2064 = vector.shape_cast %get3A_2063 : vector<1x16xf32> to vector<16xf32>
        %slice3A_2065 = vector.extract_strided_slice %get3A_405 {offsets = [7], sizes = [1], strides = [1]} : vector<16xf32> to vector<1xf32>
        %squeeze3A_2066 = vector.extract %slice3A_2065[0] : f32 from vector<1xf32>
        %add3A_2067 = vector.broadcast %squeeze3A_2066 : f32 to vector<16xf32>
        %add3A_2068 = arith.addf %get3A_2008, %add3A_2067 : vector<16xf32>
        %max3A_2069 = arith.maximumf %max3A_1845, %add3A_2068 : vector<16xf32>
        %slice3A_2070 = vector.extract_strided_slice %get3A_405 {offsets = [7], sizes = [1], strides = [1]} : vector<16xf32> to vector<1xf32>
        %squeeze3A_2071 = vector.extract %slice3A_2070[0] : f32 from vector<1xf32>
        %add3A_2072 = vector.broadcast %squeeze3A_2071 : f32 to vector<16xf32>
        %add3A_2073 = arith.addf %get3A_2016, %add3A_2072 : vector<16xf32>
        %max3A_2074 = arith.maximumf %max3A_1850, %add3A_2073 : vector<16xf32>
        %slice3A_2075 = vector.extract_strided_slice %get3A_405 {offsets = [7], sizes = [1], strides = [1]} : vector<16xf32> to vector<1xf32>
        %squeeze3A_2076 = vector.extract %slice3A_2075[0] : f32 from vector<1xf32>
        %add3A_2077 = vector.broadcast %squeeze3A_2076 : f32 to vector<16xf32>
        %add3A_2078 = arith.addf %get3A_2024, %add3A_2077 : vector<16xf32>
        %max3A_2079 = arith.maximumf %max3A_1855, %add3A_2078 : vector<16xf32>
        %slice3A_2080 = vector.extract_strided_slice %get3A_405 {offsets = [7], sizes = [1], strides = [1]} : vector<16xf32> to vector<1xf32>
        %squeeze3A_2081 = vector.extract %slice3A_2080[0] : f32 from vector<1xf32>
        %add3A_2082 = vector.broadcast %squeeze3A_2081 : f32 to vector<16xf32>
        %add3A_2083 = arith.addf %get3A_2032, %add3A_2082 : vector<16xf32>
        %max3A_2084 = arith.maximumf %max3A_1860, %add3A_2083 : vector<16xf32>
        %slice3A_2085 = vector.extract_strided_slice %get3A_405 {offsets = [7], sizes = [1], strides = [1]} : vector<16xf32> to vector<1xf32>
        %squeeze3A_2086 = vector.extract %slice3A_2085[0] : f32 from vector<1xf32>
        %add3A_2087 = vector.broadcast %squeeze3A_2086 : f32 to vector<16xf32>
        %add3A_2088 = arith.addf %get3A_2040, %add3A_2087 : vector<16xf32>
        %max3A_2089 = arith.maximumf %max3A_1865, %add3A_2088 : vector<16xf32>
        %slice3A_2090 = vector.extract_strided_slice %get3A_405 {offsets = [7], sizes = [1], strides = [1]} : vector<16xf32> to vector<1xf32>
        %squeeze3A_2091 = vector.extract %slice3A_2090[0] : f32 from vector<1xf32>
        %add3A_2092 = vector.broadcast %squeeze3A_2091 : f32 to vector<16xf32>
        %add3A_2093 = arith.addf %get3A_2048, %add3A_2092 : vector<16xf32>
        %max3A_2094 = arith.maximumf %max3A_1870, %add3A_2093 : vector<16xf32>
        %slice3A_2095 = vector.extract_strided_slice %get3A_405 {offsets = [7], sizes = [1], strides = [1]} : vector<16xf32> to vector<1xf32>
        %squeeze3A_2096 = vector.extract %slice3A_2095[0] : f32 from vector<1xf32>
        %add3A_2097 = vector.broadcast %squeeze3A_2096 : f32 to vector<16xf32>
        %add3A_2098 = arith.addf %get3A_2056, %add3A_2097 : vector<16xf32>
        %max3A_2099 = arith.maximumf %max3A_1875, %add3A_2098 : vector<16xf32>
        %slice3A_2100 = vector.extract_strided_slice %get3A_405 {offsets = [7], sizes = [1], strides = [1]} : vector<16xf32> to vector<1xf32>
        %squeeze3A_2101 = vector.extract %slice3A_2100[0] : f32 from vector<1xf32>
        %add3A_2102 = vector.broadcast %squeeze3A_2101 : f32 to vector<16xf32>
        %add3A_2103 = arith.addf %get3A_2064, %add3A_2102 : vector<16xf32>
        %max3A_2104 = arith.maximumf %max3A_1880, %add3A_2103 : vector<16xf32>
        %slice3A_2105 = vector.extract_strided_slice %get3A_415 {offsets = [7], sizes = [1], strides = [1]} : vector<16xf32> to vector<1xf32>
        %squeeze3A_2106 = vector.extract %slice3A_2105[0] : f32 from vector<1xf32>
        %add3A_2107 = vector.broadcast %squeeze3A_2106 : f32 to vector<16xf32>
        %add3A_2108 = arith.addf %get3A_2008, %add3A_2107 : vector<16xf32>
        %max3A_2109 = arith.maximumf %max3A_1885, %add3A_2108 : vector<16xf32>
        %slice3A_2110 = vector.extract_strided_slice %get3A_415 {offsets = [7], sizes = [1], strides = [1]} : vector<16xf32> to vector<1xf32>
        %squeeze3A_2111 = vector.extract %slice3A_2110[0] : f32 from vector<1xf32>
        %add3A_2112 = vector.broadcast %squeeze3A_2111 : f32 to vector<16xf32>
        %add3A_2113 = arith.addf %get3A_2016, %add3A_2112 : vector<16xf32>
        %max3A_2114 = arith.maximumf %max3A_1890, %add3A_2113 : vector<16xf32>
        %slice3A_2115 = vector.extract_strided_slice %get3A_415 {offsets = [7], sizes = [1], strides = [1]} : vector<16xf32> to vector<1xf32>
        %squeeze3A_2116 = vector.extract %slice3A_2115[0] : f32 from vector<1xf32>
        %add3A_2117 = vector.broadcast %squeeze3A_2116 : f32 to vector<16xf32>
        %add3A_2118 = arith.addf %get3A_2024, %add3A_2117 : vector<16xf32>
        %max3A_2119 = arith.maximumf %max3A_1895, %add3A_2118 : vector<16xf32>
        %slice3A_2120 = vector.extract_strided_slice %get3A_415 {offsets = [7], sizes = [1], strides = [1]} : vector<16xf32> to vector<1xf32>
        %squeeze3A_2121 = vector.extract %slice3A_2120[0] : f32 from vector<1xf32>
        %add3A_2122 = vector.broadcast %squeeze3A_2121 : f32 to vector<16xf32>
        %add3A_2123 = arith.addf %get3A_2032, %add3A_2122 : vector<16xf32>
        %max3A_2124 = arith.maximumf %max3A_1900, %add3A_2123 : vector<16xf32>
        %slice3A_2125 = vector.extract_strided_slice %get3A_415 {offsets = [7], sizes = [1], strides = [1]} : vector<16xf32> to vector<1xf32>
        %squeeze3A_2126 = vector.extract %slice3A_2125[0] : f32 from vector<1xf32>
        %add3A_2127 = vector.broadcast %squeeze3A_2126 : f32 to vector<16xf32>
        %add3A_2128 = arith.addf %get3A_2040, %add3A_2127 : vector<16xf32>
        %max3A_2129 = arith.maximumf %max3A_1905, %add3A_2128 : vector<16xf32>
        %slice3A_2130 = vector.extract_strided_slice %get3A_415 {offsets = [7], sizes = [1], strides = [1]} : vector<16xf32> to vector<1xf32>
        %squeeze3A_2131 = vector.extract %slice3A_2130[0] : f32 from vector<1xf32>
        %add3A_2132 = vector.broadcast %squeeze3A_2131 : f32 to vector<16xf32>
        %add3A_2133 = arith.addf %get3A_2048, %add3A_2132 : vector<16xf32>
        %max3A_2134 = arith.maximumf %max3A_1910, %add3A_2133 : vector<16xf32>
        %slice3A_2135 = vector.extract_strided_slice %get3A_415 {offsets = [7], sizes = [1], strides = [1]} : vector<16xf32> to vector<1xf32>
        %squeeze3A_2136 = vector.extract %slice3A_2135[0] : f32 from vector<1xf32>
        %add3A_2137 = vector.broadcast %squeeze3A_2136 : f32 to vector<16xf32>
        %add3A_2138 = arith.addf %get3A_2056, %add3A_2137 : vector<16xf32>
        %max3A_2139 = arith.maximumf %max3A_1915, %add3A_2138 : vector<16xf32>
        %slice3A_2140 = vector.extract_strided_slice %get3A_415 {offsets = [7], sizes = [1], strides = [1]} : vector<16xf32> to vector<1xf32>
        %squeeze3A_2141 = vector.extract %slice3A_2140[0] : f32 from vector<1xf32>
        %add3A_2142 = vector.broadcast %squeeze3A_2141 : f32 to vector<16xf32>
        %add3A_2143 = arith.addf %get3A_2064, %add3A_2142 : vector<16xf32>
        %max3A_2144 = arith.maximumf %max3A_1920, %add3A_2143 : vector<16xf32>
        %slice3A_2145 = vector.extract_strided_slice %get3A_425 {offsets = [7], sizes = [1], strides = [1]} : vector<16xf32> to vector<1xf32>
        %squeeze3A_2146 = vector.extract %slice3A_2145[0] : f32 from vector<1xf32>
        %add3A_2147 = vector.broadcast %squeeze3A_2146 : f32 to vector<16xf32>
        %add3A_2148 = arith.addf %get3A_2008, %add3A_2147 : vector<16xf32>
        %max3A_2149 = arith.maximumf %max3A_1925, %add3A_2148 : vector<16xf32>
        %slice3A_2150 = vector.extract_strided_slice %get3A_425 {offsets = [7], sizes = [1], strides = [1]} : vector<16xf32> to vector<1xf32>
        %squeeze3A_2151 = vector.extract %slice3A_2150[0] : f32 from vector<1xf32>
        %add3A_2152 = vector.broadcast %squeeze3A_2151 : f32 to vector<16xf32>
        %add3A_2153 = arith.addf %get3A_2016, %add3A_2152 : vector<16xf32>
        %max3A_2154 = arith.maximumf %max3A_1930, %add3A_2153 : vector<16xf32>
        %slice3A_2155 = vector.extract_strided_slice %get3A_425 {offsets = [7], sizes = [1], strides = [1]} : vector<16xf32> to vector<1xf32>
        %squeeze3A_2156 = vector.extract %slice3A_2155[0] : f32 from vector<1xf32>
        %add3A_2157 = vector.broadcast %squeeze3A_2156 : f32 to vector<16xf32>
        %add3A_2158 = arith.addf %get3A_2024, %add3A_2157 : vector<16xf32>
        %max3A_2159 = arith.maximumf %max3A_1935, %add3A_2158 : vector<16xf32>
        %slice3A_2160 = vector.extract_strided_slice %get3A_425 {offsets = [7], sizes = [1], strides = [1]} : vector<16xf32> to vector<1xf32>
        %squeeze3A_2161 = vector.extract %slice3A_2160[0] : f32 from vector<1xf32>
        %add3A_2162 = vector.broadcast %squeeze3A_2161 : f32 to vector<16xf32>
        %add3A_2163 = arith.addf %get3A_2032, %add3A_2162 : vector<16xf32>
        %max3A_2164 = arith.maximumf %max3A_1940, %add3A_2163 : vector<16xf32>
        %slice3A_2165 = vector.extract_strided_slice %get3A_425 {offsets = [7], sizes = [1], strides = [1]} : vector<16xf32> to vector<1xf32>
        %squeeze3A_2166 = vector.extract %slice3A_2165[0] : f32 from vector<1xf32>
        %add3A_2167 = vector.broadcast %squeeze3A_2166 : f32 to vector<16xf32>
        %add3A_2168 = arith.addf %get3A_2040, %add3A_2167 : vector<16xf32>
        %max3A_2169 = arith.maximumf %max3A_1945, %add3A_2168 : vector<16xf32>
        %slice3A_2170 = vector.extract_strided_slice %get3A_425 {offsets = [7], sizes = [1], strides = [1]} : vector<16xf32> to vector<1xf32>
        %squeeze3A_2171 = vector.extract %slice3A_2170[0] : f32 from vector<1xf32>
        %add3A_2172 = vector.broadcast %squeeze3A_2171 : f32 to vector<16xf32>
        %add3A_2173 = arith.addf %get3A_2048, %add3A_2172 : vector<16xf32>
        %max3A_2174 = arith.maximumf %max3A_1950, %add3A_2173 : vector<16xf32>
        %slice3A_2175 = vector.extract_strided_slice %get3A_425 {offsets = [7], sizes = [1], strides = [1]} : vector<16xf32> to vector<1xf32>
        %squeeze3A_2176 = vector.extract %slice3A_2175[0] : f32 from vector<1xf32>
        %add3A_2177 = vector.broadcast %squeeze3A_2176 : f32 to vector<16xf32>
        %add3A_2178 = arith.addf %get3A_2056, %add3A_2177 : vector<16xf32>
        %max3A_2179 = arith.maximumf %max3A_1955, %add3A_2178 : vector<16xf32>
        %slice3A_2180 = vector.extract_strided_slice %get3A_425 {offsets = [7], sizes = [1], strides = [1]} : vector<16xf32> to vector<1xf32>
        %squeeze3A_2181 = vector.extract %slice3A_2180[0] : f32 from vector<1xf32>
        %add3A_2182 = vector.broadcast %squeeze3A_2181 : f32 to vector<16xf32>
        %add3A_2183 = arith.addf %get3A_2064, %add3A_2182 : vector<16xf32>
        %max3A_2184 = arith.maximumf %max3A_1960, %add3A_2183 : vector<16xf32>
        %slice3A_2185 = vector.extract_strided_slice %get3A_435 {offsets = [7], sizes = [1], strides = [1]} : vector<16xf32> to vector<1xf32>
        %squeeze3A_2186 = vector.extract %slice3A_2185[0] : f32 from vector<1xf32>
        %add3A_2187 = vector.broadcast %squeeze3A_2186 : f32 to vector<16xf32>
        %add3A_2188 = arith.addf %get3A_2008, %add3A_2187 : vector<16xf32>
        %max3A_2189 = arith.maximumf %max3A_1965, %add3A_2188 : vector<16xf32>
        %slice3A_2190 = vector.extract_strided_slice %get3A_435 {offsets = [7], sizes = [1], strides = [1]} : vector<16xf32> to vector<1xf32>
        %squeeze3A_2191 = vector.extract %slice3A_2190[0] : f32 from vector<1xf32>
        %add3A_2192 = vector.broadcast %squeeze3A_2191 : f32 to vector<16xf32>
        %add3A_2193 = arith.addf %get3A_2016, %add3A_2192 : vector<16xf32>
        %max3A_2194 = arith.maximumf %max3A_1970, %add3A_2193 : vector<16xf32>
        %slice3A_2195 = vector.extract_strided_slice %get3A_435 {offsets = [7], sizes = [1], strides = [1]} : vector<16xf32> to vector<1xf32>
        %squeeze3A_2196 = vector.extract %slice3A_2195[0] : f32 from vector<1xf32>
        %add3A_2197 = vector.broadcast %squeeze3A_2196 : f32 to vector<16xf32>
        %add3A_2198 = arith.addf %get3A_2024, %add3A_2197 : vector<16xf32>
        %max3A_2199 = arith.maximumf %max3A_1975, %add3A_2198 : vector<16xf32>
        %slice3A_2200 = vector.extract_strided_slice %get3A_435 {offsets = [7], sizes = [1], strides = [1]} : vector<16xf32> to vector<1xf32>
        %squeeze3A_2201 = vector.extract %slice3A_2200[0] : f32 from vector<1xf32>
        %add3A_2202 = vector.broadcast %squeeze3A_2201 : f32 to vector<16xf32>
        %add3A_2203 = arith.addf %get3A_2032, %add3A_2202 : vector<16xf32>
        %max3A_2204 = arith.maximumf %max3A_1980, %add3A_2203 : vector<16xf32>
        %slice3A_2205 = vector.extract_strided_slice %get3A_435 {offsets = [7], sizes = [1], strides = [1]} : vector<16xf32> to vector<1xf32>
        %squeeze3A_2206 = vector.extract %slice3A_2205[0] : f32 from vector<1xf32>
        %add3A_2207 = vector.broadcast %squeeze3A_2206 : f32 to vector<16xf32>
        %add3A_2208 = arith.addf %get3A_2040, %add3A_2207 : vector<16xf32>
        %max3A_2209 = arith.maximumf %max3A_1985, %add3A_2208 : vector<16xf32>
        %slice3A_2210 = vector.extract_strided_slice %get3A_435 {offsets = [7], sizes = [1], strides = [1]} : vector<16xf32> to vector<1xf32>
        %squeeze3A_2211 = vector.extract %slice3A_2210[0] : f32 from vector<1xf32>
        %add3A_2212 = vector.broadcast %squeeze3A_2211 : f32 to vector<16xf32>
        %add3A_2213 = arith.addf %get3A_2048, %add3A_2212 : vector<16xf32>
        %max3A_2214 = arith.maximumf %max3A_1990, %add3A_2213 : vector<16xf32>
        %slice3A_2215 = vector.extract_strided_slice %get3A_435 {offsets = [7], sizes = [1], strides = [1]} : vector<16xf32> to vector<1xf32>
        %squeeze3A_2216 = vector.extract %slice3A_2215[0] : f32 from vector<1xf32>
        %add3A_2217 = vector.broadcast %squeeze3A_2216 : f32 to vector<16xf32>
        %add3A_2218 = arith.addf %get3A_2056, %add3A_2217 : vector<16xf32>
        %max3A_2219 = arith.maximumf %max3A_1995, %add3A_2218 : vector<16xf32>
        %slice3A_2220 = vector.extract_strided_slice %get3A_435 {offsets = [7], sizes = [1], strides = [1]} : vector<16xf32> to vector<1xf32>
        %squeeze3A_2221 = vector.extract %slice3A_2220[0] : f32 from vector<1xf32>
        %add3A_2222 = vector.broadcast %squeeze3A_2221 : f32 to vector<16xf32>
        %add3A_2223 = arith.addf %get3A_2064, %add3A_2222 : vector<16xf32>
        %max3A_2224 = arith.maximumf %max3A_2000, %add3A_2223 : vector<16xf32>
        %mul3A_2225 = arith.constant 16 : i32
        %mul3A_2226 = arith.muli %mul3A_2225, %scan3A_364 : i32
        %add3A_2227 = arith.constant 8 : i32
        %add3A_2228 = arith.addi %mul3A_2226, %add3A_2227 : i32
        %get3A_2229 = arith.index_cast %add3A_2228 : i32 to index
        %get3A_2230 = arith.constant 0 : index
        %get3A_2231 = tpu.vector_load %arg5[%get3A_2229, %get3A_2230] {strides = array<i32>} : memref<256x128xf32, #tpu.memory_space<vmem>>, vector<1x16xf32>,
        %get3A_2232 = vector.shape_cast %get3A_2231 : vector<1x16xf32> to vector<16xf32>
        %mul3A_2233 = arith.constant 16 : i32
        %mul3A_2234 = arith.muli %mul3A_2233, %scan3A_364 : i32
        %add3A_2235 = arith.constant 8 : i32
        %add3A_2236 = arith.addi %mul3A_2234, %add3A_2235 : i32
        %get3A_2237 = arith.index_cast %add3A_2236 : i32 to index
        %get3A_2238 = arith.constant 16 : index
        %get3A_2239 = tpu.vector_load %arg5[%get3A_2237, %get3A_2238] {strides = array<i32>} : memref<256x128xf32, #tpu.memory_space<vmem>>, vector<1x16xf32>,
        %get3A_2240 = vector.shape_cast %get3A_2239 : vector<1x16xf32> to vector<16xf32>
        %mul3A_2241 = arith.constant 16 : i32
        %mul3A_2242 = arith.muli %mul3A_2241, %scan3A_364 : i32
        %add3A_2243 = arith.constant 8 : i32
        %add3A_2244 = arith.addi %mul3A_2242, %add3A_2243 : i32
        %get3A_2245 = arith.index_cast %add3A_2244 : i32 to index
        %get3A_2246 = arith.constant 32 : index
        %get3A_2247 = tpu.vector_load %arg5[%get3A_2245, %get3A_2246] {strides = array<i32>} : memref<256x128xf32, #tpu.memory_space<vmem>>, vector<1x16xf32>,
        %get3A_2248 = vector.shape_cast %get3A_2247 : vector<1x16xf32> to vector<16xf32>
        %mul3A_2249 = arith.constant 16 : i32
        %mul3A_2250 = arith.muli %mul3A_2249, %scan3A_364 : i32
        %add3A_2251 = arith.constant 8 : i32
        %add3A_2252 = arith.addi %mul3A_2250, %add3A_2251 : i32
        %get3A_2253 = arith.index_cast %add3A_2252 : i32 to index
        %get3A_2254 = arith.constant 48 : index
        %get3A_2255 = tpu.vector_load %arg5[%get3A_2253, %get3A_2254] {strides = array<i32>} : memref<256x128xf32, #tpu.memory_space<vmem>>, vector<1x16xf32>,
        %get3A_2256 = vector.shape_cast %get3A_2255 : vector<1x16xf32> to vector<16xf32>
        %mul3A_2257 = arith.constant 16 : i32
        %mul3A_2258 = arith.muli %mul3A_2257, %scan3A_364 : i32
        %add3A_2259 = arith.constant 8 : i32
        %add3A_2260 = arith.addi %mul3A_2258, %add3A_2259 : i32
        %get3A_2261 = arith.index_cast %add3A_2260 : i32 to index
        %get3A_2262 = arith.constant 64 : index
        %get3A_2263 = tpu.vector_load %arg5[%get3A_2261, %get3A_2262] {strides = array<i32>} : memref<256x128xf32, #tpu.memory_space<vmem>>, vector<1x16xf32>,
        %get3A_2264 = vector.shape_cast %get3A_2263 : vector<1x16xf32> to vector<16xf32>
        %mul3A_2265 = arith.constant 16 : i32
        %mul3A_2266 = arith.muli %mul3A_2265, %scan3A_364 : i32
        %add3A_2267 = arith.constant 8 : i32
        %add3A_2268 = arith.addi %mul3A_2266, %add3A_2267 : i32
        %get3A_2269 = arith.index_cast %add3A_2268 : i32 to index
        %get3A_2270 = arith.constant 80 : index
        %get3A_2271 = tpu.vector_load %arg5[%get3A_2269, %get3A_2270] {strides = array<i32>} : memref<256x128xf32, #tpu.memory_space<vmem>>, vector<1x16xf32>,
        %get3A_2272 = vector.shape_cast %get3A_2271 : vector<1x16xf32> to vector<16xf32>
        %mul3A_2273 = arith.constant 16 : i32
        %mul3A_2274 = arith.muli %mul3A_2273, %scan3A_364 : i32
        %add3A_2275 = arith.constant 8 : i32
        %add3A_2276 = arith.addi %mul3A_2274, %add3A_2275 : i32
        %get3A_2277 = arith.index_cast %add3A_2276 : i32 to index
        %get3A_2278 = arith.constant 96 : index
        %get3A_2279 = tpu.vector_load %arg5[%get3A_2277, %get3A_2278] {strides = array<i32>} : memref<256x128xf32, #tpu.memory_space<vmem>>, vector<1x16xf32>,
        %get3A_2280 = vector.shape_cast %get3A_2279 : vector<1x16xf32> to vector<16xf32>
        %mul3A_2281 = arith.constant 16 : i32
        %mul3A_2282 = arith.muli %mul3A_2281, %scan3A_364 : i32
        %add3A_2283 = arith.constant 8 : i32
        %add3A_2284 = arith.addi %mul3A_2282, %add3A_2283 : i32
        %get3A_2285 = arith.index_cast %add3A_2284 : i32 to index
        %get3A_2286 = arith.constant 112 : index
        %get3A_2287 = tpu.vector_load %arg5[%get3A_2285, %get3A_2286] {strides = array<i32>} : memref<256x128xf32, #tpu.memory_space<vmem>>, vector<1x16xf32>,
        %get3A_2288 = vector.shape_cast %get3A_2287 : vector<1x16xf32> to vector<16xf32>
        %slice3A_2289 = vector.extract_strided_slice %get3A_405 {offsets = [8], sizes = [1], strides = [1]} : vector<16xf32> to vector<1xf32>
        %squeeze3A_2290 = vector.extract %slice3A_2289[0] : f32 from vector<1xf32>
        %add3A_2291 = vector.broadcast %squeeze3A_2290 : f32 to vector<16xf32>
        %add3A_2292 = arith.addf %get3A_2232, %add3A_2291 : vector<16xf32>
        %max3A_2293 = arith.maximumf %max3A_2069, %add3A_2292 : vector<16xf32>
        %slice3A_2294 = vector.extract_strided_slice %get3A_405 {offsets = [8], sizes = [1], strides = [1]} : vector<16xf32> to vector<1xf32>
        %squeeze3A_2295 = vector.extract %slice3A_2294[0] : f32 from vector<1xf32>
        %add3A_2296 = vector.broadcast %squeeze3A_2295 : f32 to vector<16xf32>
        %add3A_2297 = arith.addf %get3A_2240, %add3A_2296 : vector<16xf32>
        %max3A_2298 = arith.maximumf %max3A_2074, %add3A_2297 : vector<16xf32>
        %slice3A_2299 = vector.extract_strided_slice %get3A_405 {offsets = [8], sizes = [1], strides = [1]} : vector<16xf32> to vector<1xf32>
        %squeeze3A_2300 = vector.extract %slice3A_2299[0] : f32 from vector<1xf32>
        %add3A_2301 = vector.broadcast %squeeze3A_2300 : f32 to vector<16xf32>
        %add3A_2302 = arith.addf %get3A_2248, %add3A_2301 : vector<16xf32>
        %max3A_2303 = arith.maximumf %max3A_2079, %add3A_2302 : vector<16xf32>
        %slice3A_2304 = vector.extract_strided_slice %get3A_405 {offsets = [8], sizes = [1], strides = [1]} : vector<16xf32> to vector<1xf32>
        %squeeze3A_2305 = vector.extract %slice3A_2304[0] : f32 from vector<1xf32>
        %add3A_2306 = vector.broadcast %squeeze3A_2305 : f32 to vector<16xf32>
        %add3A_2307 = arith.addf %get3A_2256, %add3A_2306 : vector<16xf32>
        %max3A_2308 = arith.maximumf %max3A_2084, %add3A_2307 : vector<16xf32>
        %slice3A_2309 = vector.extract_strided_slice %get3A_405 {offsets = [8], sizes = [1], strides = [1]} : vector<16xf32> to vector<1xf32>
        %squeeze3A_2310 = vector.extract %slice3A_2309[0] : f32 from vector<1xf32>
        %add3A_2311 = vector.broadcast %squeeze3A_2310 : f32 to vector<16xf32>
        %add3A_2312 = arith.addf %get3A_2264, %add3A_2311 : vector<16xf32>
        %max3A_2313 = arith.maximumf %max3A_2089, %add3A_2312 : vector<16xf32>
        %slice3A_2314 = vector.extract_strided_slice %get3A_405 {offsets = [8], sizes = [1], strides = [1]} : vector<16xf32> to vector<1xf32>
        %squeeze3A_2315 = vector.extract %slice3A_2314[0] : f32 from vector<1xf32>
        %add3A_2316 = vector.broadcast %squeeze3A_2315 : f32 to vector<16xf32>
        %add3A_2317 = arith.addf %get3A_2272, %add3A_2316 : vector<16xf32>
        %max3A_2318 = arith.maximumf %max3A_2094, %add3A_2317 : vector<16xf32>
        %slice3A_2319 = vector.extract_strided_slice %get3A_405 {offsets = [8], sizes = [1], strides = [1]} : vector<16xf32> to vector<1xf32>
        %squeeze3A_2320 = vector.extract %slice3A_2319[0] : f32 from vector<1xf32>
        %add3A_2321 = vector.broadcast %squeeze3A_2320 : f32 to vector<16xf32>
        %add3A_2322 = arith.addf %get3A_2280, %add3A_2321 : vector<16xf32>
        %max3A_2323 = arith.maximumf %max3A_2099, %add3A_2322 : vector<16xf32>
        %slice3A_2324 = vector.extract_strided_slice %get3A_405 {offsets = [8], sizes = [1], strides = [1]} : vector<16xf32> to vector<1xf32>
        %squeeze3A_2325 = vector.extract %slice3A_2324[0] : f32 from vector<1xf32>
        %add3A_2326 = vector.broadcast %squeeze3A_2325 : f32 to vector<16xf32>
        %add3A_2327 = arith.addf %get3A_2288, %add3A_2326 : vector<16xf32>
        %max3A_2328 = arith.maximumf %max3A_2104, %add3A_2327 : vector<16xf32>
        %slice3A_2329 = vector.extract_strided_slice %get3A_415 {offsets = [8], sizes = [1], strides = [1]} : vector<16xf32> to vector<1xf32>
        %squeeze3A_2330 = vector.extract %slice3A_2329[0] : f32 from vector<1xf32>
        %add3A_2331 = vector.broadcast %squeeze3A_2330 : f32 to vector<16xf32>
        %add3A_2332 = arith.addf %get3A_2232, %add3A_2331 : vector<16xf32>
        %max3A_2333 = arith.maximumf %max3A_2109, %add3A_2332 : vector<16xf32>
        %slice3A_2334 = vector.extract_strided_slice %get3A_415 {offsets = [8], sizes = [1], strides = [1]} : vector<16xf32> to vector<1xf32>
        %squeeze3A_2335 = vector.extract %slice3A_2334[0] : f32 from vector<1xf32>
        %add3A_2336 = vector.broadcast %squeeze3A_2335 : f32 to vector<16xf32>
        %add3A_2337 = arith.addf %get3A_2240, %add3A_2336 : vector<16xf32>
        %max3A_2338 = arith.maximumf %max3A_2114, %add3A_2337 : vector<16xf32>
        %slice3A_2339 = vector.extract_strided_slice %get3A_415 {offsets = [8], sizes = [1], strides = [1]} : vector<16xf32> to vector<1xf32>
        %squeeze3A_2340 = vector.extract %slice3A_2339[0] : f32 from vector<1xf32>
        %add3A_2341 = vector.broadcast %squeeze3A_2340 : f32 to vector<16xf32>
        %add3A_2342 = arith.addf %get3A_2248, %add3A_2341 : vector<16xf32>
        %max3A_2343 = arith.maximumf %max3A_2119, %add3A_2342 : vector<16xf32>
        %slice3A_2344 = vector.extract_strided_slice %get3A_415 {offsets = [8], sizes = [1], strides = [1]} : vector<16xf32> to vector<1xf32>
        %squeeze3A_2345 = vector.extract %slice3A_2344[0] : f32 from vector<1xf32>
        %add3A_2346 = vector.broadcast %squeeze3A_2345 : f32 to vector<16xf32>
        %add3A_2347 = arith.addf %get3A_2256, %add3A_2346 : vector<16xf32>
        %max3A_2348 = arith.maximumf %max3A_2124, %add3A_2347 : vector<16xf32>
        %slice3A_2349 = vector.extract_strided_slice %get3A_415 {offsets = [8], sizes = [1], strides = [1]} : vector<16xf32> to vector<1xf32>
        %squeeze3A_2350 = vector.extract %slice3A_2349[0] : f32 from vector<1xf32>
        %add3A_2351 = vector.broadcast %squeeze3A_2350 : f32 to vector<16xf32>
        %add3A_2352 = arith.addf %get3A_2264, %add3A_2351 : vector<16xf32>
        %max3A_2353 = arith.maximumf %max3A_2129, %add3A_2352 : vector<16xf32>
        %slice3A_2354 = vector.extract_strided_slice %get3A_415 {offsets = [8], sizes = [1], strides = [1]} : vector<16xf32> to vector<1xf32>
        %squeeze3A_2355 = vector.extract %slice3A_2354[0] : f32 from vector<1xf32>
        %add3A_2356 = vector.broadcast %squeeze3A_2355 : f32 to vector<16xf32>
        %add3A_2357 = arith.addf %get3A_2272, %add3A_2356 : vector<16xf32>
        %max3A_2358 = arith.maximumf %max3A_2134, %add3A_2357 : vector<16xf32>
        %slice3A_2359 = vector.extract_strided_slice %get3A_415 {offsets = [8], sizes = [1], strides = [1]} : vector<16xf32> to vector<1xf32>
        %squeeze3A_2360 = vector.extract %slice3A_2359[0] : f32 from vector<1xf32>
        %add3A_2361 = vector.broadcast %squeeze3A_2360 : f32 to vector<16xf32>
        %add3A_2362 = arith.addf %get3A_2280, %add3A_2361 : vector<16xf32>
        %max3A_2363 = arith.maximumf %max3A_2139, %add3A_2362 : vector<16xf32>
        %slice3A_2364 = vector.extract_strided_slice %get3A_415 {offsets = [8], sizes = [1], strides = [1]} : vector<16xf32> to vector<1xf32>
        %squeeze3A_2365 = vector.extract %slice3A_2364[0] : f32 from vector<1xf32>
        %add3A_2366 = vector.broadcast %squeeze3A_2365 : f32 to vector<16xf32>
        %add3A_2367 = arith.addf %get3A_2288, %add3A_2366 : vector<16xf32>
        %max3A_2368 = arith.maximumf %max3A_2144, %add3A_2367 : vector<16xf32>
        %slice3A_2369 = vector.extract_strided_slice %get3A_425 {offsets = [8], sizes = [1], strides = [1]} : vector<16xf32> to vector<1xf32>
        %squeeze3A_2370 = vector.extract %slice3A_2369[0] : f32 from vector<1xf32>
        %add3A_2371 = vector.broadcast %squeeze3A_2370 : f32 to vector<16xf32>
        %add3A_2372 = arith.addf %get3A_2232, %add3A_2371 : vector<16xf32>
        %max3A_2373 = arith.maximumf %max3A_2149, %add3A_2372 : vector<16xf32>
        %slice3A_2374 = vector.extract_strided_slice %get3A_425 {offsets = [8], sizes = [1], strides = [1]} : vector<16xf32> to vector<1xf32>
        %squeeze3A_2375 = vector.extract %slice3A_2374[0] : f32 from vector<1xf32>
        %add3A_2376 = vector.broadcast %squeeze3A_2375 : f32 to vector<16xf32>
        %add3A_2377 = arith.addf %get3A_2240, %add3A_2376 : vector<16xf32>
        %max3A_2378 = arith.maximumf %max3A_2154, %add3A_2377 : vector<16xf32>
        %slice3A_2379 = vector.extract_strided_slice %get3A_425 {offsets = [8], sizes = [1], strides = [1]} : vector<16xf32> to vector<1xf32>
        %squeeze3A_2380 = vector.extract %slice3A_2379[0] : f32 from vector<1xf32>
        %add3A_2381 = vector.broadcast %squeeze3A_2380 : f32 to vector<16xf32>
        %add3A_2382 = arith.addf %get3A_2248, %add3A_2381 : vector<16xf32>
        %max3A_2383 = arith.maximumf %max3A_2159, %add3A_2382 : vector<16xf32>
        %slice3A_2384 = vector.extract_strided_slice %get3A_425 {offsets = [8], sizes = [1], strides = [1]} : vector<16xf32> to vector<1xf32>
        %squeeze3A_2385 = vector.extract %slice3A_2384[0] : f32 from vector<1xf32>
        %add3A_2386 = vector.broadcast %squeeze3A_2385 : f32 to vector<16xf32>
        %add3A_2387 = arith.addf %get3A_2256, %add3A_2386 : vector<16xf32>
        %max3A_2388 = arith.maximumf %max3A_2164, %add3A_2387 : vector<16xf32>
        %slice3A_2389 = vector.extract_strided_slice %get3A_425 {offsets = [8], sizes = [1], strides = [1]} : vector<16xf32> to vector<1xf32>
        %squeeze3A_2390 = vector.extract %slice3A_2389[0] : f32 from vector<1xf32>
        %add3A_2391 = vector.broadcast %squeeze3A_2390 : f32 to vector<16xf32>
        %add3A_2392 = arith.addf %get3A_2264, %add3A_2391 : vector<16xf32>
        %max3A_2393 = arith.maximumf %max3A_2169, %add3A_2392 : vector<16xf32>
        %slice3A_2394 = vector.extract_strided_slice %get3A_425 {offsets = [8], sizes = [1], strides = [1]} : vector<16xf32> to vector<1xf32>
        %squeeze3A_2395 = vector.extract %slice3A_2394[0] : f32 from vector<1xf32>
        %add3A_2396 = vector.broadcast %squeeze3A_2395 : f32 to vector<16xf32>
        %add3A_2397 = arith.addf %get3A_2272, %add3A_2396 : vector<16xf32>
        %max3A_2398 = arith.maximumf %max3A_2174, %add3A_2397 : vector<16xf32>
        %slice3A_2399 = vector.extract_strided_slice %get3A_425 {offsets = [8], sizes = [1], strides = [1]} : vector<16xf32> to vector<1xf32>
        %squeeze3A_2400 = vector.extract %slice3A_2399[0] : f32 from vector<1xf32>
        %add3A_2401 = vector.broadcast %squeeze3A_2400 : f32 to vector<16xf32>
        %add3A_2402 = arith.addf %get3A_2280, %add3A_2401 : vector<16xf32>
        %max3A_2403 = arith.maximumf %max3A_2179, %add3A_2402 : vector<16xf32>
        %slice3A_2404 = vector.extract_strided_slice %get3A_425 {offsets = [8], sizes = [1], strides = [1]} : vector<16xf32> to vector<1xf32>
        %squeeze3A_2405 = vector.extract %slice3A_2404[0] : f32 from vector<1xf32>
        %add3A_2406 = vector.broadcast %squeeze3A_2405 : f32 to vector<16xf32>
        %add3A_2407 = arith.addf %get3A_2288, %add3A_2406 : vector<16xf32>
        %max3A_2408 = arith.maximumf %max3A_2184, %add3A_2407 : vector<16xf32>
        %slice3A_2409 = vector.extract_strided_slice %get3A_435 {offsets = [8], sizes = [1], strides = [1]} : vector<16xf32> to vector<1xf32>
        %squeeze3A_2410 = vector.extract %slice3A_2409[0] : f32 from vector<1xf32>
        %add3A_2411 = vector.broadcast %squeeze3A_2410 : f32 to vector<16xf32>
        %add3A_2412 = arith.addf %get3A_2232, %add3A_2411 : vector<16xf32>
        %max3A_2413 = arith.maximumf %max3A_2189, %add3A_2412 : vector<16xf32>
        %slice3A_2414 = vector.extract_strided_slice %get3A_435 {offsets = [8], sizes = [1], strides = [1]} : vector<16xf32> to vector<1xf32>
        %squeeze3A_2415 = vector.extract %slice3A_2414[0] : f32 from vector<1xf32>
        %add3A_2416 = vector.broadcast %squeeze3A_2415 : f32 to vector<16xf32>
        %add3A_2417 = arith.addf %get3A_2240, %add3A_2416 : vector<16xf32>
        %max3A_2418 = arith.maximumf %max3A_2194, %add3A_2417 : vector<16xf32>
        %slice3A_2419 = vector.extract_strided_slice %get3A_435 {offsets = [8], sizes = [1], strides = [1]} : vector<16xf32> to vector<1xf32>
        %squeeze3A_2420 = vector.extract %slice3A_2419[0] : f32 from vector<1xf32>
        %add3A_2421 = vector.broadcast %squeeze3A_2420 : f32 to vector<16xf32>
        %add3A_2422 = arith.addf %get3A_2248, %add3A_2421 : vector<16xf32>
        %max3A_2423 = arith.maximumf %max3A_2199, %add3A_2422 : vector<16xf32>
        %slice3A_2424 = vector.extract_strided_slice %get3A_435 {offsets = [8], sizes = [1], strides = [1]} : vector<16xf32> to vector<1xf32>
        %squeeze3A_2425 = vector.extract %slice3A_2424[0] : f32 from vector<1xf32>
        %add3A_2426 = vector.broadcast %squeeze3A_2425 : f32 to vector<16xf32>
        %add3A_2427 = arith.addf %get3A_2256, %add3A_2426 : vector<16xf32>
        %max3A_2428 = arith.maximumf %max3A_2204, %add3A_2427 : vector<16xf32>
        %slice3A_2429 = vector.extract_strided_slice %get3A_435 {offsets = [8], sizes = [1], strides = [1]} : vector<16xf32> to vector<1xf32>
        %squeeze3A_2430 = vector.extract %slice3A_2429[0] : f32 from vector<1xf32>
        %add3A_2431 = vector.broadcast %squeeze3A_2430 : f32 to vector<16xf32>
        %add3A_2432 = arith.addf %get3A_2264, %add3A_2431 : vector<16xf32>
        %max3A_2433 = arith.maximumf %max3A_2209, %add3A_2432 : vector<16xf32>
        %slice3A_2434 = vector.extract_strided_slice %get3A_435 {offsets = [8], sizes = [1], strides = [1]} : vector<16xf32> to vector<1xf32>
        %squeeze3A_2435 = vector.extract %slice3A_2434[0] : f32 from vector<1xf32>
        %add3A_2436 = vector.broadcast %squeeze3A_2435 : f32 to vector<16xf32>
        %add3A_2437 = arith.addf %get3A_2272, %add3A_2436 : vector<16xf32>
        %max3A_2438 = arith.maximumf %max3A_2214, %add3A_2437 : vector<16xf32>
        %slice3A_2439 = vector.extract_strided_slice %get3A_435 {offsets = [8], sizes = [1], strides = [1]} : vector<16xf32> to vector<1xf32>
        %squeeze3A_2440 = vector.extract %slice3A_2439[0] : f32 from vector<1xf32>
        %add3A_2441 = vector.broadcast %squeeze3A_2440 : f32 to vector<16xf32>
        %add3A_2442 = arith.addf %get3A_2280, %add3A_2441 : vector<16xf32>
        %max3A_2443 = arith.maximumf %max3A_2219, %add3A_2442 : vector<16xf32>
        %slice3A_2444 = vector.extract_strided_slice %get3A_435 {offsets = [8], sizes = [1], strides = [1]} : vector<16xf32> to vector<1xf32>
        %squeeze3A_2445 = vector.extract %slice3A_2444[0] : f32 from vector<1xf32>
        %add3A_2446 = vector.broadcast %squeeze3A_2445 : f32 to vector<16xf32>
        %add3A_2447 = arith.addf %get3A_2288, %add3A_2446 : vector<16xf32>
        %max3A_2448 = arith.maximumf %max3A_2224, %add3A_2447 : vector<16xf32>
        %mul3A_2449 = arith.constant 16 : i32
        %mul3A_2450 = arith.muli %mul3A_2449, %scan3A_364 : i32
        %add3A_2451 = arith.constant 9 : i32
        %add3A_2452 = arith.addi %mul3A_2450, %add3A_2451 : i32
        %get3A_2453 = arith.index_cast %add3A_2452 : i32 to index
        %get3A_2454 = arith.constant 0 : index
        %get3A_2455 = tpu.vector_load %arg5[%get3A_2453, %get3A_2454] {strides = array<i32>} : memref<256x128xf32, #tpu.memory_space<vmem>>, vector<1x16xf32>,
        %get3A_2456 = vector.shape_cast %get3A_2455 : vector<1x16xf32> to vector<16xf32>
        %mul3A_2457 = arith.constant 16 : i32
        %mul3A_2458 = arith.muli %mul3A_2457, %scan3A_364 : i32
        %add3A_2459 = arith.constant 9 : i32
        %add3A_2460 = arith.addi %mul3A_2458, %add3A_2459 : i32
        %get3A_2461 = arith.index_cast %add3A_2460 : i32 to index
        %get3A_2462 = arith.constant 16 : index
        %get3A_2463 = tpu.vector_load %arg5[%get3A_2461, %get3A_2462] {strides = array<i32>} : memref<256x128xf32, #tpu.memory_space<vmem>>, vector<1x16xf32>,
        %get3A_2464 = vector.shape_cast %get3A_2463 : vector<1x16xf32> to vector<16xf32>
        %mul3A_2465 = arith.constant 16 : i32
        %mul3A_2466 = arith.muli %mul3A_2465, %scan3A_364 : i32
        %add3A_2467 = arith.constant 9 : i32
        %add3A_2468 = arith.addi %mul3A_2466, %add3A_2467 : i32
        %get3A_2469 = arith.index_cast %add3A_2468 : i32 to index
        %get3A_2470 = arith.constant 32 : index
        %get3A_2471 = tpu.vector_load %arg5[%get3A_2469, %get3A_2470] {strides = array<i32>} : memref<256x128xf32, #tpu.memory_space<vmem>>, vector<1x16xf32>,
        %get3A_2472 = vector.shape_cast %get3A_2471 : vector<1x16xf32> to vector<16xf32>
        %mul3A_2473 = arith.constant 16 : i32
        %mul3A_2474 = arith.muli %mul3A_2473, %scan3A_364 : i32
        %add3A_2475 = arith.constant 9 : i32
        %add3A_2476 = arith.addi %mul3A_2474, %add3A_2475 : i32
        %get3A_2477 = arith.index_cast %add3A_2476 : i32 to index
        %get3A_2478 = arith.constant 48 : index
        %get3A_2479 = tpu.vector_load %arg5[%get3A_2477, %get3A_2478] {strides = array<i32>} : memref<256x128xf32, #tpu.memory_space<vmem>>, vector<1x16xf32>,
        %get3A_2480 = vector.shape_cast %get3A_2479 : vector<1x16xf32> to vector<16xf32>
        %mul3A_2481 = arith.constant 16 : i32
        %mul3A_2482 = arith.muli %mul3A_2481, %scan3A_364 : i32
        %add3A_2483 = arith.constant 9 : i32
        %add3A_2484 = arith.addi %mul3A_2482, %add3A_2483 : i32
        %get3A_2485 = arith.index_cast %add3A_2484 : i32 to index
        %get3A_2486 = arith.constant 64 : index
        %get3A_2487 = tpu.vector_load %arg5[%get3A_2485, %get3A_2486] {strides = array<i32>} : memref<256x128xf32, #tpu.memory_space<vmem>>, vector<1x16xf32>,
        %get3A_2488 = vector.shape_cast %get3A_2487 : vector<1x16xf32> to vector<16xf32>
        %mul3A_2489 = arith.constant 16 : i32
        %mul3A_2490 = arith.muli %mul3A_2489, %scan3A_364 : i32
        %add3A_2491 = arith.constant 9 : i32
        %add3A_2492 = arith.addi %mul3A_2490, %add3A_2491 : i32
        %get3A_2493 = arith.index_cast %add3A_2492 : i32 to index
        %get3A_2494 = arith.constant 80 : index
        %get3A_2495 = tpu.vector_load %arg5[%get3A_2493, %get3A_2494] {strides = array<i32>} : memref<256x128xf32, #tpu.memory_space<vmem>>, vector<1x16xf32>,
        %get3A_2496 = vector.shape_cast %get3A_2495 : vector<1x16xf32> to vector<16xf32>
        %mul3A_2497 = arith.constant 16 : i32
        %mul3A_2498 = arith.muli %mul3A_2497, %scan3A_364 : i32
        %add3A_2499 = arith.constant 9 : i32
        %add3A_2500 = arith.addi %mul3A_2498, %add3A_2499 : i32
        %get3A_2501 = arith.index_cast %add3A_2500 : i32 to index
        %get3A_2502 = arith.constant 96 : index
        %get3A_2503 = tpu.vector_load %arg5[%get3A_2501, %get3A_2502] {strides = array<i32>} : memref<256x128xf32, #tpu.memory_space<vmem>>, vector<1x16xf32>,
        %get3A_2504 = vector.shape_cast %get3A_2503 : vector<1x16xf32> to vector<16xf32>
        %mul3A_2505 = arith.constant 16 : i32
        %mul3A_2506 = arith.muli %mul3A_2505, %scan3A_364 : i32
        %add3A_2507 = arith.constant 9 : i32
        %add3A_2508 = arith.addi %mul3A_2506, %add3A_2507 : i32
        %get3A_2509 = arith.index_cast %add3A_2508 : i32 to index
        %get3A_2510 = arith.constant 112 : index
        %get3A_2511 = tpu.vector_load %arg5[%get3A_2509, %get3A_2510] {strides = array<i32>} : memref<256x128xf32, #tpu.memory_space<vmem>>, vector<1x16xf32>,
        %get3A_2512 = vector.shape_cast %get3A_2511 : vector<1x16xf32> to vector<16xf32>
        %slice3A_2513 = vector.extract_strided_slice %get3A_405 {offsets = [9], sizes = [1], strides = [1]} : vector<16xf32> to vector<1xf32>
        %squeeze3A_2514 = vector.extract %slice3A_2513[0] : f32 from vector<1xf32>
        %add3A_2515 = vector.broadcast %squeeze3A_2514 : f32 to vector<16xf32>
        %add3A_2516 = arith.addf %get3A_2456, %add3A_2515 : vector<16xf32>
        %max3A_2517 = arith.maximumf %max3A_2293, %add3A_2516 : vector<16xf32>
        %slice3A_2518 = vector.extract_strided_slice %get3A_405 {offsets = [9], sizes = [1], strides = [1]} : vector<16xf32> to vector<1xf32>
        %squeeze3A_2519 = vector.extract %slice3A_2518[0] : f32 from vector<1xf32>
        %add3A_2520 = vector.broadcast %squeeze3A_2519 : f32 to vector<16xf32>
        %add3A_2521 = arith.addf %get3A_2464, %add3A_2520 : vector<16xf32>
        %max3A_2522 = arith.maximumf %max3A_2298, %add3A_2521 : vector<16xf32>
        %slice3A_2523 = vector.extract_strided_slice %get3A_405 {offsets = [9], sizes = [1], strides = [1]} : vector<16xf32> to vector<1xf32>
        %squeeze3A_2524 = vector.extract %slice3A_2523[0] : f32 from vector<1xf32>
        %add3A_2525 = vector.broadcast %squeeze3A_2524 : f32 to vector<16xf32>
        %add3A_2526 = arith.addf %get3A_2472, %add3A_2525 : vector<16xf32>
        %max3A_2527 = arith.maximumf %max3A_2303, %add3A_2526 : vector<16xf32>
        %slice3A_2528 = vector.extract_strided_slice %get3A_405 {offsets = [9], sizes = [1], strides = [1]} : vector<16xf32> to vector<1xf32>
        %squeeze3A_2529 = vector.extract %slice3A_2528[0] : f32 from vector<1xf32>
        %add3A_2530 = vector.broadcast %squeeze3A_2529 : f32 to vector<16xf32>
        %add3A_2531 = arith.addf %get3A_2480, %add3A_2530 : vector<16xf32>
        %max3A_2532 = arith.maximumf %max3A_2308, %add3A_2531 : vector<16xf32>
        %slice3A_2533 = vector.extract_strided_slice %get3A_405 {offsets = [9], sizes = [1], strides = [1]} : vector<16xf32> to vector<1xf32>
        %squeeze3A_2534 = vector.extract %slice3A_2533[0] : f32 from vector<1xf32>
        %add3A_2535 = vector.broadcast %squeeze3A_2534 : f32 to vector<16xf32>
        %add3A_2536 = arith.addf %get3A_2488, %add3A_2535 : vector<16xf32>
        %max3A_2537 = arith.maximumf %max3A_2313, %add3A_2536 : vector<16xf32>
        %slice3A_2538 = vector.extract_strided_slice %get3A_405 {offsets = [9], sizes = [1], strides = [1]} : vector<16xf32> to vector<1xf32>
        %squeeze3A_2539 = vector.extract %slice3A_2538[0] : f32 from vector<1xf32>
        %add3A_2540 = vector.broadcast %squeeze3A_2539 : f32 to vector<16xf32>
        %add3A_2541 = arith.addf %get3A_2496, %add3A_2540 : vector<16xf32>
        %max3A_2542 = arith.maximumf %max3A_2318, %add3A_2541 : vector<16xf32>
        %slice3A_2543 = vector.extract_strided_slice %get3A_405 {offsets = [9], sizes = [1], strides = [1]} : vector<16xf32> to vector<1xf32>
        %squeeze3A_2544 = vector.extract %slice3A_2543[0] : f32 from vector<1xf32>
        %add3A_2545 = vector.broadcast %squeeze3A_2544 : f32 to vector<16xf32>
        %add3A_2546 = arith.addf %get3A_2504, %add3A_2545 : vector<16xf32>
        %max3A_2547 = arith.maximumf %max3A_2323, %add3A_2546 : vector<16xf32>
        %slice3A_2548 = vector.extract_strided_slice %get3A_405 {offsets = [9], sizes = [1], strides = [1]} : vector<16xf32> to vector<1xf32>
        %squeeze3A_2549 = vector.extract %slice3A_2548[0] : f32 from vector<1xf32>
        %add3A_2550 = vector.broadcast %squeeze3A_2549 : f32 to vector<16xf32>
        %add3A_2551 = arith.addf %get3A_2512, %add3A_2550 : vector<16xf32>
        %max3A_2552 = arith.maximumf %max3A_2328, %add3A_2551 : vector<16xf32>
        %slice3A_2553 = vector.extract_strided_slice %get3A_415 {offsets = [9], sizes = [1], strides = [1]} : vector<16xf32> to vector<1xf32>
        %squeeze3A_2554 = vector.extract %slice3A_2553[0] : f32 from vector<1xf32>
        %add3A_2555 = vector.broadcast %squeeze3A_2554 : f32 to vector<16xf32>
        %add3A_2556 = arith.addf %get3A_2456, %add3A_2555 : vector<16xf32>
        %max3A_2557 = arith.maximumf %max3A_2333, %add3A_2556 : vector<16xf32>
        %slice3A_2558 = vector.extract_strided_slice %get3A_415 {offsets = [9], sizes = [1], strides = [1]} : vector<16xf32> to vector<1xf32>
        %squeeze3A_2559 = vector.extract %slice3A_2558[0] : f32 from vector<1xf32>
        %add3A_2560 = vector.broadcast %squeeze3A_2559 : f32 to vector<16xf32>
        %add3A_2561 = arith.addf %get3A_2464, %add3A_2560 : vector<16xf32>
        %max3A_2562 = arith.maximumf %max3A_2338, %add3A_2561 : vector<16xf32>
        %slice3A_2563 = vector.extract_strided_slice %get3A_415 {offsets = [9], sizes = [1], strides = [1]} : vector<16xf32> to vector<1xf32>
        %squeeze3A_2564 = vector.extract %slice3A_2563[0] : f32 from vector<1xf32>
        %add3A_2565 = vector.broadcast %squeeze3A_2564 : f32 to vector<16xf32>
        %add3A_2566 = arith.addf %get3A_2472, %add3A_2565 : vector<16xf32>
        %max3A_2567 = arith.maximumf %max3A_2343, %add3A_2566 : vector<16xf32>
        %slice3A_2568 = vector.extract_strided_slice %get3A_415 {offsets = [9], sizes = [1], strides = [1]} : vector<16xf32> to vector<1xf32>
        %squeeze3A_2569 = vector.extract %slice3A_2568[0] : f32 from vector<1xf32>
        %add3A_2570 = vector.broadcast %squeeze3A_2569 : f32 to vector<16xf32>
        %add3A_2571 = arith.addf %get3A_2480, %add3A_2570 : vector<16xf32>
        %max3A_2572 = arith.maximumf %max3A_2348, %add3A_2571 : vector<16xf32>
        %slice3A_2573 = vector.extract_strided_slice %get3A_415 {offsets = [9], sizes = [1], strides = [1]} : vector<16xf32> to vector<1xf32>
        %squeeze3A_2574 = vector.extract %slice3A_2573[0] : f32 from vector<1xf32>
        %add3A_2575 = vector.broadcast %squeeze3A_2574 : f32 to vector<16xf32>
        %add3A_2576 = arith.addf %get3A_2488, %add3A_2575 : vector<16xf32>
        %max3A_2577 = arith.maximumf %max3A_2353, %add3A_2576 : vector<16xf32>
        %slice3A_2578 = vector.extract_strided_slice %get3A_415 {offsets = [9], sizes = [1], strides = [1]} : vector<16xf32> to vector<1xf32>
        %squeeze3A_2579 = vector.extract %slice3A_2578[0] : f32 from vector<1xf32>
        %add3A_2580 = vector.broadcast %squeeze3A_2579 : f32 to vector<16xf32>
        %add3A_2581 = arith.addf %get3A_2496, %add3A_2580 : vector<16xf32>
        %max3A_2582 = arith.maximumf %max3A_2358, %add3A_2581 : vector<16xf32>
        %slice3A_2583 = vector.extract_strided_slice %get3A_415 {offsets = [9], sizes = [1], strides = [1]} : vector<16xf32> to vector<1xf32>
        %squeeze3A_2584 = vector.extract %slice3A_2583[0] : f32 from vector<1xf32>
        %add3A_2585 = vector.broadcast %squeeze3A_2584 : f32 to vector<16xf32>
        %add3A_2586 = arith.addf %get3A_2504, %add3A_2585 : vector<16xf32>
        %max3A_2587 = arith.maximumf %max3A_2363, %add3A_2586 : vector<16xf32>
        %slice3A_2588 = vector.extract_strided_slice %get3A_415 {offsets = [9], sizes = [1], strides = [1]} : vector<16xf32> to vector<1xf32>
        %squeeze3A_2589 = vector.extract %slice3A_2588[0] : f32 from vector<1xf32>
        %add3A_2590 = vector.broadcast %squeeze3A_2589 : f32 to vector<16xf32>
        %add3A_2591 = arith.addf %get3A_2512, %add3A_2590 : vector<16xf32>
        %max3A_2592 = arith.maximumf %max3A_2368, %add3A_2591 : vector<16xf32>
        %slice3A_2593 = vector.extract_strided_slice %get3A_425 {offsets = [9], sizes = [1], strides = [1]} : vector<16xf32> to vector<1xf32>
        %squeeze3A_2594 = vector.extract %slice3A_2593[0] : f32 from vector<1xf32>
        %add3A_2595 = vector.broadcast %squeeze3A_2594 : f32 to vector<16xf32>
        %add3A_2596 = arith.addf %get3A_2456, %add3A_2595 : vector<16xf32>
        %max3A_2597 = arith.maximumf %max3A_2373, %add3A_2596 : vector<16xf32>
        %slice3A_2598 = vector.extract_strided_slice %get3A_425 {offsets = [9], sizes = [1], strides = [1]} : vector<16xf32> to vector<1xf32>
        %squeeze3A_2599 = vector.extract %slice3A_2598[0] : f32 from vector<1xf32>
        %add3A_2600 = vector.broadcast %squeeze3A_2599 : f32 to vector<16xf32>
        %add3A_2601 = arith.addf %get3A_2464, %add3A_2600 : vector<16xf32>
        %max3A_2602 = arith.maximumf %max3A_2378, %add3A_2601 : vector<16xf32>
        %slice3A_2603 = vector.extract_strided_slice %get3A_425 {offsets = [9], sizes = [1], strides = [1]} : vector<16xf32> to vector<1xf32>
        %squeeze3A_2604 = vector.extract %slice3A_2603[0] : f32 from vector<1xf32>
        %add3A_2605 = vector.broadcast %squeeze3A_2604 : f32 to vector<16xf32>
        %add3A_2606 = arith.addf %get3A_2472, %add3A_2605 : vector<16xf32>
        %max3A_2607 = arith.maximumf %max3A_2383, %add3A_2606 : vector<16xf32>
        %slice3A_2608 = vector.extract_strided_slice %get3A_425 {offsets = [9], sizes = [1], strides = [1]} : vector<16xf32> to vector<1xf32>
        %squeeze3A_2609 = vector.extract %slice3A_2608[0] : f32 from vector<1xf32>
        %add3A_2610 = vector.broadcast %squeeze3A_2609 : f32 to vector<16xf32>
        %add3A_2611 = arith.addf %get3A_2480, %add3A_2610 : vector<16xf32>
        %max3A_2612 = arith.maximumf %max3A_2388, %add3A_2611 : vector<16xf32>
        %slice3A_2613 = vector.extract_strided_slice %get3A_425 {offsets = [9], sizes = [1], strides = [1]} : vector<16xf32> to vector<1xf32>
        %squeeze3A_2614 = vector.extract %slice3A_2613[0] : f32 from vector<1xf32>
        %add3A_2615 = vector.broadcast %squeeze3A_2614 : f32 to vector<16xf32>
        %add3A_2616 = arith.addf %get3A_2488, %add3A_2615 : vector<16xf32>
        %max3A_2617 = arith.maximumf %max3A_2393, %add3A_2616 : vector<16xf32>
        %slice3A_2618 = vector.extract_strided_slice %get3A_425 {offsets = [9], sizes = [1], strides = [1]} : vector<16xf32> to vector<1xf32>
        %squeeze3A_2619 = vector.extract %slice3A_2618[0] : f32 from vector<1xf32>
        %add3A_2620 = vector.broadcast %squeeze3A_2619 : f32 to vector<16xf32>
        %add3A_2621 = arith.addf %get3A_2496, %add3A_2620 : vector<16xf32>
        %max3A_2622 = arith.maximumf %max3A_2398, %add3A_2621 : vector<16xf32>
        %slice3A_2623 = vector.extract_strided_slice %get3A_425 {offsets = [9], sizes = [1], strides = [1]} : vector<16xf32> to vector<1xf32>
        %squeeze3A_2624 = vector.extract %slice3A_2623[0] : f32 from vector<1xf32>
        %add3A_2625 = vector.broadcast %squeeze3A_2624 : f32 to vector<16xf32>
        %add3A_2626 = arith.addf %get3A_2504, %add3A_2625 : vector<16xf32>
        %max3A_2627 = arith.maximumf %max3A_2403, %add3A_2626 : vector<16xf32>
        %slice3A_2628 = vector.extract_strided_slice %get3A_425 {offsets = [9], sizes = [1], strides = [1]} : vector<16xf32> to vector<1xf32>
        %squeeze3A_2629 = vector.extract %slice3A_2628[0] : f32 from vector<1xf32>
        %add3A_2630 = vector.broadcast %squeeze3A_2629 : f32 to vector<16xf32>
        %add3A_2631 = arith.addf %get3A_2512, %add3A_2630 : vector<16xf32>
        %max3A_2632 = arith.maximumf %max3A_2408, %add3A_2631 : vector<16xf32>
        %slice3A_2633 = vector.extract_strided_slice %get3A_435 {offsets = [9], sizes = [1], strides = [1]} : vector<16xf32> to vector<1xf32>
        %squeeze3A_2634 = vector.extract %slice3A_2633[0] : f32 from vector<1xf32>
        %add3A_2635 = vector.broadcast %squeeze3A_2634 : f32 to vector<16xf32>
        %add3A_2636 = arith.addf %get3A_2456, %add3A_2635 : vector<16xf32>
        %max3A_2637 = arith.maximumf %max3A_2413, %add3A_2636 : vector<16xf32>
        %slice3A_2638 = vector.extract_strided_slice %get3A_435 {offsets = [9], sizes = [1], strides = [1]} : vector<16xf32> to vector<1xf32>
        %squeeze3A_2639 = vector.extract %slice3A_2638[0] : f32 from vector<1xf32>
        %add3A_2640 = vector.broadcast %squeeze3A_2639 : f32 to vector<16xf32>
        %add3A_2641 = arith.addf %get3A_2464, %add3A_2640 : vector<16xf32>
        %max3A_2642 = arith.maximumf %max3A_2418, %add3A_2641 : vector<16xf32>
        %slice3A_2643 = vector.extract_strided_slice %get3A_435 {offsets = [9], sizes = [1], strides = [1]} : vector<16xf32> to vector<1xf32>
        %squeeze3A_2644 = vector.extract %slice3A_2643[0] : f32 from vector<1xf32>
        %add3A_2645 = vector.broadcast %squeeze3A_2644 : f32 to vector<16xf32>
        %add3A_2646 = arith.addf %get3A_2472, %add3A_2645 : vector<16xf32>
        %max3A_2647 = arith.maximumf %max3A_2423, %add3A_2646 : vector<16xf32>
        %slice3A_2648 = vector.extract_strided_slice %get3A_435 {offsets = [9], sizes = [1], strides = [1]} : vector<16xf32> to vector<1xf32>
        %squeeze3A_2649 = vector.extract %slice3A_2648[0] : f32 from vector<1xf32>
        %add3A_2650 = vector.broadcast %squeeze3A_2649 : f32 to vector<16xf32>
        %add3A_2651 = arith.addf %get3A_2480, %add3A_2650 : vector<16xf32>
        %max3A_2652 = arith.maximumf %max3A_2428, %add3A_2651 : vector<16xf32>
        %slice3A_2653 = vector.extract_strided_slice %get3A_435 {offsets = [9], sizes = [1], strides = [1]} : vector<16xf32> to vector<1xf32>
        %squeeze3A_2654 = vector.extract %slice3A_2653[0] : f32 from vector<1xf32>
        %add3A_2655 = vector.broadcast %squeeze3A_2654 : f32 to vector<16xf32>
        %add3A_2656 = arith.addf %get3A_2488, %add3A_2655 : vector<16xf32>
        %max3A_2657 = arith.maximumf %max3A_2433, %add3A_2656 : vector<16xf32>
        %slice3A_2658 = vector.extract_strided_slice %get3A_435 {offsets = [9], sizes = [1], strides = [1]} : vector<16xf32> to vector<1xf32>
        %squeeze3A_2659 = vector.extract %slice3A_2658[0] : f32 from vector<1xf32>
        %add3A_2660 = vector.broadcast %squeeze3A_2659 : f32 to vector<16xf32>
        %add3A_2661 = arith.addf %get3A_2496, %add3A_2660 : vector<16xf32>
        %max3A_2662 = arith.maximumf %max3A_2438, %add3A_2661 : vector<16xf32>
        %slice3A_2663 = vector.extract_strided_slice %get3A_435 {offsets = [9], sizes = [1], strides = [1]} : vector<16xf32> to vector<1xf32>
        %squeeze3A_2664 = vector.extract %slice3A_2663[0] : f32 from vector<1xf32>
        %add3A_2665 = vector.broadcast %squeeze3A_2664 : f32 to vector<16xf32>
        %add3A_2666 = arith.addf %get3A_2504, %add3A_2665 : vector<16xf32>
        %max3A_2667 = arith.maximumf %max3A_2443, %add3A_2666 : vector<16xf32>
        %slice3A_2668 = vector.extract_strided_slice %get3A_435 {offsets = [9], sizes = [1], strides = [1]} : vector<16xf32> to vector<1xf32>
        %squeeze3A_2669 = vector.extract %slice3A_2668[0] : f32 from vector<1xf32>
        %add3A_2670 = vector.broadcast %squeeze3A_2669 : f32 to vector<16xf32>
        %add3A_2671 = arith.addf %get3A_2512, %add3A_2670 : vector<16xf32>
        %max3A_2672 = arith.maximumf %max3A_2448, %add3A_2671 : vector<16xf32>
        %mul3A_2673 = arith.constant 16 : i32
        %mul3A_2674 = arith.muli %mul3A_2673, %scan3A_364 : i32
        %add3A_2675 = arith.constant 10 : i32
        %add3A_2676 = arith.addi %mul3A_2674, %add3A_2675 : i32
        %get3A_2677 = arith.index_cast %add3A_2676 : i32 to index
        %get3A_2678 = arith.constant 0 : index
        %get3A_2679 = tpu.vector_load %arg5[%get3A_2677, %get3A_2678] {strides = array<i32>} : memref<256x128xf32, #tpu.memory_space<vmem>>, vector<1x16xf32>,
        %get3A_2680 = vector.shape_cast %get3A_2679 : vector<1x16xf32> to vector<16xf32>
        %mul3A_2681 = arith.constant 16 : i32
        %mul3A_2682 = arith.muli %mul3A_2681, %scan3A_364 : i32
        %add3A_2683 = arith.constant 10 : i32
        %add3A_2684 = arith.addi %mul3A_2682, %add3A_2683 : i32
        %get3A_2685 = arith.index_cast %add3A_2684 : i32 to index
        %get3A_2686 = arith.constant 16 : index
        %get3A_2687 = tpu.vector_load %arg5[%get3A_2685, %get3A_2686] {strides = array<i32>} : memref<256x128xf32, #tpu.memory_space<vmem>>, vector<1x16xf32>,
        %get3A_2688 = vector.shape_cast %get3A_2687 : vector<1x16xf32> to vector<16xf32>
        %mul3A_2689 = arith.constant 16 : i32
        %mul3A_2690 = arith.muli %mul3A_2689, %scan3A_364 : i32
        %add3A_2691 = arith.constant 10 : i32
        %add3A_2692 = arith.addi %mul3A_2690, %add3A_2691 : i32
        %get3A_2693 = arith.index_cast %add3A_2692 : i32 to index
        %get3A_2694 = arith.constant 32 : index
        %get3A_2695 = tpu.vector_load %arg5[%get3A_2693, %get3A_2694] {strides = array<i32>} : memref<256x128xf32, #tpu.memory_space<vmem>>, vector<1x16xf32>,
        %get3A_2696 = vector.shape_cast %get3A_2695 : vector<1x16xf32> to vector<16xf32>
        %mul3A_2697 = arith.constant 16 : i32
        %mul3A_2698 = arith.muli %mul3A_2697, %scan3A_364 : i32
        %add3A_2699 = arith.constant 10 : i32
        %add3A_2700 = arith.addi %mul3A_2698, %add3A_2699 : i32
        %get3A_2701 = arith.index_cast %add3A_2700 : i32 to index
        %get3A_2702 = arith.constant 48 : index
        %get3A_2703 = tpu.vector_load %arg5[%get3A_2701, %get3A_2702] {strides = array<i32>} : memref<256x128xf32, #tpu.memory_space<vmem>>, vector<1x16xf32>,
        %get3A_2704 = vector.shape_cast %get3A_2703 : vector<1x16xf32> to vector<16xf32>
        %mul3A_2705 = arith.constant 16 : i32
        %mul3A_2706 = arith.muli %mul3A_2705, %scan3A_364 : i32
        %add3A_2707 = arith.constant 10 : i32
        %add3A_2708 = arith.addi %mul3A_2706, %add3A_2707 : i32
        %get3A_2709 = arith.index_cast %add3A_2708 : i32 to index
        %get3A_2710 = arith.constant 64 : index
        %get3A_2711 = tpu.vector_load %arg5[%get3A_2709, %get3A_2710] {strides = array<i32>} : memref<256x128xf32, #tpu.memory_space<vmem>>, vector<1x16xf32>,
        %get3A_2712 = vector.shape_cast %get3A_2711 : vector<1x16xf32> to vector<16xf32>
        %mul3A_2713 = arith.constant 16 : i32
        %mul3A_2714 = arith.muli %mul3A_2713, %scan3A_364 : i32
        %add3A_2715 = arith.constant 10 : i32
        %add3A_2716 = arith.addi %mul3A_2714, %add3A_2715 : i32
        %get3A_2717 = arith.index_cast %add3A_2716 : i32 to index
        %get3A_2718 = arith.constant 80 : index
        %get3A_2719 = tpu.vector_load %arg5[%get3A_2717, %get3A_2718] {strides = array<i32>} : memref<256x128xf32, #tpu.memory_space<vmem>>, vector<1x16xf32>,
        %get3A_2720 = vector.shape_cast %get3A_2719 : vector<1x16xf32> to vector<16xf32>
        %mul3A_2721 = arith.constant 16 : i32
        %mul3A_2722 = arith.muli %mul3A_2721, %scan3A_364 : i32
        %add3A_2723 = arith.constant 10 : i32
        %add3A_2724 = arith.addi %mul3A_2722, %add3A_2723 : i32
        %get3A_2725 = arith.index_cast %add3A_2724 : i32 to index
        %get3A_2726 = arith.constant 96 : index
        %get3A_2727 = tpu.vector_load %arg5[%get3A_2725, %get3A_2726] {strides = array<i32>} : memref<256x128xf32, #tpu.memory_space<vmem>>, vector<1x16xf32>,
        %get3A_2728 = vector.shape_cast %get3A_2727 : vector<1x16xf32> to vector<16xf32>
        %mul3A_2729 = arith.constant 16 : i32
        %mul3A_2730 = arith.muli %mul3A_2729, %scan3A_364 : i32
        %add3A_2731 = arith.constant 10 : i32
        %add3A_2732 = arith.addi %mul3A_2730, %add3A_2731 : i32
        %get3A_2733 = arith.index_cast %add3A_2732 : i32 to index
        %get3A_2734 = arith.constant 112 : index
        %get3A_2735 = tpu.vector_load %arg5[%get3A_2733, %get3A_2734] {strides = array<i32>} : memref<256x128xf32, #tpu.memory_space<vmem>>, vector<1x16xf32>,
        %get3A_2736 = vector.shape_cast %get3A_2735 : vector<1x16xf32> to vector<16xf32>
        %slice3A_2737 = vector.extract_strided_slice %get3A_405 {offsets = [10], sizes = [1], strides = [1]} : vector<16xf32> to vector<1xf32>
        %squeeze3A_2738 = vector.extract %slice3A_2737[0] : f32 from vector<1xf32>
        %add3A_2739 = vector.broadcast %squeeze3A_2738 : f32 to vector<16xf32>
        %add3A_2740 = arith.addf %get3A_2680, %add3A_2739 : vector<16xf32>
        %max3A_2741 = arith.maximumf %max3A_2517, %add3A_2740 : vector<16xf32>
        %slice3A_2742 = vector.extract_strided_slice %get3A_405 {offsets = [10], sizes = [1], strides = [1]} : vector<16xf32> to vector<1xf32>
        %squeeze3A_2743 = vector.extract %slice3A_2742[0] : f32 from vector<1xf32>
        %add3A_2744 = vector.broadcast %squeeze3A_2743 : f32 to vector<16xf32>
        %add3A_2745 = arith.addf %get3A_2688, %add3A_2744 : vector<16xf32>
        %max3A_2746 = arith.maximumf %max3A_2522, %add3A_2745 : vector<16xf32>
        %slice3A_2747 = vector.extract_strided_slice %get3A_405 {offsets = [10], sizes = [1], strides = [1]} : vector<16xf32> to vector<1xf32>
        %squeeze3A_2748 = vector.extract %slice3A_2747[0] : f32 from vector<1xf32>
        %add3A_2749 = vector.broadcast %squeeze3A_2748 : f32 to vector<16xf32>
        %add3A_2750 = arith.addf %get3A_2696, %add3A_2749 : vector<16xf32>
        %max3A_2751 = arith.maximumf %max3A_2527, %add3A_2750 : vector<16xf32>
        %slice3A_2752 = vector.extract_strided_slice %get3A_405 {offsets = [10], sizes = [1], strides = [1]} : vector<16xf32> to vector<1xf32>
        %squeeze3A_2753 = vector.extract %slice3A_2752[0] : f32 from vector<1xf32>
        %add3A_2754 = vector.broadcast %squeeze3A_2753 : f32 to vector<16xf32>
        %add3A_2755 = arith.addf %get3A_2704, %add3A_2754 : vector<16xf32>
        %max3A_2756 = arith.maximumf %max3A_2532, %add3A_2755 : vector<16xf32>
        %slice3A_2757 = vector.extract_strided_slice %get3A_405 {offsets = [10], sizes = [1], strides = [1]} : vector<16xf32> to vector<1xf32>
        %squeeze3A_2758 = vector.extract %slice3A_2757[0] : f32 from vector<1xf32>
        %add3A_2759 = vector.broadcast %squeeze3A_2758 : f32 to vector<16xf32>
        %add3A_2760 = arith.addf %get3A_2712, %add3A_2759 : vector<16xf32>
        %max3A_2761 = arith.maximumf %max3A_2537, %add3A_2760 : vector<16xf32>
        %slice3A_2762 = vector.extract_strided_slice %get3A_405 {offsets = [10], sizes = [1], strides = [1]} : vector<16xf32> to vector<1xf32>
        %squeeze3A_2763 = vector.extract %slice3A_2762[0] : f32 from vector<1xf32>
        %add3A_2764 = vector.broadcast %squeeze3A_2763 : f32 to vector<16xf32>
        %add3A_2765 = arith.addf %get3A_2720, %add3A_2764 : vector<16xf32>
        %max3A_2766 = arith.maximumf %max3A_2542, %add3A_2765 : vector<16xf32>
        %slice3A_2767 = vector.extract_strided_slice %get3A_405 {offsets = [10], sizes = [1], strides = [1]} : vector<16xf32> to vector<1xf32>
        %squeeze3A_2768 = vector.extract %slice3A_2767[0] : f32 from vector<1xf32>
        %add3A_2769 = vector.broadcast %squeeze3A_2768 : f32 to vector<16xf32>
        %add3A_2770 = arith.addf %get3A_2728, %add3A_2769 : vector<16xf32>
        %max3A_2771 = arith.maximumf %max3A_2547, %add3A_2770 : vector<16xf32>
        %slice3A_2772 = vector.extract_strided_slice %get3A_405 {offsets = [10], sizes = [1], strides = [1]} : vector<16xf32> to vector<1xf32>
        %squeeze3A_2773 = vector.extract %slice3A_2772[0] : f32 from vector<1xf32>
        %add3A_2774 = vector.broadcast %squeeze3A_2773 : f32 to vector<16xf32>
        %add3A_2775 = arith.addf %get3A_2736, %add3A_2774 : vector<16xf32>
        %max3A_2776 = arith.maximumf %max3A_2552, %add3A_2775 : vector<16xf32>
        %slice3A_2777 = vector.extract_strided_slice %get3A_415 {offsets = [10], sizes = [1], strides = [1]} : vector<16xf32> to vector<1xf32>
        %squeeze3A_2778 = vector.extract %slice3A_2777[0] : f32 from vector<1xf32>
        %add3A_2779 = vector.broadcast %squeeze3A_2778 : f32 to vector<16xf32>
        %add3A_2780 = arith.addf %get3A_2680, %add3A_2779 : vector<16xf32>
        %max3A_2781 = arith.maximumf %max3A_2557, %add3A_2780 : vector<16xf32>
        %slice3A_2782 = vector.extract_strided_slice %get3A_415 {offsets = [10], sizes = [1], strides = [1]} : vector<16xf32> to vector<1xf32>
        %squeeze3A_2783 = vector.extract %slice3A_2782[0] : f32 from vector<1xf32>
        %add3A_2784 = vector.broadcast %squeeze3A_2783 : f32 to vector<16xf32>
        %add3A_2785 = arith.addf %get3A_2688, %add3A_2784 : vector<16xf32>
        %max3A_2786 = arith.maximumf %max3A_2562, %add3A_2785 : vector<16xf32>
        %slice3A_2787 = vector.extract_strided_slice %get3A_415 {offsets = [10], sizes = [1], strides = [1]} : vector<16xf32> to vector<1xf32>
        %squeeze3A_2788 = vector.extract %slice3A_2787[0] : f32 from vector<1xf32>
        %add3A_2789 = vector.broadcast %squeeze3A_2788 : f32 to vector<16xf32>
        %add3A_2790 = arith.addf %get3A_2696, %add3A_2789 : vector<16xf32>
        %max3A_2791 = arith.maximumf %max3A_2567, %add3A_2790 : vector<16xf32>
        %slice3A_2792 = vector.extract_strided_slice %get3A_415 {offsets = [10], sizes = [1], strides = [1]} : vector<16xf32> to vector<1xf32>
        %squeeze3A_2793 = vector.extract %slice3A_2792[0] : f32 from vector<1xf32>
        %add3A_2794 = vector.broadcast %squeeze3A_2793 : f32 to vector<16xf32>
        %add3A_2795 = arith.addf %get3A_2704, %add3A_2794 : vector<16xf32>
        %max3A_2796 = arith.maximumf %max3A_2572, %add3A_2795 : vector<16xf32>
        %slice3A_2797 = vector.extract_strided_slice %get3A_415 {offsets = [10], sizes = [1], strides = [1]} : vector<16xf32> to vector<1xf32>
        %squeeze3A_2798 = vector.extract %slice3A_2797[0] : f32 from vector<1xf32>
        %add3A_2799 = vector.broadcast %squeeze3A_2798 : f32 to vector<16xf32>
        %add3A_2800 = arith.addf %get3A_2712, %add3A_2799 : vector<16xf32>
        %max3A_2801 = arith.maximumf %max3A_2577, %add3A_2800 : vector<16xf32>
        %slice3A_2802 = vector.extract_strided_slice %get3A_415 {offsets = [10], sizes = [1], strides = [1]} : vector<16xf32> to vector<1xf32>
        %squeeze3A_2803 = vector.extract %slice3A_2802[0] : f32 from vector<1xf32>
        %add3A_2804 = vector.broadcast %squeeze3A_2803 : f32 to vector<16xf32>
        %add3A_2805 = arith.addf %get3A_2720, %add3A_2804 : vector<16xf32>
        %max3A_2806 = arith.maximumf %max3A_2582, %add3A_2805 : vector<16xf32>
        %slice3A_2807 = vector.extract_strided_slice %get3A_415 {offsets = [10], sizes = [1], strides = [1]} : vector<16xf32> to vector<1xf32>
        %squeeze3A_2808 = vector.extract %slice3A_2807[0] : f32 from vector<1xf32>
        %add3A_2809 = vector.broadcast %squeeze3A_2808 : f32 to vector<16xf32>
        %add3A_2810 = arith.addf %get3A_2728, %add3A_2809 : vector<16xf32>
        %max3A_2811 = arith.maximumf %max3A_2587, %add3A_2810 : vector<16xf32>
        %slice3A_2812 = vector.extract_strided_slice %get3A_415 {offsets = [10], sizes = [1], strides = [1]} : vector<16xf32> to vector<1xf32>
        %squeeze3A_2813 = vector.extract %slice3A_2812[0] : f32 from vector<1xf32>
        %add3A_2814 = vector.broadcast %squeeze3A_2813 : f32 to vector<16xf32>
        %add3A_2815 = arith.addf %get3A_2736, %add3A_2814 : vector<16xf32>
        %max3A_2816 = arith.maximumf %max3A_2592, %add3A_2815 : vector<16xf32>
        %slice3A_2817 = vector.extract_strided_slice %get3A_425 {offsets = [10], sizes = [1], strides = [1]} : vector<16xf32> to vector<1xf32>
        %squeeze3A_2818 = vector.extract %slice3A_2817[0] : f32 from vector<1xf32>
        %add3A_2819 = vector.broadcast %squeeze3A_2818 : f32 to vector<16xf32>
        %add3A_2820 = arith.addf %get3A_2680, %add3A_2819 : vector<16xf32>
        %max3A_2821 = arith.maximumf %max3A_2597, %add3A_2820 : vector<16xf32>
        %slice3A_2822 = vector.extract_strided_slice %get3A_425 {offsets = [10], sizes = [1], strides = [1]} : vector<16xf32> to vector<1xf32>
        %squeeze3A_2823 = vector.extract %slice3A_2822[0] : f32 from vector<1xf32>
        %add3A_2824 = vector.broadcast %squeeze3A_2823 : f32 to vector<16xf32>
        %add3A_2825 = arith.addf %get3A_2688, %add3A_2824 : vector<16xf32>
        %max3A_2826 = arith.maximumf %max3A_2602, %add3A_2825 : vector<16xf32>
        %slice3A_2827 = vector.extract_strided_slice %get3A_425 {offsets = [10], sizes = [1], strides = [1]} : vector<16xf32> to vector<1xf32>
        %squeeze3A_2828 = vector.extract %slice3A_2827[0] : f32 from vector<1xf32>
        %add3A_2829 = vector.broadcast %squeeze3A_2828 : f32 to vector<16xf32>
        %add3A_2830 = arith.addf %get3A_2696, %add3A_2829 : vector<16xf32>
        %max3A_2831 = arith.maximumf %max3A_2607, %add3A_2830 : vector<16xf32>
        %slice3A_2832 = vector.extract_strided_slice %get3A_425 {offsets = [10], sizes = [1], strides = [1]} : vector<16xf32> to vector<1xf32>
        %squeeze3A_2833 = vector.extract %slice3A_2832[0] : f32 from vector<1xf32>
        %add3A_2834 = vector.broadcast %squeeze3A_2833 : f32 to vector<16xf32>
        %add3A_2835 = arith.addf %get3A_2704, %add3A_2834 : vector<16xf32>
        %max3A_2836 = arith.maximumf %max3A_2612, %add3A_2835 : vector<16xf32>
        %slice3A_2837 = vector.extract_strided_slice %get3A_425 {offsets = [10], sizes = [1], strides = [1]} : vector<16xf32> to vector<1xf32>
        %squeeze3A_2838 = vector.extract %slice3A_2837[0] : f32 from vector<1xf32>
        %add3A_2839 = vector.broadcast %squeeze3A_2838 : f32 to vector<16xf32>
        %add3A_2840 = arith.addf %get3A_2712, %add3A_2839 : vector<16xf32>
        %max3A_2841 = arith.maximumf %max3A_2617, %add3A_2840 : vector<16xf32>
        %slice3A_2842 = vector.extract_strided_slice %get3A_425 {offsets = [10], sizes = [1], strides = [1]} : vector<16xf32> to vector<1xf32>
        %squeeze3A_2843 = vector.extract %slice3A_2842[0] : f32 from vector<1xf32>
        %add3A_2844 = vector.broadcast %squeeze3A_2843 : f32 to vector<16xf32>
        %add3A_2845 = arith.addf %get3A_2720, %add3A_2844 : vector<16xf32>
        %max3A_2846 = arith.maximumf %max3A_2622, %add3A_2845 : vector<16xf32>
        %slice3A_2847 = vector.extract_strided_slice %get3A_425 {offsets = [10], sizes = [1], strides = [1]} : vector<16xf32> to vector<1xf32>
        %squeeze3A_2848 = vector.extract %slice3A_2847[0] : f32 from vector<1xf32>
        %add3A_2849 = vector.broadcast %squeeze3A_2848 : f32 to vector<16xf32>
        %add3A_2850 = arith.addf %get3A_2728, %add3A_2849 : vector<16xf32>
        %max3A_2851 = arith.maximumf %max3A_2627, %add3A_2850 : vector<16xf32>
        %slice3A_2852 = vector.extract_strided_slice %get3A_425 {offsets = [10], sizes = [1], strides = [1]} : vector<16xf32> to vector<1xf32>
        %squeeze3A_2853 = vector.extract %slice3A_2852[0] : f32 from vector<1xf32>
        %add3A_2854 = vector.broadcast %squeeze3A_2853 : f32 to vector<16xf32>
        %add3A_2855 = arith.addf %get3A_2736, %add3A_2854 : vector<16xf32>
        %max3A_2856 = arith.maximumf %max3A_2632, %add3A_2855 : vector<16xf32>
        %slice3A_2857 = vector.extract_strided_slice %get3A_435 {offsets = [10], sizes = [1], strides = [1]} : vector<16xf32> to vector<1xf32>
        %squeeze3A_2858 = vector.extract %slice3A_2857[0] : f32 from vector<1xf32>
        %add3A_2859 = vector.broadcast %squeeze3A_2858 : f32 to vector<16xf32>
        %add3A_2860 = arith.addf %get3A_2680, %add3A_2859 : vector<16xf32>
        %max3A_2861 = arith.maximumf %max3A_2637, %add3A_2860 : vector<16xf32>
        %slice3A_2862 = vector.extract_strided_slice %get3A_435 {offsets = [10], sizes = [1], strides = [1]} : vector<16xf32> to vector<1xf32>
        %squeeze3A_2863 = vector.extract %slice3A_2862[0] : f32 from vector<1xf32>
        %add3A_2864 = vector.broadcast %squeeze3A_2863 : f32 to vector<16xf32>
        %add3A_2865 = arith.addf %get3A_2688, %add3A_2864 : vector<16xf32>
        %max3A_2866 = arith.maximumf %max3A_2642, %add3A_2865 : vector<16xf32>
        %slice3A_2867 = vector.extract_strided_slice %get3A_435 {offsets = [10], sizes = [1], strides = [1]} : vector<16xf32> to vector<1xf32>
        %squeeze3A_2868 = vector.extract %slice3A_2867[0] : f32 from vector<1xf32>
        %add3A_2869 = vector.broadcast %squeeze3A_2868 : f32 to vector<16xf32>
        %add3A_2870 = arith.addf %get3A_2696, %add3A_2869 : vector<16xf32>
        %max3A_2871 = arith.maximumf %max3A_2647, %add3A_2870 : vector<16xf32>
        %slice3A_2872 = vector.extract_strided_slice %get3A_435 {offsets = [10], sizes = [1], strides = [1]} : vector<16xf32> to vector<1xf32>
        %squeeze3A_2873 = vector.extract %slice3A_2872[0] : f32 from vector<1xf32>
        %add3A_2874 = vector.broadcast %squeeze3A_2873 : f32 to vector<16xf32>
        %add3A_2875 = arith.addf %get3A_2704, %add3A_2874 : vector<16xf32>
        %max3A_2876 = arith.maximumf %max3A_2652, %add3A_2875 : vector<16xf32>
        %slice3A_2877 = vector.extract_strided_slice %get3A_435 {offsets = [10], sizes = [1], strides = [1]} : vector<16xf32> to vector<1xf32>
        %squeeze3A_2878 = vector.extract %slice3A_2877[0] : f32 from vector<1xf32>
        %add3A_2879 = vector.broadcast %squeeze3A_2878 : f32 to vector<16xf32>
        %add3A_2880 = arith.addf %get3A_2712, %add3A_2879 : vector<16xf32>
        %max3A_2881 = arith.maximumf %max3A_2657, %add3A_2880 : vector<16xf32>
        %slice3A_2882 = vector.extract_strided_slice %get3A_435 {offsets = [10], sizes = [1], strides = [1]} : vector<16xf32> to vector<1xf32>
        %squeeze3A_2883 = vector.extract %slice3A_2882[0] : f32 from vector<1xf32>
        %add3A_2884 = vector.broadcast %squeeze3A_2883 : f32 to vector<16xf32>
        %add3A_2885 = arith.addf %get3A_2720, %add3A_2884 : vector<16xf32>
        %max3A_2886 = arith.maximumf %max3A_2662, %add3A_2885 : vector<16xf32>
        %slice3A_2887 = vector.extract_strided_slice %get3A_435 {offsets = [10], sizes = [1], strides = [1]} : vector<16xf32> to vector<1xf32>
        %squeeze3A_2888 = vector.extract %slice3A_2887[0] : f32 from vector<1xf32>
        %add3A_2889 = vector.broadcast %squeeze3A_2888 : f32 to vector<16xf32>
        %add3A_2890 = arith.addf %get3A_2728, %add3A_2889 : vector<16xf32>
        %max3A_2891 = arith.maximumf %max3A_2667, %add3A_2890 : vector<16xf32>
        %slice3A_2892 = vector.extract_strided_slice %get3A_435 {offsets = [10], sizes = [1], strides = [1]} : vector<16xf32> to vector<1xf32>
        %squeeze3A_2893 = vector.extract %slice3A_2892[0] : f32 from vector<1xf32>
        %add3A_2894 = vector.broadcast %squeeze3A_2893 : f32 to vector<16xf32>
        %add3A_2895 = arith.addf %get3A_2736, %add3A_2894 : vector<16xf32>
        %max3A_2896 = arith.maximumf %max3A_2672, %add3A_2895 : vector<16xf32>
        %mul3A_2897 = arith.constant 16 : i32
        %mul3A_2898 = arith.muli %mul3A_2897, %scan3A_364 : i32
        %add3A_2899 = arith.constant 11 : i32
        %add3A_2900 = arith.addi %mul3A_2898, %add3A_2899 : i32
        %get3A_2901 = arith.index_cast %add3A_2900 : i32 to index
        %get3A_2902 = arith.constant 0 : index
        %get3A_2903 = tpu.vector_load %arg5[%get3A_2901, %get3A_2902] {strides = array<i32>} : memref<256x128xf32, #tpu.memory_space<vmem>>, vector<1x16xf32>,
        %get3A_2904 = vector.shape_cast %get3A_2903 : vector<1x16xf32> to vector<16xf32>
        %mul3A_2905 = arith.constant 16 : i32
        %mul3A_2906 = arith.muli %mul3A_2905, %scan3A_364 : i32
        %add3A_2907 = arith.constant 11 : i32
        %add3A_2908 = arith.addi %mul3A_2906, %add3A_2907 : i32
        %get3A_2909 = arith.index_cast %add3A_2908 : i32 to index
        %get3A_2910 = arith.constant 16 : index
        %get3A_2911 = tpu.vector_load %arg5[%get3A_2909, %get3A_2910] {strides = array<i32>} : memref<256x128xf32, #tpu.memory_space<vmem>>, vector<1x16xf32>,
        %get3A_2912 = vector.shape_cast %get3A_2911 : vector<1x16xf32> to vector<16xf32>
        %mul3A_2913 = arith.constant 16 : i32
        %mul3A_2914 = arith.muli %mul3A_2913, %scan3A_364 : i32
        %add3A_2915 = arith.constant 11 : i32
        %add3A_2916 = arith.addi %mul3A_2914, %add3A_2915 : i32
        %get3A_2917 = arith.index_cast %add3A_2916 : i32 to index
        %get3A_2918 = arith.constant 32 : index
        %get3A_2919 = tpu.vector_load %arg5[%get3A_2917, %get3A_2918] {strides = array<i32>} : memref<256x128xf32, #tpu.memory_space<vmem>>, vector<1x16xf32>,
        %get3A_2920 = vector.shape_cast %get3A_2919 : vector<1x16xf32> to vector<16xf32>
        %mul3A_2921 = arith.constant 16 : i32
        %mul3A_2922 = arith.muli %mul3A_2921, %scan3A_364 : i32
        %add3A_2923 = arith.constant 11 : i32
        %add3A_2924 = arith.addi %mul3A_2922, %add3A_2923 : i32
        %get3A_2925 = arith.index_cast %add3A_2924 : i32 to index
        %get3A_2926 = arith.constant 48 : index
        %get3A_2927 = tpu.vector_load %arg5[%get3A_2925, %get3A_2926] {strides = array<i32>} : memref<256x128xf32, #tpu.memory_space<vmem>>, vector<1x16xf32>,
        %get3A_2928 = vector.shape_cast %get3A_2927 : vector<1x16xf32> to vector<16xf32>
        %mul3A_2929 = arith.constant 16 : i32
        %mul3A_2930 = arith.muli %mul3A_2929, %scan3A_364 : i32
        %add3A_2931 = arith.constant 11 : i32
        %add3A_2932 = arith.addi %mul3A_2930, %add3A_2931 : i32
        %get3A_2933 = arith.index_cast %add3A_2932 : i32 to index
        %get3A_2934 = arith.constant 64 : index
        %get3A_2935 = tpu.vector_load %arg5[%get3A_2933, %get3A_2934] {strides = array<i32>} : memref<256x128xf32, #tpu.memory_space<vmem>>, vector<1x16xf32>,
        %get3A_2936 = vector.shape_cast %get3A_2935 : vector<1x16xf32> to vector<16xf32>
        %mul3A_2937 = arith.constant 16 : i32
        %mul3A_2938 = arith.muli %mul3A_2937, %scan3A_364 : i32
        %add3A_2939 = arith.constant 11 : i32
        %add3A_2940 = arith.addi %mul3A_2938, %add3A_2939 : i32
        %get3A_2941 = arith.index_cast %add3A_2940 : i32 to index
        %get3A_2942 = arith.constant 80 : index
        %get3A_2943 = tpu.vector_load %arg5[%get3A_2941, %get3A_2942] {strides = array<i32>} : memref<256x128xf32, #tpu.memory_space<vmem>>, vector<1x16xf32>,
        %get3A_2944 = vector.shape_cast %get3A_2943 : vector<1x16xf32> to vector<16xf32>
        %mul3A_2945 = arith.constant 16 : i32
        %mul3A_2946 = arith.muli %mul3A_2945, %scan3A_364 : i32
        %add3A_2947 = arith.constant 11 : i32
        %add3A_2948 = arith.addi %mul3A_2946, %add3A_2947 : i32
        %get3A_2949 = arith.index_cast %add3A_2948 : i32 to index
        %get3A_2950 = arith.constant 96 : index
        %get3A_2951 = tpu.vector_load %arg5[%get3A_2949, %get3A_2950] {strides = array<i32>} : memref<256x128xf32, #tpu.memory_space<vmem>>, vector<1x16xf32>,
        %get3A_2952 = vector.shape_cast %get3A_2951 : vector<1x16xf32> to vector<16xf32>
        %mul3A_2953 = arith.constant 16 : i32
        %mul3A_2954 = arith.muli %mul3A_2953, %scan3A_364 : i32
        %add3A_2955 = arith.constant 11 : i32
        %add3A_2956 = arith.addi %mul3A_2954, %add3A_2955 : i32
        %get3A_2957 = arith.index_cast %add3A_2956 : i32 to index
        %get3A_2958 = arith.constant 112 : index
        %get3A_2959 = tpu.vector_load %arg5[%get3A_2957, %get3A_2958] {strides = array<i32>} : memref<256x128xf32, #tpu.memory_space<vmem>>, vector<1x16xf32>,
        %get3A_2960 = vector.shape_cast %get3A_2959 : vector<1x16xf32> to vector<16xf32>
        %slice3A_2961 = vector.extract_strided_slice %get3A_405 {offsets = [11], sizes = [1], strides = [1]} : vector<16xf32> to vector<1xf32>
        %squeeze3A_2962 = vector.extract %slice3A_2961[0] : f32 from vector<1xf32>
        %add3A_2963 = vector.broadcast %squeeze3A_2962 : f32 to vector<16xf32>
        %add3A_2964 = arith.addf %get3A_2904, %add3A_2963 : vector<16xf32>
        %max3A_2965 = arith.maximumf %max3A_2741, %add3A_2964 : vector<16xf32>
        %slice3A_2966 = vector.extract_strided_slice %get3A_405 {offsets = [11], sizes = [1], strides = [1]} : vector<16xf32> to vector<1xf32>
        %squeeze3A_2967 = vector.extract %slice3A_2966[0] : f32 from vector<1xf32>
        %add3A_2968 = vector.broadcast %squeeze3A_2967 : f32 to vector<16xf32>
        %add3A_2969 = arith.addf %get3A_2912, %add3A_2968 : vector<16xf32>
        %max3A_2970 = arith.maximumf %max3A_2746, %add3A_2969 : vector<16xf32>
        %slice3A_2971 = vector.extract_strided_slice %get3A_405 {offsets = [11], sizes = [1], strides = [1]} : vector<16xf32> to vector<1xf32>
        %squeeze3A_2972 = vector.extract %slice3A_2971[0] : f32 from vector<1xf32>
        %add3A_2973 = vector.broadcast %squeeze3A_2972 : f32 to vector<16xf32>
        %add3A_2974 = arith.addf %get3A_2920, %add3A_2973 : vector<16xf32>
        %max3A_2975 = arith.maximumf %max3A_2751, %add3A_2974 : vector<16xf32>
        %slice3A_2976 = vector.extract_strided_slice %get3A_405 {offsets = [11], sizes = [1], strides = [1]} : vector<16xf32> to vector<1xf32>
        %squeeze3A_2977 = vector.extract %slice3A_2976[0] : f32 from vector<1xf32>
        %add3A_2978 = vector.broadcast %squeeze3A_2977 : f32 to vector<16xf32>
        %add3A_2979 = arith.addf %get3A_2928, %add3A_2978 : vector<16xf32>
        %max3A_2980 = arith.maximumf %max3A_2756, %add3A_2979 : vector<16xf32>
        %slice3A_2981 = vector.extract_strided_slice %get3A_405 {offsets = [11], sizes = [1], strides = [1]} : vector<16xf32> to vector<1xf32>
        %squeeze3A_2982 = vector.extract %slice3A_2981[0] : f32 from vector<1xf32>
        %add3A_2983 = vector.broadcast %squeeze3A_2982 : f32 to vector<16xf32>
        %add3A_2984 = arith.addf %get3A_2936, %add3A_2983 : vector<16xf32>
        %max3A_2985 = arith.maximumf %max3A_2761, %add3A_2984 : vector<16xf32>
        %slice3A_2986 = vector.extract_strided_slice %get3A_405 {offsets = [11], sizes = [1], strides = [1]} : vector<16xf32> to vector<1xf32>
        %squeeze3A_2987 = vector.extract %slice3A_2986[0] : f32 from vector<1xf32>
        %add3A_2988 = vector.broadcast %squeeze3A_2987 : f32 to vector<16xf32>
        %add3A_2989 = arith.addf %get3A_2944, %add3A_2988 : vector<16xf32>
        %max3A_2990 = arith.maximumf %max3A_2766, %add3A_2989 : vector<16xf32>
        %slice3A_2991 = vector.extract_strided_slice %get3A_405 {offsets = [11], sizes = [1], strides = [1]} : vector<16xf32> to vector<1xf32>
        %squeeze3A_2992 = vector.extract %slice3A_2991[0] : f32 from vector<1xf32>
        %add3A_2993 = vector.broadcast %squeeze3A_2992 : f32 to vector<16xf32>
        %add3A_2994 = arith.addf %get3A_2952, %add3A_2993 : vector<16xf32>
        %max3A_2995 = arith.maximumf %max3A_2771, %add3A_2994 : vector<16xf32>
        %slice3A_2996 = vector.extract_strided_slice %get3A_405 {offsets = [11], sizes = [1], strides = [1]} : vector<16xf32> to vector<1xf32>
        %squeeze3A_2997 = vector.extract %slice3A_2996[0] : f32 from vector<1xf32>
        %add3A_2998 = vector.broadcast %squeeze3A_2997 : f32 to vector<16xf32>
        %add3A_2999 = arith.addf %get3A_2960, %add3A_2998 : vector<16xf32>
        %max3A_3000 = arith.maximumf %max3A_2776, %add3A_2999 : vector<16xf32>
        %slice3A_3001 = vector.extract_strided_slice %get3A_415 {offsets = [11], sizes = [1], strides = [1]} : vector<16xf32> to vector<1xf32>
        %squeeze3A_3002 = vector.extract %slice3A_3001[0] : f32 from vector<1xf32>
        %add3A_3003 = vector.broadcast %squeeze3A_3002 : f32 to vector<16xf32>
        %add3A_3004 = arith.addf %get3A_2904, %add3A_3003 : vector<16xf32>
        %max3A_3005 = arith.maximumf %max3A_2781, %add3A_3004 : vector<16xf32>
        %slice3A_3006 = vector.extract_strided_slice %get3A_415 {offsets = [11], sizes = [1], strides = [1]} : vector<16xf32> to vector<1xf32>
        %squeeze3A_3007 = vector.extract %slice3A_3006[0] : f32 from vector<1xf32>
        %add3A_3008 = vector.broadcast %squeeze3A_3007 : f32 to vector<16xf32>
        %add3A_3009 = arith.addf %get3A_2912, %add3A_3008 : vector<16xf32>
        %max3A_3010 = arith.maximumf %max3A_2786, %add3A_3009 : vector<16xf32>
        %slice3A_3011 = vector.extract_strided_slice %get3A_415 {offsets = [11], sizes = [1], strides = [1]} : vector<16xf32> to vector<1xf32>
        %squeeze3A_3012 = vector.extract %slice3A_3011[0] : f32 from vector<1xf32>
        %add3A_3013 = vector.broadcast %squeeze3A_3012 : f32 to vector<16xf32>
        %add3A_3014 = arith.addf %get3A_2920, %add3A_3013 : vector<16xf32>
        %max3A_3015 = arith.maximumf %max3A_2791, %add3A_3014 : vector<16xf32>
        %slice3A_3016 = vector.extract_strided_slice %get3A_415 {offsets = [11], sizes = [1], strides = [1]} : vector<16xf32> to vector<1xf32>
        %squeeze3A_3017 = vector.extract %slice3A_3016[0] : f32 from vector<1xf32>
        %add3A_3018 = vector.broadcast %squeeze3A_3017 : f32 to vector<16xf32>
        %add3A_3019 = arith.addf %get3A_2928, %add3A_3018 : vector<16xf32>
        %max3A_3020 = arith.maximumf %max3A_2796, %add3A_3019 : vector<16xf32>
        %slice3A_3021 = vector.extract_strided_slice %get3A_415 {offsets = [11], sizes = [1], strides = [1]} : vector<16xf32> to vector<1xf32>
        %squeeze3A_3022 = vector.extract %slice3A_3021[0] : f32 from vector<1xf32>
        %add3A_3023 = vector.broadcast %squeeze3A_3022 : f32 to vector<16xf32>
        %add3A_3024 = arith.addf %get3A_2936, %add3A_3023 : vector<16xf32>
        %max3A_3025 = arith.maximumf %max3A_2801, %add3A_3024 : vector<16xf32>
        %slice3A_3026 = vector.extract_strided_slice %get3A_415 {offsets = [11], sizes = [1], strides = [1]} : vector<16xf32> to vector<1xf32>
        %squeeze3A_3027 = vector.extract %slice3A_3026[0] : f32 from vector<1xf32>
        %add3A_3028 = vector.broadcast %squeeze3A_3027 : f32 to vector<16xf32>
        %add3A_3029 = arith.addf %get3A_2944, %add3A_3028 : vector<16xf32>
        %max3A_3030 = arith.maximumf %max3A_2806, %add3A_3029 : vector<16xf32>
        %slice3A_3031 = vector.extract_strided_slice %get3A_415 {offsets = [11], sizes = [1], strides = [1]} : vector<16xf32> to vector<1xf32>
        %squeeze3A_3032 = vector.extract %slice3A_3031[0] : f32 from vector<1xf32>
        %add3A_3033 = vector.broadcast %squeeze3A_3032 : f32 to vector<16xf32>
        %add3A_3034 = arith.addf %get3A_2952, %add3A_3033 : vector<16xf32>
        %max3A_3035 = arith.maximumf %max3A_2811, %add3A_3034 : vector<16xf32>
        %slice3A_3036 = vector.extract_strided_slice %get3A_415 {offsets = [11], sizes = [1], strides = [1]} : vector<16xf32> to vector<1xf32>
        %squeeze3A_3037 = vector.extract %slice3A_3036[0] : f32 from vector<1xf32>
        %add3A_3038 = vector.broadcast %squeeze3A_3037 : f32 to vector<16xf32>
        %add3A_3039 = arith.addf %get3A_2960, %add3A_3038 : vector<16xf32>
        %max3A_3040 = arith.maximumf %max3A_2816, %add3A_3039 : vector<16xf32>
        %slice3A_3041 = vector.extract_strided_slice %get3A_425 {offsets = [11], sizes = [1], strides = [1]} : vector<16xf32> to vector<1xf32>
        %squeeze3A_3042 = vector.extract %slice3A_3041[0] : f32 from vector<1xf32>
        %add3A_3043 = vector.broadcast %squeeze3A_3042 : f32 to vector<16xf32>
        %add3A_3044 = arith.addf %get3A_2904, %add3A_3043 : vector<16xf32>
        %max3A_3045 = arith.maximumf %max3A_2821, %add3A_3044 : vector<16xf32>
        %slice3A_3046 = vector.extract_strided_slice %get3A_425 {offsets = [11], sizes = [1], strides = [1]} : vector<16xf32> to vector<1xf32>
        %squeeze3A_3047 = vector.extract %slice3A_3046[0] : f32 from vector<1xf32>
        %add3A_3048 = vector.broadcast %squeeze3A_3047 : f32 to vector<16xf32>
        %add3A_3049 = arith.addf %get3A_2912, %add3A_3048 : vector<16xf32>
        %max3A_3050 = arith.maximumf %max3A_2826, %add3A_3049 : vector<16xf32>
        %slice3A_3051 = vector.extract_strided_slice %get3A_425 {offsets = [11], sizes = [1], strides = [1]} : vector<16xf32> to vector<1xf32>
        %squeeze3A_3052 = vector.extract %slice3A_3051[0] : f32 from vector<1xf32>
        %add3A_3053 = vector.broadcast %squeeze3A_3052 : f32 to vector<16xf32>
        %add3A_3054 = arith.addf %get3A_2920, %add3A_3053 : vector<16xf32>
        %max3A_3055 = arith.maximumf %max3A_2831, %add3A_3054 : vector<16xf32>
        %slice3A_3056 = vector.extract_strided_slice %get3A_425 {offsets = [11], sizes = [1], strides = [1]} : vector<16xf32> to vector<1xf32>
        %squeeze3A_3057 = vector.extract %slice3A_3056[0] : f32 from vector<1xf32>
        %add3A_3058 = vector.broadcast %squeeze3A_3057 : f32 to vector<16xf32>
        %add3A_3059 = arith.addf %get3A_2928, %add3A_3058 : vector<16xf32>
        %max3A_3060 = arith.maximumf %max3A_2836, %add3A_3059 : vector<16xf32>
        %slice3A_3061 = vector.extract_strided_slice %get3A_425 {offsets = [11], sizes = [1], strides = [1]} : vector<16xf32> to vector<1xf32>
        %squeeze3A_3062 = vector.extract %slice3A_3061[0] : f32 from vector<1xf32>
        %add3A_3063 = vector.broadcast %squeeze3A_3062 : f32 to vector<16xf32>
        %add3A_3064 = arith.addf %get3A_2936, %add3A_3063 : vector<16xf32>
        %max3A_3065 = arith.maximumf %max3A_2841, %add3A_3064 : vector<16xf32>
        %slice3A_3066 = vector.extract_strided_slice %get3A_425 {offsets = [11], sizes = [1], strides = [1]} : vector<16xf32> to vector<1xf32>
        %squeeze3A_3067 = vector.extract %slice3A_3066[0] : f32 from vector<1xf32>
        %add3A_3068 = vector.broadcast %squeeze3A_3067 : f32 to vector<16xf32>
        %add3A_3069 = arith.addf %get3A_2944, %add3A_3068 : vector<16xf32>
        %max3A_3070 = arith.maximumf %max3A_2846, %add3A_3069 : vector<16xf32>
        %slice3A_3071 = vector.extract_strided_slice %get3A_425 {offsets = [11], sizes = [1], strides = [1]} : vector<16xf32> to vector<1xf32>
        %squeeze3A_3072 = vector.extract %slice3A_3071[0] : f32 from vector<1xf32>
        %add3A_3073 = vector.broadcast %squeeze3A_3072 : f32 to vector<16xf32>
        %add3A_3074 = arith.addf %get3A_2952, %add3A_3073 : vector<16xf32>
        %max3A_3075 = arith.maximumf %max3A_2851, %add3A_3074 : vector<16xf32>
        %slice3A_3076 = vector.extract_strided_slice %get3A_425 {offsets = [11], sizes = [1], strides = [1]} : vector<16xf32> to vector<1xf32>
        %squeeze3A_3077 = vector.extract %slice3A_3076[0] : f32 from vector<1xf32>
        %add3A_3078 = vector.broadcast %squeeze3A_3077 : f32 to vector<16xf32>
        %add3A_3079 = arith.addf %get3A_2960, %add3A_3078 : vector<16xf32>
        %max3A_3080 = arith.maximumf %max3A_2856, %add3A_3079 : vector<16xf32>
        %slice3A_3081 = vector.extract_strided_slice %get3A_435 {offsets = [11], sizes = [1], strides = [1]} : vector<16xf32> to vector<1xf32>
        %squeeze3A_3082 = vector.extract %slice3A_3081[0] : f32 from vector<1xf32>
        %add3A_3083 = vector.broadcast %squeeze3A_3082 : f32 to vector<16xf32>
        %add3A_3084 = arith.addf %get3A_2904, %add3A_3083 : vector<16xf32>
        %max3A_3085 = arith.maximumf %max3A_2861, %add3A_3084 : vector<16xf32>
        %slice3A_3086 = vector.extract_strided_slice %get3A_435 {offsets = [11], sizes = [1], strides = [1]} : vector<16xf32> to vector<1xf32>
        %squeeze3A_3087 = vector.extract %slice3A_3086[0] : f32 from vector<1xf32>
        %add3A_3088 = vector.broadcast %squeeze3A_3087 : f32 to vector<16xf32>
        %add3A_3089 = arith.addf %get3A_2912, %add3A_3088 : vector<16xf32>
        %max3A_3090 = arith.maximumf %max3A_2866, %add3A_3089 : vector<16xf32>
        %slice3A_3091 = vector.extract_strided_slice %get3A_435 {offsets = [11], sizes = [1], strides = [1]} : vector<16xf32> to vector<1xf32>
        %squeeze3A_3092 = vector.extract %slice3A_3091[0] : f32 from vector<1xf32>
        %add3A_3093 = vector.broadcast %squeeze3A_3092 : f32 to vector<16xf32>
        %add3A_3094 = arith.addf %get3A_2920, %add3A_3093 : vector<16xf32>
        %max3A_3095 = arith.maximumf %max3A_2871, %add3A_3094 : vector<16xf32>
        %slice3A_3096 = vector.extract_strided_slice %get3A_435 {offsets = [11], sizes = [1], strides = [1]} : vector<16xf32> to vector<1xf32>
        %squeeze3A_3097 = vector.extract %slice3A_3096[0] : f32 from vector<1xf32>
        %add3A_3098 = vector.broadcast %squeeze3A_3097 : f32 to vector<16xf32>
        %add3A_3099 = arith.addf %get3A_2928, %add3A_3098 : vector<16xf32>
        %max3A_3100 = arith.maximumf %max3A_2876, %add3A_3099 : vector<16xf32>
        %slice3A_3101 = vector.extract_strided_slice %get3A_435 {offsets = [11], sizes = [1], strides = [1]} : vector<16xf32> to vector<1xf32>
        %squeeze3A_3102 = vector.extract %slice3A_3101[0] : f32 from vector<1xf32>
        %add3A_3103 = vector.broadcast %squeeze3A_3102 : f32 to vector<16xf32>
        %add3A_3104 = arith.addf %get3A_2936, %add3A_3103 : vector<16xf32>
        %max3A_3105 = arith.maximumf %max3A_2881, %add3A_3104 : vector<16xf32>
        %slice3A_3106 = vector.extract_strided_slice %get3A_435 {offsets = [11], sizes = [1], strides = [1]} : vector<16xf32> to vector<1xf32>
        %squeeze3A_3107 = vector.extract %slice3A_3106[0] : f32 from vector<1xf32>
        %add3A_3108 = vector.broadcast %squeeze3A_3107 : f32 to vector<16xf32>
        %add3A_3109 = arith.addf %get3A_2944, %add3A_3108 : vector<16xf32>
        %max3A_3110 = arith.maximumf %max3A_2886, %add3A_3109 : vector<16xf32>
        %slice3A_3111 = vector.extract_strided_slice %get3A_435 {offsets = [11], sizes = [1], strides = [1]} : vector<16xf32> to vector<1xf32>
        %squeeze3A_3112 = vector.extract %slice3A_3111[0] : f32 from vector<1xf32>
        %add3A_3113 = vector.broadcast %squeeze3A_3112 : f32 to vector<16xf32>
        %add3A_3114 = arith.addf %get3A_2952, %add3A_3113 : vector<16xf32>
        %max3A_3115 = arith.maximumf %max3A_2891, %add3A_3114 : vector<16xf32>
        %slice3A_3116 = vector.extract_strided_slice %get3A_435 {offsets = [11], sizes = [1], strides = [1]} : vector<16xf32> to vector<1xf32>
        %squeeze3A_3117 = vector.extract %slice3A_3116[0] : f32 from vector<1xf32>
        %add3A_3118 = vector.broadcast %squeeze3A_3117 : f32 to vector<16xf32>
        %add3A_3119 = arith.addf %get3A_2960, %add3A_3118 : vector<16xf32>
        %max3A_3120 = arith.maximumf %max3A_2896, %add3A_3119 : vector<16xf32>
        %mul3A_3121 = arith.constant 16 : i32
        %mul3A_3122 = arith.muli %mul3A_3121, %scan3A_364 : i32
        %add3A_3123 = arith.constant 12 : i32
        %add3A_3124 = arith.addi %mul3A_3122, %add3A_3123 : i32
        %get3A_3125 = arith.index_cast %add3A_3124 : i32 to index
        %get3A_3126 = arith.constant 0 : index
        %get3A_3127 = tpu.vector_load %arg5[%get3A_3125, %get3A_3126] {strides = array<i32>} : memref<256x128xf32, #tpu.memory_space<vmem>>, vector<1x16xf32>,
        %get3A_3128 = vector.shape_cast %get3A_3127 : vector<1x16xf32> to vector<16xf32>
        %mul3A_3129 = arith.constant 16 : i32
        %mul3A_3130 = arith.muli %mul3A_3129, %scan3A_364 : i32
        %add3A_3131 = arith.constant 12 : i32
        %add3A_3132 = arith.addi %mul3A_3130, %add3A_3131 : i32
        %get3A_3133 = arith.index_cast %add3A_3132 : i32 to index
        %get3A_3134 = arith.constant 16 : index
        %get3A_3135 = tpu.vector_load %arg5[%get3A_3133, %get3A_3134] {strides = array<i32>} : memref<256x128xf32, #tpu.memory_space<vmem>>, vector<1x16xf32>,
        %get3A_3136 = vector.shape_cast %get3A_3135 : vector<1x16xf32> to vector<16xf32>
        %mul3A_3137 = arith.constant 16 : i32
        %mul3A_3138 = arith.muli %mul3A_3137, %scan3A_364 : i32
        %add3A_3139 = arith.constant 12 : i32
        %add3A_3140 = arith.addi %mul3A_3138, %add3A_3139 : i32
        %get3A_3141 = arith.index_cast %add3A_3140 : i32 to index
        %get3A_3142 = arith.constant 32 : index
        %get3A_3143 = tpu.vector_load %arg5[%get3A_3141, %get3A_3142] {strides = array<i32>} : memref<256x128xf32, #tpu.memory_space<vmem>>, vector<1x16xf32>,
        %get3A_3144 = vector.shape_cast %get3A_3143 : vector<1x16xf32> to vector<16xf32>
        %mul3A_3145 = arith.constant 16 : i32
        %mul3A_3146 = arith.muli %mul3A_3145, %scan3A_364 : i32
        %add3A_3147 = arith.constant 12 : i32
        %add3A_3148 = arith.addi %mul3A_3146, %add3A_3147 : i32
        %get3A_3149 = arith.index_cast %add3A_3148 : i32 to index
        %get3A_3150 = arith.constant 48 : index
        %get3A_3151 = tpu.vector_load %arg5[%get3A_3149, %get3A_3150] {strides = array<i32>} : memref<256x128xf32, #tpu.memory_space<vmem>>, vector<1x16xf32>,
        %get3A_3152 = vector.shape_cast %get3A_3151 : vector<1x16xf32> to vector<16xf32>
        %mul3A_3153 = arith.constant 16 : i32
        %mul3A_3154 = arith.muli %mul3A_3153, %scan3A_364 : i32
        %add3A_3155 = arith.constant 12 : i32
        %add3A_3156 = arith.addi %mul3A_3154, %add3A_3155 : i32
        %get3A_3157 = arith.index_cast %add3A_3156 : i32 to index
        %get3A_3158 = arith.constant 64 : index
        %get3A_3159 = tpu.vector_load %arg5[%get3A_3157, %get3A_3158] {strides = array<i32>} : memref<256x128xf32, #tpu.memory_space<vmem>>, vector<1x16xf32>,
        %get3A_3160 = vector.shape_cast %get3A_3159 : vector<1x16xf32> to vector<16xf32>
        %mul3A_3161 = arith.constant 16 : i32
        %mul3A_3162 = arith.muli %mul3A_3161, %scan3A_364 : i32
        %add3A_3163 = arith.constant 12 : i32
        %add3A_3164 = arith.addi %mul3A_3162, %add3A_3163 : i32
        %get3A_3165 = arith.index_cast %add3A_3164 : i32 to index
        %get3A_3166 = arith.constant 80 : index
        %get3A_3167 = tpu.vector_load %arg5[%get3A_3165, %get3A_3166] {strides = array<i32>} : memref<256x128xf32, #tpu.memory_space<vmem>>, vector<1x16xf32>,
        %get3A_3168 = vector.shape_cast %get3A_3167 : vector<1x16xf32> to vector<16xf32>
        %mul3A_3169 = arith.constant 16 : i32
        %mul3A_3170 = arith.muli %mul3A_3169, %scan3A_364 : i32
        %add3A_3171 = arith.constant 12 : i32
        %add3A_3172 = arith.addi %mul3A_3170, %add3A_3171 : i32
        %get3A_3173 = arith.index_cast %add3A_3172 : i32 to index
        %get3A_3174 = arith.constant 96 : index
        %get3A_3175 = tpu.vector_load %arg5[%get3A_3173, %get3A_3174] {strides = array<i32>} : memref<256x128xf32, #tpu.memory_space<vmem>>, vector<1x16xf32>,
        %get3A_3176 = vector.shape_cast %get3A_3175 : vector<1x16xf32> to vector<16xf32>
        %mul3A_3177 = arith.constant 16 : i32
        %mul3A_3178 = arith.muli %mul3A_3177, %scan3A_364 : i32
        %add3A_3179 = arith.constant 12 : i32
        %add3A_3180 = arith.addi %mul3A_3178, %add3A_3179 : i32
        %get3A_3181 = arith.index_cast %add3A_3180 : i32 to index
        %get3A_3182 = arith.constant 112 : index
        %get3A_3183 = tpu.vector_load %arg5[%get3A_3181, %get3A_3182] {strides = array<i32>} : memref<256x128xf32, #tpu.memory_space<vmem>>, vector<1x16xf32>,
        %get3A_3184 = vector.shape_cast %get3A_3183 : vector<1x16xf32> to vector<16xf32>
        %slice3A_3185 = vector.extract_strided_slice %get3A_405 {offsets = [12], sizes = [1], strides = [1]} : vector<16xf32> to vector<1xf32>
        %squeeze3A_3186 = vector.extract %slice3A_3185[0] : f32 from vector<1xf32>
        %add3A_3187 = vector.broadcast %squeeze3A_3186 : f32 to vector<16xf32>
        %add3A_3188 = arith.addf %get3A_3128, %add3A_3187 : vector<16xf32>
        %max3A_3189 = arith.maximumf %max3A_2965, %add3A_3188 : vector<16xf32>
        %slice3A_3190 = vector.extract_strided_slice %get3A_405 {offsets = [12], sizes = [1], strides = [1]} : vector<16xf32> to vector<1xf32>
        %squeeze3A_3191 = vector.extract %slice3A_3190[0] : f32 from vector<1xf32>
        %add3A_3192 = vector.broadcast %squeeze3A_3191 : f32 to vector<16xf32>
        %add3A_3193 = arith.addf %get3A_3136, %add3A_3192 : vector<16xf32>
        %max3A_3194 = arith.maximumf %max3A_2970, %add3A_3193 : vector<16xf32>
        %slice3A_3195 = vector.extract_strided_slice %get3A_405 {offsets = [12], sizes = [1], strides = [1]} : vector<16xf32> to vector<1xf32>
        %squeeze3A_3196 = vector.extract %slice3A_3195[0] : f32 from vector<1xf32>
        %add3A_3197 = vector.broadcast %squeeze3A_3196 : f32 to vector<16xf32>
        %add3A_3198 = arith.addf %get3A_3144, %add3A_3197 : vector<16xf32>
        %max3A_3199 = arith.maximumf %max3A_2975, %add3A_3198 : vector<16xf32>
        %slice3A_3200 = vector.extract_strided_slice %get3A_405 {offsets = [12], sizes = [1], strides = [1]} : vector<16xf32> to vector<1xf32>
        %squeeze3A_3201 = vector.extract %slice3A_3200[0] : f32 from vector<1xf32>
        %add3A_3202 = vector.broadcast %squeeze3A_3201 : f32 to vector<16xf32>
        %add3A_3203 = arith.addf %get3A_3152, %add3A_3202 : vector<16xf32>
        %max3A_3204 = arith.maximumf %max3A_2980, %add3A_3203 : vector<16xf32>
        %slice3A_3205 = vector.extract_strided_slice %get3A_405 {offsets = [12], sizes = [1], strides = [1]} : vector<16xf32> to vector<1xf32>
        %squeeze3A_3206 = vector.extract %slice3A_3205[0] : f32 from vector<1xf32>
        %add3A_3207 = vector.broadcast %squeeze3A_3206 : f32 to vector<16xf32>
        %add3A_3208 = arith.addf %get3A_3160, %add3A_3207 : vector<16xf32>
        %max3A_3209 = arith.maximumf %max3A_2985, %add3A_3208 : vector<16xf32>
        %slice3A_3210 = vector.extract_strided_slice %get3A_405 {offsets = [12], sizes = [1], strides = [1]} : vector<16xf32> to vector<1xf32>
        %squeeze3A_3211 = vector.extract %slice3A_3210[0] : f32 from vector<1xf32>
        %add3A_3212 = vector.broadcast %squeeze3A_3211 : f32 to vector<16xf32>
        %add3A_3213 = arith.addf %get3A_3168, %add3A_3212 : vector<16xf32>
        %max3A_3214 = arith.maximumf %max3A_2990, %add3A_3213 : vector<16xf32>
        %slice3A_3215 = vector.extract_strided_slice %get3A_405 {offsets = [12], sizes = [1], strides = [1]} : vector<16xf32> to vector<1xf32>
        %squeeze3A_3216 = vector.extract %slice3A_3215[0] : f32 from vector<1xf32>
        %add3A_3217 = vector.broadcast %squeeze3A_3216 : f32 to vector<16xf32>
        %add3A_3218 = arith.addf %get3A_3176, %add3A_3217 : vector<16xf32>
        %max3A_3219 = arith.maximumf %max3A_2995, %add3A_3218 : vector<16xf32>
        %slice3A_3220 = vector.extract_strided_slice %get3A_405 {offsets = [12], sizes = [1], strides = [1]} : vector<16xf32> to vector<1xf32>
        %squeeze3A_3221 = vector.extract %slice3A_3220[0] : f32 from vector<1xf32>
        %add3A_3222 = vector.broadcast %squeeze3A_3221 : f32 to vector<16xf32>
        %add3A_3223 = arith.addf %get3A_3184, %add3A_3222 : vector<16xf32>
        %max3A_3224 = arith.maximumf %max3A_3000, %add3A_3223 : vector<16xf32>
        %slice3A_3225 = vector.extract_strided_slice %get3A_415 {offsets = [12], sizes = [1], strides = [1]} : vector<16xf32> to vector<1xf32>
        %squeeze3A_3226 = vector.extract %slice3A_3225[0] : f32 from vector<1xf32>
        %add3A_3227 = vector.broadcast %squeeze3A_3226 : f32 to vector<16xf32>
        %add3A_3228 = arith.addf %get3A_3128, %add3A_3227 : vector<16xf32>
        %max3A_3229 = arith.maximumf %max3A_3005, %add3A_3228 : vector<16xf32>
        %slice3A_3230 = vector.extract_strided_slice %get3A_415 {offsets = [12], sizes = [1], strides = [1]} : vector<16xf32> to vector<1xf32>
        %squeeze3A_3231 = vector.extract %slice3A_3230[0] : f32 from vector<1xf32>
        %add3A_3232 = vector.broadcast %squeeze3A_3231 : f32 to vector<16xf32>
        %add3A_3233 = arith.addf %get3A_3136, %add3A_3232 : vector<16xf32>
        %max3A_3234 = arith.maximumf %max3A_3010, %add3A_3233 : vector<16xf32>
        %slice3A_3235 = vector.extract_strided_slice %get3A_415 {offsets = [12], sizes = [1], strides = [1]} : vector<16xf32> to vector<1xf32>
        %squeeze3A_3236 = vector.extract %slice3A_3235[0] : f32 from vector<1xf32>
        %add3A_3237 = vector.broadcast %squeeze3A_3236 : f32 to vector<16xf32>
        %add3A_3238 = arith.addf %get3A_3144, %add3A_3237 : vector<16xf32>
        %max3A_3239 = arith.maximumf %max3A_3015, %add3A_3238 : vector<16xf32>
        %slice3A_3240 = vector.extract_strided_slice %get3A_415 {offsets = [12], sizes = [1], strides = [1]} : vector<16xf32> to vector<1xf32>
        %squeeze3A_3241 = vector.extract %slice3A_3240[0] : f32 from vector<1xf32>
        %add3A_3242 = vector.broadcast %squeeze3A_3241 : f32 to vector<16xf32>
        %add3A_3243 = arith.addf %get3A_3152, %add3A_3242 : vector<16xf32>
        %max3A_3244 = arith.maximumf %max3A_3020, %add3A_3243 : vector<16xf32>
        %slice3A_3245 = vector.extract_strided_slice %get3A_415 {offsets = [12], sizes = [1], strides = [1]} : vector<16xf32> to vector<1xf32>
        %squeeze3A_3246 = vector.extract %slice3A_3245[0] : f32 from vector<1xf32>
        %add3A_3247 = vector.broadcast %squeeze3A_3246 : f32 to vector<16xf32>
        %add3A_3248 = arith.addf %get3A_3160, %add3A_3247 : vector<16xf32>
        %max3A_3249 = arith.maximumf %max3A_3025, %add3A_3248 : vector<16xf32>
        %slice3A_3250 = vector.extract_strided_slice %get3A_415 {offsets = [12], sizes = [1], strides = [1]} : vector<16xf32> to vector<1xf32>
        %squeeze3A_3251 = vector.extract %slice3A_3250[0] : f32 from vector<1xf32>
        %add3A_3252 = vector.broadcast %squeeze3A_3251 : f32 to vector<16xf32>
        %add3A_3253 = arith.addf %get3A_3168, %add3A_3252 : vector<16xf32>
        %max3A_3254 = arith.maximumf %max3A_3030, %add3A_3253 : vector<16xf32>
        %slice3A_3255 = vector.extract_strided_slice %get3A_415 {offsets = [12], sizes = [1], strides = [1]} : vector<16xf32> to vector<1xf32>
        %squeeze3A_3256 = vector.extract %slice3A_3255[0] : f32 from vector<1xf32>
        %add3A_3257 = vector.broadcast %squeeze3A_3256 : f32 to vector<16xf32>
        %add3A_3258 = arith.addf %get3A_3176, %add3A_3257 : vector<16xf32>
        %max3A_3259 = arith.maximumf %max3A_3035, %add3A_3258 : vector<16xf32>
        %slice3A_3260 = vector.extract_strided_slice %get3A_415 {offsets = [12], sizes = [1], strides = [1]} : vector<16xf32> to vector<1xf32>
        %squeeze3A_3261 = vector.extract %slice3A_3260[0] : f32 from vector<1xf32>
        %add3A_3262 = vector.broadcast %squeeze3A_3261 : f32 to vector<16xf32>
        %add3A_3263 = arith.addf %get3A_3184, %add3A_3262 : vector<16xf32>
        %max3A_3264 = arith.maximumf %max3A_3040, %add3A_3263 : vector<16xf32>
        %slice3A_3265 = vector.extract_strided_slice %get3A_425 {offsets = [12], sizes = [1], strides = [1]} : vector<16xf32> to vector<1xf32>
        %squeeze3A_3266 = vector.extract %slice3A_3265[0] : f32 from vector<1xf32>
        %add3A_3267 = vector.broadcast %squeeze3A_3266 : f32 to vector<16xf32>
        %add3A_3268 = arith.addf %get3A_3128, %add3A_3267 : vector<16xf32>
        %max3A_3269 = arith.maximumf %max3A_3045, %add3A_3268 : vector<16xf32>
        %slice3A_3270 = vector.extract_strided_slice %get3A_425 {offsets = [12], sizes = [1], strides = [1]} : vector<16xf32> to vector<1xf32>
        %squeeze3A_3271 = vector.extract %slice3A_3270[0] : f32 from vector<1xf32>
        %add3A_3272 = vector.broadcast %squeeze3A_3271 : f32 to vector<16xf32>
        %add3A_3273 = arith.addf %get3A_3136, %add3A_3272 : vector<16xf32>
        %max3A_3274 = arith.maximumf %max3A_3050, %add3A_3273 : vector<16xf32>
        %slice3A_3275 = vector.extract_strided_slice %get3A_425 {offsets = [12], sizes = [1], strides = [1]} : vector<16xf32> to vector<1xf32>
        %squeeze3A_3276 = vector.extract %slice3A_3275[0] : f32 from vector<1xf32>
        %add3A_3277 = vector.broadcast %squeeze3A_3276 : f32 to vector<16xf32>
        %add3A_3278 = arith.addf %get3A_3144, %add3A_3277 : vector<16xf32>
        %max3A_3279 = arith.maximumf %max3A_3055, %add3A_3278 : vector<16xf32>
        %slice3A_3280 = vector.extract_strided_slice %get3A_425 {offsets = [12], sizes = [1], strides = [1]} : vector<16xf32> to vector<1xf32>
        %squeeze3A_3281 = vector.extract %slice3A_3280[0] : f32 from vector<1xf32>
        %add3A_3282 = vector.broadcast %squeeze3A_3281 : f32 to vector<16xf32>
        %add3A_3283 = arith.addf %get3A_3152, %add3A_3282 : vector<16xf32>
        %max3A_3284 = arith.maximumf %max3A_3060, %add3A_3283 : vector<16xf32>
        %slice3A_3285 = vector.extract_strided_slice %get3A_425 {offsets = [12], sizes = [1], strides = [1]} : vector<16xf32> to vector<1xf32>
        %squeeze3A_3286 = vector.extract %slice3A_3285[0] : f32 from vector<1xf32>
        %add3A_3287 = vector.broadcast %squeeze3A_3286 : f32 to vector<16xf32>
        %add3A_3288 = arith.addf %get3A_3160, %add3A_3287 : vector<16xf32>
        %max3A_3289 = arith.maximumf %max3A_3065, %add3A_3288 : vector<16xf32>
        %slice3A_3290 = vector.extract_strided_slice %get3A_425 {offsets = [12], sizes = [1], strides = [1]} : vector<16xf32> to vector<1xf32>
        %squeeze3A_3291 = vector.extract %slice3A_3290[0] : f32 from vector<1xf32>
        %add3A_3292 = vector.broadcast %squeeze3A_3291 : f32 to vector<16xf32>
        %add3A_3293 = arith.addf %get3A_3168, %add3A_3292 : vector<16xf32>
        %max3A_3294 = arith.maximumf %max3A_3070, %add3A_3293 : vector<16xf32>
        %slice3A_3295 = vector.extract_strided_slice %get3A_425 {offsets = [12], sizes = [1], strides = [1]} : vector<16xf32> to vector<1xf32>
        %squeeze3A_3296 = vector.extract %slice3A_3295[0] : f32 from vector<1xf32>
        %add3A_3297 = vector.broadcast %squeeze3A_3296 : f32 to vector<16xf32>
        %add3A_3298 = arith.addf %get3A_3176, %add3A_3297 : vector<16xf32>
        %max3A_3299 = arith.maximumf %max3A_3075, %add3A_3298 : vector<16xf32>
        %slice3A_3300 = vector.extract_strided_slice %get3A_425 {offsets = [12], sizes = [1], strides = [1]} : vector<16xf32> to vector<1xf32>
        %squeeze3A_3301 = vector.extract %slice3A_3300[0] : f32 from vector<1xf32>
        %add3A_3302 = vector.broadcast %squeeze3A_3301 : f32 to vector<16xf32>
        %add3A_3303 = arith.addf %get3A_3184, %add3A_3302 : vector<16xf32>
        %max3A_3304 = arith.maximumf %max3A_3080, %add3A_3303 : vector<16xf32>
        %slice3A_3305 = vector.extract_strided_slice %get3A_435 {offsets = [12], sizes = [1], strides = [1]} : vector<16xf32> to vector<1xf32>
        %squeeze3A_3306 = vector.extract %slice3A_3305[0] : f32 from vector<1xf32>
        %add3A_3307 = vector.broadcast %squeeze3A_3306 : f32 to vector<16xf32>
        %add3A_3308 = arith.addf %get3A_3128, %add3A_3307 : vector<16xf32>
        %max3A_3309 = arith.maximumf %max3A_3085, %add3A_3308 : vector<16xf32>
        %slice3A_3310 = vector.extract_strided_slice %get3A_435 {offsets = [12], sizes = [1], strides = [1]} : vector<16xf32> to vector<1xf32>
        %squeeze3A_3311 = vector.extract %slice3A_3310[0] : f32 from vector<1xf32>
        %add3A_3312 = vector.broadcast %squeeze3A_3311 : f32 to vector<16xf32>
        %add3A_3313 = arith.addf %get3A_3136, %add3A_3312 : vector<16xf32>
        %max3A_3314 = arith.maximumf %max3A_3090, %add3A_3313 : vector<16xf32>
        %slice3A_3315 = vector.extract_strided_slice %get3A_435 {offsets = [12], sizes = [1], strides = [1]} : vector<16xf32> to vector<1xf32>
        %squeeze3A_3316 = vector.extract %slice3A_3315[0] : f32 from vector<1xf32>
        %add3A_3317 = vector.broadcast %squeeze3A_3316 : f32 to vector<16xf32>
        %add3A_3318 = arith.addf %get3A_3144, %add3A_3317 : vector<16xf32>
        %max3A_3319 = arith.maximumf %max3A_3095, %add3A_3318 : vector<16xf32>
        %slice3A_3320 = vector.extract_strided_slice %get3A_435 {offsets = [12], sizes = [1], strides = [1]} : vector<16xf32> to vector<1xf32>
        %squeeze3A_3321 = vector.extract %slice3A_3320[0] : f32 from vector<1xf32>
        %add3A_3322 = vector.broadcast %squeeze3A_3321 : f32 to vector<16xf32>
        %add3A_3323 = arith.addf %get3A_3152, %add3A_3322 : vector<16xf32>
        %max3A_3324 = arith.maximumf %max3A_3100, %add3A_3323 : vector<16xf32>
        %slice3A_3325 = vector.extract_strided_slice %get3A_435 {offsets = [12], sizes = [1], strides = [1]} : vector<16xf32> to vector<1xf32>
        %squeeze3A_3326 = vector.extract %slice3A_3325[0] : f32 from vector<1xf32>
        %add3A_3327 = vector.broadcast %squeeze3A_3326 : f32 to vector<16xf32>
        %add3A_3328 = arith.addf %get3A_3160, %add3A_3327 : vector<16xf32>
        %max3A_3329 = arith.maximumf %max3A_3105, %add3A_3328 : vector<16xf32>
        %slice3A_3330 = vector.extract_strided_slice %get3A_435 {offsets = [12], sizes = [1], strides = [1]} : vector<16xf32> to vector<1xf32>
        %squeeze3A_3331 = vector.extract %slice3A_3330[0] : f32 from vector<1xf32>
        %add3A_3332 = vector.broadcast %squeeze3A_3331 : f32 to vector<16xf32>
        %add3A_3333 = arith.addf %get3A_3168, %add3A_3332 : vector<16xf32>
        %max3A_3334 = arith.maximumf %max3A_3110, %add3A_3333 : vector<16xf32>
        %slice3A_3335 = vector.extract_strided_slice %get3A_435 {offsets = [12], sizes = [1], strides = [1]} : vector<16xf32> to vector<1xf32>
        %squeeze3A_3336 = vector.extract %slice3A_3335[0] : f32 from vector<1xf32>
        %add3A_3337 = vector.broadcast %squeeze3A_3336 : f32 to vector<16xf32>
        %add3A_3338 = arith.addf %get3A_3176, %add3A_3337 : vector<16xf32>
        %max3A_3339 = arith.maximumf %max3A_3115, %add3A_3338 : vector<16xf32>
        %slice3A_3340 = vector.extract_strided_slice %get3A_435 {offsets = [12], sizes = [1], strides = [1]} : vector<16xf32> to vector<1xf32>
        %squeeze3A_3341 = vector.extract %slice3A_3340[0] : f32 from vector<1xf32>
        %add3A_3342 = vector.broadcast %squeeze3A_3341 : f32 to vector<16xf32>
        %add3A_3343 = arith.addf %get3A_3184, %add3A_3342 : vector<16xf32>
        %max3A_3344 = arith.maximumf %max3A_3120, %add3A_3343 : vector<16xf32>
        %mul3A_3345 = arith.constant 16 : i32
        %mul3A_3346 = arith.muli %mul3A_3345, %scan3A_364 : i32
        %add3A_3347 = arith.constant 13 : i32
        %add3A_3348 = arith.addi %mul3A_3346, %add3A_3347 : i32
        %get3A_3349 = arith.index_cast %add3A_3348 : i32 to index
        %get3A_3350 = arith.constant 0 : index
        %get3A_3351 = tpu.vector_load %arg5[%get3A_3349, %get3A_3350] {strides = array<i32>} : memref<256x128xf32, #tpu.memory_space<vmem>>, vector<1x16xf32>,
        %get3A_3352 = vector.shape_cast %get3A_3351 : vector<1x16xf32> to vector<16xf32>
        %mul3A_3353 = arith.constant 16 : i32
        %mul3A_3354 = arith.muli %mul3A_3353, %scan3A_364 : i32
        %add3A_3355 = arith.constant 13 : i32
        %add3A_3356 = arith.addi %mul3A_3354, %add3A_3355 : i32
        %get3A_3357 = arith.index_cast %add3A_3356 : i32 to index
        %get3A_3358 = arith.constant 16 : index
        %get3A_3359 = tpu.vector_load %arg5[%get3A_3357, %get3A_3358] {strides = array<i32>} : memref<256x128xf32, #tpu.memory_space<vmem>>, vector<1x16xf32>,
        %get3A_3360 = vector.shape_cast %get3A_3359 : vector<1x16xf32> to vector<16xf32>
        %mul3A_3361 = arith.constant 16 : i32
        %mul3A_3362 = arith.muli %mul3A_3361, %scan3A_364 : i32
        %add3A_3363 = arith.constant 13 : i32
        %add3A_3364 = arith.addi %mul3A_3362, %add3A_3363 : i32
        %get3A_3365 = arith.index_cast %add3A_3364 : i32 to index
        %get3A_3366 = arith.constant 32 : index
        %get3A_3367 = tpu.vector_load %arg5[%get3A_3365, %get3A_3366] {strides = array<i32>} : memref<256x128xf32, #tpu.memory_space<vmem>>, vector<1x16xf32>,
        %get3A_3368 = vector.shape_cast %get3A_3367 : vector<1x16xf32> to vector<16xf32>
        %mul3A_3369 = arith.constant 16 : i32
        %mul3A_3370 = arith.muli %mul3A_3369, %scan3A_364 : i32
        %add3A_3371 = arith.constant 13 : i32
        %add3A_3372 = arith.addi %mul3A_3370, %add3A_3371 : i32
        %get3A_3373 = arith.index_cast %add3A_3372 : i32 to index
        %get3A_3374 = arith.constant 48 : index
        %get3A_3375 = tpu.vector_load %arg5[%get3A_3373, %get3A_3374] {strides = array<i32>} : memref<256x128xf32, #tpu.memory_space<vmem>>, vector<1x16xf32>,
        %get3A_3376 = vector.shape_cast %get3A_3375 : vector<1x16xf32> to vector<16xf32>
        %mul3A_3377 = arith.constant 16 : i32
        %mul3A_3378 = arith.muli %mul3A_3377, %scan3A_364 : i32
        %add3A_3379 = arith.constant 13 : i32
        %add3A_3380 = arith.addi %mul3A_3378, %add3A_3379 : i32
        %get3A_3381 = arith.index_cast %add3A_3380 : i32 to index
        %get3A_3382 = arith.constant 64 : index
        %get3A_3383 = tpu.vector_load %arg5[%get3A_3381, %get3A_3382] {strides = array<i32>} : memref<256x128xf32, #tpu.memory_space<vmem>>, vector<1x16xf32>,
        %get3A_3384 = vector.shape_cast %get3A_3383 : vector<1x16xf32> to vector<16xf32>
        %mul3A_3385 = arith.constant 16 : i32
        %mul3A_3386 = arith.muli %mul3A_3385, %scan3A_364 : i32
        %add3A_3387 = arith.constant 13 : i32
        %add3A_3388 = arith.addi %mul3A_3386, %add3A_3387 : i32
        %get3A_3389 = arith.index_cast %add3A_3388 : i32 to index
        %get3A_3390 = arith.constant 80 : index
        %get3A_3391 = tpu.vector_load %arg5[%get3A_3389, %get3A_3390] {strides = array<i32>} : memref<256x128xf32, #tpu.memory_space<vmem>>, vector<1x16xf32>,
        %get3A_3392 = vector.shape_cast %get3A_3391 : vector<1x16xf32> to vector<16xf32>
        %mul3A_3393 = arith.constant 16 : i32
        %mul3A_3394 = arith.muli %mul3A_3393, %scan3A_364 : i32
        %add3A_3395 = arith.constant 13 : i32
        %add3A_3396 = arith.addi %mul3A_3394, %add3A_3395 : i32
        %get3A_3397 = arith.index_cast %add3A_3396 : i32 to index
        %get3A_3398 = arith.constant 96 : index
        %get3A_3399 = tpu.vector_load %arg5[%get3A_3397, %get3A_3398] {strides = array<i32>} : memref<256x128xf32, #tpu.memory_space<vmem>>, vector<1x16xf32>,
        %get3A_3400 = vector.shape_cast %get3A_3399 : vector<1x16xf32> to vector<16xf32>
        %mul3A_3401 = arith.constant 16 : i32
        %mul3A_3402 = arith.muli %mul3A_3401, %scan3A_364 : i32
        %add3A_3403 = arith.constant 13 : i32
        %add3A_3404 = arith.addi %mul3A_3402, %add3A_3403 : i32
        %get3A_3405 = arith.index_cast %add3A_3404 : i32 to index
        %get3A_3406 = arith.constant 112 : index
        %get3A_3407 = tpu.vector_load %arg5[%get3A_3405, %get3A_3406] {strides = array<i32>} : memref<256x128xf32, #tpu.memory_space<vmem>>, vector<1x16xf32>,
        %get3A_3408 = vector.shape_cast %get3A_3407 : vector<1x16xf32> to vector<16xf32>
        %slice3A_3409 = vector.extract_strided_slice %get3A_405 {offsets = [13], sizes = [1], strides = [1]} : vector<16xf32> to vector<1xf32>
        %squeeze3A_3410 = vector.extract %slice3A_3409[0] : f32 from vector<1xf32>
        %add3A_3411 = vector.broadcast %squeeze3A_3410 : f32 to vector<16xf32>
        %add3A_3412 = arith.addf %get3A_3352, %add3A_3411 : vector<16xf32>
        %max3A_3413 = arith.maximumf %max3A_3189, %add3A_3412 : vector<16xf32>
        %slice3A_3414 = vector.extract_strided_slice %get3A_405 {offsets = [13], sizes = [1], strides = [1]} : vector<16xf32> to vector<1xf32>
        %squeeze3A_3415 = vector.extract %slice3A_3414[0] : f32 from vector<1xf32>
        %add3A_3416 = vector.broadcast %squeeze3A_3415 : f32 to vector<16xf32>
        %add3A_3417 = arith.addf %get3A_3360, %add3A_3416 : vector<16xf32>
        %max3A_3418 = arith.maximumf %max3A_3194, %add3A_3417 : vector<16xf32>
        %slice3A_3419 = vector.extract_strided_slice %get3A_405 {offsets = [13], sizes = [1], strides = [1]} : vector<16xf32> to vector<1xf32>
        %squeeze3A_3420 = vector.extract %slice3A_3419[0] : f32 from vector<1xf32>
        %add3A_3421 = vector.broadcast %squeeze3A_3420 : f32 to vector<16xf32>
        %add3A_3422 = arith.addf %get3A_3368, %add3A_3421 : vector<16xf32>
        %max3A_3423 = arith.maximumf %max3A_3199, %add3A_3422 : vector<16xf32>
        %slice3A_3424 = vector.extract_strided_slice %get3A_405 {offsets = [13], sizes = [1], strides = [1]} : vector<16xf32> to vector<1xf32>
        %squeeze3A_3425 = vector.extract %slice3A_3424[0] : f32 from vector<1xf32>
        %add3A_3426 = vector.broadcast %squeeze3A_3425 : f32 to vector<16xf32>
        %add3A_3427 = arith.addf %get3A_3376, %add3A_3426 : vector<16xf32>
        %max3A_3428 = arith.maximumf %max3A_3204, %add3A_3427 : vector<16xf32>
        %slice3A_3429 = vector.extract_strided_slice %get3A_405 {offsets = [13], sizes = [1], strides = [1]} : vector<16xf32> to vector<1xf32>
        %squeeze3A_3430 = vector.extract %slice3A_3429[0] : f32 from vector<1xf32>
        %add3A_3431 = vector.broadcast %squeeze3A_3430 : f32 to vector<16xf32>
        %add3A_3432 = arith.addf %get3A_3384, %add3A_3431 : vector<16xf32>
        %max3A_3433 = arith.maximumf %max3A_3209, %add3A_3432 : vector<16xf32>
        %slice3A_3434 = vector.extract_strided_slice %get3A_405 {offsets = [13], sizes = [1], strides = [1]} : vector<16xf32> to vector<1xf32>
        %squeeze3A_3435 = vector.extract %slice3A_3434[0] : f32 from vector<1xf32>
        %add3A_3436 = vector.broadcast %squeeze3A_3435 : f32 to vector<16xf32>
        %add3A_3437 = arith.addf %get3A_3392, %add3A_3436 : vector<16xf32>
        %max3A_3438 = arith.maximumf %max3A_3214, %add3A_3437 : vector<16xf32>
        %slice3A_3439 = vector.extract_strided_slice %get3A_405 {offsets = [13], sizes = [1], strides = [1]} : vector<16xf32> to vector<1xf32>
        %squeeze3A_3440 = vector.extract %slice3A_3439[0] : f32 from vector<1xf32>
        %add3A_3441 = vector.broadcast %squeeze3A_3440 : f32 to vector<16xf32>
        %add3A_3442 = arith.addf %get3A_3400, %add3A_3441 : vector<16xf32>
        %max3A_3443 = arith.maximumf %max3A_3219, %add3A_3442 : vector<16xf32>
        %slice3A_3444 = vector.extract_strided_slice %get3A_405 {offsets = [13], sizes = [1], strides = [1]} : vector<16xf32> to vector<1xf32>
        %squeeze3A_3445 = vector.extract %slice3A_3444[0] : f32 from vector<1xf32>
        %add3A_3446 = vector.broadcast %squeeze3A_3445 : f32 to vector<16xf32>
        %add3A_3447 = arith.addf %get3A_3408, %add3A_3446 : vector<16xf32>
        %max3A_3448 = arith.maximumf %max3A_3224, %add3A_3447 : vector<16xf32>
        %slice3A_3449 = vector.extract_strided_slice %get3A_415 {offsets = [13], sizes = [1], strides = [1]} : vector<16xf32> to vector<1xf32>
        %squeeze3A_3450 = vector.extract %slice3A_3449[0] : f32 from vector<1xf32>
        %add3A_3451 = vector.broadcast %squeeze3A_3450 : f32 to vector<16xf32>
        %add3A_3452 = arith.addf %get3A_3352, %add3A_3451 : vector<16xf32>
        %max3A_3453 = arith.maximumf %max3A_3229, %add3A_3452 : vector<16xf32>
        %slice3A_3454 = vector.extract_strided_slice %get3A_415 {offsets = [13], sizes = [1], strides = [1]} : vector<16xf32> to vector<1xf32>
        %squeeze3A_3455 = vector.extract %slice3A_3454[0] : f32 from vector<1xf32>
        %add3A_3456 = vector.broadcast %squeeze3A_3455 : f32 to vector<16xf32>
        %add3A_3457 = arith.addf %get3A_3360, %add3A_3456 : vector<16xf32>
        %max3A_3458 = arith.maximumf %max3A_3234, %add3A_3457 : vector<16xf32>
        %slice3A_3459 = vector.extract_strided_slice %get3A_415 {offsets = [13], sizes = [1], strides = [1]} : vector<16xf32> to vector<1xf32>
        %squeeze3A_3460 = vector.extract %slice3A_3459[0] : f32 from vector<1xf32>
        %add3A_3461 = vector.broadcast %squeeze3A_3460 : f32 to vector<16xf32>
        %add3A_3462 = arith.addf %get3A_3368, %add3A_3461 : vector<16xf32>
        %max3A_3463 = arith.maximumf %max3A_3239, %add3A_3462 : vector<16xf32>
        %slice3A_3464 = vector.extract_strided_slice %get3A_415 {offsets = [13], sizes = [1], strides = [1]} : vector<16xf32> to vector<1xf32>
        %squeeze3A_3465 = vector.extract %slice3A_3464[0] : f32 from vector<1xf32>
        %add3A_3466 = vector.broadcast %squeeze3A_3465 : f32 to vector<16xf32>
        %add3A_3467 = arith.addf %get3A_3376, %add3A_3466 : vector<16xf32>
        %max3A_3468 = arith.maximumf %max3A_3244, %add3A_3467 : vector<16xf32>
        %slice3A_3469 = vector.extract_strided_slice %get3A_415 {offsets = [13], sizes = [1], strides = [1]} : vector<16xf32> to vector<1xf32>
        %squeeze3A_3470 = vector.extract %slice3A_3469[0] : f32 from vector<1xf32>
        %add3A_3471 = vector.broadcast %squeeze3A_3470 : f32 to vector<16xf32>
        %add3A_3472 = arith.addf %get3A_3384, %add3A_3471 : vector<16xf32>
        %max3A_3473 = arith.maximumf %max3A_3249, %add3A_3472 : vector<16xf32>
        %slice3A_3474 = vector.extract_strided_slice %get3A_415 {offsets = [13], sizes = [1], strides = [1]} : vector<16xf32> to vector<1xf32>
        %squeeze3A_3475 = vector.extract %slice3A_3474[0] : f32 from vector<1xf32>
        %add3A_3476 = vector.broadcast %squeeze3A_3475 : f32 to vector<16xf32>
        %add3A_3477 = arith.addf %get3A_3392, %add3A_3476 : vector<16xf32>
        %max3A_3478 = arith.maximumf %max3A_3254, %add3A_3477 : vector<16xf32>
        %slice3A_3479 = vector.extract_strided_slice %get3A_415 {offsets = [13], sizes = [1], strides = [1]} : vector<16xf32> to vector<1xf32>
        %squeeze3A_3480 = vector.extract %slice3A_3479[0] : f32 from vector<1xf32>
        %add3A_3481 = vector.broadcast %squeeze3A_3480 : f32 to vector<16xf32>
        %add3A_3482 = arith.addf %get3A_3400, %add3A_3481 : vector<16xf32>
        %max3A_3483 = arith.maximumf %max3A_3259, %add3A_3482 : vector<16xf32>
        %slice3A_3484 = vector.extract_strided_slice %get3A_415 {offsets = [13], sizes = [1], strides = [1]} : vector<16xf32> to vector<1xf32>
        %squeeze3A_3485 = vector.extract %slice3A_3484[0] : f32 from vector<1xf32>
        %add3A_3486 = vector.broadcast %squeeze3A_3485 : f32 to vector<16xf32>
        %add3A_3487 = arith.addf %get3A_3408, %add3A_3486 : vector<16xf32>
        %max3A_3488 = arith.maximumf %max3A_3264, %add3A_3487 : vector<16xf32>
        %slice3A_3489 = vector.extract_strided_slice %get3A_425 {offsets = [13], sizes = [1], strides = [1]} : vector<16xf32> to vector<1xf32>
        %squeeze3A_3490 = vector.extract %slice3A_3489[0] : f32 from vector<1xf32>
        %add3A_3491 = vector.broadcast %squeeze3A_3490 : f32 to vector<16xf32>
        %add3A_3492 = arith.addf %get3A_3352, %add3A_3491 : vector<16xf32>
        %max3A_3493 = arith.maximumf %max3A_3269, %add3A_3492 : vector<16xf32>
        %slice3A_3494 = vector.extract_strided_slice %get3A_425 {offsets = [13], sizes = [1], strides = [1]} : vector<16xf32> to vector<1xf32>
        %squeeze3A_3495 = vector.extract %slice3A_3494[0] : f32 from vector<1xf32>
        %add3A_3496 = vector.broadcast %squeeze3A_3495 : f32 to vector<16xf32>
        %add3A_3497 = arith.addf %get3A_3360, %add3A_3496 : vector<16xf32>
        %max3A_3498 = arith.maximumf %max3A_3274, %add3A_3497 : vector<16xf32>
        %slice3A_3499 = vector.extract_strided_slice %get3A_425 {offsets = [13], sizes = [1], strides = [1]} : vector<16xf32> to vector<1xf32>
        %squeeze3A_3500 = vector.extract %slice3A_3499[0] : f32 from vector<1xf32>
        %add3A_3501 = vector.broadcast %squeeze3A_3500 : f32 to vector<16xf32>
        %add3A_3502 = arith.addf %get3A_3368, %add3A_3501 : vector<16xf32>
        %max3A_3503 = arith.maximumf %max3A_3279, %add3A_3502 : vector<16xf32>
        %slice3A_3504 = vector.extract_strided_slice %get3A_425 {offsets = [13], sizes = [1], strides = [1]} : vector<16xf32> to vector<1xf32>
        %squeeze3A_3505 = vector.extract %slice3A_3504[0] : f32 from vector<1xf32>
        %add3A_3506 = vector.broadcast %squeeze3A_3505 : f32 to vector<16xf32>
        %add3A_3507 = arith.addf %get3A_3376, %add3A_3506 : vector<16xf32>
        %max3A_3508 = arith.maximumf %max3A_3284, %add3A_3507 : vector<16xf32>
        %slice3A_3509 = vector.extract_strided_slice %get3A_425 {offsets = [13], sizes = [1], strides = [1]} : vector<16xf32> to vector<1xf32>
        %squeeze3A_3510 = vector.extract %slice3A_3509[0] : f32 from vector<1xf32>
        %add3A_3511 = vector.broadcast %squeeze3A_3510 : f32 to vector<16xf32>
        %add3A_3512 = arith.addf %get3A_3384, %add3A_3511 : vector<16xf32>
        %max3A_3513 = arith.maximumf %max3A_3289, %add3A_3512 : vector<16xf32>
        %slice3A_3514 = vector.extract_strided_slice %get3A_425 {offsets = [13], sizes = [1], strides = [1]} : vector<16xf32> to vector<1xf32>
        %squeeze3A_3515 = vector.extract %slice3A_3514[0] : f32 from vector<1xf32>
        %add3A_3516 = vector.broadcast %squeeze3A_3515 : f32 to vector<16xf32>
        %add3A_3517 = arith.addf %get3A_3392, %add3A_3516 : vector<16xf32>
        %max3A_3518 = arith.maximumf %max3A_3294, %add3A_3517 : vector<16xf32>
        %slice3A_3519 = vector.extract_strided_slice %get3A_425 {offsets = [13], sizes = [1], strides = [1]} : vector<16xf32> to vector<1xf32>
        %squeeze3A_3520 = vector.extract %slice3A_3519[0] : f32 from vector<1xf32>
        %add3A_3521 = vector.broadcast %squeeze3A_3520 : f32 to vector<16xf32>
        %add3A_3522 = arith.addf %get3A_3400, %add3A_3521 : vector<16xf32>
        %max3A_3523 = arith.maximumf %max3A_3299, %add3A_3522 : vector<16xf32>
        %slice3A_3524 = vector.extract_strided_slice %get3A_425 {offsets = [13], sizes = [1], strides = [1]} : vector<16xf32> to vector<1xf32>
        %squeeze3A_3525 = vector.extract %slice3A_3524[0] : f32 from vector<1xf32>
        %add3A_3526 = vector.broadcast %squeeze3A_3525 : f32 to vector<16xf32>
        %add3A_3527 = arith.addf %get3A_3408, %add3A_3526 : vector<16xf32>
        %max3A_3528 = arith.maximumf %max3A_3304, %add3A_3527 : vector<16xf32>
        %slice3A_3529 = vector.extract_strided_slice %get3A_435 {offsets = [13], sizes = [1], strides = [1]} : vector<16xf32> to vector<1xf32>
        %squeeze3A_3530 = vector.extract %slice3A_3529[0] : f32 from vector<1xf32>
        %add3A_3531 = vector.broadcast %squeeze3A_3530 : f32 to vector<16xf32>
        %add3A_3532 = arith.addf %get3A_3352, %add3A_3531 : vector<16xf32>
        %max3A_3533 = arith.maximumf %max3A_3309, %add3A_3532 : vector<16xf32>
        %slice3A_3534 = vector.extract_strided_slice %get3A_435 {offsets = [13], sizes = [1], strides = [1]} : vector<16xf32> to vector<1xf32>
        %squeeze3A_3535 = vector.extract %slice3A_3534[0] : f32 from vector<1xf32>
        %add3A_3536 = vector.broadcast %squeeze3A_3535 : f32 to vector<16xf32>
        %add3A_3537 = arith.addf %get3A_3360, %add3A_3536 : vector<16xf32>
        %max3A_3538 = arith.maximumf %max3A_3314, %add3A_3537 : vector<16xf32>
        %slice3A_3539 = vector.extract_strided_slice %get3A_435 {offsets = [13], sizes = [1], strides = [1]} : vector<16xf32> to vector<1xf32>
        %squeeze3A_3540 = vector.extract %slice3A_3539[0] : f32 from vector<1xf32>
        %add3A_3541 = vector.broadcast %squeeze3A_3540 : f32 to vector<16xf32>
        %add3A_3542 = arith.addf %get3A_3368, %add3A_3541 : vector<16xf32>
        %max3A_3543 = arith.maximumf %max3A_3319, %add3A_3542 : vector<16xf32>
        %slice3A_3544 = vector.extract_strided_slice %get3A_435 {offsets = [13], sizes = [1], strides = [1]} : vector<16xf32> to vector<1xf32>
        %squeeze3A_3545 = vector.extract %slice3A_3544[0] : f32 from vector<1xf32>
        %add3A_3546 = vector.broadcast %squeeze3A_3545 : f32 to vector<16xf32>
        %add3A_3547 = arith.addf %get3A_3376, %add3A_3546 : vector<16xf32>
        %max3A_3548 = arith.maximumf %max3A_3324, %add3A_3547 : vector<16xf32>
        %slice3A_3549 = vector.extract_strided_slice %get3A_435 {offsets = [13], sizes = [1], strides = [1]} : vector<16xf32> to vector<1xf32>
        %squeeze3A_3550 = vector.extract %slice3A_3549[0] : f32 from vector<1xf32>
        %add3A_3551 = vector.broadcast %squeeze3A_3550 : f32 to vector<16xf32>
        %add3A_3552 = arith.addf %get3A_3384, %add3A_3551 : vector<16xf32>
        %max3A_3553 = arith.maximumf %max3A_3329, %add3A_3552 : vector<16xf32>
        %slice3A_3554 = vector.extract_strided_slice %get3A_435 {offsets = [13], sizes = [1], strides = [1]} : vector<16xf32> to vector<1xf32>
        %squeeze3A_3555 = vector.extract %slice3A_3554[0] : f32 from vector<1xf32>
        %add3A_3556 = vector.broadcast %squeeze3A_3555 : f32 to vector<16xf32>
        %add3A_3557 = arith.addf %get3A_3392, %add3A_3556 : vector<16xf32>
        %max3A_3558 = arith.maximumf %max3A_3334, %add3A_3557 : vector<16xf32>
        %slice3A_3559 = vector.extract_strided_slice %get3A_435 {offsets = [13], sizes = [1], strides = [1]} : vector<16xf32> to vector<1xf32>
        %squeeze3A_3560 = vector.extract %slice3A_3559[0] : f32 from vector<1xf32>
        %add3A_3561 = vector.broadcast %squeeze3A_3560 : f32 to vector<16xf32>
        %add3A_3562 = arith.addf %get3A_3400, %add3A_3561 : vector<16xf32>
        %max3A_3563 = arith.maximumf %max3A_3339, %add3A_3562 : vector<16xf32>
        %slice3A_3564 = vector.extract_strided_slice %get3A_435 {offsets = [13], sizes = [1], strides = [1]} : vector<16xf32> to vector<1xf32>
        %squeeze3A_3565 = vector.extract %slice3A_3564[0] : f32 from vector<1xf32>
        %add3A_3566 = vector.broadcast %squeeze3A_3565 : f32 to vector<16xf32>
        %add3A_3567 = arith.addf %get3A_3408, %add3A_3566 : vector<16xf32>
        %max3A_3568 = arith.maximumf %max3A_3344, %add3A_3567 : vector<16xf32>
        %mul3A_3569 = arith.constant 16 : i32
        %mul3A_3570 = arith.muli %mul3A_3569, %scan3A_364 : i32
        %add3A_3571 = arith.constant 14 : i32
        %add3A_3572 = arith.addi %mul3A_3570, %add3A_3571 : i32
        %get3A_3573 = arith.index_cast %add3A_3572 : i32 to index
        %get3A_3574 = arith.constant 0 : index
        %get3A_3575 = tpu.vector_load %arg5[%get3A_3573, %get3A_3574] {strides = array<i32>} : memref<256x128xf32, #tpu.memory_space<vmem>>, vector<1x16xf32>,
        %get3A_3576 = vector.shape_cast %get3A_3575 : vector<1x16xf32> to vector<16xf32>
        %mul3A_3577 = arith.constant 16 : i32
        %mul3A_3578 = arith.muli %mul3A_3577, %scan3A_364 : i32
        %add3A_3579 = arith.constant 14 : i32
        %add3A_3580 = arith.addi %mul3A_3578, %add3A_3579 : i32
        %get3A_3581 = arith.index_cast %add3A_3580 : i32 to index
        %get3A_3582 = arith.constant 16 : index
        %get3A_3583 = tpu.vector_load %arg5[%get3A_3581, %get3A_3582] {strides = array<i32>} : memref<256x128xf32, #tpu.memory_space<vmem>>, vector<1x16xf32>,
        %get3A_3584 = vector.shape_cast %get3A_3583 : vector<1x16xf32> to vector<16xf32>
        %mul3A_3585 = arith.constant 16 : i32
        %mul3A_3586 = arith.muli %mul3A_3585, %scan3A_364 : i32
        %add3A_3587 = arith.constant 14 : i32
        %add3A_3588 = arith.addi %mul3A_3586, %add3A_3587 : i32
        %get3A_3589 = arith.index_cast %add3A_3588 : i32 to index
        %get3A_3590 = arith.constant 32 : index
        %get3A_3591 = tpu.vector_load %arg5[%get3A_3589, %get3A_3590] {strides = array<i32>} : memref<256x128xf32, #tpu.memory_space<vmem>>, vector<1x16xf32>,
        %get3A_3592 = vector.shape_cast %get3A_3591 : vector<1x16xf32> to vector<16xf32>
        %mul3A_3593 = arith.constant 16 : i32
        %mul3A_3594 = arith.muli %mul3A_3593, %scan3A_364 : i32
        %add3A_3595 = arith.constant 14 : i32
        %add3A_3596 = arith.addi %mul3A_3594, %add3A_3595 : i32
        %get3A_3597 = arith.index_cast %add3A_3596 : i32 to index
        %get3A_3598 = arith.constant 48 : index
        %get3A_3599 = tpu.vector_load %arg5[%get3A_3597, %get3A_3598] {strides = array<i32>} : memref<256x128xf32, #tpu.memory_space<vmem>>, vector<1x16xf32>,
        %get3A_3600 = vector.shape_cast %get3A_3599 : vector<1x16xf32> to vector<16xf32>
        %mul3A_3601 = arith.constant 16 : i32
        %mul3A_3602 = arith.muli %mul3A_3601, %scan3A_364 : i32
        %add3A_3603 = arith.constant 14 : i32
        %add3A_3604 = arith.addi %mul3A_3602, %add3A_3603 : i32
        %get3A_3605 = arith.index_cast %add3A_3604 : i32 to index
        %get3A_3606 = arith.constant 64 : index
        %get3A_3607 = tpu.vector_load %arg5[%get3A_3605, %get3A_3606] {strides = array<i32>} : memref<256x128xf32, #tpu.memory_space<vmem>>, vector<1x16xf32>,
        %get3A_3608 = vector.shape_cast %get3A_3607 : vector<1x16xf32> to vector<16xf32>
        %mul3A_3609 = arith.constant 16 : i32
        %mul3A_3610 = arith.muli %mul3A_3609, %scan3A_364 : i32
        %add3A_3611 = arith.constant 14 : i32
        %add3A_3612 = arith.addi %mul3A_3610, %add3A_3611 : i32
        %get3A_3613 = arith.index_cast %add3A_3612 : i32 to index
        %get3A_3614 = arith.constant 80 : index
        %get3A_3615 = tpu.vector_load %arg5[%get3A_3613, %get3A_3614] {strides = array<i32>} : memref<256x128xf32, #tpu.memory_space<vmem>>, vector<1x16xf32>,
        %get3A_3616 = vector.shape_cast %get3A_3615 : vector<1x16xf32> to vector<16xf32>
        %mul3A_3617 = arith.constant 16 : i32
        %mul3A_3618 = arith.muli %mul3A_3617, %scan3A_364 : i32
        %add3A_3619 = arith.constant 14 : i32
        %add3A_3620 = arith.addi %mul3A_3618, %add3A_3619 : i32
        %get3A_3621 = arith.index_cast %add3A_3620 : i32 to index
        %get3A_3622 = arith.constant 96 : index
        %get3A_3623 = tpu.vector_load %arg5[%get3A_3621, %get3A_3622] {strides = array<i32>} : memref<256x128xf32, #tpu.memory_space<vmem>>, vector<1x16xf32>,
        %get3A_3624 = vector.shape_cast %get3A_3623 : vector<1x16xf32> to vector<16xf32>
        %mul3A_3625 = arith.constant 16 : i32
        %mul3A_3626 = arith.muli %mul3A_3625, %scan3A_364 : i32
        %add3A_3627 = arith.constant 14 : i32
        %add3A_3628 = arith.addi %mul3A_3626, %add3A_3627 : i32
        %get3A_3629 = arith.index_cast %add3A_3628 : i32 to index
        %get3A_3630 = arith.constant 112 : index
        %get3A_3631 = tpu.vector_load %arg5[%get3A_3629, %get3A_3630] {strides = array<i32>} : memref<256x128xf32, #tpu.memory_space<vmem>>, vector<1x16xf32>,
        %get3A_3632 = vector.shape_cast %get3A_3631 : vector<1x16xf32> to vector<16xf32>
        %slice3A_3633 = vector.extract_strided_slice %get3A_405 {offsets = [14], sizes = [1], strides = [1]} : vector<16xf32> to vector<1xf32>
        %squeeze3A_3634 = vector.extract %slice3A_3633[0] : f32 from vector<1xf32>
        %add3A_3635 = vector.broadcast %squeeze3A_3634 : f32 to vector<16xf32>
        %add3A_3636 = arith.addf %get3A_3576, %add3A_3635 : vector<16xf32>
        %max3A_3637 = arith.maximumf %max3A_3413, %add3A_3636 : vector<16xf32>
        %slice3A_3638 = vector.extract_strided_slice %get3A_405 {offsets = [14], sizes = [1], strides = [1]} : vector<16xf32> to vector<1xf32>
        %squeeze3A_3639 = vector.extract %slice3A_3638[0] : f32 from vector<1xf32>
        %add3A_3640 = vector.broadcast %squeeze3A_3639 : f32 to vector<16xf32>
        %add3A_3641 = arith.addf %get3A_3584, %add3A_3640 : vector<16xf32>
        %max3A_3642 = arith.maximumf %max3A_3418, %add3A_3641 : vector<16xf32>
        %slice3A_3643 = vector.extract_strided_slice %get3A_405 {offsets = [14], sizes = [1], strides = [1]} : vector<16xf32> to vector<1xf32>
        %squeeze3A_3644 = vector.extract %slice3A_3643[0] : f32 from vector<1xf32>
        %add3A_3645 = vector.broadcast %squeeze3A_3644 : f32 to vector<16xf32>
        %add3A_3646 = arith.addf %get3A_3592, %add3A_3645 : vector<16xf32>
        %max3A_3647 = arith.maximumf %max3A_3423, %add3A_3646 : vector<16xf32>
        %slice3A_3648 = vector.extract_strided_slice %get3A_405 {offsets = [14], sizes = [1], strides = [1]} : vector<16xf32> to vector<1xf32>
        %squeeze3A_3649 = vector.extract %slice3A_3648[0] : f32 from vector<1xf32>
        %add3A_3650 = vector.broadcast %squeeze3A_3649 : f32 to vector<16xf32>
        %add3A_3651 = arith.addf %get3A_3600, %add3A_3650 : vector<16xf32>
        %max3A_3652 = arith.maximumf %max3A_3428, %add3A_3651 : vector<16xf32>
        %slice3A_3653 = vector.extract_strided_slice %get3A_405 {offsets = [14], sizes = [1], strides = [1]} : vector<16xf32> to vector<1xf32>
        %squeeze3A_3654 = vector.extract %slice3A_3653[0] : f32 from vector<1xf32>
        %add3A_3655 = vector.broadcast %squeeze3A_3654 : f32 to vector<16xf32>
        %add3A_3656 = arith.addf %get3A_3608, %add3A_3655 : vector<16xf32>
        %max3A_3657 = arith.maximumf %max3A_3433, %add3A_3656 : vector<16xf32>
        %slice3A_3658 = vector.extract_strided_slice %get3A_405 {offsets = [14], sizes = [1], strides = [1]} : vector<16xf32> to vector<1xf32>
        %squeeze3A_3659 = vector.extract %slice3A_3658[0] : f32 from vector<1xf32>
        %add3A_3660 = vector.broadcast %squeeze3A_3659 : f32 to vector<16xf32>
        %add3A_3661 = arith.addf %get3A_3616, %add3A_3660 : vector<16xf32>
        %max3A_3662 = arith.maximumf %max3A_3438, %add3A_3661 : vector<16xf32>
        %slice3A_3663 = vector.extract_strided_slice %get3A_405 {offsets = [14], sizes = [1], strides = [1]} : vector<16xf32> to vector<1xf32>
        %squeeze3A_3664 = vector.extract %slice3A_3663[0] : f32 from vector<1xf32>
        %add3A_3665 = vector.broadcast %squeeze3A_3664 : f32 to vector<16xf32>
        %add3A_3666 = arith.addf %get3A_3624, %add3A_3665 : vector<16xf32>
        %max3A_3667 = arith.maximumf %max3A_3443, %add3A_3666 : vector<16xf32>
        %slice3A_3668 = vector.extract_strided_slice %get3A_405 {offsets = [14], sizes = [1], strides = [1]} : vector<16xf32> to vector<1xf32>
        %squeeze3A_3669 = vector.extract %slice3A_3668[0] : f32 from vector<1xf32>
        %add3A_3670 = vector.broadcast %squeeze3A_3669 : f32 to vector<16xf32>
        %add3A_3671 = arith.addf %get3A_3632, %add3A_3670 : vector<16xf32>
        %max3A_3672 = arith.maximumf %max3A_3448, %add3A_3671 : vector<16xf32>
        %slice3A_3673 = vector.extract_strided_slice %get3A_415 {offsets = [14], sizes = [1], strides = [1]} : vector<16xf32> to vector<1xf32>
        %squeeze3A_3674 = vector.extract %slice3A_3673[0] : f32 from vector<1xf32>
        %add3A_3675 = vector.broadcast %squeeze3A_3674 : f32 to vector<16xf32>
        %add3A_3676 = arith.addf %get3A_3576, %add3A_3675 : vector<16xf32>
        %max3A_3677 = arith.maximumf %max3A_3453, %add3A_3676 : vector<16xf32>
        %slice3A_3678 = vector.extract_strided_slice %get3A_415 {offsets = [14], sizes = [1], strides = [1]} : vector<16xf32> to vector<1xf32>
        %squeeze3A_3679 = vector.extract %slice3A_3678[0] : f32 from vector<1xf32>
        %add3A_3680 = vector.broadcast %squeeze3A_3679 : f32 to vector<16xf32>
        %add3A_3681 = arith.addf %get3A_3584, %add3A_3680 : vector<16xf32>
        %max3A_3682 = arith.maximumf %max3A_3458, %add3A_3681 : vector<16xf32>
        %slice3A_3683 = vector.extract_strided_slice %get3A_415 {offsets = [14], sizes = [1], strides = [1]} : vector<16xf32> to vector<1xf32>
        %squeeze3A_3684 = vector.extract %slice3A_3683[0] : f32 from vector<1xf32>
        %add3A_3685 = vector.broadcast %squeeze3A_3684 : f32 to vector<16xf32>
        %add3A_3686 = arith.addf %get3A_3592, %add3A_3685 : vector<16xf32>
        %max3A_3687 = arith.maximumf %max3A_3463, %add3A_3686 : vector<16xf32>
        %slice3A_3688 = vector.extract_strided_slice %get3A_415 {offsets = [14], sizes = [1], strides = [1]} : vector<16xf32> to vector<1xf32>
        %squeeze3A_3689 = vector.extract %slice3A_3688[0] : f32 from vector<1xf32>
        %add3A_3690 = vector.broadcast %squeeze3A_3689 : f32 to vector<16xf32>
        %add3A_3691 = arith.addf %get3A_3600, %add3A_3690 : vector<16xf32>
        %max3A_3692 = arith.maximumf %max3A_3468, %add3A_3691 : vector<16xf32>
        %slice3A_3693 = vector.extract_strided_slice %get3A_415 {offsets = [14], sizes = [1], strides = [1]} : vector<16xf32> to vector<1xf32>
        %squeeze3A_3694 = vector.extract %slice3A_3693[0] : f32 from vector<1xf32>
        %add3A_3695 = vector.broadcast %squeeze3A_3694 : f32 to vector<16xf32>
        %add3A_3696 = arith.addf %get3A_3608, %add3A_3695 : vector<16xf32>
        %max3A_3697 = arith.maximumf %max3A_3473, %add3A_3696 : vector<16xf32>
        %slice3A_3698 = vector.extract_strided_slice %get3A_415 {offsets = [14], sizes = [1], strides = [1]} : vector<16xf32> to vector<1xf32>
        %squeeze3A_3699 = vector.extract %slice3A_3698[0] : f32 from vector<1xf32>
        %add3A_3700 = vector.broadcast %squeeze3A_3699 : f32 to vector<16xf32>
        %add3A_3701 = arith.addf %get3A_3616, %add3A_3700 : vector<16xf32>
        %max3A_3702 = arith.maximumf %max3A_3478, %add3A_3701 : vector<16xf32>
        %slice3A_3703 = vector.extract_strided_slice %get3A_415 {offsets = [14], sizes = [1], strides = [1]} : vector<16xf32> to vector<1xf32>
        %squeeze3A_3704 = vector.extract %slice3A_3703[0] : f32 from vector<1xf32>
        %add3A_3705 = vector.broadcast %squeeze3A_3704 : f32 to vector<16xf32>
        %add3A_3706 = arith.addf %get3A_3624, %add3A_3705 : vector<16xf32>
        %max3A_3707 = arith.maximumf %max3A_3483, %add3A_3706 : vector<16xf32>
        %slice3A_3708 = vector.extract_strided_slice %get3A_415 {offsets = [14], sizes = [1], strides = [1]} : vector<16xf32> to vector<1xf32>
        %squeeze3A_3709 = vector.extract %slice3A_3708[0] : f32 from vector<1xf32>
        %add3A_3710 = vector.broadcast %squeeze3A_3709 : f32 to vector<16xf32>
        %add3A_3711 = arith.addf %get3A_3632, %add3A_3710 : vector<16xf32>
        %max3A_3712 = arith.maximumf %max3A_3488, %add3A_3711 : vector<16xf32>
        %slice3A_3713 = vector.extract_strided_slice %get3A_425 {offsets = [14], sizes = [1], strides = [1]} : vector<16xf32> to vector<1xf32>
        %squeeze3A_3714 = vector.extract %slice3A_3713[0] : f32 from vector<1xf32>
        %add3A_3715 = vector.broadcast %squeeze3A_3714 : f32 to vector<16xf32>
        %add3A_3716 = arith.addf %get3A_3576, %add3A_3715 : vector<16xf32>
        %max3A_3717 = arith.maximumf %max3A_3493, %add3A_3716 : vector<16xf32>
        %slice3A_3718 = vector.extract_strided_slice %get3A_425 {offsets = [14], sizes = [1], strides = [1]} : vector<16xf32> to vector<1xf32>
        %squeeze3A_3719 = vector.extract %slice3A_3718[0] : f32 from vector<1xf32>
        %add3A_3720 = vector.broadcast %squeeze3A_3719 : f32 to vector<16xf32>
        %add3A_3721 = arith.addf %get3A_3584, %add3A_3720 : vector<16xf32>
        %max3A_3722 = arith.maximumf %max3A_3498, %add3A_3721 : vector<16xf32>
        %slice3A_3723 = vector.extract_strided_slice %get3A_425 {offsets = [14], sizes = [1], strides = [1]} : vector<16xf32> to vector<1xf32>
        %squeeze3A_3724 = vector.extract %slice3A_3723[0] : f32 from vector<1xf32>
        %add3A_3725 = vector.broadcast %squeeze3A_3724 : f32 to vector<16xf32>
        %add3A_3726 = arith.addf %get3A_3592, %add3A_3725 : vector<16xf32>
        %max3A_3727 = arith.maximumf %max3A_3503, %add3A_3726 : vector<16xf32>
        %slice3A_3728 = vector.extract_strided_slice %get3A_425 {offsets = [14], sizes = [1], strides = [1]} : vector<16xf32> to vector<1xf32>
        %squeeze3A_3729 = vector.extract %slice3A_3728[0] : f32 from vector<1xf32>
        %add3A_3730 = vector.broadcast %squeeze3A_3729 : f32 to vector<16xf32>
        %add3A_3731 = arith.addf %get3A_3600, %add3A_3730 : vector<16xf32>
        %max3A_3732 = arith.maximumf %max3A_3508, %add3A_3731 : vector<16xf32>
        %slice3A_3733 = vector.extract_strided_slice %get3A_425 {offsets = [14], sizes = [1], strides = [1]} : vector<16xf32> to vector<1xf32>
        %squeeze3A_3734 = vector.extract %slice3A_3733[0] : f32 from vector<1xf32>
        %add3A_3735 = vector.broadcast %squeeze3A_3734 : f32 to vector<16xf32>
        %add3A_3736 = arith.addf %get3A_3608, %add3A_3735 : vector<16xf32>
        %max3A_3737 = arith.maximumf %max3A_3513, %add3A_3736 : vector<16xf32>
        %slice3A_3738 = vector.extract_strided_slice %get3A_425 {offsets = [14], sizes = [1], strides = [1]} : vector<16xf32> to vector<1xf32>
        %squeeze3A_3739 = vector.extract %slice3A_3738[0] : f32 from vector<1xf32>
        %add3A_3740 = vector.broadcast %squeeze3A_3739 : f32 to vector<16xf32>
        %add3A_3741 = arith.addf %get3A_3616, %add3A_3740 : vector<16xf32>
        %max3A_3742 = arith.maximumf %max3A_3518, %add3A_3741 : vector<16xf32>
        %slice3A_3743 = vector.extract_strided_slice %get3A_425 {offsets = [14], sizes = [1], strides = [1]} : vector<16xf32> to vector<1xf32>
        %squeeze3A_3744 = vector.extract %slice3A_3743[0] : f32 from vector<1xf32>
        %add3A_3745 = vector.broadcast %squeeze3A_3744 : f32 to vector<16xf32>
        %add3A_3746 = arith.addf %get3A_3624, %add3A_3745 : vector<16xf32>
        %max3A_3747 = arith.maximumf %max3A_3523, %add3A_3746 : vector<16xf32>
        %slice3A_3748 = vector.extract_strided_slice %get3A_425 {offsets = [14], sizes = [1], strides = [1]} : vector<16xf32> to vector<1xf32>
        %squeeze3A_3749 = vector.extract %slice3A_3748[0] : f32 from vector<1xf32>
        %add3A_3750 = vector.broadcast %squeeze3A_3749 : f32 to vector<16xf32>
        %add3A_3751 = arith.addf %get3A_3632, %add3A_3750 : vector<16xf32>
        %max3A_3752 = arith.maximumf %max3A_3528, %add3A_3751 : vector<16xf32>
        %slice3A_3753 = vector.extract_strided_slice %get3A_435 {offsets = [14], sizes = [1], strides = [1]} : vector<16xf32> to vector<1xf32>
        %squeeze3A_3754 = vector.extract %slice3A_3753[0] : f32 from vector<1xf32>
        %add3A_3755 = vector.broadcast %squeeze3A_3754 : f32 to vector<16xf32>
        %add3A_3756 = arith.addf %get3A_3576, %add3A_3755 : vector<16xf32>
        %max3A_3757 = arith.maximumf %max3A_3533, %add3A_3756 : vector<16xf32>
        %slice3A_3758 = vector.extract_strided_slice %get3A_435 {offsets = [14], sizes = [1], strides = [1]} : vector<16xf32> to vector<1xf32>
        %squeeze3A_3759 = vector.extract %slice3A_3758[0] : f32 from vector<1xf32>
        %add3A_3760 = vector.broadcast %squeeze3A_3759 : f32 to vector<16xf32>
        %add3A_3761 = arith.addf %get3A_3584, %add3A_3760 : vector<16xf32>
        %max3A_3762 = arith.maximumf %max3A_3538, %add3A_3761 : vector<16xf32>
        %slice3A_3763 = vector.extract_strided_slice %get3A_435 {offsets = [14], sizes = [1], strides = [1]} : vector<16xf32> to vector<1xf32>
        %squeeze3A_3764 = vector.extract %slice3A_3763[0] : f32 from vector<1xf32>
        %add3A_3765 = vector.broadcast %squeeze3A_3764 : f32 to vector<16xf32>
        %add3A_3766 = arith.addf %get3A_3592, %add3A_3765 : vector<16xf32>
        %max3A_3767 = arith.maximumf %max3A_3543, %add3A_3766 : vector<16xf32>
        %slice3A_3768 = vector.extract_strided_slice %get3A_435 {offsets = [14], sizes = [1], strides = [1]} : vector<16xf32> to vector<1xf32>
        %squeeze3A_3769 = vector.extract %slice3A_3768[0] : f32 from vector<1xf32>
        %add3A_3770 = vector.broadcast %squeeze3A_3769 : f32 to vector<16xf32>
        %add3A_3771 = arith.addf %get3A_3600, %add3A_3770 : vector<16xf32>
        %max3A_3772 = arith.maximumf %max3A_3548, %add3A_3771 : vector<16xf32>
        %slice3A_3773 = vector.extract_strided_slice %get3A_435 {offsets = [14], sizes = [1], strides = [1]} : vector<16xf32> to vector<1xf32>
        %squeeze3A_3774 = vector.extract %slice3A_3773[0] : f32 from vector<1xf32>
        %add3A_3775 = vector.broadcast %squeeze3A_3774 : f32 to vector<16xf32>
        %add3A_3776 = arith.addf %get3A_3608, %add3A_3775 : vector<16xf32>
        %max3A_3777 = arith.maximumf %max3A_3553, %add3A_3776 : vector<16xf32>
        %slice3A_3778 = vector.extract_strided_slice %get3A_435 {offsets = [14], sizes = [1], strides = [1]} : vector<16xf32> to vector<1xf32>
        %squeeze3A_3779 = vector.extract %slice3A_3778[0] : f32 from vector<1xf32>
        %add3A_3780 = vector.broadcast %squeeze3A_3779 : f32 to vector<16xf32>
        %add3A_3781 = arith.addf %get3A_3616, %add3A_3780 : vector<16xf32>
        %max3A_3782 = arith.maximumf %max3A_3558, %add3A_3781 : vector<16xf32>
        %slice3A_3783 = vector.extract_strided_slice %get3A_435 {offsets = [14], sizes = [1], strides = [1]} : vector<16xf32> to vector<1xf32>
        %squeeze3A_3784 = vector.extract %slice3A_3783[0] : f32 from vector<1xf32>
        %add3A_3785 = vector.broadcast %squeeze3A_3784 : f32 to vector<16xf32>
        %add3A_3786 = arith.addf %get3A_3624, %add3A_3785 : vector<16xf32>
        %max3A_3787 = arith.maximumf %max3A_3563, %add3A_3786 : vector<16xf32>
        %slice3A_3788 = vector.extract_strided_slice %get3A_435 {offsets = [14], sizes = [1], strides = [1]} : vector<16xf32> to vector<1xf32>
        %squeeze3A_3789 = vector.extract %slice3A_3788[0] : f32 from vector<1xf32>
        %add3A_3790 = vector.broadcast %squeeze3A_3789 : f32 to vector<16xf32>
        %add3A_3791 = arith.addf %get3A_3632, %add3A_3790 : vector<16xf32>
        %max3A_3792 = arith.maximumf %max3A_3568, %add3A_3791 : vector<16xf32>
        %mul3A_3793 = arith.constant 16 : i32
        %mul3A_3794 = arith.muli %mul3A_3793, %scan3A_364 : i32
        %add3A_3795 = arith.constant 15 : i32
        %add3A_3796 = arith.addi %mul3A_3794, %add3A_3795 : i32
        %get3A_3797 = arith.index_cast %add3A_3796 : i32 to index
        %get3A_3798 = arith.constant 0 : index
        %get3A_3799 = tpu.vector_load %arg5[%get3A_3797, %get3A_3798] {strides = array<i32>} : memref<256x128xf32, #tpu.memory_space<vmem>>, vector<1x16xf32>,
        %get3A_3800 = vector.shape_cast %get3A_3799 : vector<1x16xf32> to vector<16xf32>
        %mul3A_3801 = arith.constant 16 : i32
        %mul3A_3802 = arith.muli %mul3A_3801, %scan3A_364 : i32
        %add3A_3803 = arith.constant 15 : i32
        %add3A_3804 = arith.addi %mul3A_3802, %add3A_3803 : i32
        %get3A_3805 = arith.index_cast %add3A_3804 : i32 to index
        %get3A_3806 = arith.constant 16 : index
        %get3A_3807 = tpu.vector_load %arg5[%get3A_3805, %get3A_3806] {strides = array<i32>} : memref<256x128xf32, #tpu.memory_space<vmem>>, vector<1x16xf32>,
        %get3A_3808 = vector.shape_cast %get3A_3807 : vector<1x16xf32> to vector<16xf32>
        %mul3A_3809 = arith.constant 16 : i32
        %mul3A_3810 = arith.muli %mul3A_3809, %scan3A_364 : i32
        %add3A_3811 = arith.constant 15 : i32
        %add3A_3812 = arith.addi %mul3A_3810, %add3A_3811 : i32
        %get3A_3813 = arith.index_cast %add3A_3812 : i32 to index
        %get3A_3814 = arith.constant 32 : index
        %get3A_3815 = tpu.vector_load %arg5[%get3A_3813, %get3A_3814] {strides = array<i32>} : memref<256x128xf32, #tpu.memory_space<vmem>>, vector<1x16xf32>,
        %get3A_3816 = vector.shape_cast %get3A_3815 : vector<1x16xf32> to vector<16xf32>
        %mul3A_3817 = arith.constant 16 : i32
        %mul3A_3818 = arith.muli %mul3A_3817, %scan3A_364 : i32
        %add3A_3819 = arith.constant 15 : i32
        %add3A_3820 = arith.addi %mul3A_3818, %add3A_3819 : i32
        %get3A_3821 = arith.index_cast %add3A_3820 : i32 to index
        %get3A_3822 = arith.constant 48 : index
        %get3A_3823 = tpu.vector_load %arg5[%get3A_3821, %get3A_3822] {strides = array<i32>} : memref<256x128xf32, #tpu.memory_space<vmem>>, vector<1x16xf32>,
        %get3A_3824 = vector.shape_cast %get3A_3823 : vector<1x16xf32> to vector<16xf32>
        %mul3A_3825 = arith.constant 16 : i32
        %mul3A_3826 = arith.muli %mul3A_3825, %scan3A_364 : i32
        %add3A_3827 = arith.constant 15 : i32
        %add3A_3828 = arith.addi %mul3A_3826, %add3A_3827 : i32
        %get3A_3829 = arith.index_cast %add3A_3828 : i32 to index
        %get3A_3830 = arith.constant 64 : index
        %get3A_3831 = tpu.vector_load %arg5[%get3A_3829, %get3A_3830] {strides = array<i32>} : memref<256x128xf32, #tpu.memory_space<vmem>>, vector<1x16xf32>,
        %get3A_3832 = vector.shape_cast %get3A_3831 : vector<1x16xf32> to vector<16xf32>
        %mul3A_3833 = arith.constant 16 : i32
        %mul3A_3834 = arith.muli %mul3A_3833, %scan3A_364 : i32
        %add3A_3835 = arith.constant 15 : i32
        %add3A_3836 = arith.addi %mul3A_3834, %add3A_3835 : i32
        %get3A_3837 = arith.index_cast %add3A_3836 : i32 to index
        %get3A_3838 = arith.constant 80 : index
        %get3A_3839 = tpu.vector_load %arg5[%get3A_3837, %get3A_3838] {strides = array<i32>} : memref<256x128xf32, #tpu.memory_space<vmem>>, vector<1x16xf32>,
        %get3A_3840 = vector.shape_cast %get3A_3839 : vector<1x16xf32> to vector<16xf32>
        %mul3A_3841 = arith.constant 16 : i32
        %mul3A_3842 = arith.muli %mul3A_3841, %scan3A_364 : i32
        %add3A_3843 = arith.constant 15 : i32
        %add3A_3844 = arith.addi %mul3A_3842, %add3A_3843 : i32
        %get3A_3845 = arith.index_cast %add3A_3844 : i32 to index
        %get3A_3846 = arith.constant 96 : index
        %get3A_3847 = tpu.vector_load %arg5[%get3A_3845, %get3A_3846] {strides = array<i32>} : memref<256x128xf32, #tpu.memory_space<vmem>>, vector<1x16xf32>,
        %get3A_3848 = vector.shape_cast %get3A_3847 : vector<1x16xf32> to vector<16xf32>
        %mul3A_3849 = arith.constant 16 : i32
        %mul3A_3850 = arith.muli %mul3A_3849, %scan3A_364 : i32
        %add3A_3851 = arith.constant 15 : i32
        %add3A_3852 = arith.addi %mul3A_3850, %add3A_3851 : i32
        %get3A_3853 = arith.index_cast %add3A_3852 : i32 to index
        %get3A_3854 = arith.constant 112 : index
        %get3A_3855 = tpu.vector_load %arg5[%get3A_3853, %get3A_3854] {strides = array<i32>} : memref<256x128xf32, #tpu.memory_space<vmem>>, vector<1x16xf32>,
        %get3A_3856 = vector.shape_cast %get3A_3855 : vector<1x16xf32> to vector<16xf32>
        %slice3A_3857 = vector.extract_strided_slice %get3A_405 {offsets = [15], sizes = [1], strides = [1]} : vector<16xf32> to vector<1xf32>
        %squeeze3A_3858 = vector.extract %slice3A_3857[0] : f32 from vector<1xf32>
        %add3A_3859 = vector.broadcast %squeeze3A_3858 : f32 to vector<16xf32>
        %add3A_3860 = arith.addf %get3A_3800, %add3A_3859 : vector<16xf32>
        %max3A_3861 = arith.maximumf %max3A_3637, %add3A_3860 : vector<16xf32>
        %slice3A_3862 = vector.extract_strided_slice %get3A_405 {offsets = [15], sizes = [1], strides = [1]} : vector<16xf32> to vector<1xf32>
        %squeeze3A_3863 = vector.extract %slice3A_3862[0] : f32 from vector<1xf32>
        %add3A_3864 = vector.broadcast %squeeze3A_3863 : f32 to vector<16xf32>
        %add3A_3865 = arith.addf %get3A_3808, %add3A_3864 : vector<16xf32>
        %max3A_3866 = arith.maximumf %max3A_3642, %add3A_3865 : vector<16xf32>
        %slice3A_3867 = vector.extract_strided_slice %get3A_405 {offsets = [15], sizes = [1], strides = [1]} : vector<16xf32> to vector<1xf32>
        %squeeze3A_3868 = vector.extract %slice3A_3867[0] : f32 from vector<1xf32>
        %add3A_3869 = vector.broadcast %squeeze3A_3868 : f32 to vector<16xf32>
        %add3A_3870 = arith.addf %get3A_3816, %add3A_3869 : vector<16xf32>
        %max3A_3871 = arith.maximumf %max3A_3647, %add3A_3870 : vector<16xf32>
        %slice3A_3872 = vector.extract_strided_slice %get3A_405 {offsets = [15], sizes = [1], strides = [1]} : vector<16xf32> to vector<1xf32>
        %squeeze3A_3873 = vector.extract %slice3A_3872[0] : f32 from vector<1xf32>
        %add3A_3874 = vector.broadcast %squeeze3A_3873 : f32 to vector<16xf32>
        %add3A_3875 = arith.addf %get3A_3824, %add3A_3874 : vector<16xf32>
        %max3A_3876 = arith.maximumf %max3A_3652, %add3A_3875 : vector<16xf32>
        %slice3A_3877 = vector.extract_strided_slice %get3A_405 {offsets = [15], sizes = [1], strides = [1]} : vector<16xf32> to vector<1xf32>
        %squeeze3A_3878 = vector.extract %slice3A_3877[0] : f32 from vector<1xf32>
        %add3A_3879 = vector.broadcast %squeeze3A_3878 : f32 to vector<16xf32>
        %add3A_3880 = arith.addf %get3A_3832, %add3A_3879 : vector<16xf32>
        %max3A_3881 = arith.maximumf %max3A_3657, %add3A_3880 : vector<16xf32>
        %slice3A_3882 = vector.extract_strided_slice %get3A_405 {offsets = [15], sizes = [1], strides = [1]} : vector<16xf32> to vector<1xf32>
        %squeeze3A_3883 = vector.extract %slice3A_3882[0] : f32 from vector<1xf32>
        %add3A_3884 = vector.broadcast %squeeze3A_3883 : f32 to vector<16xf32>
        %add3A_3885 = arith.addf %get3A_3840, %add3A_3884 : vector<16xf32>
        %max3A_3886 = arith.maximumf %max3A_3662, %add3A_3885 : vector<16xf32>
        %slice3A_3887 = vector.extract_strided_slice %get3A_405 {offsets = [15], sizes = [1], strides = [1]} : vector<16xf32> to vector<1xf32>
        %squeeze3A_3888 = vector.extract %slice3A_3887[0] : f32 from vector<1xf32>
        %add3A_3889 = vector.broadcast %squeeze3A_3888 : f32 to vector<16xf32>
        %add3A_3890 = arith.addf %get3A_3848, %add3A_3889 : vector<16xf32>
        %max3A_3891 = arith.maximumf %max3A_3667, %add3A_3890 : vector<16xf32>
        %slice3A_3892 = vector.extract_strided_slice %get3A_405 {offsets = [15], sizes = [1], strides = [1]} : vector<16xf32> to vector<1xf32>
        %squeeze3A_3893 = vector.extract %slice3A_3892[0] : f32 from vector<1xf32>
        %add3A_3894 = vector.broadcast %squeeze3A_3893 : f32 to vector<16xf32>
        %add3A_3895 = arith.addf %get3A_3856, %add3A_3894 : vector<16xf32>
        %max3A_3896 = arith.maximumf %max3A_3672, %add3A_3895 : vector<16xf32>
        %slice3A_3897 = vector.extract_strided_slice %get3A_415 {offsets = [15], sizes = [1], strides = [1]} : vector<16xf32> to vector<1xf32>
        %squeeze3A_3898 = vector.extract %slice3A_3897[0] : f32 from vector<1xf32>
        %add3A_3899 = vector.broadcast %squeeze3A_3898 : f32 to vector<16xf32>
        %add3A_3900 = arith.addf %get3A_3800, %add3A_3899 : vector<16xf32>
        %max3A_3901 = arith.maximumf %max3A_3677, %add3A_3900 : vector<16xf32>
        %slice3A_3902 = vector.extract_strided_slice %get3A_415 {offsets = [15], sizes = [1], strides = [1]} : vector<16xf32> to vector<1xf32>
        %squeeze3A_3903 = vector.extract %slice3A_3902[0] : f32 from vector<1xf32>
        %add3A_3904 = vector.broadcast %squeeze3A_3903 : f32 to vector<16xf32>
        %add3A_3905 = arith.addf %get3A_3808, %add3A_3904 : vector<16xf32>
        %max3A_3906 = arith.maximumf %max3A_3682, %add3A_3905 : vector<16xf32>
        %slice3A_3907 = vector.extract_strided_slice %get3A_415 {offsets = [15], sizes = [1], strides = [1]} : vector<16xf32> to vector<1xf32>
        %squeeze3A_3908 = vector.extract %slice3A_3907[0] : f32 from vector<1xf32>
        %add3A_3909 = vector.broadcast %squeeze3A_3908 : f32 to vector<16xf32>
        %add3A_3910 = arith.addf %get3A_3816, %add3A_3909 : vector<16xf32>
        %max3A_3911 = arith.maximumf %max3A_3687, %add3A_3910 : vector<16xf32>
        %slice3A_3912 = vector.extract_strided_slice %get3A_415 {offsets = [15], sizes = [1], strides = [1]} : vector<16xf32> to vector<1xf32>
        %squeeze3A_3913 = vector.extract %slice3A_3912[0] : f32 from vector<1xf32>
        %add3A_3914 = vector.broadcast %squeeze3A_3913 : f32 to vector<16xf32>
        %add3A_3915 = arith.addf %get3A_3824, %add3A_3914 : vector<16xf32>
        %max3A_3916 = arith.maximumf %max3A_3692, %add3A_3915 : vector<16xf32>
        %slice3A_3917 = vector.extract_strided_slice %get3A_415 {offsets = [15], sizes = [1], strides = [1]} : vector<16xf32> to vector<1xf32>
        %squeeze3A_3918 = vector.extract %slice3A_3917[0] : f32 from vector<1xf32>
        %add3A_3919 = vector.broadcast %squeeze3A_3918 : f32 to vector<16xf32>
        %add3A_3920 = arith.addf %get3A_3832, %add3A_3919 : vector<16xf32>
        %max3A_3921 = arith.maximumf %max3A_3697, %add3A_3920 : vector<16xf32>
        %slice3A_3922 = vector.extract_strided_slice %get3A_415 {offsets = [15], sizes = [1], strides = [1]} : vector<16xf32> to vector<1xf32>
        %squeeze3A_3923 = vector.extract %slice3A_3922[0] : f32 from vector<1xf32>
        %add3A_3924 = vector.broadcast %squeeze3A_3923 : f32 to vector<16xf32>
        %add3A_3925 = arith.addf %get3A_3840, %add3A_3924 : vector<16xf32>
        %max3A_3926 = arith.maximumf %max3A_3702, %add3A_3925 : vector<16xf32>
        %slice3A_3927 = vector.extract_strided_slice %get3A_415 {offsets = [15], sizes = [1], strides = [1]} : vector<16xf32> to vector<1xf32>
        %squeeze3A_3928 = vector.extract %slice3A_3927[0] : f32 from vector<1xf32>
        %add3A_3929 = vector.broadcast %squeeze3A_3928 : f32 to vector<16xf32>
        %add3A_3930 = arith.addf %get3A_3848, %add3A_3929 : vector<16xf32>
        %max3A_3931 = arith.maximumf %max3A_3707, %add3A_3930 : vector<16xf32>
        %slice3A_3932 = vector.extract_strided_slice %get3A_415 {offsets = [15], sizes = [1], strides = [1]} : vector<16xf32> to vector<1xf32>
        %squeeze3A_3933 = vector.extract %slice3A_3932[0] : f32 from vector<1xf32>
        %add3A_3934 = vector.broadcast %squeeze3A_3933 : f32 to vector<16xf32>
        %add3A_3935 = arith.addf %get3A_3856, %add3A_3934 : vector<16xf32>
        %max3A_3936 = arith.maximumf %max3A_3712, %add3A_3935 : vector<16xf32>
        %slice3A_3937 = vector.extract_strided_slice %get3A_425 {offsets = [15], sizes = [1], strides = [1]} : vector<16xf32> to vector<1xf32>
        %squeeze3A_3938 = vector.extract %slice3A_3937[0] : f32 from vector<1xf32>
        %add3A_3939 = vector.broadcast %squeeze3A_3938 : f32 to vector<16xf32>
        %add3A_3940 = arith.addf %get3A_3800, %add3A_3939 : vector<16xf32>
        %max3A_3941 = arith.maximumf %max3A_3717, %add3A_3940 : vector<16xf32>
        %slice3A_3942 = vector.extract_strided_slice %get3A_425 {offsets = [15], sizes = [1], strides = [1]} : vector<16xf32> to vector<1xf32>
        %squeeze3A_3943 = vector.extract %slice3A_3942[0] : f32 from vector<1xf32>
        %add3A_3944 = vector.broadcast %squeeze3A_3943 : f32 to vector<16xf32>
        %add3A_3945 = arith.addf %get3A_3808, %add3A_3944 : vector<16xf32>
        %max3A_3946 = arith.maximumf %max3A_3722, %add3A_3945 : vector<16xf32>
        %slice3A_3947 = vector.extract_strided_slice %get3A_425 {offsets = [15], sizes = [1], strides = [1]} : vector<16xf32> to vector<1xf32>
        %squeeze3A_3948 = vector.extract %slice3A_3947[0] : f32 from vector<1xf32>
        %add3A_3949 = vector.broadcast %squeeze3A_3948 : f32 to vector<16xf32>
        %add3A_3950 = arith.addf %get3A_3816, %add3A_3949 : vector<16xf32>
        %max3A_3951 = arith.maximumf %max3A_3727, %add3A_3950 : vector<16xf32>
        %slice3A_3952 = vector.extract_strided_slice %get3A_425 {offsets = [15], sizes = [1], strides = [1]} : vector<16xf32> to vector<1xf32>
        %squeeze3A_3953 = vector.extract %slice3A_3952[0] : f32 from vector<1xf32>
        %add3A_3954 = vector.broadcast %squeeze3A_3953 : f32 to vector<16xf32>
        %add3A_3955 = arith.addf %get3A_3824, %add3A_3954 : vector<16xf32>
        %max3A_3956 = arith.maximumf %max3A_3732, %add3A_3955 : vector<16xf32>
        %slice3A_3957 = vector.extract_strided_slice %get3A_425 {offsets = [15], sizes = [1], strides = [1]} : vector<16xf32> to vector<1xf32>
        %squeeze3A_3958 = vector.extract %slice3A_3957[0] : f32 from vector<1xf32>
        %add3A_3959 = vector.broadcast %squeeze3A_3958 : f32 to vector<16xf32>
        %add3A_3960 = arith.addf %get3A_3832, %add3A_3959 : vector<16xf32>
        %max3A_3961 = arith.maximumf %max3A_3737, %add3A_3960 : vector<16xf32>
        %slice3A_3962 = vector.extract_strided_slice %get3A_425 {offsets = [15], sizes = [1], strides = [1]} : vector<16xf32> to vector<1xf32>
        %squeeze3A_3963 = vector.extract %slice3A_3962[0] : f32 from vector<1xf32>
        %add3A_3964 = vector.broadcast %squeeze3A_3963 : f32 to vector<16xf32>
        %add3A_3965 = arith.addf %get3A_3840, %add3A_3964 : vector<16xf32>
        %max3A_3966 = arith.maximumf %max3A_3742, %add3A_3965 : vector<16xf32>
        %slice3A_3967 = vector.extract_strided_slice %get3A_425 {offsets = [15], sizes = [1], strides = [1]} : vector<16xf32> to vector<1xf32>
        %squeeze3A_3968 = vector.extract %slice3A_3967[0] : f32 from vector<1xf32>
        %add3A_3969 = vector.broadcast %squeeze3A_3968 : f32 to vector<16xf32>
        %add3A_3970 = arith.addf %get3A_3848, %add3A_3969 : vector<16xf32>
        %max3A_3971 = arith.maximumf %max3A_3747, %add3A_3970 : vector<16xf32>
        %slice3A_3972 = vector.extract_strided_slice %get3A_425 {offsets = [15], sizes = [1], strides = [1]} : vector<16xf32> to vector<1xf32>
        %squeeze3A_3973 = vector.extract %slice3A_3972[0] : f32 from vector<1xf32>
        %add3A_3974 = vector.broadcast %squeeze3A_3973 : f32 to vector<16xf32>
        %add3A_3975 = arith.addf %get3A_3856, %add3A_3974 : vector<16xf32>
        %max3A_3976 = arith.maximumf %max3A_3752, %add3A_3975 : vector<16xf32>
        %slice3A_3977 = vector.extract_strided_slice %get3A_435 {offsets = [15], sizes = [1], strides = [1]} : vector<16xf32> to vector<1xf32>
        %squeeze3A_3978 = vector.extract %slice3A_3977[0] : f32 from vector<1xf32>
        %add3A_3979 = vector.broadcast %squeeze3A_3978 : f32 to vector<16xf32>
        %add3A_3980 = arith.addf %get3A_3800, %add3A_3979 : vector<16xf32>
        %max3A_3981 = arith.maximumf %max3A_3757, %add3A_3980 : vector<16xf32>
        %slice3A_3982 = vector.extract_strided_slice %get3A_435 {offsets = [15], sizes = [1], strides = [1]} : vector<16xf32> to vector<1xf32>
        %squeeze3A_3983 = vector.extract %slice3A_3982[0] : f32 from vector<1xf32>
        %add3A_3984 = vector.broadcast %squeeze3A_3983 : f32 to vector<16xf32>
        %add3A_3985 = arith.addf %get3A_3808, %add3A_3984 : vector<16xf32>
        %max3A_3986 = arith.maximumf %max3A_3762, %add3A_3985 : vector<16xf32>
        %slice3A_3987 = vector.extract_strided_slice %get3A_435 {offsets = [15], sizes = [1], strides = [1]} : vector<16xf32> to vector<1xf32>
        %squeeze3A_3988 = vector.extract %slice3A_3987[0] : f32 from vector<1xf32>
        %add3A_3989 = vector.broadcast %squeeze3A_3988 : f32 to vector<16xf32>
        %add3A_3990 = arith.addf %get3A_3816, %add3A_3989 : vector<16xf32>
        %max3A_3991 = arith.maximumf %max3A_3767, %add3A_3990 : vector<16xf32>
        %slice3A_3992 = vector.extract_strided_slice %get3A_435 {offsets = [15], sizes = [1], strides = [1]} : vector<16xf32> to vector<1xf32>
        %squeeze3A_3993 = vector.extract %slice3A_3992[0] : f32 from vector<1xf32>
        %add3A_3994 = vector.broadcast %squeeze3A_3993 : f32 to vector<16xf32>
        %add3A_3995 = arith.addf %get3A_3824, %add3A_3994 : vector<16xf32>
        %max3A_3996 = arith.maximumf %max3A_3772, %add3A_3995 : vector<16xf32>
        %slice3A_3997 = vector.extract_strided_slice %get3A_435 {offsets = [15], sizes = [1], strides = [1]} : vector<16xf32> to vector<1xf32>
        %squeeze3A_3998 = vector.extract %slice3A_3997[0] : f32 from vector<1xf32>
        %add3A_3999 = vector.broadcast %squeeze3A_3998 : f32 to vector<16xf32>
        %add3A_4000 = arith.addf %get3A_3832, %add3A_3999 : vector<16xf32>
        %max3A_4001 = arith.maximumf %max3A_3777, %add3A_4000 : vector<16xf32>
        %slice3A_4002 = vector.extract_strided_slice %get3A_435 {offsets = [15], sizes = [1], strides = [1]} : vector<16xf32> to vector<1xf32>
        %squeeze3A_4003 = vector.extract %slice3A_4002[0] : f32 from vector<1xf32>
        %add3A_4004 = vector.broadcast %squeeze3A_4003 : f32 to vector<16xf32>
        %add3A_4005 = arith.addf %get3A_3840, %add3A_4004 : vector<16xf32>
        %max3A_4006 = arith.maximumf %max3A_3782, %add3A_4005 : vector<16xf32>
        %slice3A_4007 = vector.extract_strided_slice %get3A_435 {offsets = [15], sizes = [1], strides = [1]} : vector<16xf32> to vector<1xf32>
        %squeeze3A_4008 = vector.extract %slice3A_4007[0] : f32 from vector<1xf32>
        %add3A_4009 = vector.broadcast %squeeze3A_4008 : f32 to vector<16xf32>
        %add3A_4010 = arith.addf %get3A_3848, %add3A_4009 : vector<16xf32>
        %max3A_4011 = arith.maximumf %max3A_3787, %add3A_4010 : vector<16xf32>
        %slice3A_4012 = vector.extract_strided_slice %get3A_435 {offsets = [15], sizes = [1], strides = [1]} : vector<16xf32> to vector<1xf32>
        %squeeze3A_4013 = vector.extract %slice3A_4012[0] : f32 from vector<1xf32>
        %add3A_4014 = vector.broadcast %squeeze3A_4013 : f32 to vector<16xf32>
        %add3A_4015 = arith.addf %get3A_3856, %add3A_4014 : vector<16xf32>
        %max3A_4016 = arith.maximumf %max3A_3792, %add3A_4015 : vector<16xf32>
        scf.yield %max3A_3861, %max3A_3866, %max3A_3871, %max3A_3876, %max3A_3881, %max3A_3886, %max3A_3891, %max3A_3896, %max3A_3901, %max3A_3906, %max3A_3911, %max3A_3916, %max3A_3921, %max3A_3926, %max3A_3931, %max3A_3936, %max3A_3941, %max3A_3946, %max3A_3951, %max3A_3956, %max3A_3961, %max3A_3966, %max3A_3971, %max3A_3976, %max3A_3981, %max3A_3986, %max3A_3991, %max3A_3996, %max3A_4001, %max3A_4006, %max3A_4011, %max3A_4016 : vector<16xf32>, vector<16xf32>, vector<16xf32>, vector<16xf32>, vector<16xf32>, vector<16xf32>, vector<16xf32>, vector<16xf32>, vector<16xf32>, vector<16xf32>, vector<16xf32>, vector<16xf32>, vector<16xf32>, vector<16xf32>, vector<16xf32>, vector<16xf32>, vector<16xf32>, vector<16xf32>, vector<16xf32>, vector<16xf32>, vector<16xf32>, vector<16xf32>, vector<16xf32>, vector<16xf32>, vector<16xf32>, vector<16xf32>, vector<16xf32>, vector<16xf32>, vector<16xf32>, vector<16xf32>, vector<16xf32>, vector<16xf32>
      }
      %scan3A_76 = arith.constant 16 : i32
      %mul3A_77 = arith.constant 4 : i32
      %mul3A_78 = arith.muli %scan3A_39, %mul3A_77 : i32
      %add3A_79 = arith.constant 0 : i32
      %add3A_80 = arith.addi %mul3A_78, %add3A_79 : i32
      %swap3A = arith.index_cast %add3A_80 : i32 to index
      %swap3A_81 = arith.constant 0 : index
      %swap3A_82 = tpu.vector_load %arg7[%swap3A, %swap3A_81] {strides = array<i32>} : memref<8x128xf32, #tpu.memory_space<vmem>>, vector<1x16xf32>,
      %swap3A_83 = vector.shape_cast %swap3A_82 : vector<1x16xf32> to vector<16xf32>
      %swap3A_84 = vector.shape_cast %scan3A_75#0 : vector<16xf32> to vector<1x16xf32>
      tpu.vector_store %arg7[%swap3A, %swap3A_81], %swap3A_84 {strides = array<i32>} : memref<8x128xf32, #tpu.memory_space<vmem>>, vector<1x16xf32>,
      %mul3A_85 = arith.constant 4 : i32
      %mul3A_86 = arith.muli %scan3A_39, %mul3A_85 : i32
      %add3A_87 = arith.constant 0 : i32
      %add3A_88 = arith.addi %mul3A_86, %add3A_87 : i32
      %swap3A_89 = arith.index_cast %add3A_88 : i32 to index
      %swap3A_90 = arith.constant 16 : index
      %swap3A_91 = tpu.vector_load %arg7[%swap3A_89, %swap3A_90] {strides = array<i32>} : memref<8x128xf32, #tpu.memory_space<vmem>>, vector<1x16xf32>,
      %swap3A_92 = vector.shape_cast %swap3A_91 : vector<1x16xf32> to vector<16xf32>
      %swap3A_93 = vector.shape_cast %scan3A_75#1 : vector<16xf32> to vector<1x16xf32>
      tpu.vector_store %arg7[%swap3A_89, %swap3A_90], %swap3A_93 {strides = array<i32>} : memref<8x128xf32, #tpu.memory_space<vmem>>, vector<1x16xf32>,
      %mul3A_94 = arith.constant 4 : i32
      %mul3A_95 = arith.muli %scan3A_39, %mul3A_94 : i32
      %add3A_96 = arith.constant 0 : i32
      %add3A_97 = arith.addi %mul3A_95, %add3A_96 : i32
      %swap3A_98 = arith.index_cast %add3A_97 : i32 to index
      %swap3A_99 = arith.constant 32 : index
      %swap3A_100 = tpu.vector_load %arg7[%swap3A_98, %swap3A_99] {strides = array<i32>} : memref<8x128xf32, #tpu.memory_space<vmem>>, vector<1x16xf32>,
      %swap3A_101 = vector.shape_cast %swap3A_100 : vector<1x16xf32> to vector<16xf32>
      %swap3A_102 = vector.shape_cast %scan3A_75#2 : vector<16xf32> to vector<1x16xf32>
      tpu.vector_store %arg7[%swap3A_98, %swap3A_99], %swap3A_102 {strides = array<i32>} : memref<8x128xf32, #tpu.memory_space<vmem>>, vector<1x16xf32>,
      %mul3A_103 = arith.constant 4 : i32
      %mul3A_104 = arith.muli %scan3A_39, %mul3A_103 : i32
      %add3A_105 = arith.constant 0 : i32
      %add3A_106 = arith.addi %mul3A_104, %add3A_105 : i32
      %swap3A_107 = arith.index_cast %add3A_106 : i32 to index
      %swap3A_108 = arith.constant 48 : index
      %swap3A_109 = tpu.vector_load %arg7[%swap3A_107, %swap3A_108] {strides = array<i32>} : memref<8x128xf32, #tpu.memory_space<vmem>>, vector<1x16xf32>,
      %swap3A_110 = vector.shape_cast %swap3A_109 : vector<1x16xf32> to vector<16xf32>
      %swap3A_111 = vector.shape_cast %scan3A_75#3 : vector<16xf32> to vector<1x16xf32>
      tpu.vector_store %arg7[%swap3A_107, %swap3A_108], %swap3A_111 {strides = array<i32>} : memref<8x128xf32, #tpu.memory_space<vmem>>, vector<1x16xf32>,
      %mul3A_112 = arith.constant 4 : i32
      %mul3A_113 = arith.muli %scan3A_39, %mul3A_112 : i32
      %add3A_114 = arith.constant 0 : i32
      %add3A_115 = arith.addi %mul3A_113, %add3A_114 : i32
      %swap3A_116 = arith.index_cast %add3A_115 : i32 to index
      %swap3A_117 = arith.constant 64 : index
      %swap3A_118 = tpu.vector_load %arg7[%swap3A_116, %swap3A_117] {strides = array<i32>} : memref<8x128xf32, #tpu.memory_space<vmem>>, vector<1x16xf32>,
      %swap3A_119 = vector.shape_cast %swap3A_118 : vector<1x16xf32> to vector<16xf32>
      %swap3A_120 = vector.shape_cast %scan3A_75#4 : vector<16xf32> to vector<1x16xf32>
      tpu.vector_store %arg7[%swap3A_116, %swap3A_117], %swap3A_120 {strides = array<i32>} : memref<8x128xf32, #tpu.memory_space<vmem>>, vector<1x16xf32>,
      %mul3A_121 = arith.constant 4 : i32
      %mul3A_122 = arith.muli %scan3A_39, %mul3A_121 : i32
      %add3A_123 = arith.constant 0 : i32
      %add3A_124 = arith.addi %mul3A_122, %add3A_123 : i32
      %swap3A_125 = arith.index_cast %add3A_124 : i32 to index
      %swap3A_126 = arith.constant 80 : index
      %swap3A_127 = tpu.vector_load %arg7[%swap3A_125, %swap3A_126] {strides = array<i32>} : memref<8x128xf32, #tpu.memory_space<vmem>>, vector<1x16xf32>,
      %swap3A_128 = vector.shape_cast %swap3A_127 : vector<1x16xf32> to vector<16xf32>
      %swap3A_129 = vector.shape_cast %scan3A_75#5 : vector<16xf32> to vector<1x16xf32>
      tpu.vector_store %arg7[%swap3A_125, %swap3A_126], %swap3A_129 {strides = array<i32>} : memref<8x128xf32, #tpu.memory_space<vmem>>, vector<1x16xf32>,
      %mul3A_130 = arith.constant 4 : i32
      %mul3A_131 = arith.muli %scan3A_39, %mul3A_130 : i32
      %add3A_132 = arith.constant 0 : i32
      %add3A_133 = arith.addi %mul3A_131, %add3A_132 : i32
      %swap3A_134 = arith.index_cast %add3A_133 : i32 to index
      %swap3A_135 = arith.constant 96 : index
      %swap3A_136 = tpu.vector_load %arg7[%swap3A_134, %swap3A_135] {strides = array<i32>} : memref<8x128xf32, #tpu.memory_space<vmem>>, vector<1x16xf32>,
      %swap3A_137 = vector.shape_cast %swap3A_136 : vector<1x16xf32> to vector<16xf32>
      %swap3A_138 = vector.shape_cast %scan3A_75#6 : vector<16xf32> to vector<1x16xf32>
      tpu.vector_store %arg7[%swap3A_134, %swap3A_135], %swap3A_138 {strides = array<i32>} : memref<8x128xf32, #tpu.memory_space<vmem>>, vector<1x16xf32>,
      %mul3A_139 = arith.constant 4 : i32
      %mul3A_140 = arith.muli %scan3A_39, %mul3A_139 : i32
      %add3A_141 = arith.constant 0 : i32
      %add3A_142 = arith.addi %mul3A_140, %add3A_141 : i32
      %swap3A_143 = arith.index_cast %add3A_142 : i32 to index
      %swap3A_144 = arith.constant 112 : index
      %swap3A_145 = tpu.vector_load %arg7[%swap3A_143, %swap3A_144] {strides = array<i32>} : memref<8x128xf32, #tpu.memory_space<vmem>>, vector<1x16xf32>,
      %swap3A_146 = vector.shape_cast %swap3A_145 : vector<1x16xf32> to vector<16xf32>
      %swap3A_147 = vector.shape_cast %scan3A_75#7 : vector<16xf32> to vector<1x16xf32>
      tpu.vector_store %arg7[%swap3A_143, %swap3A_144], %swap3A_147 {strides = array<i32>} : memref<8x128xf32, #tpu.memory_space<vmem>>, vector<1x16xf32>,
      %mul3A_148 = arith.constant 4 : i32
      %mul3A_149 = arith.muli %scan3A_39, %mul3A_148 : i32
      %add3A_150 = arith.constant 1 : i32
      %add3A_151 = arith.addi %mul3A_149, %add3A_150 : i32
      %swap3A_152 = arith.index_cast %add3A_151 : i32 to index
      %swap3A_153 = arith.constant 0 : index
      %swap3A_154 = tpu.vector_load %arg7[%swap3A_152, %swap3A_153] {strides = array<i32>} : memref<8x128xf32, #tpu.memory_space<vmem>>, vector<1x16xf32>,
      %swap3A_155 = vector.shape_cast %swap3A_154 : vector<1x16xf32> to vector<16xf32>
      %swap3A_156 = vector.shape_cast %scan3A_75#8 : vector<16xf32> to vector<1x16xf32>
      tpu.vector_store %arg7[%swap3A_152, %swap3A_153], %swap3A_156 {strides = array<i32>} : memref<8x128xf32, #tpu.memory_space<vmem>>, vector<1x16xf32>,
      %mul3A_157 = arith.constant 4 : i32
      %mul3A_158 = arith.muli %scan3A_39, %mul3A_157 : i32
      %add3A_159 = arith.constant 1 : i32
      %add3A_160 = arith.addi %mul3A_158, %add3A_159 : i32
      %swap3A_161 = arith.index_cast %add3A_160 : i32 to index
      %swap3A_162 = arith.constant 16 : index
      %swap3A_163 = tpu.vector_load %arg7[%swap3A_161, %swap3A_162] {strides = array<i32>} : memref<8x128xf32, #tpu.memory_space<vmem>>, vector<1x16xf32>,
      %swap3A_164 = vector.shape_cast %swap3A_163 : vector<1x16xf32> to vector<16xf32>
      %swap3A_165 = vector.shape_cast %scan3A_75#9 : vector<16xf32> to vector<1x16xf32>
      tpu.vector_store %arg7[%swap3A_161, %swap3A_162], %swap3A_165 {strides = array<i32>} : memref<8x128xf32, #tpu.memory_space<vmem>>, vector<1x16xf32>,
      %mul3A_166 = arith.constant 4 : i32
      %mul3A_167 = arith.muli %scan3A_39, %mul3A_166 : i32
      %add3A_168 = arith.constant 1 : i32
      %add3A_169 = arith.addi %mul3A_167, %add3A_168 : i32
      %swap3A_170 = arith.index_cast %add3A_169 : i32 to index
      %swap3A_171 = arith.constant 32 : index
      %swap3A_172 = tpu.vector_load %arg7[%swap3A_170, %swap3A_171] {strides = array<i32>} : memref<8x128xf32, #tpu.memory_space<vmem>>, vector<1x16xf32>,
      %swap3A_173 = vector.shape_cast %swap3A_172 : vector<1x16xf32> to vector<16xf32>
      %swap3A_174 = vector.shape_cast %scan3A_75#10 : vector<16xf32> to vector<1x16xf32>
      tpu.vector_store %arg7[%swap3A_170, %swap3A_171], %swap3A_174 {strides = array<i32>} : memref<8x128xf32, #tpu.memory_space<vmem>>, vector<1x16xf32>,
      %mul3A_175 = arith.constant 4 : i32
      %mul3A_176 = arith.muli %scan3A_39, %mul3A_175 : i32
      %add3A_177 = arith.constant 1 : i32
      %add3A_178 = arith.addi %mul3A_176, %add3A_177 : i32
      %swap3A_179 = arith.index_cast %add3A_178 : i32 to index
      %swap3A_180 = arith.constant 48 : index
      %swap3A_181 = tpu.vector_load %arg7[%swap3A_179, %swap3A_180] {strides = array<i32>} : memref<8x128xf32, #tpu.memory_space<vmem>>, vector<1x16xf32>,
      %swap3A_182 = vector.shape_cast %swap3A_181 : vector<1x16xf32> to vector<16xf32>
      %swap3A_183 = vector.shape_cast %scan3A_75#11 : vector<16xf32> to vector<1x16xf32>
      tpu.vector_store %arg7[%swap3A_179, %swap3A_180], %swap3A_183 {strides = array<i32>} : memref<8x128xf32, #tpu.memory_space<vmem>>, vector<1x16xf32>,
      %mul3A_184 = arith.constant 4 : i32
      %mul3A_185 = arith.muli %scan3A_39, %mul3A_184 : i32
      %add3A_186 = arith.constant 1 : i32
      %add3A_187 = arith.addi %mul3A_185, %add3A_186 : i32
      %swap3A_188 = arith.index_cast %add3A_187 : i32 to index
      %swap3A_189 = arith.constant 64 : index
      %swap3A_190 = tpu.vector_load %arg7[%swap3A_188, %swap3A_189] {strides = array<i32>} : memref<8x128xf32, #tpu.memory_space<vmem>>, vector<1x16xf32>,
      %swap3A_191 = vector.shape_cast %swap3A_190 : vector<1x16xf32> to vector<16xf32>
      %swap3A_192 = vector.shape_cast %scan3A_75#12 : vector<16xf32> to vector<1x16xf32>
      tpu.vector_store %arg7[%swap3A_188, %swap3A_189], %swap3A_192 {strides = array<i32>} : memref<8x128xf32, #tpu.memory_space<vmem>>, vector<1x16xf32>,
      %mul3A_193 = arith.constant 4 : i32
      %mul3A_194 = arith.muli %scan3A_39, %mul3A_193 : i32
      %add3A_195 = arith.constant 1 : i32
      %add3A_196 = arith.addi %mul3A_194, %add3A_195 : i32
      %swap3A_197 = arith.index_cast %add3A_196 : i32 to index
      %swap3A_198 = arith.constant 80 : index
      %swap3A_199 = tpu.vector_load %arg7[%swap3A_197, %swap3A_198] {strides = array<i32>} : memref<8x128xf32, #tpu.memory_space<vmem>>, vector<1x16xf32>,
      %swap3A_200 = vector.shape_cast %swap3A_199 : vector<1x16xf32> to vector<16xf32>
      %swap3A_201 = vector.shape_cast %scan3A_75#13 : vector<16xf32> to vector<1x16xf32>
      tpu.vector_store %arg7[%swap3A_197, %swap3A_198], %swap3A_201 {strides = array<i32>} : memref<8x128xf32, #tpu.memory_space<vmem>>, vector<1x16xf32>,
      %mul3A_202 = arith.constant 4 : i32
      %mul3A_203 = arith.muli %scan3A_39, %mul3A_202 : i32
      %add3A_204 = arith.constant 1 : i32
      %add3A_205 = arith.addi %mul3A_203, %add3A_204 : i32
      %swap3A_206 = arith.index_cast %add3A_205 : i32 to index
      %swap3A_207 = arith.constant 96 : index
      %swap3A_208 = tpu.vector_load %arg7[%swap3A_206, %swap3A_207] {strides = array<i32>} : memref<8x128xf32, #tpu.memory_space<vmem>>, vector<1x16xf32>,
      %swap3A_209 = vector.shape_cast %swap3A_208 : vector<1x16xf32> to vector<16xf32>
      %swap3A_210 = vector.shape_cast %scan3A_75#14 : vector<16xf32> to vector<1x16xf32>
      tpu.vector_store %arg7[%swap3A_206, %swap3A_207], %swap3A_210 {strides = array<i32>} : memref<8x128xf32, #tpu.memory_space<vmem>>, vector<1x16xf32>,
      %mul3A_211 = arith.constant 4 : i32
      %mul3A_212 = arith.muli %scan3A_39, %mul3A_211 : i32
      %add3A_213 = arith.constant 1 : i32
      %add3A_214 = arith.addi %mul3A_212, %add3A_213 : i32
      %swap3A_215 = arith.index_cast %add3A_214 : i32 to index
      %swap3A_216 = arith.constant 112 : index
      %swap3A_217 = tpu.vector_load %arg7[%swap3A_215, %swap3A_216] {strides = array<i32>} : memref<8x128xf32, #tpu.memory_space<vmem>>, vector<1x16xf32>,
      %swap3A_218 = vector.shape_cast %swap3A_217 : vector<1x16xf32> to vector<16xf32>
      %swap3A_219 = vector.shape_cast %scan3A_75#15 : vector<16xf32> to vector<1x16xf32>
      tpu.vector_store %arg7[%swap3A_215, %swap3A_216], %swap3A_219 {strides = array<i32>} : memref<8x128xf32, #tpu.memory_space<vmem>>, vector<1x16xf32>,
      %mul3A_220 = arith.constant 4 : i32
      %mul3A_221 = arith.muli %scan3A_39, %mul3A_220 : i32
      %add3A_222 = arith.constant 2 : i32
      %add3A_223 = arith.addi %mul3A_221, %add3A_222 : i32
      %swap3A_224 = arith.index_cast %add3A_223 : i32 to index
      %swap3A_225 = arith.constant 0 : index
      %swap3A_226 = tpu.vector_load %arg7[%swap3A_224, %swap3A_225] {strides = array<i32>} : memref<8x128xf32, #tpu.memory_space<vmem>>, vector<1x16xf32>,
      %swap3A_227 = vector.shape_cast %swap3A_226 : vector<1x16xf32> to vector<16xf32>
      %swap3A_228 = vector.shape_cast %scan3A_75#16 : vector<16xf32> to vector<1x16xf32>
      tpu.vector_store %arg7[%swap3A_224, %swap3A_225], %swap3A_228 {strides = array<i32>} : memref<8x128xf32, #tpu.memory_space<vmem>>, vector<1x16xf32>,
      %mul3A_229 = arith.constant 4 : i32
      %mul3A_230 = arith.muli %scan3A_39, %mul3A_229 : i32
      %add3A_231 = arith.constant 2 : i32
      %add3A_232 = arith.addi %mul3A_230, %add3A_231 : i32
      %swap3A_233 = arith.index_cast %add3A_232 : i32 to index
      %swap3A_234 = arith.constant 16 : index
      %swap3A_235 = tpu.vector_load %arg7[%swap3A_233, %swap3A_234] {strides = array<i32>} : memref<8x128xf32, #tpu.memory_space<vmem>>, vector<1x16xf32>,
      %swap3A_236 = vector.shape_cast %swap3A_235 : vector<1x16xf32> to vector<16xf32>
      %swap3A_237 = vector.shape_cast %scan3A_75#17 : vector<16xf32> to vector<1x16xf32>
      tpu.vector_store %arg7[%swap3A_233, %swap3A_234], %swap3A_237 {strides = array<i32>} : memref<8x128xf32, #tpu.memory_space<vmem>>, vector<1x16xf32>,
      %mul3A_238 = arith.constant 4 : i32
      %mul3A_239 = arith.muli %scan3A_39, %mul3A_238 : i32
      %add3A_240 = arith.constant 2 : i32
      %add3A_241 = arith.addi %mul3A_239, %add3A_240 : i32
      %swap3A_242 = arith.index_cast %add3A_241 : i32 to index
      %swap3A_243 = arith.constant 32 : index
      %swap3A_244 = tpu.vector_load %arg7[%swap3A_242, %swap3A_243] {strides = array<i32>} : memref<8x128xf32, #tpu.memory_space<vmem>>, vector<1x16xf32>,
      %swap3A_245 = vector.shape_cast %swap3A_244 : vector<1x16xf32> to vector<16xf32>
      %swap3A_246 = vector.shape_cast %scan3A_75#18 : vector<16xf32> to vector<1x16xf32>
      tpu.vector_store %arg7[%swap3A_242, %swap3A_243], %swap3A_246 {strides = array<i32>} : memref<8x128xf32, #tpu.memory_space<vmem>>, vector<1x16xf32>,
      %mul3A_247 = arith.constant 4 : i32
      %mul3A_248 = arith.muli %scan3A_39, %mul3A_247 : i32
      %add3A_249 = arith.constant 2 : i32
      %add3A_250 = arith.addi %mul3A_248, %add3A_249 : i32
      %swap3A_251 = arith.index_cast %add3A_250 : i32 to index
      %swap3A_252 = arith.constant 48 : index
      %swap3A_253 = tpu.vector_load %arg7[%swap3A_251, %swap3A_252] {strides = array<i32>} : memref<8x128xf32, #tpu.memory_space<vmem>>, vector<1x16xf32>,
      %swap3A_254 = vector.shape_cast %swap3A_253 : vector<1x16xf32> to vector<16xf32>
      %swap3A_255 = vector.shape_cast %scan3A_75#19 : vector<16xf32> to vector<1x16xf32>
      tpu.vector_store %arg7[%swap3A_251, %swap3A_252], %swap3A_255 {strides = array<i32>} : memref<8x128xf32, #tpu.memory_space<vmem>>, vector<1x16xf32>,
      %mul3A_256 = arith.constant 4 : i32
      %mul3A_257 = arith.muli %scan3A_39, %mul3A_256 : i32
      %add3A_258 = arith.constant 2 : i32
      %add3A_259 = arith.addi %mul3A_257, %add3A_258 : i32
      %swap3A_260 = arith.index_cast %add3A_259 : i32 to index
      %swap3A_261 = arith.constant 64 : index
      %swap3A_262 = tpu.vector_load %arg7[%swap3A_260, %swap3A_261] {strides = array<i32>} : memref<8x128xf32, #tpu.memory_space<vmem>>, vector<1x16xf32>,
      %swap3A_263 = vector.shape_cast %swap3A_262 : vector<1x16xf32> to vector<16xf32>
      %swap3A_264 = vector.shape_cast %scan3A_75#20 : vector<16xf32> to vector<1x16xf32>
      tpu.vector_store %arg7[%swap3A_260, %swap3A_261], %swap3A_264 {strides = array<i32>} : memref<8x128xf32, #tpu.memory_space<vmem>>, vector<1x16xf32>,
      %mul3A_265 = arith.constant 4 : i32
      %mul3A_266 = arith.muli %scan3A_39, %mul3A_265 : i32
      %add3A_267 = arith.constant 2 : i32
      %add3A_268 = arith.addi %mul3A_266, %add3A_267 : i32
      %swap3A_269 = arith.index_cast %add3A_268 : i32 to index
      %swap3A_270 = arith.constant 80 : index
      %swap3A_271 = tpu.vector_load %arg7[%swap3A_269, %swap3A_270] {strides = array<i32>} : memref<8x128xf32, #tpu.memory_space<vmem>>, vector<1x16xf32>,
      %swap3A_272 = vector.shape_cast %swap3A_271 : vector<1x16xf32> to vector<16xf32>
      %swap3A_273 = vector.shape_cast %scan3A_75#21 : vector<16xf32> to vector<1x16xf32>
      tpu.vector_store %arg7[%swap3A_269, %swap3A_270], %swap3A_273 {strides = array<i32>} : memref<8x128xf32, #tpu.memory_space<vmem>>, vector<1x16xf32>,
      %mul3A_274 = arith.constant 4 : i32
      %mul3A_275 = arith.muli %scan3A_39, %mul3A_274 : i32
      %add3A_276 = arith.constant 2 : i32
      %add3A_277 = arith.addi %mul3A_275, %add3A_276 : i32
      %swap3A_278 = arith.index_cast %add3A_277 : i32 to index
      %swap3A_279 = arith.constant 96 : index
      %swap3A_280 = tpu.vector_load %arg7[%swap3A_278, %swap3A_279] {strides = array<i32>} : memref<8x128xf32, #tpu.memory_space<vmem>>, vector<1x16xf32>,
      %swap3A_281 = vector.shape_cast %swap3A_280 : vector<1x16xf32> to vector<16xf32>
      %swap3A_282 = vector.shape_cast %scan3A_75#22 : vector<16xf32> to vector<1x16xf32>
      tpu.vector_store %arg7[%swap3A_278, %swap3A_279], %swap3A_282 {strides = array<i32>} : memref<8x128xf32, #tpu.memory_space<vmem>>, vector<1x16xf32>,
      %mul3A_283 = arith.constant 4 : i32
      %mul3A_284 = arith.muli %scan3A_39, %mul3A_283 : i32
      %add3A_285 = arith.constant 2 : i32
      %add3A_286 = arith.addi %mul3A_284, %add3A_285 : i32
      %swap3A_287 = arith.index_cast %add3A_286 : i32 to index
      %swap3A_288 = arith.constant 112 : index
      %swap3A_289 = tpu.vector_load %arg7[%swap3A_287, %swap3A_288] {strides = array<i32>} : memref<8x128xf32, #tpu.memory_space<vmem>>, vector<1x16xf32>,
      %swap3A_290 = vector.shape_cast %swap3A_289 : vector<1x16xf32> to vector<16xf32>
      %swap3A_291 = vector.shape_cast %scan3A_75#23 : vector<16xf32> to vector<1x16xf32>
      tpu.vector_store %arg7[%swap3A_287, %swap3A_288], %swap3A_291 {strides = array<i32>} : memref<8x128xf32, #tpu.memory_space<vmem>>, vector<1x16xf32>,
      %mul3A_292 = arith.constant 4 : i32
      %mul3A_293 = arith.muli %scan3A_39, %mul3A_292 : i32
      %add3A_294 = arith.constant 3 : i32
      %add3A_295 = arith.addi %mul3A_293, %add3A_294 : i32
      %swap3A_296 = arith.index_cast %add3A_295 : i32 to index
      %swap3A_297 = arith.constant 0 : index
      %swap3A_298 = tpu.vector_load %arg7[%swap3A_296, %swap3A_297] {strides = array<i32>} : memref<8x128xf32, #tpu.memory_space<vmem>>, vector<1x16xf32>,
      %swap3A_299 = vector.shape_cast %swap3A_298 : vector<1x16xf32> to vector<16xf32>
      %swap3A_300 = vector.shape_cast %scan3A_75#24 : vector<16xf32> to vector<1x16xf32>
      tpu.vector_store %arg7[%swap3A_296, %swap3A_297], %swap3A_300 {strides = array<i32>} : memref<8x128xf32, #tpu.memory_space<vmem>>, vector<1x16xf32>,
      %mul3A_301 = arith.constant 4 : i32
      %mul3A_302 = arith.muli %scan3A_39, %mul3A_301 : i32
      %add3A_303 = arith.constant 3 : i32
      %add3A_304 = arith.addi %mul3A_302, %add3A_303 : i32
      %swap3A_305 = arith.index_cast %add3A_304 : i32 to index
      %swap3A_306 = arith.constant 16 : index
      %swap3A_307 = tpu.vector_load %arg7[%swap3A_305, %swap3A_306] {strides = array<i32>} : memref<8x128xf32, #tpu.memory_space<vmem>>, vector<1x16xf32>,
      %swap3A_308 = vector.shape_cast %swap3A_307 : vector<1x16xf32> to vector<16xf32>
      %swap3A_309 = vector.shape_cast %scan3A_75#25 : vector<16xf32> to vector<1x16xf32>
      tpu.vector_store %arg7[%swap3A_305, %swap3A_306], %swap3A_309 {strides = array<i32>} : memref<8x128xf32, #tpu.memory_space<vmem>>, vector<1x16xf32>,
      %mul3A_310 = arith.constant 4 : i32
      %mul3A_311 = arith.muli %scan3A_39, %mul3A_310 : i32
      %add3A_312 = arith.constant 3 : i32
      %add3A_313 = arith.addi %mul3A_311, %add3A_312 : i32
      %swap3A_314 = arith.index_cast %add3A_313 : i32 to index
      %swap3A_315 = arith.constant 32 : index
      %swap3A_316 = tpu.vector_load %arg7[%swap3A_314, %swap3A_315] {strides = array<i32>} : memref<8x128xf32, #tpu.memory_space<vmem>>, vector<1x16xf32>,
      %swap3A_317 = vector.shape_cast %swap3A_316 : vector<1x16xf32> to vector<16xf32>
      %swap3A_318 = vector.shape_cast %scan3A_75#26 : vector<16xf32> to vector<1x16xf32>
      tpu.vector_store %arg7[%swap3A_314, %swap3A_315], %swap3A_318 {strides = array<i32>} : memref<8x128xf32, #tpu.memory_space<vmem>>, vector<1x16xf32>,
      %mul3A_319 = arith.constant 4 : i32
      %mul3A_320 = arith.muli %scan3A_39, %mul3A_319 : i32
      %add3A_321 = arith.constant 3 : i32
      %add3A_322 = arith.addi %mul3A_320, %add3A_321 : i32
      %swap3A_323 = arith.index_cast %add3A_322 : i32 to index
      %swap3A_324 = arith.constant 48 : index
      %swap3A_325 = tpu.vector_load %arg7[%swap3A_323, %swap3A_324] {strides = array<i32>} : memref<8x128xf32, #tpu.memory_space<vmem>>, vector<1x16xf32>,
      %swap3A_326 = vector.shape_cast %swap3A_325 : vector<1x16xf32> to vector<16xf32>
      %swap3A_327 = vector.shape_cast %scan3A_75#27 : vector<16xf32> to vector<1x16xf32>
      tpu.vector_store %arg7[%swap3A_323, %swap3A_324], %swap3A_327 {strides = array<i32>} : memref<8x128xf32, #tpu.memory_space<vmem>>, vector<1x16xf32>,
      %mul3A_328 = arith.constant 4 : i32
      %mul3A_329 = arith.muli %scan3A_39, %mul3A_328 : i32
      %add3A_330 = arith.constant 3 : i32
      %add3A_331 = arith.addi %mul3A_329, %add3A_330 : i32
      %swap3A_332 = arith.index_cast %add3A_331 : i32 to index
      %swap3A_333 = arith.constant 64 : index
      %swap3A_334 = tpu.vector_load %arg7[%swap3A_332, %swap3A_333] {strides = array<i32>} : memref<8x128xf32, #tpu.memory_space<vmem>>, vector<1x16xf32>,
      %swap3A_335 = vector.shape_cast %swap3A_334 : vector<1x16xf32> to vector<16xf32>
      %swap3A_336 = vector.shape_cast %scan3A_75#28 : vector<16xf32> to vector<1x16xf32>
      tpu.vector_store %arg7[%swap3A_332, %swap3A_333], %swap3A_336 {strides = array<i32>} : memref<8x128xf32, #tpu.memory_space<vmem>>, vector<1x16xf32>,
      %mul3A_337 = arith.constant 4 : i32
      %mul3A_338 = arith.muli %scan3A_39, %mul3A_337 : i32
      %add3A_339 = arith.constant 3 : i32
      %add3A_340 = arith.addi %mul3A_338, %add3A_339 : i32
      %swap3A_341 = arith.index_cast %add3A_340 : i32 to index
      %swap3A_342 = arith.constant 80 : index
      %swap3A_343 = tpu.vector_load %arg7[%swap3A_341, %swap3A_342] {strides = array<i32>} : memref<8x128xf32, #tpu.memory_space<vmem>>, vector<1x16xf32>,
      %swap3A_344 = vector.shape_cast %swap3A_343 : vector<1x16xf32> to vector<16xf32>
      %swap3A_345 = vector.shape_cast %scan3A_75#29 : vector<16xf32> to vector<1x16xf32>
      tpu.vector_store %arg7[%swap3A_341, %swap3A_342], %swap3A_345 {strides = array<i32>} : memref<8x128xf32, #tpu.memory_space<vmem>>, vector<1x16xf32>,
      %mul3A_346 = arith.constant 4 : i32
      %mul3A_347 = arith.muli %scan3A_39, %mul3A_346 : i32
      %add3A_348 = arith.constant 3 : i32
      %add3A_349 = arith.addi %mul3A_347, %add3A_348 : i32
      %swap3A_350 = arith.index_cast %add3A_349 : i32 to index
      %swap3A_351 = arith.constant 96 : index
      %swap3A_352 = tpu.vector_load %arg7[%swap3A_350, %swap3A_351] {strides = array<i32>} : memref<8x128xf32, #tpu.memory_space<vmem>>, vector<1x16xf32>,
      %swap3A_353 = vector.shape_cast %swap3A_352 : vector<1x16xf32> to vector<16xf32>
      %swap3A_354 = vector.shape_cast %scan3A_75#30 : vector<16xf32> to vector<1x16xf32>
      tpu.vector_store %arg7[%swap3A_350, %swap3A_351], %swap3A_354 {strides = array<i32>} : memref<8x128xf32, #tpu.memory_space<vmem>>, vector<1x16xf32>,
      %mul3A_355 = arith.constant 4 : i32
      %mul3A_356 = arith.muli %scan3A_39, %mul3A_355 : i32
      %add3A_357 = arith.constant 3 : i32
      %add3A_358 = arith.addi %mul3A_356, %add3A_357 : i32
      %swap3A_359 = arith.index_cast %add3A_358 : i32 to index
      %swap3A_360 = arith.constant 112 : index
      %swap3A_361 = tpu.vector_load %arg7[%swap3A_359, %swap3A_360] {strides = array<i32>} : memref<8x128xf32, #tpu.memory_space<vmem>>, vector<1x16xf32>,
      %swap3A_362 = vector.shape_cast %swap3A_361 : vector<1x16xf32> to vector<16xf32>
      %swap3A_363 = vector.shape_cast %scan3A_75#31 : vector<16xf32> to vector<1x16xf32>
      tpu.vector_store %arg7[%swap3A_359, %swap3A_360], %swap3A_363 {strides = array<i32>} : memref<8x128xf32, #tpu.memory_space<vmem>>, vector<1x16xf32>,
    }
    %scan3A_38 = arith.constant 2 : i32
    "tpu.region"() ({
      %run_scoped3A = tpu.sem_alloc : memref<!tpu.dma_semaphore, #tpu.memory_space<semaphore_mem>>
      %dma_start3A = arith.constant 0 : i32
      %dma_start3A_39 = tpu.memref_slice %arg4[%select_n3A, %mul3A_32, %dma_start3A] : memref<4x64x128xf32, #tpu.memory_space<hbm>> -> memref<1x8x128xf32, #tpu.memory_space<hbm>>
      %dma_start3A_40 = tpu.memref_squeeze %dma_start3A_39 : memref<1x8x128xf32, #tpu.memory_space<hbm>> -> memref<8x128xf32, #tpu.memory_space<hbm>>
      %dma_start3A_41 = arith.constant 0 : i32
      %dma_start3A_42 = tpu.memref_slice %arg4[%select_n3A, %mul3A_32, %dma_start3A_41] : memref<4x64x128xf32, #tpu.memory_space<hbm>> -> memref<1x8x128xf32, #tpu.memory_space<hbm>>
      %dma_start3A_43 = tpu.memref_squeeze %dma_start3A_42 : memref<1x8x128xf32, #tpu.memory_space<hbm>> -> memref<8x128xf32, #tpu.memory_space<hbm>>
      tpu.enqueue_dma source(%arg7 : memref<8x128xf32, #tpu.memory_space<vmem>>) target(%dma_start3A_43 : memref<8x128xf32, #tpu.memory_space<hbm>>) target_semaphore(%run_scoped3A : memref<!tpu.dma_semaphore, #tpu.memory_space<semaphore_mem>>)
      %dma_wait3A = arith.constant 0 : i32
      %dma_wait3A_44 = tpu.memref_slice %arg4[%select_n3A, %mul3A_32, %dma_wait3A] : memref<4x64x128xf32, #tpu.memory_space<hbm>> -> memref<1x8x128xf32, #tpu.memory_space<hbm>>
      %dma_wait3A_45 = tpu.memref_squeeze %dma_wait3A_44 : memref<1x8x128xf32, #tpu.memory_space<hbm>> -> memref<8x128xf32, #tpu.memory_space<hbm>>
      %dma_wait3A_46 = arith.constant 0 : i32
      %dma_wait3A_47 = tpu.memref_slice %arg4[%select_n3A, %mul3A_32, %dma_wait3A_46] : memref<4x64x128xf32, #tpu.memory_space<hbm>> -> memref<1x8x128xf32, #tpu.memory_space<hbm>>
      %dma_wait3A_48 = tpu.memref_squeeze %dma_wait3A_47 : memref<1x8x128xf32, #tpu.memory_space<hbm>> -> memref<8x128xf32, #tpu.memory_space<hbm>>
      tpu.wait_dma2 semaphore(%run_scoped3A : memref<!tpu.dma_semaphore, #tpu.memory_space<semaphore_mem>>) src(%arg7 : memref<8x128xf32, #tpu.memory_space<vmem>>) dst(%dma_wait3A_48 : memref<8x128xf32, #tpu.memory_space<hbm>>)
      tpu.yield
    }) : () -> ()
    return
  }
}

module attributes {stable_mosaic.version = 14 : i64} {
  func.func @_tcmax_kernel(%arg0: i32, %arg1: memref<1x256x256xi32, #tpu.memory_space<vmem>>, %arg2: memref<1x256x128xf32, #tpu.memory_space<vmem>>, %arg3: memref<1x192x128xf32, #tpu.memory_space<vmem>>) attributes {dimension_semantics = [#tpu.dimension_semantics<arbitrary>], iteration_bounds = array<i64: 4>, scalar_prefetch = 0 : i64, scratch_operands = 0 : i64, tpu.core_type = #tpu.core_type<tc>, window_params = [{transform_indices = @transform_0, window_bounds = array<i64: 1, 256, 256>}, {transform_indices = @transform_1, window_bounds = array<i64: 1, 256, 128>}, {transform_indices = @transform_2, window_bounds = array<i64: 1, 192, 128>}]} {
    %get3A = arith.constant 0 : index
    %get3A_0 = arith.constant 0 : index
    %get3A_1 = arith.constant 0 : index
    %get3A_2 = vector.load %arg2[%get3A, %get3A_0, %get3A_1] : memref<1x256x128xf32, #tpu.memory_space<vmem>>, vector<1x256x128xf32>
    %get3A_3 = vector.shape_cast %get3A_2 : vector<1x256x128xf32> to vector<256x128xf32>
    %get3A_4 = arith.constant 0 : index
    %get3A_5 = arith.constant 0 : index
    %get3A_6 = arith.constant 0 : index
    %get3A_7 = vector.load %arg1[%get3A_4, %get3A_5, %get3A_6] : memref<1x256x256xi32, #tpu.memory_space<vmem>>, vector<1x256x256xi32>
    %get3A_8 = vector.shape_cast %get3A_7 : vector<1x256x256xi32> to vector<256x256xi32>
    %ne3A = arith.constant 0 : i32
    %ne3A_9 = vector.broadcast %ne3A : i32 to vector<256x256xi32>
    %ne3A_10 = arith.cmpi ne, %get3A_8, %ne3A_9 : vector<256x256xi32>
    %jit3A = arith.constant 0.000000e+00 : f32
    %jit3A_11 = arith.constant 0xFF800000 : f32
    %broadcast_in_dim3A = vector.broadcast %jit3A : f32 to vector<256x256xf32>
    %broadcast_in_dim3A_12 = vector.broadcast %jit3A_11 : f32 to vector<256x256xf32>
    %select_n3A = arith.select %ne3A_10, %broadcast_in_dim3A, %broadcast_in_dim3A_12 : vector<256x256xi1>, vector<256x256xf32>
    %slice3A = vector.extract_strided_slice %select_n3A {offsets = [0, 64], sizes = [256, 1], strides = [1, 1]} : vector<256x256xf32> to vector<256x1xf32>
    %add3A = vector.broadcast %slice3A : vector<256x1xf32> to vector<256x128xf32>
    %add3A_13 = arith.addf %get3A_3, %add3A : vector<256x128xf32>
    %reduce_max3A = arith.constant dense<0xFF800000> : vector<128xf32>
    %reduce_max3A_14 = vector.multi_reduction <maximumf>, %add3A_13, %reduce_max3A [0] : vector<256x128xf32> to vector<128xf32>
    %broadcast_in_dim3A_15 = vector.shape_cast %reduce_max3A_14 : vector<128xf32> to vector<1x128xf32>
    %slice3A_16 = vector.extract_strided_slice %select_n3A {offsets = [0, 65], sizes = [256, 1], strides = [1, 1]} : vector<256x256xf32> to vector<256x1xf32>
    %add3A_17 = vector.broadcast %slice3A_16 : vector<256x1xf32> to vector<256x128xf32>
    %add3A_18 = arith.addf %get3A_3, %add3A_17 : vector<256x128xf32>
    %reduce_max3A_19 = arith.constant dense<0xFF800000> : vector<128xf32>
    %reduce_max3A_20 = vector.multi_reduction <maximumf>, %add3A_18, %reduce_max3A_19 [0] : vector<256x128xf32> to vector<128xf32>
    %broadcast_in_dim3A_21 = vector.shape_cast %reduce_max3A_20 : vector<128xf32> to vector<1x128xf32>
    %slice3A_22 = vector.extract_strided_slice %select_n3A {offsets = [0, 66], sizes = [256, 1], strides = [1, 1]} : vector<256x256xf32> to vector<256x1xf32>
    %add3A_23 = vector.broadcast %slice3A_22 : vector<256x1xf32> to vector<256x128xf32>
    %add3A_24 = arith.addf %get3A_3, %add3A_23 : vector<256x128xf32>
    %reduce_max3A_25 = arith.constant dense<0xFF800000> : vector<128xf32>
    %reduce_max3A_26 = vector.multi_reduction <maximumf>, %add3A_24, %reduce_max3A_25 [0] : vector<256x128xf32> to vector<128xf32>
    %broadcast_in_dim3A_27 = vector.shape_cast %reduce_max3A_26 : vector<128xf32> to vector<1x128xf32>
    %slice3A_28 = vector.extract_strided_slice %select_n3A {offsets = [0, 67], sizes = [256, 1], strides = [1, 1]} : vector<256x256xf32> to vector<256x1xf32>
    %add3A_29 = vector.broadcast %slice3A_28 : vector<256x1xf32> to vector<256x128xf32>
    %add3A_30 = arith.addf %get3A_3, %add3A_29 : vector<256x128xf32>
    %reduce_max3A_31 = arith.constant dense<0xFF800000> : vector<128xf32>
    %reduce_max3A_32 = vector.multi_reduction <maximumf>, %add3A_30, %reduce_max3A_31 [0] : vector<256x128xf32> to vector<128xf32>
    %broadcast_in_dim3A_33 = vector.shape_cast %reduce_max3A_32 : vector<128xf32> to vector<1x128xf32>
    %slice3A_34 = vector.extract_strided_slice %select_n3A {offsets = [0, 68], sizes = [256, 1], strides = [1, 1]} : vector<256x256xf32> to vector<256x1xf32>
    %add3A_35 = vector.broadcast %slice3A_34 : vector<256x1xf32> to vector<256x128xf32>
    %add3A_36 = arith.addf %get3A_3, %add3A_35 : vector<256x128xf32>
    %reduce_max3A_37 = arith.constant dense<0xFF800000> : vector<128xf32>
    %reduce_max3A_38 = vector.multi_reduction <maximumf>, %add3A_36, %reduce_max3A_37 [0] : vector<256x128xf32> to vector<128xf32>
    %broadcast_in_dim3A_39 = vector.shape_cast %reduce_max3A_38 : vector<128xf32> to vector<1x128xf32>
    %slice3A_40 = vector.extract_strided_slice %select_n3A {offsets = [0, 69], sizes = [256, 1], strides = [1, 1]} : vector<256x256xf32> to vector<256x1xf32>
    %add3A_41 = vector.broadcast %slice3A_40 : vector<256x1xf32> to vector<256x128xf32>
    %add3A_42 = arith.addf %get3A_3, %add3A_41 : vector<256x128xf32>
    %reduce_max3A_43 = arith.constant dense<0xFF800000> : vector<128xf32>
    %reduce_max3A_44 = vector.multi_reduction <maximumf>, %add3A_42, %reduce_max3A_43 [0] : vector<256x128xf32> to vector<128xf32>
    %broadcast_in_dim3A_45 = vector.shape_cast %reduce_max3A_44 : vector<128xf32> to vector<1x128xf32>
    %slice3A_46 = vector.extract_strided_slice %select_n3A {offsets = [0, 70], sizes = [256, 1], strides = [1, 1]} : vector<256x256xf32> to vector<256x1xf32>
    %add3A_47 = vector.broadcast %slice3A_46 : vector<256x1xf32> to vector<256x128xf32>
    %add3A_48 = arith.addf %get3A_3, %add3A_47 : vector<256x128xf32>
    %reduce_max3A_49 = arith.constant dense<0xFF800000> : vector<128xf32>
    %reduce_max3A_50 = vector.multi_reduction <maximumf>, %add3A_48, %reduce_max3A_49 [0] : vector<256x128xf32> to vector<128xf32>
    %broadcast_in_dim3A_51 = vector.shape_cast %reduce_max3A_50 : vector<128xf32> to vector<1x128xf32>
    %slice3A_52 = vector.extract_strided_slice %select_n3A {offsets = [0, 71], sizes = [256, 1], strides = [1, 1]} : vector<256x256xf32> to vector<256x1xf32>
    %add3A_53 = vector.broadcast %slice3A_52 : vector<256x1xf32> to vector<256x128xf32>
    %add3A_54 = arith.addf %get3A_3, %add3A_53 : vector<256x128xf32>
    %reduce_max3A_55 = arith.constant dense<0xFF800000> : vector<128xf32>
    %reduce_max3A_56 = vector.multi_reduction <maximumf>, %add3A_54, %reduce_max3A_55 [0] : vector<256x128xf32> to vector<128xf32>
    %broadcast_in_dim3A_57 = vector.shape_cast %reduce_max3A_56 : vector<128xf32> to vector<1x128xf32>
    %slice3A_58 = vector.extract_strided_slice %select_n3A {offsets = [0, 72], sizes = [256, 1], strides = [1, 1]} : vector<256x256xf32> to vector<256x1xf32>
    %add3A_59 = vector.broadcast %slice3A_58 : vector<256x1xf32> to vector<256x128xf32>
    %add3A_60 = arith.addf %get3A_3, %add3A_59 : vector<256x128xf32>
    %reduce_max3A_61 = arith.constant dense<0xFF800000> : vector<128xf32>
    %reduce_max3A_62 = vector.multi_reduction <maximumf>, %add3A_60, %reduce_max3A_61 [0] : vector<256x128xf32> to vector<128xf32>
    %broadcast_in_dim3A_63 = vector.shape_cast %reduce_max3A_62 : vector<128xf32> to vector<1x128xf32>
    %slice3A_64 = vector.extract_strided_slice %select_n3A {offsets = [0, 73], sizes = [256, 1], strides = [1, 1]} : vector<256x256xf32> to vector<256x1xf32>
    %add3A_65 = vector.broadcast %slice3A_64 : vector<256x1xf32> to vector<256x128xf32>
    %add3A_66 = arith.addf %get3A_3, %add3A_65 : vector<256x128xf32>
    %reduce_max3A_67 = arith.constant dense<0xFF800000> : vector<128xf32>
    %reduce_max3A_68 = vector.multi_reduction <maximumf>, %add3A_66, %reduce_max3A_67 [0] : vector<256x128xf32> to vector<128xf32>
    %broadcast_in_dim3A_69 = vector.shape_cast %reduce_max3A_68 : vector<128xf32> to vector<1x128xf32>
    %slice3A_70 = vector.extract_strided_slice %select_n3A {offsets = [0, 74], sizes = [256, 1], strides = [1, 1]} : vector<256x256xf32> to vector<256x1xf32>
    %add3A_71 = vector.broadcast %slice3A_70 : vector<256x1xf32> to vector<256x128xf32>
    %add3A_72 = arith.addf %get3A_3, %add3A_71 : vector<256x128xf32>
    %reduce_max3A_73 = arith.constant dense<0xFF800000> : vector<128xf32>
    %reduce_max3A_74 = vector.multi_reduction <maximumf>, %add3A_72, %reduce_max3A_73 [0] : vector<256x128xf32> to vector<128xf32>
    %broadcast_in_dim3A_75 = vector.shape_cast %reduce_max3A_74 : vector<128xf32> to vector<1x128xf32>
    %slice3A_76 = vector.extract_strided_slice %select_n3A {offsets = [0, 75], sizes = [256, 1], strides = [1, 1]} : vector<256x256xf32> to vector<256x1xf32>
    %add3A_77 = vector.broadcast %slice3A_76 : vector<256x1xf32> to vector<256x128xf32>
    %add3A_78 = arith.addf %get3A_3, %add3A_77 : vector<256x128xf32>
    %reduce_max3A_79 = arith.constant dense<0xFF800000> : vector<128xf32>
    %reduce_max3A_80 = vector.multi_reduction <maximumf>, %add3A_78, %reduce_max3A_79 [0] : vector<256x128xf32> to vector<128xf32>
    %broadcast_in_dim3A_81 = vector.shape_cast %reduce_max3A_80 : vector<128xf32> to vector<1x128xf32>
    %slice3A_82 = vector.extract_strided_slice %select_n3A {offsets = [0, 76], sizes = [256, 1], strides = [1, 1]} : vector<256x256xf32> to vector<256x1xf32>
    %add3A_83 = vector.broadcast %slice3A_82 : vector<256x1xf32> to vector<256x128xf32>
    %add3A_84 = arith.addf %get3A_3, %add3A_83 : vector<256x128xf32>
    %reduce_max3A_85 = arith.constant dense<0xFF800000> : vector<128xf32>
    %reduce_max3A_86 = vector.multi_reduction <maximumf>, %add3A_84, %reduce_max3A_85 [0] : vector<256x128xf32> to vector<128xf32>
    %broadcast_in_dim3A_87 = vector.shape_cast %reduce_max3A_86 : vector<128xf32> to vector<1x128xf32>
    %slice3A_88 = vector.extract_strided_slice %select_n3A {offsets = [0, 77], sizes = [256, 1], strides = [1, 1]} : vector<256x256xf32> to vector<256x1xf32>
    %add3A_89 = vector.broadcast %slice3A_88 : vector<256x1xf32> to vector<256x128xf32>
    %add3A_90 = arith.addf %get3A_3, %add3A_89 : vector<256x128xf32>
    %reduce_max3A_91 = arith.constant dense<0xFF800000> : vector<128xf32>
    %reduce_max3A_92 = vector.multi_reduction <maximumf>, %add3A_90, %reduce_max3A_91 [0] : vector<256x128xf32> to vector<128xf32>
    %broadcast_in_dim3A_93 = vector.shape_cast %reduce_max3A_92 : vector<128xf32> to vector<1x128xf32>
    %slice3A_94 = vector.extract_strided_slice %select_n3A {offsets = [0, 78], sizes = [256, 1], strides = [1, 1]} : vector<256x256xf32> to vector<256x1xf32>
    %add3A_95 = vector.broadcast %slice3A_94 : vector<256x1xf32> to vector<256x128xf32>
    %add3A_96 = arith.addf %get3A_3, %add3A_95 : vector<256x128xf32>
    %reduce_max3A_97 = arith.constant dense<0xFF800000> : vector<128xf32>
    %reduce_max3A_98 = vector.multi_reduction <maximumf>, %add3A_96, %reduce_max3A_97 [0] : vector<256x128xf32> to vector<128xf32>
    %broadcast_in_dim3A_99 = vector.shape_cast %reduce_max3A_98 : vector<128xf32> to vector<1x128xf32>
    %slice3A_100 = vector.extract_strided_slice %select_n3A {offsets = [0, 79], sizes = [256, 1], strides = [1, 1]} : vector<256x256xf32> to vector<256x1xf32>
    %add3A_101 = vector.broadcast %slice3A_100 : vector<256x1xf32> to vector<256x128xf32>
    %add3A_102 = arith.addf %get3A_3, %add3A_101 : vector<256x128xf32>
    %reduce_max3A_103 = arith.constant dense<0xFF800000> : vector<128xf32>
    %reduce_max3A_104 = vector.multi_reduction <maximumf>, %add3A_102, %reduce_max3A_103 [0] : vector<256x128xf32> to vector<128xf32>
    %broadcast_in_dim3A_105 = vector.shape_cast %reduce_max3A_104 : vector<128xf32> to vector<1x128xf32>
    %slice3A_106 = vector.extract_strided_slice %select_n3A {offsets = [0, 80], sizes = [256, 1], strides = [1, 1]} : vector<256x256xf32> to vector<256x1xf32>
    %add3A_107 = vector.broadcast %slice3A_106 : vector<256x1xf32> to vector<256x128xf32>
    %add3A_108 = arith.addf %get3A_3, %add3A_107 : vector<256x128xf32>
    %reduce_max3A_109 = arith.constant dense<0xFF800000> : vector<128xf32>
    %reduce_max3A_110 = vector.multi_reduction <maximumf>, %add3A_108, %reduce_max3A_109 [0] : vector<256x128xf32> to vector<128xf32>
    %broadcast_in_dim3A_111 = vector.shape_cast %reduce_max3A_110 : vector<128xf32> to vector<1x128xf32>
    %slice3A_112 = vector.extract_strided_slice %select_n3A {offsets = [0, 81], sizes = [256, 1], strides = [1, 1]} : vector<256x256xf32> to vector<256x1xf32>
    %add3A_113 = vector.broadcast %slice3A_112 : vector<256x1xf32> to vector<256x128xf32>
    %add3A_114 = arith.addf %get3A_3, %add3A_113 : vector<256x128xf32>
    %reduce_max3A_115 = arith.constant dense<0xFF800000> : vector<128xf32>
    %reduce_max3A_116 = vector.multi_reduction <maximumf>, %add3A_114, %reduce_max3A_115 [0] : vector<256x128xf32> to vector<128xf32>
    %broadcast_in_dim3A_117 = vector.shape_cast %reduce_max3A_116 : vector<128xf32> to vector<1x128xf32>
    %slice3A_118 = vector.extract_strided_slice %select_n3A {offsets = [0, 82], sizes = [256, 1], strides = [1, 1]} : vector<256x256xf32> to vector<256x1xf32>
    %add3A_119 = vector.broadcast %slice3A_118 : vector<256x1xf32> to vector<256x128xf32>
    %add3A_120 = arith.addf %get3A_3, %add3A_119 : vector<256x128xf32>
    %reduce_max3A_121 = arith.constant dense<0xFF800000> : vector<128xf32>
    %reduce_max3A_122 = vector.multi_reduction <maximumf>, %add3A_120, %reduce_max3A_121 [0] : vector<256x128xf32> to vector<128xf32>
    %broadcast_in_dim3A_123 = vector.shape_cast %reduce_max3A_122 : vector<128xf32> to vector<1x128xf32>
    %slice3A_124 = vector.extract_strided_slice %select_n3A {offsets = [0, 83], sizes = [256, 1], strides = [1, 1]} : vector<256x256xf32> to vector<256x1xf32>
    %add3A_125 = vector.broadcast %slice3A_124 : vector<256x1xf32> to vector<256x128xf32>
    %add3A_126 = arith.addf %get3A_3, %add3A_125 : vector<256x128xf32>
    %reduce_max3A_127 = arith.constant dense<0xFF800000> : vector<128xf32>
    %reduce_max3A_128 = vector.multi_reduction <maximumf>, %add3A_126, %reduce_max3A_127 [0] : vector<256x128xf32> to vector<128xf32>
    %broadcast_in_dim3A_129 = vector.shape_cast %reduce_max3A_128 : vector<128xf32> to vector<1x128xf32>
    %slice3A_130 = vector.extract_strided_slice %select_n3A {offsets = [0, 84], sizes = [256, 1], strides = [1, 1]} : vector<256x256xf32> to vector<256x1xf32>
    %add3A_131 = vector.broadcast %slice3A_130 : vector<256x1xf32> to vector<256x128xf32>
    %add3A_132 = arith.addf %get3A_3, %add3A_131 : vector<256x128xf32>
    %reduce_max3A_133 = arith.constant dense<0xFF800000> : vector<128xf32>
    %reduce_max3A_134 = vector.multi_reduction <maximumf>, %add3A_132, %reduce_max3A_133 [0] : vector<256x128xf32> to vector<128xf32>
    %broadcast_in_dim3A_135 = vector.shape_cast %reduce_max3A_134 : vector<128xf32> to vector<1x128xf32>
    %slice3A_136 = vector.extract_strided_slice %select_n3A {offsets = [0, 85], sizes = [256, 1], strides = [1, 1]} : vector<256x256xf32> to vector<256x1xf32>
    %add3A_137 = vector.broadcast %slice3A_136 : vector<256x1xf32> to vector<256x128xf32>
    %add3A_138 = arith.addf %get3A_3, %add3A_137 : vector<256x128xf32>
    %reduce_max3A_139 = arith.constant dense<0xFF800000> : vector<128xf32>
    %reduce_max3A_140 = vector.multi_reduction <maximumf>, %add3A_138, %reduce_max3A_139 [0] : vector<256x128xf32> to vector<128xf32>
    %broadcast_in_dim3A_141 = vector.shape_cast %reduce_max3A_140 : vector<128xf32> to vector<1x128xf32>
    %slice3A_142 = vector.extract_strided_slice %select_n3A {offsets = [0, 86], sizes = [256, 1], strides = [1, 1]} : vector<256x256xf32> to vector<256x1xf32>
    %add3A_143 = vector.broadcast %slice3A_142 : vector<256x1xf32> to vector<256x128xf32>
    %add3A_144 = arith.addf %get3A_3, %add3A_143 : vector<256x128xf32>
    %reduce_max3A_145 = arith.constant dense<0xFF800000> : vector<128xf32>
    %reduce_max3A_146 = vector.multi_reduction <maximumf>, %add3A_144, %reduce_max3A_145 [0] : vector<256x128xf32> to vector<128xf32>
    %broadcast_in_dim3A_147 = vector.shape_cast %reduce_max3A_146 : vector<128xf32> to vector<1x128xf32>
    %slice3A_148 = vector.extract_strided_slice %select_n3A {offsets = [0, 87], sizes = [256, 1], strides = [1, 1]} : vector<256x256xf32> to vector<256x1xf32>
    %add3A_149 = vector.broadcast %slice3A_148 : vector<256x1xf32> to vector<256x128xf32>
    %add3A_150 = arith.addf %get3A_3, %add3A_149 : vector<256x128xf32>
    %reduce_max3A_151 = arith.constant dense<0xFF800000> : vector<128xf32>
    %reduce_max3A_152 = vector.multi_reduction <maximumf>, %add3A_150, %reduce_max3A_151 [0] : vector<256x128xf32> to vector<128xf32>
    %broadcast_in_dim3A_153 = vector.shape_cast %reduce_max3A_152 : vector<128xf32> to vector<1x128xf32>
    %slice3A_154 = vector.extract_strided_slice %select_n3A {offsets = [0, 88], sizes = [256, 1], strides = [1, 1]} : vector<256x256xf32> to vector<256x1xf32>
    %add3A_155 = vector.broadcast %slice3A_154 : vector<256x1xf32> to vector<256x128xf32>
    %add3A_156 = arith.addf %get3A_3, %add3A_155 : vector<256x128xf32>
    %reduce_max3A_157 = arith.constant dense<0xFF800000> : vector<128xf32>
    %reduce_max3A_158 = vector.multi_reduction <maximumf>, %add3A_156, %reduce_max3A_157 [0] : vector<256x128xf32> to vector<128xf32>
    %broadcast_in_dim3A_159 = vector.shape_cast %reduce_max3A_158 : vector<128xf32> to vector<1x128xf32>
    %slice3A_160 = vector.extract_strided_slice %select_n3A {offsets = [0, 89], sizes = [256, 1], strides = [1, 1]} : vector<256x256xf32> to vector<256x1xf32>
    %add3A_161 = vector.broadcast %slice3A_160 : vector<256x1xf32> to vector<256x128xf32>
    %add3A_162 = arith.addf %get3A_3, %add3A_161 : vector<256x128xf32>
    %reduce_max3A_163 = arith.constant dense<0xFF800000> : vector<128xf32>
    %reduce_max3A_164 = vector.multi_reduction <maximumf>, %add3A_162, %reduce_max3A_163 [0] : vector<256x128xf32> to vector<128xf32>
    %broadcast_in_dim3A_165 = vector.shape_cast %reduce_max3A_164 : vector<128xf32> to vector<1x128xf32>
    %slice3A_166 = vector.extract_strided_slice %select_n3A {offsets = [0, 90], sizes = [256, 1], strides = [1, 1]} : vector<256x256xf32> to vector<256x1xf32>
    %add3A_167 = vector.broadcast %slice3A_166 : vector<256x1xf32> to vector<256x128xf32>
    %add3A_168 = arith.addf %get3A_3, %add3A_167 : vector<256x128xf32>
    %reduce_max3A_169 = arith.constant dense<0xFF800000> : vector<128xf32>
    %reduce_max3A_170 = vector.multi_reduction <maximumf>, %add3A_168, %reduce_max3A_169 [0] : vector<256x128xf32> to vector<128xf32>
    %broadcast_in_dim3A_171 = vector.shape_cast %reduce_max3A_170 : vector<128xf32> to vector<1x128xf32>
    %slice3A_172 = vector.extract_strided_slice %select_n3A {offsets = [0, 91], sizes = [256, 1], strides = [1, 1]} : vector<256x256xf32> to vector<256x1xf32>
    %add3A_173 = vector.broadcast %slice3A_172 : vector<256x1xf32> to vector<256x128xf32>
    %add3A_174 = arith.addf %get3A_3, %add3A_173 : vector<256x128xf32>
    %reduce_max3A_175 = arith.constant dense<0xFF800000> : vector<128xf32>
    %reduce_max3A_176 = vector.multi_reduction <maximumf>, %add3A_174, %reduce_max3A_175 [0] : vector<256x128xf32> to vector<128xf32>
    %broadcast_in_dim3A_177 = vector.shape_cast %reduce_max3A_176 : vector<128xf32> to vector<1x128xf32>
    %slice3A_178 = vector.extract_strided_slice %select_n3A {offsets = [0, 92], sizes = [256, 1], strides = [1, 1]} : vector<256x256xf32> to vector<256x1xf32>
    %add3A_179 = vector.broadcast %slice3A_178 : vector<256x1xf32> to vector<256x128xf32>
    %add3A_180 = arith.addf %get3A_3, %add3A_179 : vector<256x128xf32>
    %reduce_max3A_181 = arith.constant dense<0xFF800000> : vector<128xf32>
    %reduce_max3A_182 = vector.multi_reduction <maximumf>, %add3A_180, %reduce_max3A_181 [0] : vector<256x128xf32> to vector<128xf32>
    %broadcast_in_dim3A_183 = vector.shape_cast %reduce_max3A_182 : vector<128xf32> to vector<1x128xf32>
    %slice3A_184 = vector.extract_strided_slice %select_n3A {offsets = [0, 93], sizes = [256, 1], strides = [1, 1]} : vector<256x256xf32> to vector<256x1xf32>
    %add3A_185 = vector.broadcast %slice3A_184 : vector<256x1xf32> to vector<256x128xf32>
    %add3A_186 = arith.addf %get3A_3, %add3A_185 : vector<256x128xf32>
    %reduce_max3A_187 = arith.constant dense<0xFF800000> : vector<128xf32>
    %reduce_max3A_188 = vector.multi_reduction <maximumf>, %add3A_186, %reduce_max3A_187 [0] : vector<256x128xf32> to vector<128xf32>
    %broadcast_in_dim3A_189 = vector.shape_cast %reduce_max3A_188 : vector<128xf32> to vector<1x128xf32>
    %slice3A_190 = vector.extract_strided_slice %select_n3A {offsets = [0, 94], sizes = [256, 1], strides = [1, 1]} : vector<256x256xf32> to vector<256x1xf32>
    %add3A_191 = vector.broadcast %slice3A_190 : vector<256x1xf32> to vector<256x128xf32>
    %add3A_192 = arith.addf %get3A_3, %add3A_191 : vector<256x128xf32>
    %reduce_max3A_193 = arith.constant dense<0xFF800000> : vector<128xf32>
    %reduce_max3A_194 = vector.multi_reduction <maximumf>, %add3A_192, %reduce_max3A_193 [0] : vector<256x128xf32> to vector<128xf32>
    %broadcast_in_dim3A_195 = vector.shape_cast %reduce_max3A_194 : vector<128xf32> to vector<1x128xf32>
    %slice3A_196 = vector.extract_strided_slice %select_n3A {offsets = [0, 95], sizes = [256, 1], strides = [1, 1]} : vector<256x256xf32> to vector<256x1xf32>
    %add3A_197 = vector.broadcast %slice3A_196 : vector<256x1xf32> to vector<256x128xf32>
    %add3A_198 = arith.addf %get3A_3, %add3A_197 : vector<256x128xf32>
    %reduce_max3A_199 = arith.constant dense<0xFF800000> : vector<128xf32>
    %reduce_max3A_200 = vector.multi_reduction <maximumf>, %add3A_198, %reduce_max3A_199 [0] : vector<256x128xf32> to vector<128xf32>
    %broadcast_in_dim3A_201 = vector.shape_cast %reduce_max3A_200 : vector<128xf32> to vector<1x128xf32>
    %slice3A_202 = vector.extract_strided_slice %select_n3A {offsets = [0, 96], sizes = [256, 1], strides = [1, 1]} : vector<256x256xf32> to vector<256x1xf32>
    %add3A_203 = vector.broadcast %slice3A_202 : vector<256x1xf32> to vector<256x128xf32>
    %add3A_204 = arith.addf %get3A_3, %add3A_203 : vector<256x128xf32>
    %reduce_max3A_205 = arith.constant dense<0xFF800000> : vector<128xf32>
    %reduce_max3A_206 = vector.multi_reduction <maximumf>, %add3A_204, %reduce_max3A_205 [0] : vector<256x128xf32> to vector<128xf32>
    %broadcast_in_dim3A_207 = vector.shape_cast %reduce_max3A_206 : vector<128xf32> to vector<1x128xf32>
    %slice3A_208 = vector.extract_strided_slice %select_n3A {offsets = [0, 97], sizes = [256, 1], strides = [1, 1]} : vector<256x256xf32> to vector<256x1xf32>
    %add3A_209 = vector.broadcast %slice3A_208 : vector<256x1xf32> to vector<256x128xf32>
    %add3A_210 = arith.addf %get3A_3, %add3A_209 : vector<256x128xf32>
    %reduce_max3A_211 = arith.constant dense<0xFF800000> : vector<128xf32>
    %reduce_max3A_212 = vector.multi_reduction <maximumf>, %add3A_210, %reduce_max3A_211 [0] : vector<256x128xf32> to vector<128xf32>
    %broadcast_in_dim3A_213 = vector.shape_cast %reduce_max3A_212 : vector<128xf32> to vector<1x128xf32>
    %slice3A_214 = vector.extract_strided_slice %select_n3A {offsets = [0, 98], sizes = [256, 1], strides = [1, 1]} : vector<256x256xf32> to vector<256x1xf32>
    %add3A_215 = vector.broadcast %slice3A_214 : vector<256x1xf32> to vector<256x128xf32>
    %add3A_216 = arith.addf %get3A_3, %add3A_215 : vector<256x128xf32>
    %reduce_max3A_217 = arith.constant dense<0xFF800000> : vector<128xf32>
    %reduce_max3A_218 = vector.multi_reduction <maximumf>, %add3A_216, %reduce_max3A_217 [0] : vector<256x128xf32> to vector<128xf32>
    %broadcast_in_dim3A_219 = vector.shape_cast %reduce_max3A_218 : vector<128xf32> to vector<1x128xf32>
    %slice3A_220 = vector.extract_strided_slice %select_n3A {offsets = [0, 99], sizes = [256, 1], strides = [1, 1]} : vector<256x256xf32> to vector<256x1xf32>
    %add3A_221 = vector.broadcast %slice3A_220 : vector<256x1xf32> to vector<256x128xf32>
    %add3A_222 = arith.addf %get3A_3, %add3A_221 : vector<256x128xf32>
    %reduce_max3A_223 = arith.constant dense<0xFF800000> : vector<128xf32>
    %reduce_max3A_224 = vector.multi_reduction <maximumf>, %add3A_222, %reduce_max3A_223 [0] : vector<256x128xf32> to vector<128xf32>
    %broadcast_in_dim3A_225 = vector.shape_cast %reduce_max3A_224 : vector<128xf32> to vector<1x128xf32>
    %slice3A_226 = vector.extract_strided_slice %select_n3A {offsets = [0, 100], sizes = [256, 1], strides = [1, 1]} : vector<256x256xf32> to vector<256x1xf32>
    %add3A_227 = vector.broadcast %slice3A_226 : vector<256x1xf32> to vector<256x128xf32>
    %add3A_228 = arith.addf %get3A_3, %add3A_227 : vector<256x128xf32>
    %reduce_max3A_229 = arith.constant dense<0xFF800000> : vector<128xf32>
    %reduce_max3A_230 = vector.multi_reduction <maximumf>, %add3A_228, %reduce_max3A_229 [0] : vector<256x128xf32> to vector<128xf32>
    %broadcast_in_dim3A_231 = vector.shape_cast %reduce_max3A_230 : vector<128xf32> to vector<1x128xf32>
    %slice3A_232 = vector.extract_strided_slice %select_n3A {offsets = [0, 101], sizes = [256, 1], strides = [1, 1]} : vector<256x256xf32> to vector<256x1xf32>
    %add3A_233 = vector.broadcast %slice3A_232 : vector<256x1xf32> to vector<256x128xf32>
    %add3A_234 = arith.addf %get3A_3, %add3A_233 : vector<256x128xf32>
    %reduce_max3A_235 = arith.constant dense<0xFF800000> : vector<128xf32>
    %reduce_max3A_236 = vector.multi_reduction <maximumf>, %add3A_234, %reduce_max3A_235 [0] : vector<256x128xf32> to vector<128xf32>
    %broadcast_in_dim3A_237 = vector.shape_cast %reduce_max3A_236 : vector<128xf32> to vector<1x128xf32>
    %slice3A_238 = vector.extract_strided_slice %select_n3A {offsets = [0, 102], sizes = [256, 1], strides = [1, 1]} : vector<256x256xf32> to vector<256x1xf32>
    %add3A_239 = vector.broadcast %slice3A_238 : vector<256x1xf32> to vector<256x128xf32>
    %add3A_240 = arith.addf %get3A_3, %add3A_239 : vector<256x128xf32>
    %reduce_max3A_241 = arith.constant dense<0xFF800000> : vector<128xf32>
    %reduce_max3A_242 = vector.multi_reduction <maximumf>, %add3A_240, %reduce_max3A_241 [0] : vector<256x128xf32> to vector<128xf32>
    %broadcast_in_dim3A_243 = vector.shape_cast %reduce_max3A_242 : vector<128xf32> to vector<1x128xf32>
    %slice3A_244 = vector.extract_strided_slice %select_n3A {offsets = [0, 103], sizes = [256, 1], strides = [1, 1]} : vector<256x256xf32> to vector<256x1xf32>
    %add3A_245 = vector.broadcast %slice3A_244 : vector<256x1xf32> to vector<256x128xf32>
    %add3A_246 = arith.addf %get3A_3, %add3A_245 : vector<256x128xf32>
    %reduce_max3A_247 = arith.constant dense<0xFF800000> : vector<128xf32>
    %reduce_max3A_248 = vector.multi_reduction <maximumf>, %add3A_246, %reduce_max3A_247 [0] : vector<256x128xf32> to vector<128xf32>
    %broadcast_in_dim3A_249 = vector.shape_cast %reduce_max3A_248 : vector<128xf32> to vector<1x128xf32>
    %slice3A_250 = vector.extract_strided_slice %select_n3A {offsets = [0, 104], sizes = [256, 1], strides = [1, 1]} : vector<256x256xf32> to vector<256x1xf32>
    %add3A_251 = vector.broadcast %slice3A_250 : vector<256x1xf32> to vector<256x128xf32>
    %add3A_252 = arith.addf %get3A_3, %add3A_251 : vector<256x128xf32>
    %reduce_max3A_253 = arith.constant dense<0xFF800000> : vector<128xf32>
    %reduce_max3A_254 = vector.multi_reduction <maximumf>, %add3A_252, %reduce_max3A_253 [0] : vector<256x128xf32> to vector<128xf32>
    %broadcast_in_dim3A_255 = vector.shape_cast %reduce_max3A_254 : vector<128xf32> to vector<1x128xf32>
    %slice3A_256 = vector.extract_strided_slice %select_n3A {offsets = [0, 105], sizes = [256, 1], strides = [1, 1]} : vector<256x256xf32> to vector<256x1xf32>
    %add3A_257 = vector.broadcast %slice3A_256 : vector<256x1xf32> to vector<256x128xf32>
    %add3A_258 = arith.addf %get3A_3, %add3A_257 : vector<256x128xf32>
    %reduce_max3A_259 = arith.constant dense<0xFF800000> : vector<128xf32>
    %reduce_max3A_260 = vector.multi_reduction <maximumf>, %add3A_258, %reduce_max3A_259 [0] : vector<256x128xf32> to vector<128xf32>
    %broadcast_in_dim3A_261 = vector.shape_cast %reduce_max3A_260 : vector<128xf32> to vector<1x128xf32>
    %slice3A_262 = vector.extract_strided_slice %select_n3A {offsets = [0, 106], sizes = [256, 1], strides = [1, 1]} : vector<256x256xf32> to vector<256x1xf32>
    %add3A_263 = vector.broadcast %slice3A_262 : vector<256x1xf32> to vector<256x128xf32>
    %add3A_264 = arith.addf %get3A_3, %add3A_263 : vector<256x128xf32>
    %reduce_max3A_265 = arith.constant dense<0xFF800000> : vector<128xf32>
    %reduce_max3A_266 = vector.multi_reduction <maximumf>, %add3A_264, %reduce_max3A_265 [0] : vector<256x128xf32> to vector<128xf32>
    %broadcast_in_dim3A_267 = vector.shape_cast %reduce_max3A_266 : vector<128xf32> to vector<1x128xf32>
    %slice3A_268 = vector.extract_strided_slice %select_n3A {offsets = [0, 107], sizes = [256, 1], strides = [1, 1]} : vector<256x256xf32> to vector<256x1xf32>
    %add3A_269 = vector.broadcast %slice3A_268 : vector<256x1xf32> to vector<256x128xf32>
    %add3A_270 = arith.addf %get3A_3, %add3A_269 : vector<256x128xf32>
    %reduce_max3A_271 = arith.constant dense<0xFF800000> : vector<128xf32>
    %reduce_max3A_272 = vector.multi_reduction <maximumf>, %add3A_270, %reduce_max3A_271 [0] : vector<256x128xf32> to vector<128xf32>
    %broadcast_in_dim3A_273 = vector.shape_cast %reduce_max3A_272 : vector<128xf32> to vector<1x128xf32>
    %slice3A_274 = vector.extract_strided_slice %select_n3A {offsets = [0, 108], sizes = [256, 1], strides = [1, 1]} : vector<256x256xf32> to vector<256x1xf32>
    %add3A_275 = vector.broadcast %slice3A_274 : vector<256x1xf32> to vector<256x128xf32>
    %add3A_276 = arith.addf %get3A_3, %add3A_275 : vector<256x128xf32>
    %reduce_max3A_277 = arith.constant dense<0xFF800000> : vector<128xf32>
    %reduce_max3A_278 = vector.multi_reduction <maximumf>, %add3A_276, %reduce_max3A_277 [0] : vector<256x128xf32> to vector<128xf32>
    %broadcast_in_dim3A_279 = vector.shape_cast %reduce_max3A_278 : vector<128xf32> to vector<1x128xf32>
    %slice3A_280 = vector.extract_strided_slice %select_n3A {offsets = [0, 109], sizes = [256, 1], strides = [1, 1]} : vector<256x256xf32> to vector<256x1xf32>
    %add3A_281 = vector.broadcast %slice3A_280 : vector<256x1xf32> to vector<256x128xf32>
    %add3A_282 = arith.addf %get3A_3, %add3A_281 : vector<256x128xf32>
    %reduce_max3A_283 = arith.constant dense<0xFF800000> : vector<128xf32>
    %reduce_max3A_284 = vector.multi_reduction <maximumf>, %add3A_282, %reduce_max3A_283 [0] : vector<256x128xf32> to vector<128xf32>
    %broadcast_in_dim3A_285 = vector.shape_cast %reduce_max3A_284 : vector<128xf32> to vector<1x128xf32>
    %slice3A_286 = vector.extract_strided_slice %select_n3A {offsets = [0, 110], sizes = [256, 1], strides = [1, 1]} : vector<256x256xf32> to vector<256x1xf32>
    %add3A_287 = vector.broadcast %slice3A_286 : vector<256x1xf32> to vector<256x128xf32>
    %add3A_288 = arith.addf %get3A_3, %add3A_287 : vector<256x128xf32>
    %reduce_max3A_289 = arith.constant dense<0xFF800000> : vector<128xf32>
    %reduce_max3A_290 = vector.multi_reduction <maximumf>, %add3A_288, %reduce_max3A_289 [0] : vector<256x128xf32> to vector<128xf32>
    %broadcast_in_dim3A_291 = vector.shape_cast %reduce_max3A_290 : vector<128xf32> to vector<1x128xf32>
    %slice3A_292 = vector.extract_strided_slice %select_n3A {offsets = [0, 111], sizes = [256, 1], strides = [1, 1]} : vector<256x256xf32> to vector<256x1xf32>
    %add3A_293 = vector.broadcast %slice3A_292 : vector<256x1xf32> to vector<256x128xf32>
    %add3A_294 = arith.addf %get3A_3, %add3A_293 : vector<256x128xf32>
    %reduce_max3A_295 = arith.constant dense<0xFF800000> : vector<128xf32>
    %reduce_max3A_296 = vector.multi_reduction <maximumf>, %add3A_294, %reduce_max3A_295 [0] : vector<256x128xf32> to vector<128xf32>
    %broadcast_in_dim3A_297 = vector.shape_cast %reduce_max3A_296 : vector<128xf32> to vector<1x128xf32>
    %slice3A_298 = vector.extract_strided_slice %select_n3A {offsets = [0, 112], sizes = [256, 1], strides = [1, 1]} : vector<256x256xf32> to vector<256x1xf32>
    %add3A_299 = vector.broadcast %slice3A_298 : vector<256x1xf32> to vector<256x128xf32>
    %add3A_300 = arith.addf %get3A_3, %add3A_299 : vector<256x128xf32>
    %reduce_max3A_301 = arith.constant dense<0xFF800000> : vector<128xf32>
    %reduce_max3A_302 = vector.multi_reduction <maximumf>, %add3A_300, %reduce_max3A_301 [0] : vector<256x128xf32> to vector<128xf32>
    %broadcast_in_dim3A_303 = vector.shape_cast %reduce_max3A_302 : vector<128xf32> to vector<1x128xf32>
    %slice3A_304 = vector.extract_strided_slice %select_n3A {offsets = [0, 113], sizes = [256, 1], strides = [1, 1]} : vector<256x256xf32> to vector<256x1xf32>
    %add3A_305 = vector.broadcast %slice3A_304 : vector<256x1xf32> to vector<256x128xf32>
    %add3A_306 = arith.addf %get3A_3, %add3A_305 : vector<256x128xf32>
    %reduce_max3A_307 = arith.constant dense<0xFF800000> : vector<128xf32>
    %reduce_max3A_308 = vector.multi_reduction <maximumf>, %add3A_306, %reduce_max3A_307 [0] : vector<256x128xf32> to vector<128xf32>
    %broadcast_in_dim3A_309 = vector.shape_cast %reduce_max3A_308 : vector<128xf32> to vector<1x128xf32>
    %slice3A_310 = vector.extract_strided_slice %select_n3A {offsets = [0, 114], sizes = [256, 1], strides = [1, 1]} : vector<256x256xf32> to vector<256x1xf32>
    %add3A_311 = vector.broadcast %slice3A_310 : vector<256x1xf32> to vector<256x128xf32>
    %add3A_312 = arith.addf %get3A_3, %add3A_311 : vector<256x128xf32>
    %reduce_max3A_313 = arith.constant dense<0xFF800000> : vector<128xf32>
    %reduce_max3A_314 = vector.multi_reduction <maximumf>, %add3A_312, %reduce_max3A_313 [0] : vector<256x128xf32> to vector<128xf32>
    %broadcast_in_dim3A_315 = vector.shape_cast %reduce_max3A_314 : vector<128xf32> to vector<1x128xf32>
    %slice3A_316 = vector.extract_strided_slice %select_n3A {offsets = [0, 115], sizes = [256, 1], strides = [1, 1]} : vector<256x256xf32> to vector<256x1xf32>
    %add3A_317 = vector.broadcast %slice3A_316 : vector<256x1xf32> to vector<256x128xf32>
    %add3A_318 = arith.addf %get3A_3, %add3A_317 : vector<256x128xf32>
    %reduce_max3A_319 = arith.constant dense<0xFF800000> : vector<128xf32>
    %reduce_max3A_320 = vector.multi_reduction <maximumf>, %add3A_318, %reduce_max3A_319 [0] : vector<256x128xf32> to vector<128xf32>
    %broadcast_in_dim3A_321 = vector.shape_cast %reduce_max3A_320 : vector<128xf32> to vector<1x128xf32>
    %slice3A_322 = vector.extract_strided_slice %select_n3A {offsets = [0, 116], sizes = [256, 1], strides = [1, 1]} : vector<256x256xf32> to vector<256x1xf32>
    %add3A_323 = vector.broadcast %slice3A_322 : vector<256x1xf32> to vector<256x128xf32>
    %add3A_324 = arith.addf %get3A_3, %add3A_323 : vector<256x128xf32>
    %reduce_max3A_325 = arith.constant dense<0xFF800000> : vector<128xf32>
    %reduce_max3A_326 = vector.multi_reduction <maximumf>, %add3A_324, %reduce_max3A_325 [0] : vector<256x128xf32> to vector<128xf32>
    %broadcast_in_dim3A_327 = vector.shape_cast %reduce_max3A_326 : vector<128xf32> to vector<1x128xf32>
    %slice3A_328 = vector.extract_strided_slice %select_n3A {offsets = [0, 117], sizes = [256, 1], strides = [1, 1]} : vector<256x256xf32> to vector<256x1xf32>
    %add3A_329 = vector.broadcast %slice3A_328 : vector<256x1xf32> to vector<256x128xf32>
    %add3A_330 = arith.addf %get3A_3, %add3A_329 : vector<256x128xf32>
    %reduce_max3A_331 = arith.constant dense<0xFF800000> : vector<128xf32>
    %reduce_max3A_332 = vector.multi_reduction <maximumf>, %add3A_330, %reduce_max3A_331 [0] : vector<256x128xf32> to vector<128xf32>
    %broadcast_in_dim3A_333 = vector.shape_cast %reduce_max3A_332 : vector<128xf32> to vector<1x128xf32>
    %slice3A_334 = vector.extract_strided_slice %select_n3A {offsets = [0, 118], sizes = [256, 1], strides = [1, 1]} : vector<256x256xf32> to vector<256x1xf32>
    %add3A_335 = vector.broadcast %slice3A_334 : vector<256x1xf32> to vector<256x128xf32>
    %add3A_336 = arith.addf %get3A_3, %add3A_335 : vector<256x128xf32>
    %reduce_max3A_337 = arith.constant dense<0xFF800000> : vector<128xf32>
    %reduce_max3A_338 = vector.multi_reduction <maximumf>, %add3A_336, %reduce_max3A_337 [0] : vector<256x128xf32> to vector<128xf32>
    %broadcast_in_dim3A_339 = vector.shape_cast %reduce_max3A_338 : vector<128xf32> to vector<1x128xf32>
    %slice3A_340 = vector.extract_strided_slice %select_n3A {offsets = [0, 119], sizes = [256, 1], strides = [1, 1]} : vector<256x256xf32> to vector<256x1xf32>
    %add3A_341 = vector.broadcast %slice3A_340 : vector<256x1xf32> to vector<256x128xf32>
    %add3A_342 = arith.addf %get3A_3, %add3A_341 : vector<256x128xf32>
    %reduce_max3A_343 = arith.constant dense<0xFF800000> : vector<128xf32>
    %reduce_max3A_344 = vector.multi_reduction <maximumf>, %add3A_342, %reduce_max3A_343 [0] : vector<256x128xf32> to vector<128xf32>
    %broadcast_in_dim3A_345 = vector.shape_cast %reduce_max3A_344 : vector<128xf32> to vector<1x128xf32>
    %slice3A_346 = vector.extract_strided_slice %select_n3A {offsets = [0, 120], sizes = [256, 1], strides = [1, 1]} : vector<256x256xf32> to vector<256x1xf32>
    %add3A_347 = vector.broadcast %slice3A_346 : vector<256x1xf32> to vector<256x128xf32>
    %add3A_348 = arith.addf %get3A_3, %add3A_347 : vector<256x128xf32>
    %reduce_max3A_349 = arith.constant dense<0xFF800000> : vector<128xf32>
    %reduce_max3A_350 = vector.multi_reduction <maximumf>, %add3A_348, %reduce_max3A_349 [0] : vector<256x128xf32> to vector<128xf32>
    %broadcast_in_dim3A_351 = vector.shape_cast %reduce_max3A_350 : vector<128xf32> to vector<1x128xf32>
    %slice3A_352 = vector.extract_strided_slice %select_n3A {offsets = [0, 121], sizes = [256, 1], strides = [1, 1]} : vector<256x256xf32> to vector<256x1xf32>
    %add3A_353 = vector.broadcast %slice3A_352 : vector<256x1xf32> to vector<256x128xf32>
    %add3A_354 = arith.addf %get3A_3, %add3A_353 : vector<256x128xf32>
    %reduce_max3A_355 = arith.constant dense<0xFF800000> : vector<128xf32>
    %reduce_max3A_356 = vector.multi_reduction <maximumf>, %add3A_354, %reduce_max3A_355 [0] : vector<256x128xf32> to vector<128xf32>
    %broadcast_in_dim3A_357 = vector.shape_cast %reduce_max3A_356 : vector<128xf32> to vector<1x128xf32>
    %slice3A_358 = vector.extract_strided_slice %select_n3A {offsets = [0, 122], sizes = [256, 1], strides = [1, 1]} : vector<256x256xf32> to vector<256x1xf32>
    %add3A_359 = vector.broadcast %slice3A_358 : vector<256x1xf32> to vector<256x128xf32>
    %add3A_360 = arith.addf %get3A_3, %add3A_359 : vector<256x128xf32>
    %reduce_max3A_361 = arith.constant dense<0xFF800000> : vector<128xf32>
    %reduce_max3A_362 = vector.multi_reduction <maximumf>, %add3A_360, %reduce_max3A_361 [0] : vector<256x128xf32> to vector<128xf32>
    %broadcast_in_dim3A_363 = vector.shape_cast %reduce_max3A_362 : vector<128xf32> to vector<1x128xf32>
    %slice3A_364 = vector.extract_strided_slice %select_n3A {offsets = [0, 123], sizes = [256, 1], strides = [1, 1]} : vector<256x256xf32> to vector<256x1xf32>
    %add3A_365 = vector.broadcast %slice3A_364 : vector<256x1xf32> to vector<256x128xf32>
    %add3A_366 = arith.addf %get3A_3, %add3A_365 : vector<256x128xf32>
    %reduce_max3A_367 = arith.constant dense<0xFF800000> : vector<128xf32>
    %reduce_max3A_368 = vector.multi_reduction <maximumf>, %add3A_366, %reduce_max3A_367 [0] : vector<256x128xf32> to vector<128xf32>
    %broadcast_in_dim3A_369 = vector.shape_cast %reduce_max3A_368 : vector<128xf32> to vector<1x128xf32>
    %slice3A_370 = vector.extract_strided_slice %select_n3A {offsets = [0, 124], sizes = [256, 1], strides = [1, 1]} : vector<256x256xf32> to vector<256x1xf32>
    %add3A_371 = vector.broadcast %slice3A_370 : vector<256x1xf32> to vector<256x128xf32>
    %add3A_372 = arith.addf %get3A_3, %add3A_371 : vector<256x128xf32>
    %reduce_max3A_373 = arith.constant dense<0xFF800000> : vector<128xf32>
    %reduce_max3A_374 = vector.multi_reduction <maximumf>, %add3A_372, %reduce_max3A_373 [0] : vector<256x128xf32> to vector<128xf32>
    %broadcast_in_dim3A_375 = vector.shape_cast %reduce_max3A_374 : vector<128xf32> to vector<1x128xf32>
    %slice3A_376 = vector.extract_strided_slice %select_n3A {offsets = [0, 125], sizes = [256, 1], strides = [1, 1]} : vector<256x256xf32> to vector<256x1xf32>
    %add3A_377 = vector.broadcast %slice3A_376 : vector<256x1xf32> to vector<256x128xf32>
    %add3A_378 = arith.addf %get3A_3, %add3A_377 : vector<256x128xf32>
    %reduce_max3A_379 = arith.constant dense<0xFF800000> : vector<128xf32>
    %reduce_max3A_380 = vector.multi_reduction <maximumf>, %add3A_378, %reduce_max3A_379 [0] : vector<256x128xf32> to vector<128xf32>
    %broadcast_in_dim3A_381 = vector.shape_cast %reduce_max3A_380 : vector<128xf32> to vector<1x128xf32>
    %slice3A_382 = vector.extract_strided_slice %select_n3A {offsets = [0, 126], sizes = [256, 1], strides = [1, 1]} : vector<256x256xf32> to vector<256x1xf32>
    %add3A_383 = vector.broadcast %slice3A_382 : vector<256x1xf32> to vector<256x128xf32>
    %add3A_384 = arith.addf %get3A_3, %add3A_383 : vector<256x128xf32>
    %reduce_max3A_385 = arith.constant dense<0xFF800000> : vector<128xf32>
    %reduce_max3A_386 = vector.multi_reduction <maximumf>, %add3A_384, %reduce_max3A_385 [0] : vector<256x128xf32> to vector<128xf32>
    %broadcast_in_dim3A_387 = vector.shape_cast %reduce_max3A_386 : vector<128xf32> to vector<1x128xf32>
    %slice3A_388 = vector.extract_strided_slice %select_n3A {offsets = [0, 127], sizes = [256, 1], strides = [1, 1]} : vector<256x256xf32> to vector<256x1xf32>
    %add3A_389 = vector.broadcast %slice3A_388 : vector<256x1xf32> to vector<256x128xf32>
    %add3A_390 = arith.addf %get3A_3, %add3A_389 : vector<256x128xf32>
    %reduce_max3A_391 = arith.constant dense<0xFF800000> : vector<128xf32>
    %reduce_max3A_392 = vector.multi_reduction <maximumf>, %add3A_390, %reduce_max3A_391 [0] : vector<256x128xf32> to vector<128xf32>
    %broadcast_in_dim3A_393 = vector.shape_cast %reduce_max3A_392 : vector<128xf32> to vector<1x128xf32>
    %slice3A_394 = vector.extract_strided_slice %select_n3A {offsets = [0, 128], sizes = [256, 1], strides = [1, 1]} : vector<256x256xf32> to vector<256x1xf32>
    %add3A_395 = vector.broadcast %slice3A_394 : vector<256x1xf32> to vector<256x128xf32>
    %add3A_396 = arith.addf %get3A_3, %add3A_395 : vector<256x128xf32>
    %reduce_max3A_397 = arith.constant dense<0xFF800000> : vector<128xf32>
    %reduce_max3A_398 = vector.multi_reduction <maximumf>, %add3A_396, %reduce_max3A_397 [0] : vector<256x128xf32> to vector<128xf32>
    %broadcast_in_dim3A_399 = vector.shape_cast %reduce_max3A_398 : vector<128xf32> to vector<1x128xf32>
    %slice3A_400 = vector.extract_strided_slice %select_n3A {offsets = [0, 129], sizes = [256, 1], strides = [1, 1]} : vector<256x256xf32> to vector<256x1xf32>
    %add3A_401 = vector.broadcast %slice3A_400 : vector<256x1xf32> to vector<256x128xf32>
    %add3A_402 = arith.addf %get3A_3, %add3A_401 : vector<256x128xf32>
    %reduce_max3A_403 = arith.constant dense<0xFF800000> : vector<128xf32>
    %reduce_max3A_404 = vector.multi_reduction <maximumf>, %add3A_402, %reduce_max3A_403 [0] : vector<256x128xf32> to vector<128xf32>
    %broadcast_in_dim3A_405 = vector.shape_cast %reduce_max3A_404 : vector<128xf32> to vector<1x128xf32>
    %slice3A_406 = vector.extract_strided_slice %select_n3A {offsets = [0, 130], sizes = [256, 1], strides = [1, 1]} : vector<256x256xf32> to vector<256x1xf32>
    %add3A_407 = vector.broadcast %slice3A_406 : vector<256x1xf32> to vector<256x128xf32>
    %add3A_408 = arith.addf %get3A_3, %add3A_407 : vector<256x128xf32>
    %reduce_max3A_409 = arith.constant dense<0xFF800000> : vector<128xf32>
    %reduce_max3A_410 = vector.multi_reduction <maximumf>, %add3A_408, %reduce_max3A_409 [0] : vector<256x128xf32> to vector<128xf32>
    %broadcast_in_dim3A_411 = vector.shape_cast %reduce_max3A_410 : vector<128xf32> to vector<1x128xf32>
    %slice3A_412 = vector.extract_strided_slice %select_n3A {offsets = [0, 131], sizes = [256, 1], strides = [1, 1]} : vector<256x256xf32> to vector<256x1xf32>
    %add3A_413 = vector.broadcast %slice3A_412 : vector<256x1xf32> to vector<256x128xf32>
    %add3A_414 = arith.addf %get3A_3, %add3A_413 : vector<256x128xf32>
    %reduce_max3A_415 = arith.constant dense<0xFF800000> : vector<128xf32>
    %reduce_max3A_416 = vector.multi_reduction <maximumf>, %add3A_414, %reduce_max3A_415 [0] : vector<256x128xf32> to vector<128xf32>
    %broadcast_in_dim3A_417 = vector.shape_cast %reduce_max3A_416 : vector<128xf32> to vector<1x128xf32>
    %slice3A_418 = vector.extract_strided_slice %select_n3A {offsets = [0, 132], sizes = [256, 1], strides = [1, 1]} : vector<256x256xf32> to vector<256x1xf32>
    %add3A_419 = vector.broadcast %slice3A_418 : vector<256x1xf32> to vector<256x128xf32>
    %add3A_420 = arith.addf %get3A_3, %add3A_419 : vector<256x128xf32>
    %reduce_max3A_421 = arith.constant dense<0xFF800000> : vector<128xf32>
    %reduce_max3A_422 = vector.multi_reduction <maximumf>, %add3A_420, %reduce_max3A_421 [0] : vector<256x128xf32> to vector<128xf32>
    %broadcast_in_dim3A_423 = vector.shape_cast %reduce_max3A_422 : vector<128xf32> to vector<1x128xf32>
    %slice3A_424 = vector.extract_strided_slice %select_n3A {offsets = [0, 133], sizes = [256, 1], strides = [1, 1]} : vector<256x256xf32> to vector<256x1xf32>
    %add3A_425 = vector.broadcast %slice3A_424 : vector<256x1xf32> to vector<256x128xf32>
    %add3A_426 = arith.addf %get3A_3, %add3A_425 : vector<256x128xf32>
    %reduce_max3A_427 = arith.constant dense<0xFF800000> : vector<128xf32>
    %reduce_max3A_428 = vector.multi_reduction <maximumf>, %add3A_426, %reduce_max3A_427 [0] : vector<256x128xf32> to vector<128xf32>
    %broadcast_in_dim3A_429 = vector.shape_cast %reduce_max3A_428 : vector<128xf32> to vector<1x128xf32>
    %slice3A_430 = vector.extract_strided_slice %select_n3A {offsets = [0, 134], sizes = [256, 1], strides = [1, 1]} : vector<256x256xf32> to vector<256x1xf32>
    %add3A_431 = vector.broadcast %slice3A_430 : vector<256x1xf32> to vector<256x128xf32>
    %add3A_432 = arith.addf %get3A_3, %add3A_431 : vector<256x128xf32>
    %reduce_max3A_433 = arith.constant dense<0xFF800000> : vector<128xf32>
    %reduce_max3A_434 = vector.multi_reduction <maximumf>, %add3A_432, %reduce_max3A_433 [0] : vector<256x128xf32> to vector<128xf32>
    %broadcast_in_dim3A_435 = vector.shape_cast %reduce_max3A_434 : vector<128xf32> to vector<1x128xf32>
    %slice3A_436 = vector.extract_strided_slice %select_n3A {offsets = [0, 135], sizes = [256, 1], strides = [1, 1]} : vector<256x256xf32> to vector<256x1xf32>
    %add3A_437 = vector.broadcast %slice3A_436 : vector<256x1xf32> to vector<256x128xf32>
    %add3A_438 = arith.addf %get3A_3, %add3A_437 : vector<256x128xf32>
    %reduce_max3A_439 = arith.constant dense<0xFF800000> : vector<128xf32>
    %reduce_max3A_440 = vector.multi_reduction <maximumf>, %add3A_438, %reduce_max3A_439 [0] : vector<256x128xf32> to vector<128xf32>
    %broadcast_in_dim3A_441 = vector.shape_cast %reduce_max3A_440 : vector<128xf32> to vector<1x128xf32>
    %slice3A_442 = vector.extract_strided_slice %select_n3A {offsets = [0, 136], sizes = [256, 1], strides = [1, 1]} : vector<256x256xf32> to vector<256x1xf32>
    %add3A_443 = vector.broadcast %slice3A_442 : vector<256x1xf32> to vector<256x128xf32>
    %add3A_444 = arith.addf %get3A_3, %add3A_443 : vector<256x128xf32>
    %reduce_max3A_445 = arith.constant dense<0xFF800000> : vector<128xf32>
    %reduce_max3A_446 = vector.multi_reduction <maximumf>, %add3A_444, %reduce_max3A_445 [0] : vector<256x128xf32> to vector<128xf32>
    %broadcast_in_dim3A_447 = vector.shape_cast %reduce_max3A_446 : vector<128xf32> to vector<1x128xf32>
    %slice3A_448 = vector.extract_strided_slice %select_n3A {offsets = [0, 137], sizes = [256, 1], strides = [1, 1]} : vector<256x256xf32> to vector<256x1xf32>
    %add3A_449 = vector.broadcast %slice3A_448 : vector<256x1xf32> to vector<256x128xf32>
    %add3A_450 = arith.addf %get3A_3, %add3A_449 : vector<256x128xf32>
    %reduce_max3A_451 = arith.constant dense<0xFF800000> : vector<128xf32>
    %reduce_max3A_452 = vector.multi_reduction <maximumf>, %add3A_450, %reduce_max3A_451 [0] : vector<256x128xf32> to vector<128xf32>
    %broadcast_in_dim3A_453 = vector.shape_cast %reduce_max3A_452 : vector<128xf32> to vector<1x128xf32>
    %slice3A_454 = vector.extract_strided_slice %select_n3A {offsets = [0, 138], sizes = [256, 1], strides = [1, 1]} : vector<256x256xf32> to vector<256x1xf32>
    %add3A_455 = vector.broadcast %slice3A_454 : vector<256x1xf32> to vector<256x128xf32>
    %add3A_456 = arith.addf %get3A_3, %add3A_455 : vector<256x128xf32>
    %reduce_max3A_457 = arith.constant dense<0xFF800000> : vector<128xf32>
    %reduce_max3A_458 = vector.multi_reduction <maximumf>, %add3A_456, %reduce_max3A_457 [0] : vector<256x128xf32> to vector<128xf32>
    %broadcast_in_dim3A_459 = vector.shape_cast %reduce_max3A_458 : vector<128xf32> to vector<1x128xf32>
    %slice3A_460 = vector.extract_strided_slice %select_n3A {offsets = [0, 139], sizes = [256, 1], strides = [1, 1]} : vector<256x256xf32> to vector<256x1xf32>
    %add3A_461 = vector.broadcast %slice3A_460 : vector<256x1xf32> to vector<256x128xf32>
    %add3A_462 = arith.addf %get3A_3, %add3A_461 : vector<256x128xf32>
    %reduce_max3A_463 = arith.constant dense<0xFF800000> : vector<128xf32>
    %reduce_max3A_464 = vector.multi_reduction <maximumf>, %add3A_462, %reduce_max3A_463 [0] : vector<256x128xf32> to vector<128xf32>
    %broadcast_in_dim3A_465 = vector.shape_cast %reduce_max3A_464 : vector<128xf32> to vector<1x128xf32>
    %slice3A_466 = vector.extract_strided_slice %select_n3A {offsets = [0, 140], sizes = [256, 1], strides = [1, 1]} : vector<256x256xf32> to vector<256x1xf32>
    %add3A_467 = vector.broadcast %slice3A_466 : vector<256x1xf32> to vector<256x128xf32>
    %add3A_468 = arith.addf %get3A_3, %add3A_467 : vector<256x128xf32>
    %reduce_max3A_469 = arith.constant dense<0xFF800000> : vector<128xf32>
    %reduce_max3A_470 = vector.multi_reduction <maximumf>, %add3A_468, %reduce_max3A_469 [0] : vector<256x128xf32> to vector<128xf32>
    %broadcast_in_dim3A_471 = vector.shape_cast %reduce_max3A_470 : vector<128xf32> to vector<1x128xf32>
    %slice3A_472 = vector.extract_strided_slice %select_n3A {offsets = [0, 141], sizes = [256, 1], strides = [1, 1]} : vector<256x256xf32> to vector<256x1xf32>
    %add3A_473 = vector.broadcast %slice3A_472 : vector<256x1xf32> to vector<256x128xf32>
    %add3A_474 = arith.addf %get3A_3, %add3A_473 : vector<256x128xf32>
    %reduce_max3A_475 = arith.constant dense<0xFF800000> : vector<128xf32>
    %reduce_max3A_476 = vector.multi_reduction <maximumf>, %add3A_474, %reduce_max3A_475 [0] : vector<256x128xf32> to vector<128xf32>
    %broadcast_in_dim3A_477 = vector.shape_cast %reduce_max3A_476 : vector<128xf32> to vector<1x128xf32>
    %slice3A_478 = vector.extract_strided_slice %select_n3A {offsets = [0, 142], sizes = [256, 1], strides = [1, 1]} : vector<256x256xf32> to vector<256x1xf32>
    %add3A_479 = vector.broadcast %slice3A_478 : vector<256x1xf32> to vector<256x128xf32>
    %add3A_480 = arith.addf %get3A_3, %add3A_479 : vector<256x128xf32>
    %reduce_max3A_481 = arith.constant dense<0xFF800000> : vector<128xf32>
    %reduce_max3A_482 = vector.multi_reduction <maximumf>, %add3A_480, %reduce_max3A_481 [0] : vector<256x128xf32> to vector<128xf32>
    %broadcast_in_dim3A_483 = vector.shape_cast %reduce_max3A_482 : vector<128xf32> to vector<1x128xf32>
    %slice3A_484 = vector.extract_strided_slice %select_n3A {offsets = [0, 143], sizes = [256, 1], strides = [1, 1]} : vector<256x256xf32> to vector<256x1xf32>
    %add3A_485 = vector.broadcast %slice3A_484 : vector<256x1xf32> to vector<256x128xf32>
    %add3A_486 = arith.addf %get3A_3, %add3A_485 : vector<256x128xf32>
    %reduce_max3A_487 = arith.constant dense<0xFF800000> : vector<128xf32>
    %reduce_max3A_488 = vector.multi_reduction <maximumf>, %add3A_486, %reduce_max3A_487 [0] : vector<256x128xf32> to vector<128xf32>
    %broadcast_in_dim3A_489 = vector.shape_cast %reduce_max3A_488 : vector<128xf32> to vector<1x128xf32>
    %slice3A_490 = vector.extract_strided_slice %select_n3A {offsets = [0, 144], sizes = [256, 1], strides = [1, 1]} : vector<256x256xf32> to vector<256x1xf32>
    %add3A_491 = vector.broadcast %slice3A_490 : vector<256x1xf32> to vector<256x128xf32>
    %add3A_492 = arith.addf %get3A_3, %add3A_491 : vector<256x128xf32>
    %reduce_max3A_493 = arith.constant dense<0xFF800000> : vector<128xf32>
    %reduce_max3A_494 = vector.multi_reduction <maximumf>, %add3A_492, %reduce_max3A_493 [0] : vector<256x128xf32> to vector<128xf32>
    %broadcast_in_dim3A_495 = vector.shape_cast %reduce_max3A_494 : vector<128xf32> to vector<1x128xf32>
    %slice3A_496 = vector.extract_strided_slice %select_n3A {offsets = [0, 145], sizes = [256, 1], strides = [1, 1]} : vector<256x256xf32> to vector<256x1xf32>
    %add3A_497 = vector.broadcast %slice3A_496 : vector<256x1xf32> to vector<256x128xf32>
    %add3A_498 = arith.addf %get3A_3, %add3A_497 : vector<256x128xf32>
    %reduce_max3A_499 = arith.constant dense<0xFF800000> : vector<128xf32>
    %reduce_max3A_500 = vector.multi_reduction <maximumf>, %add3A_498, %reduce_max3A_499 [0] : vector<256x128xf32> to vector<128xf32>
    %broadcast_in_dim3A_501 = vector.shape_cast %reduce_max3A_500 : vector<128xf32> to vector<1x128xf32>
    %slice3A_502 = vector.extract_strided_slice %select_n3A {offsets = [0, 146], sizes = [256, 1], strides = [1, 1]} : vector<256x256xf32> to vector<256x1xf32>
    %add3A_503 = vector.broadcast %slice3A_502 : vector<256x1xf32> to vector<256x128xf32>
    %add3A_504 = arith.addf %get3A_3, %add3A_503 : vector<256x128xf32>
    %reduce_max3A_505 = arith.constant dense<0xFF800000> : vector<128xf32>
    %reduce_max3A_506 = vector.multi_reduction <maximumf>, %add3A_504, %reduce_max3A_505 [0] : vector<256x128xf32> to vector<128xf32>
    %broadcast_in_dim3A_507 = vector.shape_cast %reduce_max3A_506 : vector<128xf32> to vector<1x128xf32>
    %slice3A_508 = vector.extract_strided_slice %select_n3A {offsets = [0, 147], sizes = [256, 1], strides = [1, 1]} : vector<256x256xf32> to vector<256x1xf32>
    %add3A_509 = vector.broadcast %slice3A_508 : vector<256x1xf32> to vector<256x128xf32>
    %add3A_510 = arith.addf %get3A_3, %add3A_509 : vector<256x128xf32>
    %reduce_max3A_511 = arith.constant dense<0xFF800000> : vector<128xf32>
    %reduce_max3A_512 = vector.multi_reduction <maximumf>, %add3A_510, %reduce_max3A_511 [0] : vector<256x128xf32> to vector<128xf32>
    %broadcast_in_dim3A_513 = vector.shape_cast %reduce_max3A_512 : vector<128xf32> to vector<1x128xf32>
    %slice3A_514 = vector.extract_strided_slice %select_n3A {offsets = [0, 148], sizes = [256, 1], strides = [1, 1]} : vector<256x256xf32> to vector<256x1xf32>
    %add3A_515 = vector.broadcast %slice3A_514 : vector<256x1xf32> to vector<256x128xf32>
    %add3A_516 = arith.addf %get3A_3, %add3A_515 : vector<256x128xf32>
    %reduce_max3A_517 = arith.constant dense<0xFF800000> : vector<128xf32>
    %reduce_max3A_518 = vector.multi_reduction <maximumf>, %add3A_516, %reduce_max3A_517 [0] : vector<256x128xf32> to vector<128xf32>
    %broadcast_in_dim3A_519 = vector.shape_cast %reduce_max3A_518 : vector<128xf32> to vector<1x128xf32>
    %slice3A_520 = vector.extract_strided_slice %select_n3A {offsets = [0, 149], sizes = [256, 1], strides = [1, 1]} : vector<256x256xf32> to vector<256x1xf32>
    %add3A_521 = vector.broadcast %slice3A_520 : vector<256x1xf32> to vector<256x128xf32>
    %add3A_522 = arith.addf %get3A_3, %add3A_521 : vector<256x128xf32>
    %reduce_max3A_523 = arith.constant dense<0xFF800000> : vector<128xf32>
    %reduce_max3A_524 = vector.multi_reduction <maximumf>, %add3A_522, %reduce_max3A_523 [0] : vector<256x128xf32> to vector<128xf32>
    %broadcast_in_dim3A_525 = vector.shape_cast %reduce_max3A_524 : vector<128xf32> to vector<1x128xf32>
    %slice3A_526 = vector.extract_strided_slice %select_n3A {offsets = [0, 150], sizes = [256, 1], strides = [1, 1]} : vector<256x256xf32> to vector<256x1xf32>
    %add3A_527 = vector.broadcast %slice3A_526 : vector<256x1xf32> to vector<256x128xf32>
    %add3A_528 = arith.addf %get3A_3, %add3A_527 : vector<256x128xf32>
    %reduce_max3A_529 = arith.constant dense<0xFF800000> : vector<128xf32>
    %reduce_max3A_530 = vector.multi_reduction <maximumf>, %add3A_528, %reduce_max3A_529 [0] : vector<256x128xf32> to vector<128xf32>
    %broadcast_in_dim3A_531 = vector.shape_cast %reduce_max3A_530 : vector<128xf32> to vector<1x128xf32>
    %slice3A_532 = vector.extract_strided_slice %select_n3A {offsets = [0, 151], sizes = [256, 1], strides = [1, 1]} : vector<256x256xf32> to vector<256x1xf32>
    %add3A_533 = vector.broadcast %slice3A_532 : vector<256x1xf32> to vector<256x128xf32>
    %add3A_534 = arith.addf %get3A_3, %add3A_533 : vector<256x128xf32>
    %reduce_max3A_535 = arith.constant dense<0xFF800000> : vector<128xf32>
    %reduce_max3A_536 = vector.multi_reduction <maximumf>, %add3A_534, %reduce_max3A_535 [0] : vector<256x128xf32> to vector<128xf32>
    %broadcast_in_dim3A_537 = vector.shape_cast %reduce_max3A_536 : vector<128xf32> to vector<1x128xf32>
    %slice3A_538 = vector.extract_strided_slice %select_n3A {offsets = [0, 152], sizes = [256, 1], strides = [1, 1]} : vector<256x256xf32> to vector<256x1xf32>
    %add3A_539 = vector.broadcast %slice3A_538 : vector<256x1xf32> to vector<256x128xf32>
    %add3A_540 = arith.addf %get3A_3, %add3A_539 : vector<256x128xf32>
    %reduce_max3A_541 = arith.constant dense<0xFF800000> : vector<128xf32>
    %reduce_max3A_542 = vector.multi_reduction <maximumf>, %add3A_540, %reduce_max3A_541 [0] : vector<256x128xf32> to vector<128xf32>
    %broadcast_in_dim3A_543 = vector.shape_cast %reduce_max3A_542 : vector<128xf32> to vector<1x128xf32>
    %slice3A_544 = vector.extract_strided_slice %select_n3A {offsets = [0, 153], sizes = [256, 1], strides = [1, 1]} : vector<256x256xf32> to vector<256x1xf32>
    %add3A_545 = vector.broadcast %slice3A_544 : vector<256x1xf32> to vector<256x128xf32>
    %add3A_546 = arith.addf %get3A_3, %add3A_545 : vector<256x128xf32>
    %reduce_max3A_547 = arith.constant dense<0xFF800000> : vector<128xf32>
    %reduce_max3A_548 = vector.multi_reduction <maximumf>, %add3A_546, %reduce_max3A_547 [0] : vector<256x128xf32> to vector<128xf32>
    %broadcast_in_dim3A_549 = vector.shape_cast %reduce_max3A_548 : vector<128xf32> to vector<1x128xf32>
    %slice3A_550 = vector.extract_strided_slice %select_n3A {offsets = [0, 154], sizes = [256, 1], strides = [1, 1]} : vector<256x256xf32> to vector<256x1xf32>
    %add3A_551 = vector.broadcast %slice3A_550 : vector<256x1xf32> to vector<256x128xf32>
    %add3A_552 = arith.addf %get3A_3, %add3A_551 : vector<256x128xf32>
    %reduce_max3A_553 = arith.constant dense<0xFF800000> : vector<128xf32>
    %reduce_max3A_554 = vector.multi_reduction <maximumf>, %add3A_552, %reduce_max3A_553 [0] : vector<256x128xf32> to vector<128xf32>
    %broadcast_in_dim3A_555 = vector.shape_cast %reduce_max3A_554 : vector<128xf32> to vector<1x128xf32>
    %slice3A_556 = vector.extract_strided_slice %select_n3A {offsets = [0, 155], sizes = [256, 1], strides = [1, 1]} : vector<256x256xf32> to vector<256x1xf32>
    %add3A_557 = vector.broadcast %slice3A_556 : vector<256x1xf32> to vector<256x128xf32>
    %add3A_558 = arith.addf %get3A_3, %add3A_557 : vector<256x128xf32>
    %reduce_max3A_559 = arith.constant dense<0xFF800000> : vector<128xf32>
    %reduce_max3A_560 = vector.multi_reduction <maximumf>, %add3A_558, %reduce_max3A_559 [0] : vector<256x128xf32> to vector<128xf32>
    %broadcast_in_dim3A_561 = vector.shape_cast %reduce_max3A_560 : vector<128xf32> to vector<1x128xf32>
    %slice3A_562 = vector.extract_strided_slice %select_n3A {offsets = [0, 156], sizes = [256, 1], strides = [1, 1]} : vector<256x256xf32> to vector<256x1xf32>
    %add3A_563 = vector.broadcast %slice3A_562 : vector<256x1xf32> to vector<256x128xf32>
    %add3A_564 = arith.addf %get3A_3, %add3A_563 : vector<256x128xf32>
    %reduce_max3A_565 = arith.constant dense<0xFF800000> : vector<128xf32>
    %reduce_max3A_566 = vector.multi_reduction <maximumf>, %add3A_564, %reduce_max3A_565 [0] : vector<256x128xf32> to vector<128xf32>
    %broadcast_in_dim3A_567 = vector.shape_cast %reduce_max3A_566 : vector<128xf32> to vector<1x128xf32>
    %slice3A_568 = vector.extract_strided_slice %select_n3A {offsets = [0, 157], sizes = [256, 1], strides = [1, 1]} : vector<256x256xf32> to vector<256x1xf32>
    %add3A_569 = vector.broadcast %slice3A_568 : vector<256x1xf32> to vector<256x128xf32>
    %add3A_570 = arith.addf %get3A_3, %add3A_569 : vector<256x128xf32>
    %reduce_max3A_571 = arith.constant dense<0xFF800000> : vector<128xf32>
    %reduce_max3A_572 = vector.multi_reduction <maximumf>, %add3A_570, %reduce_max3A_571 [0] : vector<256x128xf32> to vector<128xf32>
    %broadcast_in_dim3A_573 = vector.shape_cast %reduce_max3A_572 : vector<128xf32> to vector<1x128xf32>
    %slice3A_574 = vector.extract_strided_slice %select_n3A {offsets = [0, 158], sizes = [256, 1], strides = [1, 1]} : vector<256x256xf32> to vector<256x1xf32>
    %add3A_575 = vector.broadcast %slice3A_574 : vector<256x1xf32> to vector<256x128xf32>
    %add3A_576 = arith.addf %get3A_3, %add3A_575 : vector<256x128xf32>
    %reduce_max3A_577 = arith.constant dense<0xFF800000> : vector<128xf32>
    %reduce_max3A_578 = vector.multi_reduction <maximumf>, %add3A_576, %reduce_max3A_577 [0] : vector<256x128xf32> to vector<128xf32>
    %broadcast_in_dim3A_579 = vector.shape_cast %reduce_max3A_578 : vector<128xf32> to vector<1x128xf32>
    %slice3A_580 = vector.extract_strided_slice %select_n3A {offsets = [0, 159], sizes = [256, 1], strides = [1, 1]} : vector<256x256xf32> to vector<256x1xf32>
    %add3A_581 = vector.broadcast %slice3A_580 : vector<256x1xf32> to vector<256x128xf32>
    %add3A_582 = arith.addf %get3A_3, %add3A_581 : vector<256x128xf32>
    %reduce_max3A_583 = arith.constant dense<0xFF800000> : vector<128xf32>
    %reduce_max3A_584 = vector.multi_reduction <maximumf>, %add3A_582, %reduce_max3A_583 [0] : vector<256x128xf32> to vector<128xf32>
    %broadcast_in_dim3A_585 = vector.shape_cast %reduce_max3A_584 : vector<128xf32> to vector<1x128xf32>
    %slice3A_586 = vector.extract_strided_slice %select_n3A {offsets = [0, 160], sizes = [256, 1], strides = [1, 1]} : vector<256x256xf32> to vector<256x1xf32>
    %add3A_587 = vector.broadcast %slice3A_586 : vector<256x1xf32> to vector<256x128xf32>
    %add3A_588 = arith.addf %get3A_3, %add3A_587 : vector<256x128xf32>
    %reduce_max3A_589 = arith.constant dense<0xFF800000> : vector<128xf32>
    %reduce_max3A_590 = vector.multi_reduction <maximumf>, %add3A_588, %reduce_max3A_589 [0] : vector<256x128xf32> to vector<128xf32>
    %broadcast_in_dim3A_591 = vector.shape_cast %reduce_max3A_590 : vector<128xf32> to vector<1x128xf32>
    %slice3A_592 = vector.extract_strided_slice %select_n3A {offsets = [0, 161], sizes = [256, 1], strides = [1, 1]} : vector<256x256xf32> to vector<256x1xf32>
    %add3A_593 = vector.broadcast %slice3A_592 : vector<256x1xf32> to vector<256x128xf32>
    %add3A_594 = arith.addf %get3A_3, %add3A_593 : vector<256x128xf32>
    %reduce_max3A_595 = arith.constant dense<0xFF800000> : vector<128xf32>
    %reduce_max3A_596 = vector.multi_reduction <maximumf>, %add3A_594, %reduce_max3A_595 [0] : vector<256x128xf32> to vector<128xf32>
    %broadcast_in_dim3A_597 = vector.shape_cast %reduce_max3A_596 : vector<128xf32> to vector<1x128xf32>
    %slice3A_598 = vector.extract_strided_slice %select_n3A {offsets = [0, 162], sizes = [256, 1], strides = [1, 1]} : vector<256x256xf32> to vector<256x1xf32>
    %add3A_599 = vector.broadcast %slice3A_598 : vector<256x1xf32> to vector<256x128xf32>
    %add3A_600 = arith.addf %get3A_3, %add3A_599 : vector<256x128xf32>
    %reduce_max3A_601 = arith.constant dense<0xFF800000> : vector<128xf32>
    %reduce_max3A_602 = vector.multi_reduction <maximumf>, %add3A_600, %reduce_max3A_601 [0] : vector<256x128xf32> to vector<128xf32>
    %broadcast_in_dim3A_603 = vector.shape_cast %reduce_max3A_602 : vector<128xf32> to vector<1x128xf32>
    %slice3A_604 = vector.extract_strided_slice %select_n3A {offsets = [0, 163], sizes = [256, 1], strides = [1, 1]} : vector<256x256xf32> to vector<256x1xf32>
    %add3A_605 = vector.broadcast %slice3A_604 : vector<256x1xf32> to vector<256x128xf32>
    %add3A_606 = arith.addf %get3A_3, %add3A_605 : vector<256x128xf32>
    %reduce_max3A_607 = arith.constant dense<0xFF800000> : vector<128xf32>
    %reduce_max3A_608 = vector.multi_reduction <maximumf>, %add3A_606, %reduce_max3A_607 [0] : vector<256x128xf32> to vector<128xf32>
    %broadcast_in_dim3A_609 = vector.shape_cast %reduce_max3A_608 : vector<128xf32> to vector<1x128xf32>
    %slice3A_610 = vector.extract_strided_slice %select_n3A {offsets = [0, 164], sizes = [256, 1], strides = [1, 1]} : vector<256x256xf32> to vector<256x1xf32>
    %add3A_611 = vector.broadcast %slice3A_610 : vector<256x1xf32> to vector<256x128xf32>
    %add3A_612 = arith.addf %get3A_3, %add3A_611 : vector<256x128xf32>
    %reduce_max3A_613 = arith.constant dense<0xFF800000> : vector<128xf32>
    %reduce_max3A_614 = vector.multi_reduction <maximumf>, %add3A_612, %reduce_max3A_613 [0] : vector<256x128xf32> to vector<128xf32>
    %broadcast_in_dim3A_615 = vector.shape_cast %reduce_max3A_614 : vector<128xf32> to vector<1x128xf32>
    %slice3A_616 = vector.extract_strided_slice %select_n3A {offsets = [0, 165], sizes = [256, 1], strides = [1, 1]} : vector<256x256xf32> to vector<256x1xf32>
    %add3A_617 = vector.broadcast %slice3A_616 : vector<256x1xf32> to vector<256x128xf32>
    %add3A_618 = arith.addf %get3A_3, %add3A_617 : vector<256x128xf32>
    %reduce_max3A_619 = arith.constant dense<0xFF800000> : vector<128xf32>
    %reduce_max3A_620 = vector.multi_reduction <maximumf>, %add3A_618, %reduce_max3A_619 [0] : vector<256x128xf32> to vector<128xf32>
    %broadcast_in_dim3A_621 = vector.shape_cast %reduce_max3A_620 : vector<128xf32> to vector<1x128xf32>
    %slice3A_622 = vector.extract_strided_slice %select_n3A {offsets = [0, 166], sizes = [256, 1], strides = [1, 1]} : vector<256x256xf32> to vector<256x1xf32>
    %add3A_623 = vector.broadcast %slice3A_622 : vector<256x1xf32> to vector<256x128xf32>
    %add3A_624 = arith.addf %get3A_3, %add3A_623 : vector<256x128xf32>
    %reduce_max3A_625 = arith.constant dense<0xFF800000> : vector<128xf32>
    %reduce_max3A_626 = vector.multi_reduction <maximumf>, %add3A_624, %reduce_max3A_625 [0] : vector<256x128xf32> to vector<128xf32>
    %broadcast_in_dim3A_627 = vector.shape_cast %reduce_max3A_626 : vector<128xf32> to vector<1x128xf32>
    %slice3A_628 = vector.extract_strided_slice %select_n3A {offsets = [0, 167], sizes = [256, 1], strides = [1, 1]} : vector<256x256xf32> to vector<256x1xf32>
    %add3A_629 = vector.broadcast %slice3A_628 : vector<256x1xf32> to vector<256x128xf32>
    %add3A_630 = arith.addf %get3A_3, %add3A_629 : vector<256x128xf32>
    %reduce_max3A_631 = arith.constant dense<0xFF800000> : vector<128xf32>
    %reduce_max3A_632 = vector.multi_reduction <maximumf>, %add3A_630, %reduce_max3A_631 [0] : vector<256x128xf32> to vector<128xf32>
    %broadcast_in_dim3A_633 = vector.shape_cast %reduce_max3A_632 : vector<128xf32> to vector<1x128xf32>
    %slice3A_634 = vector.extract_strided_slice %select_n3A {offsets = [0, 168], sizes = [256, 1], strides = [1, 1]} : vector<256x256xf32> to vector<256x1xf32>
    %add3A_635 = vector.broadcast %slice3A_634 : vector<256x1xf32> to vector<256x128xf32>
    %add3A_636 = arith.addf %get3A_3, %add3A_635 : vector<256x128xf32>
    %reduce_max3A_637 = arith.constant dense<0xFF800000> : vector<128xf32>
    %reduce_max3A_638 = vector.multi_reduction <maximumf>, %add3A_636, %reduce_max3A_637 [0] : vector<256x128xf32> to vector<128xf32>
    %broadcast_in_dim3A_639 = vector.shape_cast %reduce_max3A_638 : vector<128xf32> to vector<1x128xf32>
    %slice3A_640 = vector.extract_strided_slice %select_n3A {offsets = [0, 169], sizes = [256, 1], strides = [1, 1]} : vector<256x256xf32> to vector<256x1xf32>
    %add3A_641 = vector.broadcast %slice3A_640 : vector<256x1xf32> to vector<256x128xf32>
    %add3A_642 = arith.addf %get3A_3, %add3A_641 : vector<256x128xf32>
    %reduce_max3A_643 = arith.constant dense<0xFF800000> : vector<128xf32>
    %reduce_max3A_644 = vector.multi_reduction <maximumf>, %add3A_642, %reduce_max3A_643 [0] : vector<256x128xf32> to vector<128xf32>
    %broadcast_in_dim3A_645 = vector.shape_cast %reduce_max3A_644 : vector<128xf32> to vector<1x128xf32>
    %slice3A_646 = vector.extract_strided_slice %select_n3A {offsets = [0, 170], sizes = [256, 1], strides = [1, 1]} : vector<256x256xf32> to vector<256x1xf32>
    %add3A_647 = vector.broadcast %slice3A_646 : vector<256x1xf32> to vector<256x128xf32>
    %add3A_648 = arith.addf %get3A_3, %add3A_647 : vector<256x128xf32>
    %reduce_max3A_649 = arith.constant dense<0xFF800000> : vector<128xf32>
    %reduce_max3A_650 = vector.multi_reduction <maximumf>, %add3A_648, %reduce_max3A_649 [0] : vector<256x128xf32> to vector<128xf32>
    %broadcast_in_dim3A_651 = vector.shape_cast %reduce_max3A_650 : vector<128xf32> to vector<1x128xf32>
    %slice3A_652 = vector.extract_strided_slice %select_n3A {offsets = [0, 171], sizes = [256, 1], strides = [1, 1]} : vector<256x256xf32> to vector<256x1xf32>
    %add3A_653 = vector.broadcast %slice3A_652 : vector<256x1xf32> to vector<256x128xf32>
    %add3A_654 = arith.addf %get3A_3, %add3A_653 : vector<256x128xf32>
    %reduce_max3A_655 = arith.constant dense<0xFF800000> : vector<128xf32>
    %reduce_max3A_656 = vector.multi_reduction <maximumf>, %add3A_654, %reduce_max3A_655 [0] : vector<256x128xf32> to vector<128xf32>
    %broadcast_in_dim3A_657 = vector.shape_cast %reduce_max3A_656 : vector<128xf32> to vector<1x128xf32>
    %slice3A_658 = vector.extract_strided_slice %select_n3A {offsets = [0, 172], sizes = [256, 1], strides = [1, 1]} : vector<256x256xf32> to vector<256x1xf32>
    %add3A_659 = vector.broadcast %slice3A_658 : vector<256x1xf32> to vector<256x128xf32>
    %add3A_660 = arith.addf %get3A_3, %add3A_659 : vector<256x128xf32>
    %reduce_max3A_661 = arith.constant dense<0xFF800000> : vector<128xf32>
    %reduce_max3A_662 = vector.multi_reduction <maximumf>, %add3A_660, %reduce_max3A_661 [0] : vector<256x128xf32> to vector<128xf32>
    %broadcast_in_dim3A_663 = vector.shape_cast %reduce_max3A_662 : vector<128xf32> to vector<1x128xf32>
    %slice3A_664 = vector.extract_strided_slice %select_n3A {offsets = [0, 173], sizes = [256, 1], strides = [1, 1]} : vector<256x256xf32> to vector<256x1xf32>
    %add3A_665 = vector.broadcast %slice3A_664 : vector<256x1xf32> to vector<256x128xf32>
    %add3A_666 = arith.addf %get3A_3, %add3A_665 : vector<256x128xf32>
    %reduce_max3A_667 = arith.constant dense<0xFF800000> : vector<128xf32>
    %reduce_max3A_668 = vector.multi_reduction <maximumf>, %add3A_666, %reduce_max3A_667 [0] : vector<256x128xf32> to vector<128xf32>
    %broadcast_in_dim3A_669 = vector.shape_cast %reduce_max3A_668 : vector<128xf32> to vector<1x128xf32>
    %slice3A_670 = vector.extract_strided_slice %select_n3A {offsets = [0, 174], sizes = [256, 1], strides = [1, 1]} : vector<256x256xf32> to vector<256x1xf32>
    %add3A_671 = vector.broadcast %slice3A_670 : vector<256x1xf32> to vector<256x128xf32>
    %add3A_672 = arith.addf %get3A_3, %add3A_671 : vector<256x128xf32>
    %reduce_max3A_673 = arith.constant dense<0xFF800000> : vector<128xf32>
    %reduce_max3A_674 = vector.multi_reduction <maximumf>, %add3A_672, %reduce_max3A_673 [0] : vector<256x128xf32> to vector<128xf32>
    %broadcast_in_dim3A_675 = vector.shape_cast %reduce_max3A_674 : vector<128xf32> to vector<1x128xf32>
    %slice3A_676 = vector.extract_strided_slice %select_n3A {offsets = [0, 175], sizes = [256, 1], strides = [1, 1]} : vector<256x256xf32> to vector<256x1xf32>
    %add3A_677 = vector.broadcast %slice3A_676 : vector<256x1xf32> to vector<256x128xf32>
    %add3A_678 = arith.addf %get3A_3, %add3A_677 : vector<256x128xf32>
    %reduce_max3A_679 = arith.constant dense<0xFF800000> : vector<128xf32>
    %reduce_max3A_680 = vector.multi_reduction <maximumf>, %add3A_678, %reduce_max3A_679 [0] : vector<256x128xf32> to vector<128xf32>
    %broadcast_in_dim3A_681 = vector.shape_cast %reduce_max3A_680 : vector<128xf32> to vector<1x128xf32>
    %slice3A_682 = vector.extract_strided_slice %select_n3A {offsets = [0, 176], sizes = [256, 1], strides = [1, 1]} : vector<256x256xf32> to vector<256x1xf32>
    %add3A_683 = vector.broadcast %slice3A_682 : vector<256x1xf32> to vector<256x128xf32>
    %add3A_684 = arith.addf %get3A_3, %add3A_683 : vector<256x128xf32>
    %reduce_max3A_685 = arith.constant dense<0xFF800000> : vector<128xf32>
    %reduce_max3A_686 = vector.multi_reduction <maximumf>, %add3A_684, %reduce_max3A_685 [0] : vector<256x128xf32> to vector<128xf32>
    %broadcast_in_dim3A_687 = vector.shape_cast %reduce_max3A_686 : vector<128xf32> to vector<1x128xf32>
    %slice3A_688 = vector.extract_strided_slice %select_n3A {offsets = [0, 177], sizes = [256, 1], strides = [1, 1]} : vector<256x256xf32> to vector<256x1xf32>
    %add3A_689 = vector.broadcast %slice3A_688 : vector<256x1xf32> to vector<256x128xf32>
    %add3A_690 = arith.addf %get3A_3, %add3A_689 : vector<256x128xf32>
    %reduce_max3A_691 = arith.constant dense<0xFF800000> : vector<128xf32>
    %reduce_max3A_692 = vector.multi_reduction <maximumf>, %add3A_690, %reduce_max3A_691 [0] : vector<256x128xf32> to vector<128xf32>
    %broadcast_in_dim3A_693 = vector.shape_cast %reduce_max3A_692 : vector<128xf32> to vector<1x128xf32>
    %slice3A_694 = vector.extract_strided_slice %select_n3A {offsets = [0, 178], sizes = [256, 1], strides = [1, 1]} : vector<256x256xf32> to vector<256x1xf32>
    %add3A_695 = vector.broadcast %slice3A_694 : vector<256x1xf32> to vector<256x128xf32>
    %add3A_696 = arith.addf %get3A_3, %add3A_695 : vector<256x128xf32>
    %reduce_max3A_697 = arith.constant dense<0xFF800000> : vector<128xf32>
    %reduce_max3A_698 = vector.multi_reduction <maximumf>, %add3A_696, %reduce_max3A_697 [0] : vector<256x128xf32> to vector<128xf32>
    %broadcast_in_dim3A_699 = vector.shape_cast %reduce_max3A_698 : vector<128xf32> to vector<1x128xf32>
    %slice3A_700 = vector.extract_strided_slice %select_n3A {offsets = [0, 179], sizes = [256, 1], strides = [1, 1]} : vector<256x256xf32> to vector<256x1xf32>
    %add3A_701 = vector.broadcast %slice3A_700 : vector<256x1xf32> to vector<256x128xf32>
    %add3A_702 = arith.addf %get3A_3, %add3A_701 : vector<256x128xf32>
    %reduce_max3A_703 = arith.constant dense<0xFF800000> : vector<128xf32>
    %reduce_max3A_704 = vector.multi_reduction <maximumf>, %add3A_702, %reduce_max3A_703 [0] : vector<256x128xf32> to vector<128xf32>
    %broadcast_in_dim3A_705 = vector.shape_cast %reduce_max3A_704 : vector<128xf32> to vector<1x128xf32>
    %slice3A_706 = vector.extract_strided_slice %select_n3A {offsets = [0, 180], sizes = [256, 1], strides = [1, 1]} : vector<256x256xf32> to vector<256x1xf32>
    %add3A_707 = vector.broadcast %slice3A_706 : vector<256x1xf32> to vector<256x128xf32>
    %add3A_708 = arith.addf %get3A_3, %add3A_707 : vector<256x128xf32>
    %reduce_max3A_709 = arith.constant dense<0xFF800000> : vector<128xf32>
    %reduce_max3A_710 = vector.multi_reduction <maximumf>, %add3A_708, %reduce_max3A_709 [0] : vector<256x128xf32> to vector<128xf32>
    %broadcast_in_dim3A_711 = vector.shape_cast %reduce_max3A_710 : vector<128xf32> to vector<1x128xf32>
    %slice3A_712 = vector.extract_strided_slice %select_n3A {offsets = [0, 181], sizes = [256, 1], strides = [1, 1]} : vector<256x256xf32> to vector<256x1xf32>
    %add3A_713 = vector.broadcast %slice3A_712 : vector<256x1xf32> to vector<256x128xf32>
    %add3A_714 = arith.addf %get3A_3, %add3A_713 : vector<256x128xf32>
    %reduce_max3A_715 = arith.constant dense<0xFF800000> : vector<128xf32>
    %reduce_max3A_716 = vector.multi_reduction <maximumf>, %add3A_714, %reduce_max3A_715 [0] : vector<256x128xf32> to vector<128xf32>
    %broadcast_in_dim3A_717 = vector.shape_cast %reduce_max3A_716 : vector<128xf32> to vector<1x128xf32>
    %slice3A_718 = vector.extract_strided_slice %select_n3A {offsets = [0, 182], sizes = [256, 1], strides = [1, 1]} : vector<256x256xf32> to vector<256x1xf32>
    %add3A_719 = vector.broadcast %slice3A_718 : vector<256x1xf32> to vector<256x128xf32>
    %add3A_720 = arith.addf %get3A_3, %add3A_719 : vector<256x128xf32>
    %reduce_max3A_721 = arith.constant dense<0xFF800000> : vector<128xf32>
    %reduce_max3A_722 = vector.multi_reduction <maximumf>, %add3A_720, %reduce_max3A_721 [0] : vector<256x128xf32> to vector<128xf32>
    %broadcast_in_dim3A_723 = vector.shape_cast %reduce_max3A_722 : vector<128xf32> to vector<1x128xf32>
    %slice3A_724 = vector.extract_strided_slice %select_n3A {offsets = [0, 183], sizes = [256, 1], strides = [1, 1]} : vector<256x256xf32> to vector<256x1xf32>
    %add3A_725 = vector.broadcast %slice3A_724 : vector<256x1xf32> to vector<256x128xf32>
    %add3A_726 = arith.addf %get3A_3, %add3A_725 : vector<256x128xf32>
    %reduce_max3A_727 = arith.constant dense<0xFF800000> : vector<128xf32>
    %reduce_max3A_728 = vector.multi_reduction <maximumf>, %add3A_726, %reduce_max3A_727 [0] : vector<256x128xf32> to vector<128xf32>
    %broadcast_in_dim3A_729 = vector.shape_cast %reduce_max3A_728 : vector<128xf32> to vector<1x128xf32>
    %slice3A_730 = vector.extract_strided_slice %select_n3A {offsets = [0, 184], sizes = [256, 1], strides = [1, 1]} : vector<256x256xf32> to vector<256x1xf32>
    %add3A_731 = vector.broadcast %slice3A_730 : vector<256x1xf32> to vector<256x128xf32>
    %add3A_732 = arith.addf %get3A_3, %add3A_731 : vector<256x128xf32>
    %reduce_max3A_733 = arith.constant dense<0xFF800000> : vector<128xf32>
    %reduce_max3A_734 = vector.multi_reduction <maximumf>, %add3A_732, %reduce_max3A_733 [0] : vector<256x128xf32> to vector<128xf32>
    %broadcast_in_dim3A_735 = vector.shape_cast %reduce_max3A_734 : vector<128xf32> to vector<1x128xf32>
    %slice3A_736 = vector.extract_strided_slice %select_n3A {offsets = [0, 185], sizes = [256, 1], strides = [1, 1]} : vector<256x256xf32> to vector<256x1xf32>
    %add3A_737 = vector.broadcast %slice3A_736 : vector<256x1xf32> to vector<256x128xf32>
    %add3A_738 = arith.addf %get3A_3, %add3A_737 : vector<256x128xf32>
    %reduce_max3A_739 = arith.constant dense<0xFF800000> : vector<128xf32>
    %reduce_max3A_740 = vector.multi_reduction <maximumf>, %add3A_738, %reduce_max3A_739 [0] : vector<256x128xf32> to vector<128xf32>
    %broadcast_in_dim3A_741 = vector.shape_cast %reduce_max3A_740 : vector<128xf32> to vector<1x128xf32>
    %slice3A_742 = vector.extract_strided_slice %select_n3A {offsets = [0, 186], sizes = [256, 1], strides = [1, 1]} : vector<256x256xf32> to vector<256x1xf32>
    %add3A_743 = vector.broadcast %slice3A_742 : vector<256x1xf32> to vector<256x128xf32>
    %add3A_744 = arith.addf %get3A_3, %add3A_743 : vector<256x128xf32>
    %reduce_max3A_745 = arith.constant dense<0xFF800000> : vector<128xf32>
    %reduce_max3A_746 = vector.multi_reduction <maximumf>, %add3A_744, %reduce_max3A_745 [0] : vector<256x128xf32> to vector<128xf32>
    %broadcast_in_dim3A_747 = vector.shape_cast %reduce_max3A_746 : vector<128xf32> to vector<1x128xf32>
    %slice3A_748 = vector.extract_strided_slice %select_n3A {offsets = [0, 187], sizes = [256, 1], strides = [1, 1]} : vector<256x256xf32> to vector<256x1xf32>
    %add3A_749 = vector.broadcast %slice3A_748 : vector<256x1xf32> to vector<256x128xf32>
    %add3A_750 = arith.addf %get3A_3, %add3A_749 : vector<256x128xf32>
    %reduce_max3A_751 = arith.constant dense<0xFF800000> : vector<128xf32>
    %reduce_max3A_752 = vector.multi_reduction <maximumf>, %add3A_750, %reduce_max3A_751 [0] : vector<256x128xf32> to vector<128xf32>
    %broadcast_in_dim3A_753 = vector.shape_cast %reduce_max3A_752 : vector<128xf32> to vector<1x128xf32>
    %slice3A_754 = vector.extract_strided_slice %select_n3A {offsets = [0, 188], sizes = [256, 1], strides = [1, 1]} : vector<256x256xf32> to vector<256x1xf32>
    %add3A_755 = vector.broadcast %slice3A_754 : vector<256x1xf32> to vector<256x128xf32>
    %add3A_756 = arith.addf %get3A_3, %add3A_755 : vector<256x128xf32>
    %reduce_max3A_757 = arith.constant dense<0xFF800000> : vector<128xf32>
    %reduce_max3A_758 = vector.multi_reduction <maximumf>, %add3A_756, %reduce_max3A_757 [0] : vector<256x128xf32> to vector<128xf32>
    %broadcast_in_dim3A_759 = vector.shape_cast %reduce_max3A_758 : vector<128xf32> to vector<1x128xf32>
    %slice3A_760 = vector.extract_strided_slice %select_n3A {offsets = [0, 189], sizes = [256, 1], strides = [1, 1]} : vector<256x256xf32> to vector<256x1xf32>
    %add3A_761 = vector.broadcast %slice3A_760 : vector<256x1xf32> to vector<256x128xf32>
    %add3A_762 = arith.addf %get3A_3, %add3A_761 : vector<256x128xf32>
    %reduce_max3A_763 = arith.constant dense<0xFF800000> : vector<128xf32>
    %reduce_max3A_764 = vector.multi_reduction <maximumf>, %add3A_762, %reduce_max3A_763 [0] : vector<256x128xf32> to vector<128xf32>
    %broadcast_in_dim3A_765 = vector.shape_cast %reduce_max3A_764 : vector<128xf32> to vector<1x128xf32>
    %slice3A_766 = vector.extract_strided_slice %select_n3A {offsets = [0, 190], sizes = [256, 1], strides = [1, 1]} : vector<256x256xf32> to vector<256x1xf32>
    %add3A_767 = vector.broadcast %slice3A_766 : vector<256x1xf32> to vector<256x128xf32>
    %add3A_768 = arith.addf %get3A_3, %add3A_767 : vector<256x128xf32>
    %reduce_max3A_769 = arith.constant dense<0xFF800000> : vector<128xf32>
    %reduce_max3A_770 = vector.multi_reduction <maximumf>, %add3A_768, %reduce_max3A_769 [0] : vector<256x128xf32> to vector<128xf32>
    %broadcast_in_dim3A_771 = vector.shape_cast %reduce_max3A_770 : vector<128xf32> to vector<1x128xf32>
    %slice3A_772 = vector.extract_strided_slice %select_n3A {offsets = [0, 191], sizes = [256, 1], strides = [1, 1]} : vector<256x256xf32> to vector<256x1xf32>
    %add3A_773 = vector.broadcast %slice3A_772 : vector<256x1xf32> to vector<256x128xf32>
    %add3A_774 = arith.addf %get3A_3, %add3A_773 : vector<256x128xf32>
    %reduce_max3A_775 = arith.constant dense<0xFF800000> : vector<128xf32>
    %reduce_max3A_776 = vector.multi_reduction <maximumf>, %add3A_774, %reduce_max3A_775 [0] : vector<256x128xf32> to vector<128xf32>
    %broadcast_in_dim3A_777 = vector.shape_cast %reduce_max3A_776 : vector<128xf32> to vector<1x128xf32>
    %slice3A_778 = vector.extract_strided_slice %select_n3A {offsets = [0, 192], sizes = [256, 1], strides = [1, 1]} : vector<256x256xf32> to vector<256x1xf32>
    %add3A_779 = vector.broadcast %slice3A_778 : vector<256x1xf32> to vector<256x128xf32>
    %add3A_780 = arith.addf %get3A_3, %add3A_779 : vector<256x128xf32>
    %reduce_max3A_781 = arith.constant dense<0xFF800000> : vector<128xf32>
    %reduce_max3A_782 = vector.multi_reduction <maximumf>, %add3A_780, %reduce_max3A_781 [0] : vector<256x128xf32> to vector<128xf32>
    %broadcast_in_dim3A_783 = vector.shape_cast %reduce_max3A_782 : vector<128xf32> to vector<1x128xf32>
    %slice3A_784 = vector.extract_strided_slice %select_n3A {offsets = [0, 193], sizes = [256, 1], strides = [1, 1]} : vector<256x256xf32> to vector<256x1xf32>
    %add3A_785 = vector.broadcast %slice3A_784 : vector<256x1xf32> to vector<256x128xf32>
    %add3A_786 = arith.addf %get3A_3, %add3A_785 : vector<256x128xf32>
    %reduce_max3A_787 = arith.constant dense<0xFF800000> : vector<128xf32>
    %reduce_max3A_788 = vector.multi_reduction <maximumf>, %add3A_786, %reduce_max3A_787 [0] : vector<256x128xf32> to vector<128xf32>
    %broadcast_in_dim3A_789 = vector.shape_cast %reduce_max3A_788 : vector<128xf32> to vector<1x128xf32>
    %slice3A_790 = vector.extract_strided_slice %select_n3A {offsets = [0, 194], sizes = [256, 1], strides = [1, 1]} : vector<256x256xf32> to vector<256x1xf32>
    %add3A_791 = vector.broadcast %slice3A_790 : vector<256x1xf32> to vector<256x128xf32>
    %add3A_792 = arith.addf %get3A_3, %add3A_791 : vector<256x128xf32>
    %reduce_max3A_793 = arith.constant dense<0xFF800000> : vector<128xf32>
    %reduce_max3A_794 = vector.multi_reduction <maximumf>, %add3A_792, %reduce_max3A_793 [0] : vector<256x128xf32> to vector<128xf32>
    %broadcast_in_dim3A_795 = vector.shape_cast %reduce_max3A_794 : vector<128xf32> to vector<1x128xf32>
    %slice3A_796 = vector.extract_strided_slice %select_n3A {offsets = [0, 195], sizes = [256, 1], strides = [1, 1]} : vector<256x256xf32> to vector<256x1xf32>
    %add3A_797 = vector.broadcast %slice3A_796 : vector<256x1xf32> to vector<256x128xf32>
    %add3A_798 = arith.addf %get3A_3, %add3A_797 : vector<256x128xf32>
    %reduce_max3A_799 = arith.constant dense<0xFF800000> : vector<128xf32>
    %reduce_max3A_800 = vector.multi_reduction <maximumf>, %add3A_798, %reduce_max3A_799 [0] : vector<256x128xf32> to vector<128xf32>
    %broadcast_in_dim3A_801 = vector.shape_cast %reduce_max3A_800 : vector<128xf32> to vector<1x128xf32>
    %slice3A_802 = vector.extract_strided_slice %select_n3A {offsets = [0, 196], sizes = [256, 1], strides = [1, 1]} : vector<256x256xf32> to vector<256x1xf32>
    %add3A_803 = vector.broadcast %slice3A_802 : vector<256x1xf32> to vector<256x128xf32>
    %add3A_804 = arith.addf %get3A_3, %add3A_803 : vector<256x128xf32>
    %reduce_max3A_805 = arith.constant dense<0xFF800000> : vector<128xf32>
    %reduce_max3A_806 = vector.multi_reduction <maximumf>, %add3A_804, %reduce_max3A_805 [0] : vector<256x128xf32> to vector<128xf32>
    %broadcast_in_dim3A_807 = vector.shape_cast %reduce_max3A_806 : vector<128xf32> to vector<1x128xf32>
    %slice3A_808 = vector.extract_strided_slice %select_n3A {offsets = [0, 197], sizes = [256, 1], strides = [1, 1]} : vector<256x256xf32> to vector<256x1xf32>
    %add3A_809 = vector.broadcast %slice3A_808 : vector<256x1xf32> to vector<256x128xf32>
    %add3A_810 = arith.addf %get3A_3, %add3A_809 : vector<256x128xf32>
    %reduce_max3A_811 = arith.constant dense<0xFF800000> : vector<128xf32>
    %reduce_max3A_812 = vector.multi_reduction <maximumf>, %add3A_810, %reduce_max3A_811 [0] : vector<256x128xf32> to vector<128xf32>
    %broadcast_in_dim3A_813 = vector.shape_cast %reduce_max3A_812 : vector<128xf32> to vector<1x128xf32>
    %slice3A_814 = vector.extract_strided_slice %select_n3A {offsets = [0, 198], sizes = [256, 1], strides = [1, 1]} : vector<256x256xf32> to vector<256x1xf32>
    %add3A_815 = vector.broadcast %slice3A_814 : vector<256x1xf32> to vector<256x128xf32>
    %add3A_816 = arith.addf %get3A_3, %add3A_815 : vector<256x128xf32>
    %reduce_max3A_817 = arith.constant dense<0xFF800000> : vector<128xf32>
    %reduce_max3A_818 = vector.multi_reduction <maximumf>, %add3A_816, %reduce_max3A_817 [0] : vector<256x128xf32> to vector<128xf32>
    %broadcast_in_dim3A_819 = vector.shape_cast %reduce_max3A_818 : vector<128xf32> to vector<1x128xf32>
    %slice3A_820 = vector.extract_strided_slice %select_n3A {offsets = [0, 199], sizes = [256, 1], strides = [1, 1]} : vector<256x256xf32> to vector<256x1xf32>
    %add3A_821 = vector.broadcast %slice3A_820 : vector<256x1xf32> to vector<256x128xf32>
    %add3A_822 = arith.addf %get3A_3, %add3A_821 : vector<256x128xf32>
    %reduce_max3A_823 = arith.constant dense<0xFF800000> : vector<128xf32>
    %reduce_max3A_824 = vector.multi_reduction <maximumf>, %add3A_822, %reduce_max3A_823 [0] : vector<256x128xf32> to vector<128xf32>
    %broadcast_in_dim3A_825 = vector.shape_cast %reduce_max3A_824 : vector<128xf32> to vector<1x128xf32>
    %slice3A_826 = vector.extract_strided_slice %select_n3A {offsets = [0, 200], sizes = [256, 1], strides = [1, 1]} : vector<256x256xf32> to vector<256x1xf32>
    %add3A_827 = vector.broadcast %slice3A_826 : vector<256x1xf32> to vector<256x128xf32>
    %add3A_828 = arith.addf %get3A_3, %add3A_827 : vector<256x128xf32>
    %reduce_max3A_829 = arith.constant dense<0xFF800000> : vector<128xf32>
    %reduce_max3A_830 = vector.multi_reduction <maximumf>, %add3A_828, %reduce_max3A_829 [0] : vector<256x128xf32> to vector<128xf32>
    %broadcast_in_dim3A_831 = vector.shape_cast %reduce_max3A_830 : vector<128xf32> to vector<1x128xf32>
    %slice3A_832 = vector.extract_strided_slice %select_n3A {offsets = [0, 201], sizes = [256, 1], strides = [1, 1]} : vector<256x256xf32> to vector<256x1xf32>
    %add3A_833 = vector.broadcast %slice3A_832 : vector<256x1xf32> to vector<256x128xf32>
    %add3A_834 = arith.addf %get3A_3, %add3A_833 : vector<256x128xf32>
    %reduce_max3A_835 = arith.constant dense<0xFF800000> : vector<128xf32>
    %reduce_max3A_836 = vector.multi_reduction <maximumf>, %add3A_834, %reduce_max3A_835 [0] : vector<256x128xf32> to vector<128xf32>
    %broadcast_in_dim3A_837 = vector.shape_cast %reduce_max3A_836 : vector<128xf32> to vector<1x128xf32>
    %slice3A_838 = vector.extract_strided_slice %select_n3A {offsets = [0, 202], sizes = [256, 1], strides = [1, 1]} : vector<256x256xf32> to vector<256x1xf32>
    %add3A_839 = vector.broadcast %slice3A_838 : vector<256x1xf32> to vector<256x128xf32>
    %add3A_840 = arith.addf %get3A_3, %add3A_839 : vector<256x128xf32>
    %reduce_max3A_841 = arith.constant dense<0xFF800000> : vector<128xf32>
    %reduce_max3A_842 = vector.multi_reduction <maximumf>, %add3A_840, %reduce_max3A_841 [0] : vector<256x128xf32> to vector<128xf32>
    %broadcast_in_dim3A_843 = vector.shape_cast %reduce_max3A_842 : vector<128xf32> to vector<1x128xf32>
    %slice3A_844 = vector.extract_strided_slice %select_n3A {offsets = [0, 203], sizes = [256, 1], strides = [1, 1]} : vector<256x256xf32> to vector<256x1xf32>
    %add3A_845 = vector.broadcast %slice3A_844 : vector<256x1xf32> to vector<256x128xf32>
    %add3A_846 = arith.addf %get3A_3, %add3A_845 : vector<256x128xf32>
    %reduce_max3A_847 = arith.constant dense<0xFF800000> : vector<128xf32>
    %reduce_max3A_848 = vector.multi_reduction <maximumf>, %add3A_846, %reduce_max3A_847 [0] : vector<256x128xf32> to vector<128xf32>
    %broadcast_in_dim3A_849 = vector.shape_cast %reduce_max3A_848 : vector<128xf32> to vector<1x128xf32>
    %slice3A_850 = vector.extract_strided_slice %select_n3A {offsets = [0, 204], sizes = [256, 1], strides = [1, 1]} : vector<256x256xf32> to vector<256x1xf32>
    %add3A_851 = vector.broadcast %slice3A_850 : vector<256x1xf32> to vector<256x128xf32>
    %add3A_852 = arith.addf %get3A_3, %add3A_851 : vector<256x128xf32>
    %reduce_max3A_853 = arith.constant dense<0xFF800000> : vector<128xf32>
    %reduce_max3A_854 = vector.multi_reduction <maximumf>, %add3A_852, %reduce_max3A_853 [0] : vector<256x128xf32> to vector<128xf32>
    %broadcast_in_dim3A_855 = vector.shape_cast %reduce_max3A_854 : vector<128xf32> to vector<1x128xf32>
    %slice3A_856 = vector.extract_strided_slice %select_n3A {offsets = [0, 205], sizes = [256, 1], strides = [1, 1]} : vector<256x256xf32> to vector<256x1xf32>
    %add3A_857 = vector.broadcast %slice3A_856 : vector<256x1xf32> to vector<256x128xf32>
    %add3A_858 = arith.addf %get3A_3, %add3A_857 : vector<256x128xf32>
    %reduce_max3A_859 = arith.constant dense<0xFF800000> : vector<128xf32>
    %reduce_max3A_860 = vector.multi_reduction <maximumf>, %add3A_858, %reduce_max3A_859 [0] : vector<256x128xf32> to vector<128xf32>
    %broadcast_in_dim3A_861 = vector.shape_cast %reduce_max3A_860 : vector<128xf32> to vector<1x128xf32>
    %slice3A_862 = vector.extract_strided_slice %select_n3A {offsets = [0, 206], sizes = [256, 1], strides = [1, 1]} : vector<256x256xf32> to vector<256x1xf32>
    %add3A_863 = vector.broadcast %slice3A_862 : vector<256x1xf32> to vector<256x128xf32>
    %add3A_864 = arith.addf %get3A_3, %add3A_863 : vector<256x128xf32>
    %reduce_max3A_865 = arith.constant dense<0xFF800000> : vector<128xf32>
    %reduce_max3A_866 = vector.multi_reduction <maximumf>, %add3A_864, %reduce_max3A_865 [0] : vector<256x128xf32> to vector<128xf32>
    %broadcast_in_dim3A_867 = vector.shape_cast %reduce_max3A_866 : vector<128xf32> to vector<1x128xf32>
    %slice3A_868 = vector.extract_strided_slice %select_n3A {offsets = [0, 207], sizes = [256, 1], strides = [1, 1]} : vector<256x256xf32> to vector<256x1xf32>
    %add3A_869 = vector.broadcast %slice3A_868 : vector<256x1xf32> to vector<256x128xf32>
    %add3A_870 = arith.addf %get3A_3, %add3A_869 : vector<256x128xf32>
    %reduce_max3A_871 = arith.constant dense<0xFF800000> : vector<128xf32>
    %reduce_max3A_872 = vector.multi_reduction <maximumf>, %add3A_870, %reduce_max3A_871 [0] : vector<256x128xf32> to vector<128xf32>
    %broadcast_in_dim3A_873 = vector.shape_cast %reduce_max3A_872 : vector<128xf32> to vector<1x128xf32>
    %slice3A_874 = vector.extract_strided_slice %select_n3A {offsets = [0, 208], sizes = [256, 1], strides = [1, 1]} : vector<256x256xf32> to vector<256x1xf32>
    %add3A_875 = vector.broadcast %slice3A_874 : vector<256x1xf32> to vector<256x128xf32>
    %add3A_876 = arith.addf %get3A_3, %add3A_875 : vector<256x128xf32>
    %reduce_max3A_877 = arith.constant dense<0xFF800000> : vector<128xf32>
    %reduce_max3A_878 = vector.multi_reduction <maximumf>, %add3A_876, %reduce_max3A_877 [0] : vector<256x128xf32> to vector<128xf32>
    %broadcast_in_dim3A_879 = vector.shape_cast %reduce_max3A_878 : vector<128xf32> to vector<1x128xf32>
    %slice3A_880 = vector.extract_strided_slice %select_n3A {offsets = [0, 209], sizes = [256, 1], strides = [1, 1]} : vector<256x256xf32> to vector<256x1xf32>
    %add3A_881 = vector.broadcast %slice3A_880 : vector<256x1xf32> to vector<256x128xf32>
    %add3A_882 = arith.addf %get3A_3, %add3A_881 : vector<256x128xf32>
    %reduce_max3A_883 = arith.constant dense<0xFF800000> : vector<128xf32>
    %reduce_max3A_884 = vector.multi_reduction <maximumf>, %add3A_882, %reduce_max3A_883 [0] : vector<256x128xf32> to vector<128xf32>
    %broadcast_in_dim3A_885 = vector.shape_cast %reduce_max3A_884 : vector<128xf32> to vector<1x128xf32>
    %slice3A_886 = vector.extract_strided_slice %select_n3A {offsets = [0, 210], sizes = [256, 1], strides = [1, 1]} : vector<256x256xf32> to vector<256x1xf32>
    %add3A_887 = vector.broadcast %slice3A_886 : vector<256x1xf32> to vector<256x128xf32>
    %add3A_888 = arith.addf %get3A_3, %add3A_887 : vector<256x128xf32>
    %reduce_max3A_889 = arith.constant dense<0xFF800000> : vector<128xf32>
    %reduce_max3A_890 = vector.multi_reduction <maximumf>, %add3A_888, %reduce_max3A_889 [0] : vector<256x128xf32> to vector<128xf32>
    %broadcast_in_dim3A_891 = vector.shape_cast %reduce_max3A_890 : vector<128xf32> to vector<1x128xf32>
    %slice3A_892 = vector.extract_strided_slice %select_n3A {offsets = [0, 211], sizes = [256, 1], strides = [1, 1]} : vector<256x256xf32> to vector<256x1xf32>
    %add3A_893 = vector.broadcast %slice3A_892 : vector<256x1xf32> to vector<256x128xf32>
    %add3A_894 = arith.addf %get3A_3, %add3A_893 : vector<256x128xf32>
    %reduce_max3A_895 = arith.constant dense<0xFF800000> : vector<128xf32>
    %reduce_max3A_896 = vector.multi_reduction <maximumf>, %add3A_894, %reduce_max3A_895 [0] : vector<256x128xf32> to vector<128xf32>
    %broadcast_in_dim3A_897 = vector.shape_cast %reduce_max3A_896 : vector<128xf32> to vector<1x128xf32>
    %slice3A_898 = vector.extract_strided_slice %select_n3A {offsets = [0, 212], sizes = [256, 1], strides = [1, 1]} : vector<256x256xf32> to vector<256x1xf32>
    %add3A_899 = vector.broadcast %slice3A_898 : vector<256x1xf32> to vector<256x128xf32>
    %add3A_900 = arith.addf %get3A_3, %add3A_899 : vector<256x128xf32>
    %reduce_max3A_901 = arith.constant dense<0xFF800000> : vector<128xf32>
    %reduce_max3A_902 = vector.multi_reduction <maximumf>, %add3A_900, %reduce_max3A_901 [0] : vector<256x128xf32> to vector<128xf32>
    %broadcast_in_dim3A_903 = vector.shape_cast %reduce_max3A_902 : vector<128xf32> to vector<1x128xf32>
    %slice3A_904 = vector.extract_strided_slice %select_n3A {offsets = [0, 213], sizes = [256, 1], strides = [1, 1]} : vector<256x256xf32> to vector<256x1xf32>
    %add3A_905 = vector.broadcast %slice3A_904 : vector<256x1xf32> to vector<256x128xf32>
    %add3A_906 = arith.addf %get3A_3, %add3A_905 : vector<256x128xf32>
    %reduce_max3A_907 = arith.constant dense<0xFF800000> : vector<128xf32>
    %reduce_max3A_908 = vector.multi_reduction <maximumf>, %add3A_906, %reduce_max3A_907 [0] : vector<256x128xf32> to vector<128xf32>
    %broadcast_in_dim3A_909 = vector.shape_cast %reduce_max3A_908 : vector<128xf32> to vector<1x128xf32>
    %slice3A_910 = vector.extract_strided_slice %select_n3A {offsets = [0, 214], sizes = [256, 1], strides = [1, 1]} : vector<256x256xf32> to vector<256x1xf32>
    %add3A_911 = vector.broadcast %slice3A_910 : vector<256x1xf32> to vector<256x128xf32>
    %add3A_912 = arith.addf %get3A_3, %add3A_911 : vector<256x128xf32>
    %reduce_max3A_913 = arith.constant dense<0xFF800000> : vector<128xf32>
    %reduce_max3A_914 = vector.multi_reduction <maximumf>, %add3A_912, %reduce_max3A_913 [0] : vector<256x128xf32> to vector<128xf32>
    %broadcast_in_dim3A_915 = vector.shape_cast %reduce_max3A_914 : vector<128xf32> to vector<1x128xf32>
    %slice3A_916 = vector.extract_strided_slice %select_n3A {offsets = [0, 215], sizes = [256, 1], strides = [1, 1]} : vector<256x256xf32> to vector<256x1xf32>
    %add3A_917 = vector.broadcast %slice3A_916 : vector<256x1xf32> to vector<256x128xf32>
    %add3A_918 = arith.addf %get3A_3, %add3A_917 : vector<256x128xf32>
    %reduce_max3A_919 = arith.constant dense<0xFF800000> : vector<128xf32>
    %reduce_max3A_920 = vector.multi_reduction <maximumf>, %add3A_918, %reduce_max3A_919 [0] : vector<256x128xf32> to vector<128xf32>
    %broadcast_in_dim3A_921 = vector.shape_cast %reduce_max3A_920 : vector<128xf32> to vector<1x128xf32>
    %slice3A_922 = vector.extract_strided_slice %select_n3A {offsets = [0, 216], sizes = [256, 1], strides = [1, 1]} : vector<256x256xf32> to vector<256x1xf32>
    %add3A_923 = vector.broadcast %slice3A_922 : vector<256x1xf32> to vector<256x128xf32>
    %add3A_924 = arith.addf %get3A_3, %add3A_923 : vector<256x128xf32>
    %reduce_max3A_925 = arith.constant dense<0xFF800000> : vector<128xf32>
    %reduce_max3A_926 = vector.multi_reduction <maximumf>, %add3A_924, %reduce_max3A_925 [0] : vector<256x128xf32> to vector<128xf32>
    %broadcast_in_dim3A_927 = vector.shape_cast %reduce_max3A_926 : vector<128xf32> to vector<1x128xf32>
    %slice3A_928 = vector.extract_strided_slice %select_n3A {offsets = [0, 217], sizes = [256, 1], strides = [1, 1]} : vector<256x256xf32> to vector<256x1xf32>
    %add3A_929 = vector.broadcast %slice3A_928 : vector<256x1xf32> to vector<256x128xf32>
    %add3A_930 = arith.addf %get3A_3, %add3A_929 : vector<256x128xf32>
    %reduce_max3A_931 = arith.constant dense<0xFF800000> : vector<128xf32>
    %reduce_max3A_932 = vector.multi_reduction <maximumf>, %add3A_930, %reduce_max3A_931 [0] : vector<256x128xf32> to vector<128xf32>
    %broadcast_in_dim3A_933 = vector.shape_cast %reduce_max3A_932 : vector<128xf32> to vector<1x128xf32>
    %slice3A_934 = vector.extract_strided_slice %select_n3A {offsets = [0, 218], sizes = [256, 1], strides = [1, 1]} : vector<256x256xf32> to vector<256x1xf32>
    %add3A_935 = vector.broadcast %slice3A_934 : vector<256x1xf32> to vector<256x128xf32>
    %add3A_936 = arith.addf %get3A_3, %add3A_935 : vector<256x128xf32>
    %reduce_max3A_937 = arith.constant dense<0xFF800000> : vector<128xf32>
    %reduce_max3A_938 = vector.multi_reduction <maximumf>, %add3A_936, %reduce_max3A_937 [0] : vector<256x128xf32> to vector<128xf32>
    %broadcast_in_dim3A_939 = vector.shape_cast %reduce_max3A_938 : vector<128xf32> to vector<1x128xf32>
    %slice3A_940 = vector.extract_strided_slice %select_n3A {offsets = [0, 219], sizes = [256, 1], strides = [1, 1]} : vector<256x256xf32> to vector<256x1xf32>
    %add3A_941 = vector.broadcast %slice3A_940 : vector<256x1xf32> to vector<256x128xf32>
    %add3A_942 = arith.addf %get3A_3, %add3A_941 : vector<256x128xf32>
    %reduce_max3A_943 = arith.constant dense<0xFF800000> : vector<128xf32>
    %reduce_max3A_944 = vector.multi_reduction <maximumf>, %add3A_942, %reduce_max3A_943 [0] : vector<256x128xf32> to vector<128xf32>
    %broadcast_in_dim3A_945 = vector.shape_cast %reduce_max3A_944 : vector<128xf32> to vector<1x128xf32>
    %slice3A_946 = vector.extract_strided_slice %select_n3A {offsets = [0, 220], sizes = [256, 1], strides = [1, 1]} : vector<256x256xf32> to vector<256x1xf32>
    %add3A_947 = vector.broadcast %slice3A_946 : vector<256x1xf32> to vector<256x128xf32>
    %add3A_948 = arith.addf %get3A_3, %add3A_947 : vector<256x128xf32>
    %reduce_max3A_949 = arith.constant dense<0xFF800000> : vector<128xf32>
    %reduce_max3A_950 = vector.multi_reduction <maximumf>, %add3A_948, %reduce_max3A_949 [0] : vector<256x128xf32> to vector<128xf32>
    %broadcast_in_dim3A_951 = vector.shape_cast %reduce_max3A_950 : vector<128xf32> to vector<1x128xf32>
    %slice3A_952 = vector.extract_strided_slice %select_n3A {offsets = [0, 221], sizes = [256, 1], strides = [1, 1]} : vector<256x256xf32> to vector<256x1xf32>
    %add3A_953 = vector.broadcast %slice3A_952 : vector<256x1xf32> to vector<256x128xf32>
    %add3A_954 = arith.addf %get3A_3, %add3A_953 : vector<256x128xf32>
    %reduce_max3A_955 = arith.constant dense<0xFF800000> : vector<128xf32>
    %reduce_max3A_956 = vector.multi_reduction <maximumf>, %add3A_954, %reduce_max3A_955 [0] : vector<256x128xf32> to vector<128xf32>
    %broadcast_in_dim3A_957 = vector.shape_cast %reduce_max3A_956 : vector<128xf32> to vector<1x128xf32>
    %slice3A_958 = vector.extract_strided_slice %select_n3A {offsets = [0, 222], sizes = [256, 1], strides = [1, 1]} : vector<256x256xf32> to vector<256x1xf32>
    %add3A_959 = vector.broadcast %slice3A_958 : vector<256x1xf32> to vector<256x128xf32>
    %add3A_960 = arith.addf %get3A_3, %add3A_959 : vector<256x128xf32>
    %reduce_max3A_961 = arith.constant dense<0xFF800000> : vector<128xf32>
    %reduce_max3A_962 = vector.multi_reduction <maximumf>, %add3A_960, %reduce_max3A_961 [0] : vector<256x128xf32> to vector<128xf32>
    %broadcast_in_dim3A_963 = vector.shape_cast %reduce_max3A_962 : vector<128xf32> to vector<1x128xf32>
    %slice3A_964 = vector.extract_strided_slice %select_n3A {offsets = [0, 223], sizes = [256, 1], strides = [1, 1]} : vector<256x256xf32> to vector<256x1xf32>
    %add3A_965 = vector.broadcast %slice3A_964 : vector<256x1xf32> to vector<256x128xf32>
    %add3A_966 = arith.addf %get3A_3, %add3A_965 : vector<256x128xf32>
    %reduce_max3A_967 = arith.constant dense<0xFF800000> : vector<128xf32>
    %reduce_max3A_968 = vector.multi_reduction <maximumf>, %add3A_966, %reduce_max3A_967 [0] : vector<256x128xf32> to vector<128xf32>
    %broadcast_in_dim3A_969 = vector.shape_cast %reduce_max3A_968 : vector<128xf32> to vector<1x128xf32>
    %slice3A_970 = vector.extract_strided_slice %select_n3A {offsets = [0, 224], sizes = [256, 1], strides = [1, 1]} : vector<256x256xf32> to vector<256x1xf32>
    %add3A_971 = vector.broadcast %slice3A_970 : vector<256x1xf32> to vector<256x128xf32>
    %add3A_972 = arith.addf %get3A_3, %add3A_971 : vector<256x128xf32>
    %reduce_max3A_973 = arith.constant dense<0xFF800000> : vector<128xf32>
    %reduce_max3A_974 = vector.multi_reduction <maximumf>, %add3A_972, %reduce_max3A_973 [0] : vector<256x128xf32> to vector<128xf32>
    %broadcast_in_dim3A_975 = vector.shape_cast %reduce_max3A_974 : vector<128xf32> to vector<1x128xf32>
    %slice3A_976 = vector.extract_strided_slice %select_n3A {offsets = [0, 225], sizes = [256, 1], strides = [1, 1]} : vector<256x256xf32> to vector<256x1xf32>
    %add3A_977 = vector.broadcast %slice3A_976 : vector<256x1xf32> to vector<256x128xf32>
    %add3A_978 = arith.addf %get3A_3, %add3A_977 : vector<256x128xf32>
    %reduce_max3A_979 = arith.constant dense<0xFF800000> : vector<128xf32>
    %reduce_max3A_980 = vector.multi_reduction <maximumf>, %add3A_978, %reduce_max3A_979 [0] : vector<256x128xf32> to vector<128xf32>
    %broadcast_in_dim3A_981 = vector.shape_cast %reduce_max3A_980 : vector<128xf32> to vector<1x128xf32>
    %slice3A_982 = vector.extract_strided_slice %select_n3A {offsets = [0, 226], sizes = [256, 1], strides = [1, 1]} : vector<256x256xf32> to vector<256x1xf32>
    %add3A_983 = vector.broadcast %slice3A_982 : vector<256x1xf32> to vector<256x128xf32>
    %add3A_984 = arith.addf %get3A_3, %add3A_983 : vector<256x128xf32>
    %reduce_max3A_985 = arith.constant dense<0xFF800000> : vector<128xf32>
    %reduce_max3A_986 = vector.multi_reduction <maximumf>, %add3A_984, %reduce_max3A_985 [0] : vector<256x128xf32> to vector<128xf32>
    %broadcast_in_dim3A_987 = vector.shape_cast %reduce_max3A_986 : vector<128xf32> to vector<1x128xf32>
    %slice3A_988 = vector.extract_strided_slice %select_n3A {offsets = [0, 227], sizes = [256, 1], strides = [1, 1]} : vector<256x256xf32> to vector<256x1xf32>
    %add3A_989 = vector.broadcast %slice3A_988 : vector<256x1xf32> to vector<256x128xf32>
    %add3A_990 = arith.addf %get3A_3, %add3A_989 : vector<256x128xf32>
    %reduce_max3A_991 = arith.constant dense<0xFF800000> : vector<128xf32>
    %reduce_max3A_992 = vector.multi_reduction <maximumf>, %add3A_990, %reduce_max3A_991 [0] : vector<256x128xf32> to vector<128xf32>
    %broadcast_in_dim3A_993 = vector.shape_cast %reduce_max3A_992 : vector<128xf32> to vector<1x128xf32>
    %slice3A_994 = vector.extract_strided_slice %select_n3A {offsets = [0, 228], sizes = [256, 1], strides = [1, 1]} : vector<256x256xf32> to vector<256x1xf32>
    %add3A_995 = vector.broadcast %slice3A_994 : vector<256x1xf32> to vector<256x128xf32>
    %add3A_996 = arith.addf %get3A_3, %add3A_995 : vector<256x128xf32>
    %reduce_max3A_997 = arith.constant dense<0xFF800000> : vector<128xf32>
    %reduce_max3A_998 = vector.multi_reduction <maximumf>, %add3A_996, %reduce_max3A_997 [0] : vector<256x128xf32> to vector<128xf32>
    %broadcast_in_dim3A_999 = vector.shape_cast %reduce_max3A_998 : vector<128xf32> to vector<1x128xf32>
    %slice3A_1000 = vector.extract_strided_slice %select_n3A {offsets = [0, 229], sizes = [256, 1], strides = [1, 1]} : vector<256x256xf32> to vector<256x1xf32>
    %add3A_1001 = vector.broadcast %slice3A_1000 : vector<256x1xf32> to vector<256x128xf32>
    %add3A_1002 = arith.addf %get3A_3, %add3A_1001 : vector<256x128xf32>
    %reduce_max3A_1003 = arith.constant dense<0xFF800000> : vector<128xf32>
    %reduce_max3A_1004 = vector.multi_reduction <maximumf>, %add3A_1002, %reduce_max3A_1003 [0] : vector<256x128xf32> to vector<128xf32>
    %broadcast_in_dim3A_1005 = vector.shape_cast %reduce_max3A_1004 : vector<128xf32> to vector<1x128xf32>
    %slice3A_1006 = vector.extract_strided_slice %select_n3A {offsets = [0, 230], sizes = [256, 1], strides = [1, 1]} : vector<256x256xf32> to vector<256x1xf32>
    %add3A_1007 = vector.broadcast %slice3A_1006 : vector<256x1xf32> to vector<256x128xf32>
    %add3A_1008 = arith.addf %get3A_3, %add3A_1007 : vector<256x128xf32>
    %reduce_max3A_1009 = arith.constant dense<0xFF800000> : vector<128xf32>
    %reduce_max3A_1010 = vector.multi_reduction <maximumf>, %add3A_1008, %reduce_max3A_1009 [0] : vector<256x128xf32> to vector<128xf32>
    %broadcast_in_dim3A_1011 = vector.shape_cast %reduce_max3A_1010 : vector<128xf32> to vector<1x128xf32>
    %slice3A_1012 = vector.extract_strided_slice %select_n3A {offsets = [0, 231], sizes = [256, 1], strides = [1, 1]} : vector<256x256xf32> to vector<256x1xf32>
    %add3A_1013 = vector.broadcast %slice3A_1012 : vector<256x1xf32> to vector<256x128xf32>
    %add3A_1014 = arith.addf %get3A_3, %add3A_1013 : vector<256x128xf32>
    %reduce_max3A_1015 = arith.constant dense<0xFF800000> : vector<128xf32>
    %reduce_max3A_1016 = vector.multi_reduction <maximumf>, %add3A_1014, %reduce_max3A_1015 [0] : vector<256x128xf32> to vector<128xf32>
    %broadcast_in_dim3A_1017 = vector.shape_cast %reduce_max3A_1016 : vector<128xf32> to vector<1x128xf32>
    %slice3A_1018 = vector.extract_strided_slice %select_n3A {offsets = [0, 232], sizes = [256, 1], strides = [1, 1]} : vector<256x256xf32> to vector<256x1xf32>
    %add3A_1019 = vector.broadcast %slice3A_1018 : vector<256x1xf32> to vector<256x128xf32>
    %add3A_1020 = arith.addf %get3A_3, %add3A_1019 : vector<256x128xf32>
    %reduce_max3A_1021 = arith.constant dense<0xFF800000> : vector<128xf32>
    %reduce_max3A_1022 = vector.multi_reduction <maximumf>, %add3A_1020, %reduce_max3A_1021 [0] : vector<256x128xf32> to vector<128xf32>
    %broadcast_in_dim3A_1023 = vector.shape_cast %reduce_max3A_1022 : vector<128xf32> to vector<1x128xf32>
    %slice3A_1024 = vector.extract_strided_slice %select_n3A {offsets = [0, 233], sizes = [256, 1], strides = [1, 1]} : vector<256x256xf32> to vector<256x1xf32>
    %add3A_1025 = vector.broadcast %slice3A_1024 : vector<256x1xf32> to vector<256x128xf32>
    %add3A_1026 = arith.addf %get3A_3, %add3A_1025 : vector<256x128xf32>
    %reduce_max3A_1027 = arith.constant dense<0xFF800000> : vector<128xf32>
    %reduce_max3A_1028 = vector.multi_reduction <maximumf>, %add3A_1026, %reduce_max3A_1027 [0] : vector<256x128xf32> to vector<128xf32>
    %broadcast_in_dim3A_1029 = vector.shape_cast %reduce_max3A_1028 : vector<128xf32> to vector<1x128xf32>
    %slice3A_1030 = vector.extract_strided_slice %select_n3A {offsets = [0, 234], sizes = [256, 1], strides = [1, 1]} : vector<256x256xf32> to vector<256x1xf32>
    %add3A_1031 = vector.broadcast %slice3A_1030 : vector<256x1xf32> to vector<256x128xf32>
    %add3A_1032 = arith.addf %get3A_3, %add3A_1031 : vector<256x128xf32>
    %reduce_max3A_1033 = arith.constant dense<0xFF800000> : vector<128xf32>
    %reduce_max3A_1034 = vector.multi_reduction <maximumf>, %add3A_1032, %reduce_max3A_1033 [0] : vector<256x128xf32> to vector<128xf32>
    %broadcast_in_dim3A_1035 = vector.shape_cast %reduce_max3A_1034 : vector<128xf32> to vector<1x128xf32>
    %slice3A_1036 = vector.extract_strided_slice %select_n3A {offsets = [0, 235], sizes = [256, 1], strides = [1, 1]} : vector<256x256xf32> to vector<256x1xf32>
    %add3A_1037 = vector.broadcast %slice3A_1036 : vector<256x1xf32> to vector<256x128xf32>
    %add3A_1038 = arith.addf %get3A_3, %add3A_1037 : vector<256x128xf32>
    %reduce_max3A_1039 = arith.constant dense<0xFF800000> : vector<128xf32>
    %reduce_max3A_1040 = vector.multi_reduction <maximumf>, %add3A_1038, %reduce_max3A_1039 [0] : vector<256x128xf32> to vector<128xf32>
    %broadcast_in_dim3A_1041 = vector.shape_cast %reduce_max3A_1040 : vector<128xf32> to vector<1x128xf32>
    %slice3A_1042 = vector.extract_strided_slice %select_n3A {offsets = [0, 236], sizes = [256, 1], strides = [1, 1]} : vector<256x256xf32> to vector<256x1xf32>
    %add3A_1043 = vector.broadcast %slice3A_1042 : vector<256x1xf32> to vector<256x128xf32>
    %add3A_1044 = arith.addf %get3A_3, %add3A_1043 : vector<256x128xf32>
    %reduce_max3A_1045 = arith.constant dense<0xFF800000> : vector<128xf32>
    %reduce_max3A_1046 = vector.multi_reduction <maximumf>, %add3A_1044, %reduce_max3A_1045 [0] : vector<256x128xf32> to vector<128xf32>
    %broadcast_in_dim3A_1047 = vector.shape_cast %reduce_max3A_1046 : vector<128xf32> to vector<1x128xf32>
    %slice3A_1048 = vector.extract_strided_slice %select_n3A {offsets = [0, 237], sizes = [256, 1], strides = [1, 1]} : vector<256x256xf32> to vector<256x1xf32>
    %add3A_1049 = vector.broadcast %slice3A_1048 : vector<256x1xf32> to vector<256x128xf32>
    %add3A_1050 = arith.addf %get3A_3, %add3A_1049 : vector<256x128xf32>
    %reduce_max3A_1051 = arith.constant dense<0xFF800000> : vector<128xf32>
    %reduce_max3A_1052 = vector.multi_reduction <maximumf>, %add3A_1050, %reduce_max3A_1051 [0] : vector<256x128xf32> to vector<128xf32>
    %broadcast_in_dim3A_1053 = vector.shape_cast %reduce_max3A_1052 : vector<128xf32> to vector<1x128xf32>
    %slice3A_1054 = vector.extract_strided_slice %select_n3A {offsets = [0, 238], sizes = [256, 1], strides = [1, 1]} : vector<256x256xf32> to vector<256x1xf32>
    %add3A_1055 = vector.broadcast %slice3A_1054 : vector<256x1xf32> to vector<256x128xf32>
    %add3A_1056 = arith.addf %get3A_3, %add3A_1055 : vector<256x128xf32>
    %reduce_max3A_1057 = arith.constant dense<0xFF800000> : vector<128xf32>
    %reduce_max3A_1058 = vector.multi_reduction <maximumf>, %add3A_1056, %reduce_max3A_1057 [0] : vector<256x128xf32> to vector<128xf32>
    %broadcast_in_dim3A_1059 = vector.shape_cast %reduce_max3A_1058 : vector<128xf32> to vector<1x128xf32>
    %slice3A_1060 = vector.extract_strided_slice %select_n3A {offsets = [0, 239], sizes = [256, 1], strides = [1, 1]} : vector<256x256xf32> to vector<256x1xf32>
    %add3A_1061 = vector.broadcast %slice3A_1060 : vector<256x1xf32> to vector<256x128xf32>
    %add3A_1062 = arith.addf %get3A_3, %add3A_1061 : vector<256x128xf32>
    %reduce_max3A_1063 = arith.constant dense<0xFF800000> : vector<128xf32>
    %reduce_max3A_1064 = vector.multi_reduction <maximumf>, %add3A_1062, %reduce_max3A_1063 [0] : vector<256x128xf32> to vector<128xf32>
    %broadcast_in_dim3A_1065 = vector.shape_cast %reduce_max3A_1064 : vector<128xf32> to vector<1x128xf32>
    %slice3A_1066 = vector.extract_strided_slice %select_n3A {offsets = [0, 240], sizes = [256, 1], strides = [1, 1]} : vector<256x256xf32> to vector<256x1xf32>
    %add3A_1067 = vector.broadcast %slice3A_1066 : vector<256x1xf32> to vector<256x128xf32>
    %add3A_1068 = arith.addf %get3A_3, %add3A_1067 : vector<256x128xf32>
    %reduce_max3A_1069 = arith.constant dense<0xFF800000> : vector<128xf32>
    %reduce_max3A_1070 = vector.multi_reduction <maximumf>, %add3A_1068, %reduce_max3A_1069 [0] : vector<256x128xf32> to vector<128xf32>
    %broadcast_in_dim3A_1071 = vector.shape_cast %reduce_max3A_1070 : vector<128xf32> to vector<1x128xf32>
    %slice3A_1072 = vector.extract_strided_slice %select_n3A {offsets = [0, 241], sizes = [256, 1], strides = [1, 1]} : vector<256x256xf32> to vector<256x1xf32>
    %add3A_1073 = vector.broadcast %slice3A_1072 : vector<256x1xf32> to vector<256x128xf32>
    %add3A_1074 = arith.addf %get3A_3, %add3A_1073 : vector<256x128xf32>
    %reduce_max3A_1075 = arith.constant dense<0xFF800000> : vector<128xf32>
    %reduce_max3A_1076 = vector.multi_reduction <maximumf>, %add3A_1074, %reduce_max3A_1075 [0] : vector<256x128xf32> to vector<128xf32>
    %broadcast_in_dim3A_1077 = vector.shape_cast %reduce_max3A_1076 : vector<128xf32> to vector<1x128xf32>
    %slice3A_1078 = vector.extract_strided_slice %select_n3A {offsets = [0, 242], sizes = [256, 1], strides = [1, 1]} : vector<256x256xf32> to vector<256x1xf32>
    %add3A_1079 = vector.broadcast %slice3A_1078 : vector<256x1xf32> to vector<256x128xf32>
    %add3A_1080 = arith.addf %get3A_3, %add3A_1079 : vector<256x128xf32>
    %reduce_max3A_1081 = arith.constant dense<0xFF800000> : vector<128xf32>
    %reduce_max3A_1082 = vector.multi_reduction <maximumf>, %add3A_1080, %reduce_max3A_1081 [0] : vector<256x128xf32> to vector<128xf32>
    %broadcast_in_dim3A_1083 = vector.shape_cast %reduce_max3A_1082 : vector<128xf32> to vector<1x128xf32>
    %slice3A_1084 = vector.extract_strided_slice %select_n3A {offsets = [0, 243], sizes = [256, 1], strides = [1, 1]} : vector<256x256xf32> to vector<256x1xf32>
    %add3A_1085 = vector.broadcast %slice3A_1084 : vector<256x1xf32> to vector<256x128xf32>
    %add3A_1086 = arith.addf %get3A_3, %add3A_1085 : vector<256x128xf32>
    %reduce_max3A_1087 = arith.constant dense<0xFF800000> : vector<128xf32>
    %reduce_max3A_1088 = vector.multi_reduction <maximumf>, %add3A_1086, %reduce_max3A_1087 [0] : vector<256x128xf32> to vector<128xf32>
    %broadcast_in_dim3A_1089 = vector.shape_cast %reduce_max3A_1088 : vector<128xf32> to vector<1x128xf32>
    %slice3A_1090 = vector.extract_strided_slice %select_n3A {offsets = [0, 244], sizes = [256, 1], strides = [1, 1]} : vector<256x256xf32> to vector<256x1xf32>
    %add3A_1091 = vector.broadcast %slice3A_1090 : vector<256x1xf32> to vector<256x128xf32>
    %add3A_1092 = arith.addf %get3A_3, %add3A_1091 : vector<256x128xf32>
    %reduce_max3A_1093 = arith.constant dense<0xFF800000> : vector<128xf32>
    %reduce_max3A_1094 = vector.multi_reduction <maximumf>, %add3A_1092, %reduce_max3A_1093 [0] : vector<256x128xf32> to vector<128xf32>
    %broadcast_in_dim3A_1095 = vector.shape_cast %reduce_max3A_1094 : vector<128xf32> to vector<1x128xf32>
    %slice3A_1096 = vector.extract_strided_slice %select_n3A {offsets = [0, 245], sizes = [256, 1], strides = [1, 1]} : vector<256x256xf32> to vector<256x1xf32>
    %add3A_1097 = vector.broadcast %slice3A_1096 : vector<256x1xf32> to vector<256x128xf32>
    %add3A_1098 = arith.addf %get3A_3, %add3A_1097 : vector<256x128xf32>
    %reduce_max3A_1099 = arith.constant dense<0xFF800000> : vector<128xf32>
    %reduce_max3A_1100 = vector.multi_reduction <maximumf>, %add3A_1098, %reduce_max3A_1099 [0] : vector<256x128xf32> to vector<128xf32>
    %broadcast_in_dim3A_1101 = vector.shape_cast %reduce_max3A_1100 : vector<128xf32> to vector<1x128xf32>
    %slice3A_1102 = vector.extract_strided_slice %select_n3A {offsets = [0, 246], sizes = [256, 1], strides = [1, 1]} : vector<256x256xf32> to vector<256x1xf32>
    %add3A_1103 = vector.broadcast %slice3A_1102 : vector<256x1xf32> to vector<256x128xf32>
    %add3A_1104 = arith.addf %get3A_3, %add3A_1103 : vector<256x128xf32>
    %reduce_max3A_1105 = arith.constant dense<0xFF800000> : vector<128xf32>
    %reduce_max3A_1106 = vector.multi_reduction <maximumf>, %add3A_1104, %reduce_max3A_1105 [0] : vector<256x128xf32> to vector<128xf32>
    %broadcast_in_dim3A_1107 = vector.shape_cast %reduce_max3A_1106 : vector<128xf32> to vector<1x128xf32>
    %slice3A_1108 = vector.extract_strided_slice %select_n3A {offsets = [0, 247], sizes = [256, 1], strides = [1, 1]} : vector<256x256xf32> to vector<256x1xf32>
    %add3A_1109 = vector.broadcast %slice3A_1108 : vector<256x1xf32> to vector<256x128xf32>
    %add3A_1110 = arith.addf %get3A_3, %add3A_1109 : vector<256x128xf32>
    %reduce_max3A_1111 = arith.constant dense<0xFF800000> : vector<128xf32>
    %reduce_max3A_1112 = vector.multi_reduction <maximumf>, %add3A_1110, %reduce_max3A_1111 [0] : vector<256x128xf32> to vector<128xf32>
    %broadcast_in_dim3A_1113 = vector.shape_cast %reduce_max3A_1112 : vector<128xf32> to vector<1x128xf32>
    %slice3A_1114 = vector.extract_strided_slice %select_n3A {offsets = [0, 248], sizes = [256, 1], strides = [1, 1]} : vector<256x256xf32> to vector<256x1xf32>
    %add3A_1115 = vector.broadcast %slice3A_1114 : vector<256x1xf32> to vector<256x128xf32>
    %add3A_1116 = arith.addf %get3A_3, %add3A_1115 : vector<256x128xf32>
    %reduce_max3A_1117 = arith.constant dense<0xFF800000> : vector<128xf32>
    %reduce_max3A_1118 = vector.multi_reduction <maximumf>, %add3A_1116, %reduce_max3A_1117 [0] : vector<256x128xf32> to vector<128xf32>
    %broadcast_in_dim3A_1119 = vector.shape_cast %reduce_max3A_1118 : vector<128xf32> to vector<1x128xf32>
    %slice3A_1120 = vector.extract_strided_slice %select_n3A {offsets = [0, 249], sizes = [256, 1], strides = [1, 1]} : vector<256x256xf32> to vector<256x1xf32>
    %add3A_1121 = vector.broadcast %slice3A_1120 : vector<256x1xf32> to vector<256x128xf32>
    %add3A_1122 = arith.addf %get3A_3, %add3A_1121 : vector<256x128xf32>
    %reduce_max3A_1123 = arith.constant dense<0xFF800000> : vector<128xf32>
    %reduce_max3A_1124 = vector.multi_reduction <maximumf>, %add3A_1122, %reduce_max3A_1123 [0] : vector<256x128xf32> to vector<128xf32>
    %broadcast_in_dim3A_1125 = vector.shape_cast %reduce_max3A_1124 : vector<128xf32> to vector<1x128xf32>
    %slice3A_1126 = vector.extract_strided_slice %select_n3A {offsets = [0, 250], sizes = [256, 1], strides = [1, 1]} : vector<256x256xf32> to vector<256x1xf32>
    %add3A_1127 = vector.broadcast %slice3A_1126 : vector<256x1xf32> to vector<256x128xf32>
    %add3A_1128 = arith.addf %get3A_3, %add3A_1127 : vector<256x128xf32>
    %reduce_max3A_1129 = arith.constant dense<0xFF800000> : vector<128xf32>
    %reduce_max3A_1130 = vector.multi_reduction <maximumf>, %add3A_1128, %reduce_max3A_1129 [0] : vector<256x128xf32> to vector<128xf32>
    %broadcast_in_dim3A_1131 = vector.shape_cast %reduce_max3A_1130 : vector<128xf32> to vector<1x128xf32>
    %slice3A_1132 = vector.extract_strided_slice %select_n3A {offsets = [0, 251], sizes = [256, 1], strides = [1, 1]} : vector<256x256xf32> to vector<256x1xf32>
    %add3A_1133 = vector.broadcast %slice3A_1132 : vector<256x1xf32> to vector<256x128xf32>
    %add3A_1134 = arith.addf %get3A_3, %add3A_1133 : vector<256x128xf32>
    %reduce_max3A_1135 = arith.constant dense<0xFF800000> : vector<128xf32>
    %reduce_max3A_1136 = vector.multi_reduction <maximumf>, %add3A_1134, %reduce_max3A_1135 [0] : vector<256x128xf32> to vector<128xf32>
    %broadcast_in_dim3A_1137 = vector.shape_cast %reduce_max3A_1136 : vector<128xf32> to vector<1x128xf32>
    %slice3A_1138 = vector.extract_strided_slice %select_n3A {offsets = [0, 252], sizes = [256, 1], strides = [1, 1]} : vector<256x256xf32> to vector<256x1xf32>
    %add3A_1139 = vector.broadcast %slice3A_1138 : vector<256x1xf32> to vector<256x128xf32>
    %add3A_1140 = arith.addf %get3A_3, %add3A_1139 : vector<256x128xf32>
    %reduce_max3A_1141 = arith.constant dense<0xFF800000> : vector<128xf32>
    %reduce_max3A_1142 = vector.multi_reduction <maximumf>, %add3A_1140, %reduce_max3A_1141 [0] : vector<256x128xf32> to vector<128xf32>
    %broadcast_in_dim3A_1143 = vector.shape_cast %reduce_max3A_1142 : vector<128xf32> to vector<1x128xf32>
    %slice3A_1144 = vector.extract_strided_slice %select_n3A {offsets = [0, 253], sizes = [256, 1], strides = [1, 1]} : vector<256x256xf32> to vector<256x1xf32>
    %add3A_1145 = vector.broadcast %slice3A_1144 : vector<256x1xf32> to vector<256x128xf32>
    %add3A_1146 = arith.addf %get3A_3, %add3A_1145 : vector<256x128xf32>
    %reduce_max3A_1147 = arith.constant dense<0xFF800000> : vector<128xf32>
    %reduce_max3A_1148 = vector.multi_reduction <maximumf>, %add3A_1146, %reduce_max3A_1147 [0] : vector<256x128xf32> to vector<128xf32>
    %broadcast_in_dim3A_1149 = vector.shape_cast %reduce_max3A_1148 : vector<128xf32> to vector<1x128xf32>
    %slice3A_1150 = vector.extract_strided_slice %select_n3A {offsets = [0, 254], sizes = [256, 1], strides = [1, 1]} : vector<256x256xf32> to vector<256x1xf32>
    %add3A_1151 = vector.broadcast %slice3A_1150 : vector<256x1xf32> to vector<256x128xf32>
    %add3A_1152 = arith.addf %get3A_3, %add3A_1151 : vector<256x128xf32>
    %reduce_max3A_1153 = arith.constant dense<0xFF800000> : vector<128xf32>
    %reduce_max3A_1154 = vector.multi_reduction <maximumf>, %add3A_1152, %reduce_max3A_1153 [0] : vector<256x128xf32> to vector<128xf32>
    %broadcast_in_dim3A_1155 = vector.shape_cast %reduce_max3A_1154 : vector<128xf32> to vector<1x128xf32>
    %slice3A_1156 = vector.extract_strided_slice %select_n3A {offsets = [0, 255], sizes = [256, 1], strides = [1, 1]} : vector<256x256xf32> to vector<256x1xf32>
    %add3A_1157 = vector.broadcast %slice3A_1156 : vector<256x1xf32> to vector<256x128xf32>
    %add3A_1158 = arith.addf %get3A_3, %add3A_1157 : vector<256x128xf32>
    %reduce_max3A_1159 = arith.constant dense<0xFF800000> : vector<128xf32>
    %reduce_max3A_1160 = vector.multi_reduction <maximumf>, %add3A_1158, %reduce_max3A_1159 [0] : vector<256x128xf32> to vector<128xf32>
    %broadcast_in_dim3A_1161 = vector.shape_cast %reduce_max3A_1160 : vector<128xf32> to vector<1x128xf32>
    %concatenate3A = tpu.concatenate %broadcast_in_dim3A_15, %broadcast_in_dim3A_21, %broadcast_in_dim3A_27, %broadcast_in_dim3A_33, %broadcast_in_dim3A_39, %broadcast_in_dim3A_45, %broadcast_in_dim3A_51, %broadcast_in_dim3A_57, %broadcast_in_dim3A_63, %broadcast_in_dim3A_69, %broadcast_in_dim3A_75, %broadcast_in_dim3A_81, %broadcast_in_dim3A_87, %broadcast_in_dim3A_93, %broadcast_in_dim3A_99, %broadcast_in_dim3A_105, %broadcast_in_dim3A_111, %broadcast_in_dim3A_117, %broadcast_in_dim3A_123, %broadcast_in_dim3A_129, %broadcast_in_dim3A_135, %broadcast_in_dim3A_141, %broadcast_in_dim3A_147, %broadcast_in_dim3A_153, %broadcast_in_dim3A_159, %broadcast_in_dim3A_165, %broadcast_in_dim3A_171, %broadcast_in_dim3A_177, %broadcast_in_dim3A_183, %broadcast_in_dim3A_189, %broadcast_in_dim3A_195, %broadcast_in_dim3A_201, %broadcast_in_dim3A_207, %broadcast_in_dim3A_213, %broadcast_in_dim3A_219, %broadcast_in_dim3A_225, %broadcast_in_dim3A_231, %broadcast_in_dim3A_237, %broadcast_in_dim3A_243, %broadcast_in_dim3A_249, %broadcast_in_dim3A_255, %broadcast_in_dim3A_261, %broadcast_in_dim3A_267, %broadcast_in_dim3A_273, %broadcast_in_dim3A_279, %broadcast_in_dim3A_285, %broadcast_in_dim3A_291, %broadcast_in_dim3A_297, %broadcast_in_dim3A_303, %broadcast_in_dim3A_309, %broadcast_in_dim3A_315, %broadcast_in_dim3A_321, %broadcast_in_dim3A_327, %broadcast_in_dim3A_333, %broadcast_in_dim3A_339, %broadcast_in_dim3A_345, %broadcast_in_dim3A_351, %broadcast_in_dim3A_357, %broadcast_in_dim3A_363, %broadcast_in_dim3A_369, %broadcast_in_dim3A_375, %broadcast_in_dim3A_381, %broadcast_in_dim3A_387, %broadcast_in_dim3A_393, %broadcast_in_dim3A_399, %broadcast_in_dim3A_405, %broadcast_in_dim3A_411, %broadcast_in_dim3A_417, %broadcast_in_dim3A_423, %broadcast_in_dim3A_429, %broadcast_in_dim3A_435, %broadcast_in_dim3A_441, %broadcast_in_dim3A_447, %broadcast_in_dim3A_453, %broadcast_in_dim3A_459, %broadcast_in_dim3A_465, %broadcast_in_dim3A_471, %broadcast_in_dim3A_477, %broadcast_in_dim3A_483, %broadcast_in_dim3A_489, %broadcast_in_dim3A_495, %broadcast_in_dim3A_501, %broadcast_in_dim3A_507, %broadcast_in_dim3A_513, %broadcast_in_dim3A_519, %broadcast_in_dim3A_525, %broadcast_in_dim3A_531, %broadcast_in_dim3A_537, %broadcast_in_dim3A_543, %broadcast_in_dim3A_549, %broadcast_in_dim3A_555, %broadcast_in_dim3A_561, %broadcast_in_dim3A_567, %broadcast_in_dim3A_573, %broadcast_in_dim3A_579, %broadcast_in_dim3A_585, %broadcast_in_dim3A_591, %broadcast_in_dim3A_597, %broadcast_in_dim3A_603, %broadcast_in_dim3A_609, %broadcast_in_dim3A_615, %broadcast_in_dim3A_621, %broadcast_in_dim3A_627, %broadcast_in_dim3A_633, %broadcast_in_dim3A_639, %broadcast_in_dim3A_645, %broadcast_in_dim3A_651, %broadcast_in_dim3A_657, %broadcast_in_dim3A_663, %broadcast_in_dim3A_669, %broadcast_in_dim3A_675, %broadcast_in_dim3A_681, %broadcast_in_dim3A_687, %broadcast_in_dim3A_693, %broadcast_in_dim3A_699, %broadcast_in_dim3A_705, %broadcast_in_dim3A_711, %broadcast_in_dim3A_717, %broadcast_in_dim3A_723, %broadcast_in_dim3A_729, %broadcast_in_dim3A_735, %broadcast_in_dim3A_741, %broadcast_in_dim3A_747, %broadcast_in_dim3A_753, %broadcast_in_dim3A_759, %broadcast_in_dim3A_765, %broadcast_in_dim3A_771, %broadcast_in_dim3A_777, %broadcast_in_dim3A_783, %broadcast_in_dim3A_789, %broadcast_in_dim3A_795, %broadcast_in_dim3A_801, %broadcast_in_dim3A_807, %broadcast_in_dim3A_813, %broadcast_in_dim3A_819, %broadcast_in_dim3A_825, %broadcast_in_dim3A_831, %broadcast_in_dim3A_837, %broadcast_in_dim3A_843, %broadcast_in_dim3A_849, %broadcast_in_dim3A_855, %broadcast_in_dim3A_861, %broadcast_in_dim3A_867, %broadcast_in_dim3A_873, %broadcast_in_dim3A_879, %broadcast_in_dim3A_885, %broadcast_in_dim3A_891, %broadcast_in_dim3A_897, %broadcast_in_dim3A_903, %broadcast_in_dim3A_909, %broadcast_in_dim3A_915, %broadcast_in_dim3A_921, %broadcast_in_dim3A_927, %broadcast_in_dim3A_933, %broadcast_in_dim3A_939, %broadcast_in_dim3A_945, %broadcast_in_dim3A_951, %broadcast_in_dim3A_957, %broadcast_in_dim3A_963, %broadcast_in_dim3A_969, %broadcast_in_dim3A_975, %broadcast_in_dim3A_981, %broadcast_in_dim3A_987, %broadcast_in_dim3A_993, %broadcast_in_dim3A_999, %broadcast_in_dim3A_1005, %broadcast_in_dim3A_1011, %broadcast_in_dim3A_1017, %broadcast_in_dim3A_1023, %broadcast_in_dim3A_1029, %broadcast_in_dim3A_1035, %broadcast_in_dim3A_1041, %broadcast_in_dim3A_1047, %broadcast_in_dim3A_1053, %broadcast_in_dim3A_1059, %broadcast_in_dim3A_1065, %broadcast_in_dim3A_1071, %broadcast_in_dim3A_1077, %broadcast_in_dim3A_1083, %broadcast_in_dim3A_1089, %broadcast_in_dim3A_1095, %broadcast_in_dim3A_1101, %broadcast_in_dim3A_1107, %broadcast_in_dim3A_1113, %broadcast_in_dim3A_1119, %broadcast_in_dim3A_1125, %broadcast_in_dim3A_1131, %broadcast_in_dim3A_1137, %broadcast_in_dim3A_1143, %broadcast_in_dim3A_1149, %broadcast_in_dim3A_1155, %broadcast_in_dim3A_1161 in 0 : vector<1x128xf32>, vector<1x128xf32>, vector<1x128xf32>, vector<1x128xf32>, vector<1x128xf32>, vector<1x128xf32>, vector<1x128xf32>, vector<1x128xf32>, vector<1x128xf32>, vector<1x128xf32>, vector<1x128xf32>, vector<1x128xf32>, vector<1x128xf32>, vector<1x128xf32>, vector<1x128xf32>, vector<1x128xf32>, vector<1x128xf32>, vector<1x128xf32>, vector<1x128xf32>, vector<1x128xf32>, vector<1x128xf32>, vector<1x128xf32>, vector<1x128xf32>, vector<1x128xf32>, vector<1x128xf32>, vector<1x128xf32>, vector<1x128xf32>, vector<1x128xf32>, vector<1x128xf32>, vector<1x128xf32>, vector<1x128xf32>, vector<1x128xf32>, vector<1x128xf32>, vector<1x128xf32>, vector<1x128xf32>, vector<1x128xf32>, vector<1x128xf32>, vector<1x128xf32>, vector<1x128xf32>, vector<1x128xf32>, vector<1x128xf32>, vector<1x128xf32>, vector<1x128xf32>, vector<1x128xf32>, vector<1x128xf32>, vector<1x128xf32>, vector<1x128xf32>, vector<1x128xf32>, vector<1x128xf32>, vector<1x128xf32>, vector<1x128xf32>, vector<1x128xf32>, vector<1x128xf32>, vector<1x128xf32>, vector<1x128xf32>, vector<1x128xf32>, vector<1x128xf32>, vector<1x128xf32>, vector<1x128xf32>, vector<1x128xf32>, vector<1x128xf32>, vector<1x128xf32>, vector<1x128xf32>, vector<1x128xf32>, vector<1x128xf32>, vector<1x128xf32>, vector<1x128xf32>, vector<1x128xf32>, vector<1x128xf32>, vector<1x128xf32>, vector<1x128xf32>, vector<1x128xf32>, vector<1x128xf32>, vector<1x128xf32>, vector<1x128xf32>, vector<1x128xf32>, vector<1x128xf32>, vector<1x128xf32>, vector<1x128xf32>, vector<1x128xf32>, vector<1x128xf32>, vector<1x128xf32>, vector<1x128xf32>, vector<1x128xf32>, vector<1x128xf32>, vector<1x128xf32>, vector<1x128xf32>, vector<1x128xf32>, vector<1x128xf32>, vector<1x128xf32>, vector<1x128xf32>, vector<1x128xf32>, vector<1x128xf32>, vector<1x128xf32>, vector<1x128xf32>, vector<1x128xf32>, vector<1x128xf32>, vector<1x128xf32>, vector<1x128xf32>, vector<1x128xf32>, vector<1x128xf32>, vector<1x128xf32>, vector<1x128xf32>, vector<1x128xf32>, vector<1x128xf32>, vector<1x128xf32>, vector<1x128xf32>, vector<1x128xf32>, vector<1x128xf32>, vector<1x128xf32>, vector<1x128xf32>, vector<1x128xf32>, vector<1x128xf32>, vector<1x128xf32>, vector<1x128xf32>, vector<1x128xf32>, vector<1x128xf32>, vector<1x128xf32>, vector<1x128xf32>, vector<1x128xf32>, vector<1x128xf32>, vector<1x128xf32>, vector<1x128xf32>, vector<1x128xf32>, vector<1x128xf32>, vector<1x128xf32>, vector<1x128xf32>, vector<1x128xf32>, vector<1x128xf32>, vector<1x128xf32>, vector<1x128xf32>, vector<1x128xf32>, vector<1x128xf32>, vector<1x128xf32>, vector<1x128xf32>, vector<1x128xf32>, vector<1x128xf32>, vector<1x128xf32>, vector<1x128xf32>, vector<1x128xf32>, vector<1x128xf32>, vector<1x128xf32>, vector<1x128xf32>, vector<1x128xf32>, vector<1x128xf32>, vector<1x128xf32>, vector<1x128xf32>, vector<1x128xf32>, vector<1x128xf32>, vector<1x128xf32>, vector<1x128xf32>, vector<1x128xf32>, vector<1x128xf32>, vector<1x128xf32>, vector<1x128xf32>, vector<1x128xf32>, vector<1x128xf32>, vector<1x128xf32>, vector<1x128xf32>, vector<1x128xf32>, vector<1x128xf32>, vector<1x128xf32>, vector<1x128xf32>, vector<1x128xf32>, vector<1x128xf32>, vector<1x128xf32>, vector<1x128xf32>, vector<1x128xf32>, vector<1x128xf32>, vector<1x128xf32>, vector<1x128xf32>, vector<1x128xf32>, vector<1x128xf32>, vector<1x128xf32>, vector<1x128xf32>, vector<1x128xf32>, vector<1x128xf32>, vector<1x128xf32>, vector<1x128xf32>, vector<1x128xf32>, vector<1x128xf32>, vector<1x128xf32>, vector<1x128xf32>, vector<1x128xf32>, vector<1x128xf32>, vector<1x128xf32>, vector<1x128xf32>, vector<1x128xf32>, vector<1x128xf32>, vector<1x128xf32>, vector<1x128xf32>, vector<1x128xf32> -> vector<192x128xf32>
    %swap3A = arith.constant 0 : index
    %swap3A_1162 = arith.constant 0 : index
    %swap3A_1163 = arith.constant 0 : index
    %swap3A_1164 = vector.load %arg3[%swap3A, %swap3A_1162, %swap3A_1163] : memref<1x192x128xf32, #tpu.memory_space<vmem>>, vector<1x192x128xf32>
    %swap3A_1165 = vector.shape_cast %swap3A_1164 : vector<1x192x128xf32> to vector<192x128xf32>
    %swap3A_1166 = vector.shape_cast %concatenate3A : vector<192x128xf32> to vector<1x192x128xf32>
    tpu.vector_store %arg3[%swap3A, %swap3A_1162, %swap3A_1163], %swap3A_1166 {strides = array<i32>} : memref<1x192x128xf32, #tpu.memory_space<vmem>>, vector<1x192x128xf32>,
    return
  }
  func.func @transform_0(%arg0: i32) -> (i32, i32, i32) {
    %c0_i32 = arith.constant 0 : i32
    %c0_i32_0 = arith.constant 0 : i32
    %c0_i32_1 = arith.constant 0 : i32
    return %arg0, %c0_i32, %c0_i32_0 : i32, i32, i32
  }
  func.func @transform_1(%arg0: i32) -> (i32, i32, i32) {
    %c0_i32 = arith.constant 0 : i32
    %c0_i32_0 = arith.constant 0 : i32
    %c0_i32_1 = arith.constant 0 : i32
    return %arg0, %c0_i32, %c0_i32_0 : i32, i32, i32
  }
  func.func @transform_2(%arg0: i32) -> (i32, i32, i32) {
    %c0_i32 = arith.constant 0 : i32
    %c0_i32_0 = arith.constant 0 : i32
    %c0_i32_1 = arith.constant 0 : i32
    return %arg0, %c0_i32, %c0_i32_0 : i32, i32, i32
  }
}

module attributes {stable_mosaic.version = 14 : i64} {
  func.func @_prep_kernel(%arg0: i32, %arg1: memref<1x256x128xf32, #tpu.memory_space<vmem>>, %arg2: memref<1x256x256xi32, #tpu.memory_space<vmem>>, %arg3: memref<128x128xf32, #tpu.memory_space<vmem>>, %arg4: memref<1x128xf32, #tpu.memory_space<vmem>>, %arg5: memref<128x128xf32, #tpu.memory_space<vmem>>, %arg6: memref<1x128xf32, #tpu.memory_space<vmem>>, %arg7: memref<1x256x128xf32, #tpu.memory_space<vmem>>, %arg8: memref<1x256x128xf32, #tpu.memory_space<vmem>>, %arg9: memref<1x256x256xf32, #tpu.memory_space<vmem>>) attributes {dimension_semantics = [#tpu.dimension_semantics<arbitrary>], iteration_bounds = array<i64: 4>, scalar_prefetch = 0 : i64, scratch_operands = 0 : i64, tpu.core_type = #tpu.core_type<tc>, window_params = [{transform_indices = @transform_0, window_bounds = array<i64: 1, 256, 128>}, {transform_indices = @transform_1, window_bounds = array<i64: 1, 256, 256>}, {pipeline_mode = #tpu.pipeline_mode<synchronous>, transform_indices = @transform_2, window_bounds = array<i64: 128, 128>}, {pipeline_mode = #tpu.pipeline_mode<synchronous>, transform_indices = @transform_3, window_bounds = array<i64: 1, 128>}, {pipeline_mode = #tpu.pipeline_mode<synchronous>, transform_indices = @transform_4, window_bounds = array<i64: 128, 128>}, {pipeline_mode = #tpu.pipeline_mode<synchronous>, transform_indices = @transform_5, window_bounds = array<i64: 1, 128>}, {transform_indices = @transform_6, window_bounds = array<i64: 1, 256, 128>}, {transform_indices = @transform_7, window_bounds = array<i64: 1, 256, 128>}, {transform_indices = @transform_8, window_bounds = array<i64: 1, 256, 256>}]} {
    %get3A = arith.constant 0 : index
    %get3A_0 = arith.constant 0 : index
    %get3A_1 = arith.constant 0 : index
    %get3A_2 = vector.load %arg1[%get3A, %get3A_0, %get3A_1] : memref<1x256x128xf32, #tpu.memory_space<vmem>>, vector<1x256x128xf32>
    %get3A_3 = vector.shape_cast %get3A_2 : vector<1x256x128xf32> to vector<256x128xf32>
    %get3A_4 = arith.constant 0 : index
    %get3A_5 = arith.constant 0 : index
    %get3A_6 = vector.load %arg3[%get3A_4, %get3A_5] : memref<128x128xf32, #tpu.memory_space<vmem>>, vector<128x128xf32>
    %dot_general3A = arith.constant dense<0.000000e+00> : vector<256x128xf32>
    %dot_general3A_7 = tpu.matmul %get3A_3, %get3A_6, %dot_general3A {dimension_numbers = #tpu.dot_dimension_numbers<[1], [0], [0], [1], [0, 0, 1, 1], [], []>, transpose_lhs_hint = false} : vector<256x128xf32>, vector<128x128xf32>, vector<256x128xf32> -> vector<256x128xf32>
    %get3A_8 = arith.constant 0 : index
    %get3A_9 = arith.constant 0 : index
    %get3A_10 = vector.load %arg4[%get3A_8, %get3A_9] : memref<1x128xf32, #tpu.memory_space<vmem>>, vector<1x128xf32>
    %add3A = vector.broadcast %get3A_10 : vector<1x128xf32> to vector<256x128xf32>
    %add3A_11 = arith.addf %dot_general3A_7, %add3A : vector<256x128xf32>
    %swap3A = arith.constant 0 : index
    %swap3A_12 = arith.constant 0 : index
    %swap3A_13 = arith.constant 0 : index
    %swap3A_14 = vector.load %arg7[%swap3A, %swap3A_12, %swap3A_13] : memref<1x256x128xf32, #tpu.memory_space<vmem>>, vector<1x256x128xf32>
    %swap3A_15 = vector.shape_cast %swap3A_14 : vector<1x256x128xf32> to vector<256x128xf32>
    %swap3A_16 = vector.shape_cast %add3A_11 : vector<256x128xf32> to vector<1x256x128xf32>
    tpu.vector_store %arg7[%swap3A, %swap3A_12, %swap3A_13], %swap3A_16 {strides = array<i32>} : memref<1x256x128xf32, #tpu.memory_space<vmem>>, vector<1x256x128xf32>,
    %get3A_17 = arith.constant 0 : index
    %get3A_18 = arith.constant 0 : index
    %get3A_19 = vector.load %arg5[%get3A_17, %get3A_18] : memref<128x128xf32, #tpu.memory_space<vmem>>, vector<128x128xf32>
    %dot_general3A_20 = arith.constant dense<0.000000e+00> : vector<256x128xf32>
    %dot_general3A_21 = tpu.matmul %get3A_3, %get3A_19, %dot_general3A_20 {dimension_numbers = #tpu.dot_dimension_numbers<[1], [0], [0], [1], [0, 0, 1, 1], [], []>, transpose_lhs_hint = false} : vector<256x128xf32>, vector<128x128xf32>, vector<256x128xf32> -> vector<256x128xf32>
    %get3A_22 = arith.constant 0 : index
    %get3A_23 = arith.constant 0 : index
    %get3A_24 = vector.load %arg6[%get3A_22, %get3A_23] : memref<1x128xf32, #tpu.memory_space<vmem>>, vector<1x128xf32>
    %add3A_25 = vector.broadcast %get3A_24 : vector<1x128xf32> to vector<256x128xf32>
    %add3A_26 = arith.addf %dot_general3A_21, %add3A_25 : vector<256x128xf32>
    %swap3A_27 = arith.constant 0 : index
    %swap3A_28 = arith.constant 0 : index
    %swap3A_29 = arith.constant 0 : index
    %swap3A_30 = vector.load %arg8[%swap3A_27, %swap3A_28, %swap3A_29] : memref<1x256x128xf32, #tpu.memory_space<vmem>>, vector<1x256x128xf32>
    %swap3A_31 = vector.shape_cast %swap3A_30 : vector<1x256x128xf32> to vector<256x128xf32>
    %swap3A_32 = vector.shape_cast %add3A_26 : vector<256x128xf32> to vector<1x256x128xf32>
    tpu.vector_store %arg8[%swap3A_27, %swap3A_28, %swap3A_29], %swap3A_32 {strides = array<i32>} : memref<1x256x128xf32, #tpu.memory_space<vmem>>, vector<1x256x128xf32>,
    %get3A_33 = arith.constant 0 : index
    %get3A_34 = arith.constant 0 : index
    %get3A_35 = arith.constant 0 : index
    %get3A_36 = vector.load %arg2[%get3A_33, %get3A_34, %get3A_35] : memref<1x256x256xi32, #tpu.memory_space<vmem>>, vector<1x256x256xi32>
    %get3A_37 = vector.shape_cast %get3A_36 : vector<1x256x256xi32> to vector<256x256xi32>
    %transpose3A = tpu.transpose %get3A_37, [1, 0] : vector<256x256xi32> -> vector<256x256xi32>
    %ne3A = arith.constant 0 : i32
    %ne3A_38 = vector.broadcast %ne3A : i32 to vector<256x256xi32>
    %ne3A_39 = arith.cmpi ne, %transpose3A, %ne3A_38 : vector<256x256xi32>
    %jit3A = arith.constant 0.000000e+00 : f32
    %jit3A_40 = arith.constant 0xFF800000 : f32
    %broadcast_in_dim3A = vector.broadcast %jit3A : f32 to vector<256x256xf32>
    %broadcast_in_dim3A_41 = vector.broadcast %jit3A_40 : f32 to vector<256x256xf32>
    %select_n3A = arith.select %ne3A_39, %broadcast_in_dim3A, %broadcast_in_dim3A_41 : vector<256x256xi1>, vector<256x256xf32>
    %swap3A_42 = arith.constant 0 : index
    %swap3A_43 = arith.constant 0 : index
    %swap3A_44 = arith.constant 0 : index
    %swap3A_45 = vector.load %arg9[%swap3A_42, %swap3A_43, %swap3A_44] : memref<1x256x256xf32, #tpu.memory_space<vmem>>, vector<1x256x256xf32>
    %swap3A_46 = vector.shape_cast %swap3A_45 : vector<1x256x256xf32> to vector<256x256xf32>
    %swap3A_47 = vector.shape_cast %select_n3A : vector<256x256xf32> to vector<1x256x256xf32>
    tpu.vector_store %arg9[%swap3A_42, %swap3A_43, %swap3A_44], %swap3A_47 {strides = array<i32>} : memref<1x256x256xf32, #tpu.memory_space<vmem>>, vector<1x256x256xf32>,
    return
  }
  func.func @transform_0(%arg0: i32) -> (i32, i32, i32) {
    %c0_i32 = arith.constant 0 : i32
    %c0_i32_0 = arith.constant 0 : i32
    %c0_i32_1 = arith.constant 0 : i32
    return %arg0, %c0_i32, %c0_i32_0 : i32, i32, i32
  }
  func.func @transform_1(%arg0: i32) -> (i32, i32, i32) {
    %c0_i32 = arith.constant 0 : i32
    %c0_i32_0 = arith.constant 0 : i32
    %c0_i32_1 = arith.constant 0 : i32
    return %arg0, %c0_i32, %c0_i32_0 : i32, i32, i32
  }
  func.func @transform_2(%arg0: i32) -> (i32, i32) {
    %c0_i32 = arith.constant 0 : i32
    %c0_i32_0 = arith.constant 0 : i32
    %c0_i32_1 = arith.constant 0 : i32
    return %c0_i32, %c0_i32_0 : i32, i32
  }
  func.func @transform_3(%arg0: i32) -> (i32, i32) {
    %c0_i32 = arith.constant 0 : i32
    %c0_i32_0 = arith.constant 0 : i32
    %c0_i32_1 = arith.constant 0 : i32
    return %c0_i32, %c0_i32_0 : i32, i32
  }
  func.func @transform_4(%arg0: i32) -> (i32, i32) {
    %c0_i32 = arith.constant 0 : i32
    %c0_i32_0 = arith.constant 0 : i32
    %c0_i32_1 = arith.constant 0 : i32
    return %c0_i32, %c0_i32_0 : i32, i32
  }
  func.func @transform_5(%arg0: i32) -> (i32, i32) {
    %c0_i32 = arith.constant 0 : i32
    %c0_i32_0 = arith.constant 0 : i32
    %c0_i32_1 = arith.constant 0 : i32
    return %c0_i32, %c0_i32_0 : i32, i32
  }
  func.func @transform_6(%arg0: i32) -> (i32, i32, i32) {
    %c0_i32 = arith.constant 0 : i32
    %c0_i32_0 = arith.constant 0 : i32
    %c0_i32_1 = arith.constant 0 : i32
    return %arg0, %c0_i32, %c0_i32_0 : i32, i32, i32
  }
  func.func @transform_7(%arg0: i32) -> (i32, i32, i32) {
    %c0_i32 = arith.constant 0 : i32
    %c0_i32_0 = arith.constant 0 : i32
    %c0_i32_1 = arith.constant 0 : i32
    return %arg0, %c0_i32, %c0_i32_0 : i32, i32, i32
  }
  func.func @transform_8(%arg0: i32) -> (i32, i32, i32) {
    %c0_i32 = arith.constant 0 : i32
    %c0_i32_0 = arith.constant 0 : i32
    %c0_i32_1 = arith.constant 0 : i32
    return %arg0, %c0_i32, %c0_i32_0 : i32, i32, i32
  }
}

module attributes {stable_mosaic.version = 14 : i64} {
  func.func @_post_kernel(%arg0: i32, %arg1: memref<1x256x128xf32, #tpu.memory_space<vmem>>, %arg2: memref<1x256x128xf32, #tpu.memory_space<vmem>>, %arg3: memref<1x64x128xf32, #tpu.memory_space<vmem>>, %arg4: memref<1x192x128xf32, #tpu.memory_space<vmem>>, %arg5: memref<128x128xf32, #tpu.memory_space<vmem>>, %arg6: memref<128x128xf32, #tpu.memory_space<vmem>>, %arg7: memref<1x128xf32, #tpu.memory_space<vmem>>, %arg8: memref<1x256x128xf32, #tpu.memory_space<vmem>>) attributes {dimension_semantics = [#tpu.dimension_semantics<arbitrary>], iteration_bounds = array<i64: 4>, scalar_prefetch = 0 : i64, scratch_operands = 0 : i64, tpu.core_type = #tpu.core_type<tc>, window_params = [{transform_indices = @transform_0, window_bounds = array<i64: 1, 256, 128>}, {transform_indices = @transform_1, window_bounds = array<i64: 1, 256, 128>}, {transform_indices = @transform_2, window_bounds = array<i64: 1, 64, 128>}, {transform_indices = @transform_3, window_bounds = array<i64: 1, 192, 128>}, {pipeline_mode = #tpu.pipeline_mode<synchronous>, transform_indices = @transform_4, window_bounds = array<i64: 128, 128>}, {pipeline_mode = #tpu.pipeline_mode<synchronous>, transform_indices = @transform_5, window_bounds = array<i64: 128, 128>}, {pipeline_mode = #tpu.pipeline_mode<synchronous>, transform_indices = @transform_6, window_bounds = array<i64: 1, 128>}, {transform_indices = @transform_7, window_bounds = array<i64: 1, 256, 128>}]} {
    %get3A = arith.constant 0 : index
    %get3A_0 = arith.constant 0 : index
    %get3A_1 = arith.constant 0 : index
    %get3A_2 = vector.load %arg3[%get3A, %get3A_0, %get3A_1] : memref<1x64x128xf32, #tpu.memory_space<vmem>>, vector<1x64x128xf32>
    %get3A_3 = vector.shape_cast %get3A_2 : vector<1x64x128xf32> to vector<64x128xf32>
    %get3A_4 = arith.constant 0 : index
    %get3A_5 = arith.constant 0 : index
    %get3A_6 = arith.constant 0 : index
    %get3A_7 = vector.load %arg4[%get3A_4, %get3A_5, %get3A_6] : memref<1x192x128xf32, #tpu.memory_space<vmem>>, vector<1x192x128xf32>
    %get3A_8 = vector.shape_cast %get3A_7 : vector<1x192x128xf32> to vector<192x128xf32>
    %concatenate3A = tpu.concatenate %get3A_3, %get3A_8 in 0 : vector<64x128xf32>, vector<192x128xf32> -> vector<256x128xf32>
    %eq3A = arith.constant 0xFF800000 : f32
    %eq3A_9 = vector.broadcast %eq3A : f32 to vector<256x128xf32>
    %eq3A_10 = arith.cmpf oeq, %concatenate3A, %eq3A_9 : vector<256x128xf32>
    %get3A_11 = arith.constant 0 : index
    %get3A_12 = arith.constant 0 : index
    %get3A_13 = arith.constant 0 : index
    %get3A_14 = vector.load %arg2[%get3A_11, %get3A_12, %get3A_13] : memref<1x256x128xf32, #tpu.memory_space<vmem>>, vector<1x256x128xf32>
    %get3A_15 = vector.shape_cast %get3A_14 : vector<1x256x128xf32> to vector<256x128xf32>
    %add3A = arith.addf %get3A_15, %concatenate3A : vector<256x128xf32>
    %max3A = arith.constant 0.000000e+00 : f32
    %max3A_16 = vector.broadcast %max3A : f32 to vector<256x128xf32>
    %max3A_17 = arith.maximumf %add3A, %max3A_16 : vector<256x128xf32>
    %jit3A = arith.constant 0xFF800000 : f32
    %broadcast_in_dim3A = vector.broadcast %jit3A : f32 to vector<256x128xf32>
    %select_n3A = arith.select %eq3A_10, %broadcast_in_dim3A, %max3A_17 : vector<256x128xi1>, vector<256x128xf32>
    %get3A_18 = arith.constant 0 : index
    %get3A_19 = arith.constant 0 : index
    %get3A_20 = arith.constant 0 : index
    %get3A_21 = vector.load %arg1[%get3A_18, %get3A_19, %get3A_20] : memref<1x256x128xf32, #tpu.memory_space<vmem>>, vector<1x256x128xf32>
    %get3A_22 = vector.shape_cast %get3A_21 : vector<1x256x128xf32> to vector<256x128xf32>
    %get3A_23 = arith.constant 0 : index
    %get3A_24 = arith.constant 0 : index
    %get3A_25 = vector.load %arg5[%get3A_23, %get3A_24] : memref<128x128xf32, #tpu.memory_space<vmem>>, vector<128x128xf32>
    %dot_general3A = arith.constant dense<0.000000e+00> : vector<256x128xf32>
    %dot_general3A_26 = tpu.matmul %get3A_22, %get3A_25, %dot_general3A {dimension_numbers = #tpu.dot_dimension_numbers<[1], [0], [0], [1], [0, 0, 1, 1], [], []>, transpose_lhs_hint = false} : vector<256x128xf32>, vector<128x128xf32>, vector<256x128xf32> -> vector<256x128xf32>
    %get3A_27 = arith.constant 0 : index
    %get3A_28 = arith.constant 0 : index
    %get3A_29 = vector.load %arg6[%get3A_27, %get3A_28] : memref<128x128xf32, #tpu.memory_space<vmem>>, vector<128x128xf32>
    %dot_general3A_30 = arith.constant dense<0.000000e+00> : vector<256x128xf32>
    %dot_general3A_31 = tpu.matmul %select_n3A, %get3A_29, %dot_general3A_30 {dimension_numbers = #tpu.dot_dimension_numbers<[1], [0], [0], [1], [0, 0, 1, 1], [], []>, transpose_lhs_hint = false} : vector<256x128xf32>, vector<128x128xf32>, vector<256x128xf32> -> vector<256x128xf32>
    %add3A_32 = arith.addf %dot_general3A_26, %dot_general3A_31 : vector<256x128xf32>
    %get3A_33 = arith.constant 0 : index
    %get3A_34 = arith.constant 0 : index
    %get3A_35 = vector.load %arg7[%get3A_33, %get3A_34] : memref<1x128xf32, #tpu.memory_space<vmem>>, vector<1x128xf32>
    %add3A_36 = vector.broadcast %get3A_35 : vector<1x128xf32> to vector<256x128xf32>
    %add3A_37 = arith.addf %add3A_32, %add3A_36 : vector<256x128xf32>
    %max3A_38 = arith.constant 0.000000e+00 : f32
    %max3A_39 = vector.broadcast %max3A_38 : f32 to vector<256x128xf32>
    %max3A_40 = arith.maximumf %add3A_37, %max3A_39 : vector<256x128xf32>
    %swap3A = arith.constant 0 : index
    %swap3A_41 = arith.constant 0 : index
    %swap3A_42 = arith.constant 0 : index
    %swap3A_43 = vector.load %arg8[%swap3A, %swap3A_41, %swap3A_42] : memref<1x256x128xf32, #tpu.memory_space<vmem>>, vector<1x256x128xf32>
    %swap3A_44 = vector.shape_cast %swap3A_43 : vector<1x256x128xf32> to vector<256x128xf32>
    %swap3A_45 = vector.shape_cast %max3A_40 : vector<256x128xf32> to vector<1x256x128xf32>
    tpu.vector_store %arg8[%swap3A, %swap3A_41, %swap3A_42], %swap3A_45 {strides = array<i32>} : memref<1x256x128xf32, #tpu.memory_space<vmem>>, vector<1x256x128xf32>,
    return
  }
  func.func @transform_0(%arg0: i32) -> (i32, i32, i32) {
    %c0_i32 = arith.constant 0 : i32
    %c0_i32_0 = arith.constant 0 : i32
    %c0_i32_1 = arith.constant 0 : i32
    return %arg0, %c0_i32, %c0_i32_0 : i32, i32, i32
  }
  func.func @transform_1(%arg0: i32) -> (i32, i32, i32) {
    %c0_i32 = arith.constant 0 : i32
    %c0_i32_0 = arith.constant 0 : i32
    %c0_i32_1 = arith.constant 0 : i32
    return %arg0, %c0_i32, %c0_i32_0 : i32, i32, i32
  }
  func.func @transform_2(%arg0: i32) -> (i32, i32, i32) {
    %c0_i32 = arith.constant 0 : i32
    %c0_i32_0 = arith.constant 0 : i32
    %c0_i32_1 = arith.constant 0 : i32
    return %arg0, %c0_i32, %c0_i32_0 : i32, i32, i32
  }
  func.func @transform_3(%arg0: i32) -> (i32, i32, i32) {
    %c0_i32 = arith.constant 0 : i32
    %c0_i32_0 = arith.constant 0 : i32
    %c0_i32_1 = arith.constant 0 : i32
    return %arg0, %c0_i32, %c0_i32_0 : i32, i32, i32
  }
  func.func @transform_4(%arg0: i32) -> (i32, i32) {
    %c0_i32 = arith.constant 0 : i32
    %c0_i32_0 = arith.constant 0 : i32
    %c0_i32_1 = arith.constant 0 : i32
    return %c0_i32, %c0_i32_0 : i32, i32
  }
  func.func @transform_5(%arg0: i32) -> (i32, i32) {
    %c0_i32 = arith.constant 0 : i32
    %c0_i32_0 = arith.constant 0 : i32
    %c0_i32_1 = arith.constant 0 : i32
    return %c0_i32, %c0_i32_0 : i32, i32
  }
  func.func @transform_6(%arg0: i32) -> (i32, i32) {
    %c0_i32 = arith.constant 0 : i32
    %c0_i32_0 = arith.constant 0 : i32
    %c0_i32_1 = arith.constant 0 : i32
    return %c0_i32, %c0_i32_0 : i32, i32
  }
  func.func @transform_7(%arg0: i32) -> (i32, i32, i32) {
    %c0_i32 = arith.constant 0 : i32
    %c0_i32_0 = arith.constant 0 : i32
    %c0_i32_1 = arith.constant 0 : i32
    return %arg0, %c0_i32, %c0_i32_0 : i32, i32, i32
  }
}

</mosaic_0001>

<sc_bundles>
// kernel: kernel.6.cloned.1.call-start
scs
__scs_entry_jumppad:
0x0: {  	(pc) =	sbr.rel $0x88, $3  }
0x1: {  	(tag) =	ssettag $0x0;
	lr =	simm.s32 $0x1  }
0x2: {  	[smem:$0x3F99] =	sst lr;
	_ =	strace $0xD0000000  }
0x3: {  	_ = 	snop  }
0x4: {  	_ = 	snop  }
0x5: {  	_ = 	snop  }
0x6: {  	_ = 	snop  }
0x7: {  	_ = 	snop  }
__scs_overlays_trampoline_lowered:
0x8: {  	[smem:$0x3FA8] =	sst s0  }
0x9: {  	[smem:$0x3FA9] =	sst s1  }
0xa: {  	[smem:$0x3FAA] =	sst s2  }
0xb: {  	[smem:$0x3FAB] =	sst s3  }
0xc: {  	[smem:$0x3FAC] =	sst s4  }
0xd: {  	[smem:$0x3FAD] =	sst s5  }
0xe: {  	[smem:$0x3FAE] =	sst s6  }
0xf: {  	[smem:$0x3FAF] =	sst s7  }
0x10: {  	[smem:$0x3FB0] =	sst s8  }
0x11: {  	[smem:$0x3FB1] =	sst s9;
	s0 =	simm.s32 @!p0 $0x0  }
0x12: {  	s1 =	sld [smem:$0x3F97];
	s0 =	simm.s32 @p0 $0x1  }
0x13: {  	[smem:$0x3FB2] =	sst s0;
	s0 =	simm.s32 @!p1 $0x0  }
0x14: {  	s2 =	sld [smem:$0x3F96];
	s0 =	simm.s32 @p1 $0x1  }
0x15: {  	[smem:$0x3FB3] =	sst s0;
	s0 =	simm.s32 @!p2 $0x0  }
0x16: {  	s3 =	sld [smem:$0x3FDB];
	s0 =	simm.s32 @p2 $0x1  }
0x17: {  	s4 =	simm.s32 $0x1BF5;
	[smem:$0x3FB5] =	sst s0  }
0x18: {  	s0 =	sld [smem:$0x3F98];
	_ =	swait.ge [sflag:s4], $0x0  }
0x19: {  	s7 =	sld [smem:$0x3F99]  }
0x1a: {  	s8 =	sadd.s32 $0xFFFFE003, lr  }
0x1b: {  	s9 =	sadd.s32 $0xFFFFFEF7, lr;
	s5 =	simm.s32 $0xFFFFFFFF;
	p2 =	slt.u32 s8, $0xFFFFF086  }
0x1c: {  	p1 =	slt.u32 s9, $0xF7A;
	s5 =	simm.s32 @!p2 $0x0  }
0x1d: {  	s5 =	simm.s32 @p1 $0x1;
	p0 =	seq.s32 s7, s2  }
0x1e: {  	s7 =	smul.u32 @!p0 $0xF7A, s2;
	p2 =	seq.s32 @!p0 s5, $0x0  }
0x1f: {  	s9 =	smul.u32 $0xF7A, s1;
	s8 =	simm.s32 @!p0 $0x1BF5;
	p2 =	por !p2, p0  }
0x20: {  	[sflag:s8] =	ssyncset.s32 @!p0 $0xFFFFF086;
	s6 =	sadd.s32 @!p0 s3, s7;
	s7 =	simm.s32 @!p0 $0x108  }
0x21: {  	s3 =	sadd.s32 s3, s9;
	s6 =	sadd.s32 @!p0 $0x88, s6;
	s7 =	simm.s32 @p2 $0x1082  }
0x22: {  	[simem:s7], [sflag:s8] =	dma.local @!p0 [hbm:s6], $0xF7A  }
0x23: {  	s9 =	sor.u32 $0xD0000000, s2;
	s6 =	simm.s32 $0x108;
	_ =	swait.ge @!p0 [sflag:s8], $0x0  }
0x24: {  	s3 =	sadd.s32 $0x88, s3;
	s6 =	simm.s32 @!p1 $0x1082;
	[sflag:s4] =	ssyncset.s32 $0xFFFFF086  }
0x25: {  	[simem:s6], [sflag:s4] =	dma.local [hbm:s3], $0xF7A  }
0x26: {  	[smem:$0x3F99] =	sst s1;
	(tag) =	ssettag s2;
	_ =	strace s9  }
0x27: {  	s1 =	sld [smem:$0x3FA9]  }
0x28: {  	s2 =	sld [smem:$0x3FAA]  }
0x29: {  	s4 =	sld [smem:$0x3FAC]  }
0x2a: {  	p0 =	seq.s32 s5, $0x0;
	s5 =	sld [smem:$0x3FAD]  }
0x2b: {  	s6 =	sld [smem:$0x3FAE]  }
0x2c: {  	s7 =	sld [smem:$0x3FAF]  }
0x2d: {  	s3 =	simm.s32 $0x108;
	s8 =	sld [smem:$0x3FB0]  }
0x2e: {  	s3 =	simm.s32 @!p0 $0x1082;
	s9 =	sld [smem:$0x3FB1]  }
0x2f: {  	lr =	sadd.s32 s0, s3;
	s0 =	sld [smem:$0x3FA8]  }
0x30: {  	s3 =	sld [smem:$0x3FAB]  }
0x31: {  	[smem:$0x3FB4] =	sst s10  }
0x32: {  	s10 =	sld [smem:$0x3FB2];
	_ =	sdelay $0x3  }
0x33: {  	p0 =	seq.s32 s10, $0x1;
	s10 =	sld [smem:$0x3FB4];
	_ =	sdelay $0x3  }
0x34: {  	[smem:$0x3FB4] =	sst s10  }
0x35: {  	s10 =	sld [smem:$0x3FB3];
	_ =	sdelay $0x3  }
0x36: {  	p1 =	seq.s32 s10, $0x1;
	s10 =	sld [smem:$0x3FB4];
	_ =	sdelay $0x3  }
0x37: {  	[smem:$0x3FB4] =	sst s10  }
0x38: {  	s10 =	sld [smem:$0x3FB5]  }
0x39: {  	_ = 	snop;
	(pc) =	sbr.ind lr, $3  }
0x3a: {  	_ = 	snop  }
0x3b: {  	_ = 	snop  }
0x3c: {  	p2 =	seq.s32 s10, $0x1;
	s10 =	sld [smem:$0x3FB4]  }
0x3d: {  	_ =	shalt  }
0x3e: {  	_ =	shalt  }
0x3f: {  	_ =	shalt  }
0x40: {  	_ =	shalt  }
0x41: {  	_ =	shalt  }
0x42: {  	_ =	shalt  }
0x43: {  	_ =	shalt  }
0x44: {  	_ =	shalt  }
0x45: {  	_ =	shalt  }
0x46: {  	_ =	shalt  }
0x47: {  	_ =	shalt  }
0x48: {  	_ =	shalt  }
0x49: {  	_ =	shalt  }
0x4a: {  	_ =	shalt  }
0x4b: {  	_ =	shalt  }
0x4c: {  	_ =	shalt  }
0x4d: {  	_ =	shalt  }
0x4e: {  	_ =	shalt  }
0x4f: {  	_ =	shalt  }
0x50: {  	_ =	shalt  }
0x51: {  	_ =	shalt  }
0x52: {  	_ =	shalt  }
0x53: {  	_ =	shalt  }
0x54: {  	_ =	shalt  }
0x55: {  	_ =	shalt  }
0x56: {  	_ =	shalt  }
0x57: {  	_ =	shalt  }
0x58: {  	_ =	shalt  }
0x59: {  	_ =	shalt  }
0x5a: {  	_ =	shalt  }
0x5b: {  	_ =	shalt  }
0x5c: {  	_ =	shalt  }
0x5d: {  	_ =	shalt  }
0x5e: {  	_ =	shalt  }
0x5f: {  	_ =	shalt  }
0x60: {  	_ =	shalt  }
0x61: {  	_ =	shalt  }
0x62: {  	_ =	shalt  }
0x63: {  	_ =	shalt  }
0x64: {  	_ =	shalt  }
0x65: {  	_ =	shalt  }
0x66: {  	_ =	shalt  }
0x67: {  	_ =	shalt  }
0x68: {  	_ =	shalt  }
0x69: {  	_ =	shalt  }
0x6a: {  	_ =	shalt  }
0x6b: {  	_ =	shalt  }
0x6c: {  	_ =	shalt  }
0x6d: {  	_ =	shalt  }
0x6e: {  	_ =	shalt  }
0x6f: {  	_ =	shalt  }
0x70: {  	_ =	shalt  }
0x71: {  	_ =	shalt  }
0x72: {  	_ =	shalt  }
0x73: {  	_ =	shalt  }
0x74: {  	_ =	shalt  }
0x75: {  	_ =	shalt  }
0x76: {  	_ =	shalt  }
0x77: {  	_ =	shalt  }
0x78: {  	_ =	shalt  }
0x79: {  	_ =	shalt  }
0x7a: {  	_ =	shalt  }
0x7b: {  	_ =	shalt  }
0x7c: {  	_ =	shalt  }
0x7d: {  	_ =	shalt  }
0x7e: {  	_ =	shalt  }
0x7f: {  	_ =	shalt  }
0x80: {  	_ =	shalt  }
0x81: {  	_ =	shalt  }
0x82: {  	_ =	shalt  }
0x83: {  	_ =	shalt  }
0x84: {  	_ =	shalt  }
0x85: {  	_ =	shalt  }
0x86: {  	_ =	shalt  }
0x87: {  	_ =	shalt  }
.Lfunc_end0:
.L_simem_size_0:
called_computation_lowered:
.L_overlay_start_0:
0x88: {  	s2 =	sld [smem:$0x3FD9]  }
0x89: {  	s3 =	sld [smem:$0x3FFE];
	_ =	sdelay $0x1  }
0x8a: {  	s1 =	srdreg.scid  }
0x8b: {  	s0 =	sand.u32 $0x1, s1  }
0x8c: {  	s17 =	sshll.u32 s0, $0xA;
	s2 =	sadd.s32 s3, s2  }
0x8d: {  	s2 =	sadd.s32 s2, s17  }
0x8e: {  	[smem:$0x3FC0] =	sst s2  }
0x8f: {  	_ = 	snop  }
0x90: {  	s2 =	sld [smem:$0x3FD0];
	(tm) =	ssettm $0x1  }
0x91: {  	s18 =	sld [smem:$0x3FFB];
	_ =	sdelay $0x3  }
0x92: {  	_ =	strace s18  }
0x93: {  	s3 =	sld [smem:$0x3FFC];
	_ =	sdelay $0x3  }
0x94: {  	_ =	strace s3  }
0x95: {  	s3 =	sld [smem:$0x3FFD];
	_ =	sdelay $0x3  }
0x96: {  	_ =	strace s3  }
0x97: {  	_ =	strace $0x8FFFFFFF  }
0x98: {  	s19 =	sld [smem:$0x3FDB];
	_ =	sdelay $0x1  }
0x99: {  	s4 =	simm.s32 $_scs_section_size  }
0x9a: {  	s5 =	simm.s32 $_size__tile_overlayer_lowered;
	s6 =	simm.s32 $_tile_overlayer_lowered  }
0x9b: {  	s22 =	simm.s32 $0x1BFF;
	s21 =	sshll.u32 s6, $0x1;
	s3 =	sadd.s32 s4, s19  }
0x9c: {  	s7 =	simm.s32 $0x0;
	s20 =	sshll.u32 s5, $0x1;
	s5 =	sadd.s32 s21, s3  }
0x9d: {  	[timem:s7], [sflag:s22] =	dma.local [hbm:s5], s20  }
0x9e: {  	_ =	swait.ge [sflag:s22], s20  }
0x9f: {  	s4 =	ssub.s32 $0x0, s20;
	[sflag:s22] =	ssyncset.done $0x0  }
0xa0: {  	[sflag:s22] =	ssyncadd.s32 s4;
	_ =	sdelay $0x1  }
0xa1: {  	s23 =	simm.s32 $0x1B8B  }
0xa2: {  	_ =	swait.ge [sflag:s23], $0x1  }
0xa3: {  	[sflag:s23] =	ssyncset.done $0x0  }
0xa4: {  	s25 =	simm.s32 $0x1B8E;
	s24 =	sld [smem:$0x3FFE];
	[sflag:s23] =	ssyncadd.s32 $0xFFFFFFFF  }
0xa5: {  	s26 =	simm.s32 $execute0_lowered;
	[smem:$0x3FD2] =	sst s25  }
0xa6: {  	s5 =	sshll.u32 s26, $0x1;
	_ =	strace $0x80000046;
	[dreg:$0x1] =	wrdreg $0xFFFFFFFF  }
0xa7: {  	s28 =	simm.s32 $_size_execute0_lowered;
	s3 =	sadd.s32 s3, s5;
	[dreg:$0x0] =	wrdreg $0x0  }
0xa8: {  	s5 =	sshll.u32 s28, $0x1;
	[dreg:$0x2] =	wrdreg s3  }
0xa9: {  	[dreg:$0x3] =	wrdreg s5  }
0xaa: {  	[dreg:$0x4] =	wrdreg $0xC0  }
0xab: {  	_ =	task [dreg:s7], $0x5FFFF  }
0xac: {  	[dreg:$0x1] =	wrdreg $0xFFFFFFFF  }
0xad: {  	[dreg:$0x0] =	wrdreg $0x60  }
0xae: {  	[dreg:$0x2] =	wrdreg s2  }
0xaf: {  	[dreg:$0x3] =	wrdreg s24  }
0xb0: {  	[dreg:$0x4] =	wrdreg $0x9  }
0xb1: {  	_ =	task.clear_ibuf [dreg:s7], $0x5FFFF;
	_ =	strace $0x90000046  }
0xb2: {  	s29 =	simm.s32 $0x9;
	_ =	strace $0x80000048  }
0xb3: {  	_ =	swait.ge [sflag:s29], $0x1  }
0xb4: {  	[sflag:s29] =	ssyncadd.s32 $0xFFFFFFFF  }
0xb5: {  	_ =	strace $0x90000048  }
0xb6: {  	_ =	sfence  }
0xb7: {  	s30 =	sld [smem:$0x0];
	_ =	sdelay $0x2  }
0xb8: {  	s31 =	sshll.u32 s1, $0xD;
	s1 =	sshrl.u32 s1, $0x2  }
0xb9: {  	s3 =	sand.u32 $0x4000, s31;
	s1 =	sadd.s32 s1, s30  }
0xba: {  	s0 =	sor.u32 s3, s0;
	s1 =	sshll.u32 s1, $0x11  }
0xbb: {  	s0 =	sor.u32 s1, s0  }
0xbc: {  	s0 =	sadd.s32 $0x8F2B, s0  }
0xbd: {  	[sflag:s0] =	ssyncadd.remote.s32 $0x1  }
0xbe: {  	_ =	sfence.sel $0xFFFF  }
0xbf: {  	[dreg:$0x0] =	wrdreg $0xFFFFFFFF;
	(pc) =	sbr.abs _section_cstart, $3  }
0xc0: {  	[dreg:$0x1] =	wrdreg $0xFFFFFFFF  }
0xc1: {  	_ =	task.clear_ibuf [dreg:s7], $0x2FFFF;
	_ =	strace $0x9FFFFFFF  }
0xc2: {  	(tm) =	ssettm $0x7FFFFFFF  }
0xc3: {  	_ =	shalt  }
tec
execute0_lowered:
.L_overlay_start_1:
0x0: {  	(tag) =	ssettag $0x1  }
0x1: {  	s3 =	rddreg [dreg:$0x0]  }
0x2: {  	s4 =	rddreg [dreg:$0x1]  }
0x3: {  	s0 =	rddreg [dreg:$0x2]  }
0x4: {  	s2 =	simm.s32 $0x0;
	s1 =	stileid.u32;
	s6 =	srdreg.scid  }
0x5: {  	[smem:$0x7FF] =	sst s2;
	s5 =	sshrl.u32 s1, $0x2;
	s6 =	sand.u32 $0x1, s6  }
0x6: {  	s8 =	sshll.u32 s1, $0x1;
	_ =	strace $0x80000047;
	s7 =	sshll.u32 s5, $0xD  }
0x7: {  	s9 =	ssub.s32 $0x2, s6;
	s8 =	sand.u32 $0x6, s8;
	s10 =	sshll.u32 s5, $0xA  }
0x8: {  	s5 =	sshll.u32 s5, $0xC;
	s7 =	sadd.s32 s7, s4;
	s6 =	sor.u32 s6, s8  }
0x9: {  	s29 =	sshrl.u32 s9, $0x1;
	s10 =	sadd.s32 s10, s4;
	s3 =	sadd.s32 s3, s5  }
0xa: {  	s8 =	ssub.s32 s9, s29;
	s30 =	sshll.u32 s6, $0x8;
	s6 =	sshll.u32 s6, $0x7  }
0xb: {  	s9 =	simm.s32 $0x8800;
	s4 =	sadd.s32 s30, s7;
	s31 =	sadd.s32 s6, s10  }
0xc: {  	s6 =	smax.u32 s8, $0x1;
	s7 =	simm.s32 $0x1;
	s8 =	simm.s32 $0x8000  }
0xd: {  	s10 =	simm.s32 $0x0;
	s4 =	sadd.s32 $0x2200, s4;
	s5 =	sadd.s32 $0xA200, s31  }
.LBB2_1:
0xe: {  	[tilespmem:s2], [sflag:$0x1] =	stream.linear.gather [hbm4b:s3+s2], $0x8000, $0x38;
	[tilespmem:$0x8C00] =	vst v63  }
0xf: {  	_ =	swait.ge [sflag:s7], $0x8000  }
0x10: {  	[sflag:s7] =	ssyncset.done $0x0  }
0x11: {  	[sflag:s7] =	ssyncadd.s32 $0xFFFF8000  }
0x12: {  	[tilespmem:s8], [sflag:$0x1] =	stream.linear.gather [hbm4b:s4+s2], $0x800, $0x38;
	[tilespmem:$0x8C00] =	vst v63  }
0x13: {  	_ =	swait.ge [sflag:s7], $0x800  }
0x14: {  	[sflag:s7] =	ssyncset.done $0x0  }
0x15: {  	p1 =	por $0x1, $0x1;
	s11 =	simm.s32 $0x0;
	[sflag:s7] =	ssyncadd.s32 $0xFFFFF800  }
.LBB2_2:
0x16: {  	v4 =	vimm.f32 $-Inf;
	v5 =	vimm.f32 $-Inf  }
0x17: {  	v6 =	vimm.f32 $-Inf;
	v7 =	vimm.f32 $-Inf;
	v8 =	vimm.f32 $-Inf  }
0x18: {  	v9 =	vimm.f32 $-Inf;
	v10 =	vimm.f32 $-Inf;
	v11 =	vimm.f32 $-Inf  }
0x19: {  	v12 =	vimm.f32 $-Inf;
	v13 =	vimm.f32 $-Inf;
	v14 =	vimm.f32 $-Inf  }
0x1a: {  	v15 =	vimm.f32 $-Inf;
	v16 =	vimm.f32 $-Inf;
	v17 =	vimm.f32 $-Inf  }
0x1b: {  	v18 =	vimm.f32 $-Inf;
	v19 =	vimm.f32 $-Inf;
	v20 =	vimm.f32 $-Inf  }
0x1c: {  	v21 =	vimm.f32 $-Inf;
	v22 =	vimm.f32 $-Inf;
	v23 =	vimm.f32 $-Inf  }
0x1d: {  	v24 =	vimm.f32 $-Inf;
	v25 =	vimm.f32 $-Inf;
	v26 =	vimm.f32 $-Inf  }
0x1e: {  	s11 =	sshra.s32 s11, $0x2;
	v27 =	vimm.f32 $-Inf;
	v28 =	vimm.f32 $-Inf;
	v29 =	vimm.f32 $-Inf  }
0x1f: {  	v30 =	vimm.f32 $-Inf;
	v31 =	vimm.f32 $-Inf;
	v32 =	vimm.f32 $-Inf;
	p0 =	por p1, p1;
	s13 =	simm.s32 $0x400;
	s12 =	sadd.s32 $0x8000, s11  }
0x20: {  	s14 =	simm.s32 $0x0;
	v33 =	vimm.f32 $-Inf;
	v34 =	vimm.f32 $-Inf;
	v35 =	vimm.f32 $-Inf;
	[dreg:$0x3] =	wrdreg s12;
	s12 =	simm.s32 $0x0  }
.LBB2_3:
0x21: {  	v36 =	vld [tilespmem:s13+$0xFFFFFC00]  }
0x22: {  	s15 =	rddreg [dreg:$0x3];
	s16 =	sand.u32 $0x400, s12;
	v37 =	vld [tilespmem:s13+$0xFFFFFC10]  }
0x23: {  	s17 =	sand.u32 $0x70, s14;
	v38 =	vld [tilespmem:s13+$0xFFFFFC20];
	s15 =	sadd.s32 s16, s15  }
0x24: {  	v39 =	vld [tilespmem:s13+$0xFFFFFC30];
	s15 =	sadd.s32 s17, s15  }
0x25: {  	v3 =	vld [tilespmem:s15+$0x0]  }
0x26: {  	v40 =	vld [tilespmem:s13+$0xFFFFFC40]  }
0x27: {  	v41 =	vld [tilespmem:s13+$0xFFFFFC50]  }
0x28: {  	v42 =	vld [tilespmem:s13+$0xFFFFFC60]  }
0x29: {  	v0 =	vld [tilespmem:s15+$0x80]  }
0x2a: {  	v43 =	vld [tilespmem:s13+$0xFFFFFC70];
	v1 =	vbroadcast v3, $0x0;
	_ =	sdelay $0x1  }
0x2b: {  	v2 =	vadd.f32 v36, v1;
	v44 =	vadd.f32 v37, v1  }
0x2c: {  	v63 =	vadd.f32 v38, v1;
	v48 =	vadd.f32 v39, v1  }
0x2d: {  	v47 =	vbroadcast v0, $0x0;
	v45 =	vadd.f32 v40, v1;
	v46 =	vadd.f32 v41, v1  }
0x2e: {  	v49 =	vadd.f32 v42, v1;
	v1 =	vadd.f32 v43, v1  }
0x2f: {  	v50 =	vadd.f32 v36, v47;
	v51 =	vadd.f32 v37, v47;
	v35 =	vmax.f32 v35, v2;
	v2 =	vld [tilespmem:s15+$0x100]  }
0x30: {  	v52 =	vadd.f32 v38, v47;
	v53 =	vadd.f32 v39, v47  }
0x31: {  	v54 =	vadd.f32 v40, v47;
	v55 =	vadd.f32 v41, v47  }
0x32: {  	v57 =	vadd.f32 v42, v47;
	v47 =	vadd.f32 v43, v47;
	v34 =	vmax.f32 v34, v44  }
0x33: {  	v33 =	vmax.f32 v33, v63;
	v32 =	vmax.f32 v32, v48;
	v28 =	vmax.f32 v28, v1;
	v1 =	vld [tilespmem:s15+$0x180]  }
0x34: {  	v31 =	vmax.f32 v31, v45;
	v30 =	vmax.f32 v30, v46;
	v56 =	vbroadcast v2, $0x0  }
0x35: {  	v29 =	vmax.f32 v29, v49;
	v27 =	vmax.f32 v27, v50;
	v26 =	vmax.f32 v26, v51  }
0x36: {  	v25 =	vmax.f32 v25, v52;
	v58 =	vadd.f32 v36, v56;
	v48 =	vadd.f32 v37, v56  }
0x37: {  	v24 =	vmax.f32 v24, v53;
	v59 =	vadd.f32 v38, v56;
	v60 =	vadd.f32 v39, v56  }
0x38: {  	v62 =	vbroadcast v1, $0x0;
	v61 =	vadd.f32 v40, v56;
	v63 =	vadd.f32 v41, v56  }
0x39: {  	v23 =	vmax.f32 v23, v54;
	v52 =	vadd.f32 v42, v56;
	v53 =	vadd.f32 v43, v56  }
0x3a: {  	v22 =	vmax.f32 v22, v55;
	v36 =	vadd.f32 v62, v36;
	v37 =	vadd.f32 v37, v62  }
0x3b: {  	v21 =	vmax.f32 v21, v57;
	v49 =	vld [tilespmem:s13+$0xFFFFFC80];
	v54 =	vadd.f32 v38, v62;
	v55 =	vadd.f32 v39, v62  }
0x3c: {  	v20 =	vmax.f32 v20, v47;
	v46 =	vld [tilespmem:s13+$0xFFFFFC90];
	v56 =	vadd.f32 v40, v62;
	v57 =	vadd.f32 v41, v62  }
0x3d: {  	v45 =	vld [tilespmem:s13+$0xFFFFFCA0];
	v19 =	vmax.f32 v19, v58;
	v18 =	vmax.f32 v18, v48;
	v17 =	vmax.f32 v17, v59  }
0x3e: {  	v38 =	vld [tilespmem:s13+$0xFFFFFCB0];
	v16 =	vmax.f32 v16, v60;
	v15 =	vmax.f32 v15, v61;
	v14 =	vmax.f32 v14, v63  }
0x3f: {  	v40 =	vld [tilespmem:s13+$0xFFFFFCC0];
	v13 =	vmax.f32 v13, v52;
	v12 =	vmax.f32 v12, v53;
	v11 =	vmax.f32 v11, v36  }
0x40: {  	v41 =	vld [tilespmem:s13+$0xFFFFFCD0];
	v10 =	vmax.f32 v10, v37;
	v9 =	vmax.f32 v9, v54;
	v58 =	vbroadcast v3, $0x1  }
0x41: {  	v39 =	vld [tilespmem:s13+$0xFFFFFCE0];
	v59 =	vadd.f32 v42, v62;
	v60 =	vadd.f32 v43, v62;
	v52 =	vbroadcast v0, $0x1  }
0x42: {  	v8 =	vmax.f32 v8, v55;
	v61 =	vadd.f32 v49, v58;
	v62 =	vadd.f32 v46, v58  }
0x43: {  	v7 =	vmax.f32 v7, v56;
	v63 =	vadd.f32 v45, v58;
	v54 =	vadd.f32 v49, v52  }
0x44: {  	v6 =	vmax.f32 v6, v57;
	v55 =	vadd.f32 v46, v52;
	v56 =	vadd.f32 v45, v52  }
0x45: {  	v5 =	vmax.f32 v5, v59;
	v48 =	vadd.f32 v38, v58;
	v50 =	vadd.f32 v40, v58  }
0x46: {  	v4 =	vmax.f32 v4, v60;
	v51 =	vadd.f32 v41, v58;
	v53 =	vadd.f32 v39, v58  }
0x47: {  	v42 =	vld [tilespmem:s13+$0xFFFFFCF0];
	v59 =	vbroadcast v2, $0x1;
	v57 =	vadd.f32 v38, v52;
	v60 =	vadd.f32 v41, v52  }
0x48: {  	v35 =	vmax.f32 v35, v61;
	v34 =	vmax.f32 v34, v62;
	v33 =	vmax.f32 v33, v63  }
0x49: {  	v27 =	vmax.f32 v27, v54;
	v26 =	vmax.f32 v26, v55;
	v61 =	vadd.f32 v39, v52  }
0x4a: {  	v25 =	vmax.f32 v25, v56;
	v63 =	vadd.f32 v49, v59;
	v47 =	vadd.f32 v46, v59  }
0x4b: {  	v54 =	vadd.f32 v39, v59;
	v32 =	vmax.f32 v32, v48;
	v31 =	vmax.f32 v31, v50  }
0x4c: {  	v44 =	vadd.f32 v42, v58;
	v30 =	vmax.f32 v30, v51;
	v29 =	vmax.f32 v29, v53  }
0x4d: {  	v58 =	vadd.f32 v40, v52;
	v24 =	vmax.f32 v24, v57;
	v62 =	vadd.f32 v42, v52  }
0x4e: {  	v22 =	vmax.f32 v22, v60;
	v48 =	vadd.f32 v45, v59;
	v50 =	vadd.f32 v38, v59  }
0x4f: {  	v51 =	vadd.f32 v40, v59;
	v52 =	vadd.f32 v41, v59;
	v53 =	vbroadcast v1, $0x1  }
0x50: {  	v55 =	vadd.f32 v42, v59;
	v21 =	vmax.f32 v21, v61;
	v19 =	vmax.f32 v19, v63  }
0x51: {  	v43 =	vld [tilespmem:s13+$0xFFFFFD00];
	v18 =	vmax.f32 v18, v47;
	v13 =	vmax.f32 v13, v54;
	v61 =	vbroadcast v3, $0x2  }
0x52: {  	v37 =	vld [tilespmem:s13+$0xFFFFFD70];
	v54 =	vbroadcast v0, $0x2;
	v28 =	vmax.f32 v28, v44;
	v23 =	vmax.f32 v23, v58  }
0x53: {  	v20 =	vmax.f32 v20, v62;
	v17 =	vmax.f32 v17, v48;
	v56 =	vadd.f32 v49, v53;
	v48 =	vld [tilespmem:s13+$0xFFFFFD10]  }
0x54: {  	v16 =	vmax.f32 v16, v50;
	v57 =	vadd.f32 v46, v53;
	v45 =	vadd.f32 v45, v53;
	v46 =	vld [tilespmem:s13+$0xFFFFFD20]  }
0x55: {  	v15 =	vmax.f32 v15, v51;
	v58 =	vadd.f32 v38, v53;
	v38 =	vld [tilespmem:s13+$0xFFFFFD30];
	v59 =	vadd.f32 v40, v53  }
0x56: {  	v14 =	vmax.f32 v14, v52;
	v40 =	vld [tilespmem:s13+$0xFFFFFD40];
	v60 =	vadd.f32 v41, v53;
	v62 =	vadd.f32 v39, v53  }
0x57: {  	v12 =	vmax.f32 v12, v55;
	v41 =	vld [tilespmem:s13+$0xFFFFFD50];
	v63 =	vadd.f32 v42, v53;
	v49 =	vadd.f32 v43, v61  }
0x58: {  	v42 =	vld [tilespmem:s13+$0xFFFFFD60];
	v11 =	vmax.f32 v11, v56;
	v10 =	vmax.f32 v10, v57;
	v9 =	vmax.f32 v9, v45  }
0x59: {  	v8 =	vmax.f32 v8, v58;
	v7 =	vmax.f32 v7, v59;
	v6 =	vmax.f32 v6, v60  }
0x5a: {  	v5 =	vmax.f32 v5, v62;
	v57 =	vadd.f32 v37, v61;
	v58 =	vadd.f32 v43, v54  }
0x5b: {  	v4 =	vmax.f32 v4, v63;
	v50 =	vadd.f32 v48, v61;
	v51 =	vadd.f32 v46, v61  }
0x5c: {  	v35 =	vmax.f32 v35, v49;
	v52 =	vadd.f32 v38, v61;
	v53 =	vadd.f32 v40, v61  }
0x5d: {  	v49 =	vbroadcast v2, $0x2;
	v55 =	vadd.f32 v41, v61;
	v56 =	vadd.f32 v42, v61  }
0x5e: {  	v28 =	vmax.f32 v28, v57;
	v59 =	vadd.f32 v48, v54;
	v60 =	vadd.f32 v46, v54  }
0x5f: {  	v27 =	vmax.f32 v27, v58;
	v61 =	vadd.f32 v38, v54;
	v62 =	vadd.f32 v40, v54  }
0x60: {  	v58 =	vbroadcast v1, $0x2;
	v63 =	vadd.f32 v41, v54;
	v57 =	vadd.f32 v41, v49  }
0x61: {  	v34 =	vmax.f32 v34, v50;
	v33 =	vmax.f32 v33, v51;
	v32 =	vmax.f32 v32, v52  }
0x62: {  	v31 =	vmax.f32 v31, v53;
	v30 =	vmax.f32 v30, v55;
	v50 =	vadd.f32 v42, v54  }
0x63: {  	v29 =	vmax.f32 v29, v56;
	v51 =	vadd.f32 v37, v54;
	v52 =	vadd.f32 v43, v49  }
0x64: {  	v26 =	vmax.f32 v26, v59;
	v53 =	vadd.f32 v48, v49;
	v54 =	vadd.f32 v46, v49  }
0x65: {  	v25 =	vmax.f32 v25, v60;
	v55 =	vadd.f32 v38, v49;
	v56 =	vadd.f32 v40, v49  }
0x66: {  	v24 =	vmax.f32 v24, v61;
	v59 =	vadd.f32 v42, v49;
	v60 =	vadd.f32 v37, v49  }
0x67: {  	v23 =	vmax.f32 v23, v62;
	v61 =	vadd.f32 v43, v58;
	v62 =	vadd.f32 v48, v58  }
0x68: {  	v36 =	vld [tilespmem:s13+$0xFFFFFDF0];
	v22 =	vmax.f32 v22, v63;
	v63 =	vadd.f32 v46, v58;
	v46 =	vadd.f32 v38, v58  }
0x69: {  	v47 =	vld [tilespmem:s13+$0xFFFFFD80];
	v14 =	vmax.f32 v14, v57;
	v49 =	vadd.f32 v40, v58;
	v37 =	vadd.f32 v37, v58  }
0x6a: {  	v39 =	vld [tilespmem:s13+$0xFFFFFDE0];
	v21 =	vmax.f32 v21, v50;
	v20 =	vmax.f32 v20, v51;
	v19 =	vmax.f32 v19, v52  }
0x6b: {  	v45 =	vld [tilespmem:s13+$0xFFFFFDA0];
	v18 =	vmax.f32 v18, v53;
	v17 =	vmax.f32 v17, v54;
	v16 =	vmax.f32 v16, v55  }
0x6c: {  	v48 =	vld [tilespmem:s13+$0xFFFFFD90];
	v15 =	vmax.f32 v15, v56;
	v13 =	vmax.f32 v13, v59;
	v12 =	vmax.f32 v12, v60  }
0x6d: {  	v38 =	vld [tilespmem:s13+$0xFFFFFDB0];
	v11 =	vmax.f32 v11, v61;
	v10 =	vmax.f32 v10, v62;
	v50 =	vbroadcast v3, $0x3  }
0x6e: {  	v40 =	vld [tilespmem:s13+$0xFFFFFDC0];
	v9 =	vmax.f32 v9, v63;
	v8 =	vmax.f32 v8, v46;
	v51 =	vadd.f32 v41, v58  }
0x6f: {  	v52 =	vadd.f32 v42, v58;
	v59 =	vbroadcast v0, $0x3;
	v53 =	vadd.f32 v47, v50  }
0x70: {  	v7 =	vmax.f32 v7, v49;
	v55 =	vadd.f32 v45, v50;
	v60 =	vadd.f32 v39, v50  }
0x71: {  	v4 =	vmax.f32 v4, v37;
	v61 =	vadd.f32 v36, v50;
	v62 =	vadd.f32 v47, v59  }
0x72: {  	v6 =	vmax.f32 v6, v51;
	v49 =	vadd.f32 v45, v59;
	v54 =	vadd.f32 v48, v50  }
0x73: {  	v42 =	vld [tilespmem:s13+$0xFFFFFDD0];
	v5 =	vmax.f32 v5, v52;
	v56 =	vadd.f32 v38, v50;
	v57 =	vadd.f32 v40, v50  }
0x74: {  	v63 =	vadd.f32 v48, v59;
	v51 =	vadd.f32 v40, v59;
	v35 =	vmax.f32 v35, v53  }
0x75: {  	v33 =	vmax.f32 v33, v55;
	v29 =	vmax.f32 v29, v60;
	v28 =	vmax.f32 v28, v61  }
0x76: {  	v27 =	vmax.f32 v27, v62;
	v25 =	vmax.f32 v25, v49;
	v53 =	vbroadcast v2, $0x3  }
0x77: {  	v55 =	vadd.f32 v36, v59;
	v61 =	vbroadcast v1, $0x3;
	v34 =	vmax.f32 v34, v54  }
0x78: {  	v58 =	vadd.f32 v42, v50;
	v32 =	vmax.f32 v32, v56;
	v31 =	vmax.f32 v31, v57  }
0x79: {  	v50 =	vadd.f32 v38, v59;
	v26 =	vmax.f32 v26, v63;
	v52 =	vadd.f32 v42, v59  }
0x7a: {  	v23 =	vmax.f32 v23, v51;
	v54 =	vadd.f32 v39, v59;
	v56 =	vadd.f32 v47, v53  }
0x7b: {  	v51 =	vbroadcast v0, $0x4;
	v57 =	vadd.f32 v48, v53;
	v59 =	vadd.f32 v38, v53  }
0x7c: {  	v20 =	vmax.f32 v20, v55;
	v60 =	vadd.f32 v40, v53;
	v62 =	vadd.f32 v42, v53  }
0x7d: {  	v63 =	vadd.f32 v39, v53;
	v55 =	vadd.f32 v45, v61;
	v30 =	vmax.f32 v30, v58  }
0x7e: {  	v24 =	vmax.f32 v24, v50;
	v22 =	vmax.f32 v22, v52;
	v58 =	vadd.f32 v45, v53  }
0x7f: {  	v21 =	vmax.f32 v21, v54;
	v52 =	vadd.f32 v36, v53;
	v53 =	vadd.f32 v47, v61  }
0x80: {  	v54 =	vadd.f32 v48, v61;
	v36 =	vadd.f32 v36, v61;
	v19 =	vmax.f32 v19, v56  }
0x81: {  	v49 =	vld [tilespmem:s13+$0xFFFFFE00];
	v18 =	vmax.f32 v18, v57;
	v16 =	vmax.f32 v16, v59;
	v15 =	vmax.f32 v15, v60  }
0x82: {  	v46 =	vld [tilespmem:s13+$0xFFFFFE20];
	v14 =	vmax.f32 v14, v62;
	v13 =	vmax.f32 v13, v63;
	v56 =	vadd.f32 v38, v61  }
0x83: {  	v43 =	vld [tilespmem:s13+$0xFFFFFE30];
	v57 =	vadd.f32 v40, v61;
	v9 =	vmax.f32 v9, v55;
	v59 =	vbroadcast v3, $0x4  }
0x84: {  	v60 =	vadd.f32 v39, v61;
	v17 =	vmax.f32 v17, v58;
	v12 =	vmax.f32 v12, v52  }
0x85: {  	v47 =	vld [tilespmem:s13+$0xFFFFFE10];
	v11 =	vmax.f32 v11, v53;
	v10 =	vmax.f32 v10, v54;
	v58 =	vadd.f32 v42, v61  }
0x86: {  	v40 =	vld [tilespmem:s13+$0xFFFFFE40];
	v4 =	vmax.f32 v4, v36;
	v54 =	vadd.f32 v49, v51;
	v8 =	vmax.f32 v8, v56  }
0x87: {  	v38 =	vld [tilespmem:s13+$0xFFFFFE60];
	v7 =	vmax.f32 v7, v57;
	v61 =	vadd.f32 v49, v59;
	v63 =	vadd.f32 v46, v59  }
0x88: {  	v39 =	vld [tilespmem:s13+$0xFFFFFE70];
	v5 =	vmax.f32 v5, v60;
	v41 =	vadd.f32 v43, v59;
	v56 =	vadd.f32 v46, v51  }
0x89: {  	v57 =	vadd.f32 v43, v51;
	v6 =	vmax.f32 v6, v58;
	v27 =	vmax.f32 v27, v54  }
0x8a: {  	v42 =	vld [tilespmem:s13+$0xFFFFFE50];
	v54 =	vbroadcast v1, $0x4;
	v62 =	vadd.f32 v47, v59;
	v35 =	vmax.f32 v35, v61  }
0x8b: {  	v33 =	vmax.f32 v33, v63;
	v32 =	vmax.f32 v32, v41;
	v55 =	vadd.f32 v47, v51  }
0x8c: {  	v25 =	vmax.f32 v25, v56;
	v48 =	vadd.f32 v40, v59;
	v52 =	vadd.f32 v38, v59  }
0x8d: {  	v24 =	vmax.f32 v24, v57;
	v53 =	vadd.f32 v39, v59;
	v58 =	vadd.f32 v40, v51  }
0x8e: {  	v61 =	vadd.f32 v38, v51;
	v57 =	vadd.f32 v49, v54;
	v34 =	vmax.f32 v34, v62  }
0x8f: {  	v50 =	vadd.f32 v42, v59;
	v26 =	vmax.f32 v26, v55;
	v59 =	vbroadcast v2, $0x4  }
0x90: {  	v60 =	vadd.f32 v42, v51;
	v62 =	vadd.f32 v39, v51;
	v31 =	vmax.f32 v31, v48  }
0x91: {  	v29 =	vmax.f32 v29, v52;
	v23 =	vmax.f32 v23, v58;
	v58 =	vadd.f32 v47, v54  }
0x92: {  	v21 =	vmax.f32 v21, v61;
	v61 =	vadd.f32 v42, v54;
	v63 =	vadd.f32 v49, v59  }
0x93: {  	v30 =	vmax.f32 v30, v50;
	v48 =	vadd.f32 v47, v59;
	v50 =	vadd.f32 v46, v59  }
0x94: {  	v28 =	vmax.f32 v28, v53;
	v51 =	vadd.f32 v43, v59;
	v52 =	vadd.f32 v40, v59  }
0x95: {  	v11 =	vmax.f32 v11, v57;
	v53 =	vadd.f32 v42, v59;
	v55 =	vadd.f32 v38, v59  }
0x96: {  	v37 =	vld [tilespmem:s13+$0xFFFFFEF0];
	v22 =	vmax.f32 v22, v60;
	v56 =	vadd.f32 v39, v59;
	v46 =	vadd.f32 v46, v54  }
0x97: {  	v41 =	vld [tilespmem:s13+$0xFFFFFE80];
	v20 =	vmax.f32 v20, v62;
	v59 =	vadd.f32 v43, v54;
	v60 =	vadd.f32 v40, v54  }
0x98: {  	v47 =	vld [tilespmem:s13+$0xFFFFFEA0];
	v62 =	vbroadcast v3, $0x5;
	v49 =	vadd.f32 v39, v54;
	v10 =	vmax.f32 v10, v58  }
0x99: {  	v43 =	vld [tilespmem:s13+$0xFFFFFEB0];
	v6 =	vmax.f32 v6, v61;
	v19 =	vmax.f32 v19, v63;
	v18 =	vmax.f32 v18, v48  }
0x9a: {  	v40 =	vld [tilespmem:s13+$0xFFFFFEC0];
	v17 =	vmax.f32 v17, v50;
	v16 =	vmax.f32 v16, v51;
	v15 =	vmax.f32 v15, v52  }
0x9b: {  	v42 =	vld [tilespmem:s13+$0xFFFFFED0];
	v14 =	vmax.f32 v14, v53;
	v13 =	vmax.f32 v13, v55;
	v12 =	vmax.f32 v12, v56  }
0x9c: {  	v39 =	vld [tilespmem:s13+$0xFFFFFEE0];
	v9 =	vmax.f32 v9, v46;
	v8 =	vmax.f32 v8, v59;
	v55 =	vbroadcast v0, $0x5  }
0x9d: {  	v7 =	vmax.f32 v7, v60;
	v63 =	vadd.f32 v38, v54;
	v50 =	vadd.f32 v41, v62  }
0x9e: {  	v4 =	vmax.f32 v4, v49;
	v58 =	vadd.f32 v37, v62;
	v59 =	vadd.f32 v41, v55  }
0x9f: {  	v48 =	vld [tilespmem:s13+$0xFFFFFE90];
	v5 =	vmax.f32 v5, v63;
	v52 =	vadd.f32 v47, v62;
	v53 =	vadd.f32 v43, v62  }
0xa0: {  	v35 =	vmax.f32 v35, v50;
	v54 =	vadd.f32 v40, v62;
	v56 =	vadd.f32 v42, v62  }
0xa1: {  	v50 =	vbroadcast v2, $0x5;
	v57 =	vadd.f32 v39, v62;
	v61 =	vadd.f32 v47, v55  }
0xa2: {  	v28 =	vmax.f32 v28, v58;
	v63 =	vadd.f32 v40, v55;
	v49 =	vadd.f32 v42, v55  }
0xa3: {  	v27 =	vmax.f32 v27, v59;
	v58 =	vadd.f32 v42, v50;
	v59 =	vbroadcast v1, $0x5  }
0xa4: {  	v51 =	vadd.f32 v48, v62;
	v33 =	vmax.f32 v33, v52;
	v32 =	vmax.f32 v32, v53  }
0xa5: {  	v31 =	vmax.f32 v31, v54;
	v30 =	vmax.f32 v30, v56;
	v60 =	vadd.f32 v48, v55  }
0xa6: {  	v29 =	vmax.f32 v29, v57;
	v62 =	vadd.f32 v43, v55;
	v52 =	vadd.f32 v37, v55  }
0xa7: {  	v25 =	vmax.f32 v25, v61;
	v53 =	vadd.f32 v41, v50;
	v54 =	vadd.f32 v48, v50  }
0xa8: {  	v23 =	vmax.f32 v23, v63;
	v56 =	vadd.f32 v43, v50;
	v57 =	vadd.f32 v40, v50  }
0xa9: {  	v22 =	vmax.f32 v22, v49;
	v61 =	vadd.f32 v37, v50;
	v63 =	vadd.f32 v48, v59  }
0xaa: {  	v14 =	vmax.f32 v14, v58;
	v49 =	vadd.f32 v47, v59;
	v37 =	vadd.f32 v37, v59  }
0xab: {  	v34 =	vmax.f32 v34, v51;
	v26 =	vmax.f32 v26, v60;
	v24 =	vmax.f32 v24, v62  }
0xac: {  	v51 =	vadd.f32 v39, v55;
	v55 =	vadd.f32 v47, v50;
	v20 =	vmax.f32 v20, v52  }
0xad: {  	v45 =	vld [tilespmem:s13+$0xFFFFFF20];
	v19 =	vmax.f32 v19, v53;
	v18 =	vmax.f32 v18, v54;
	v16 =	vmax.f32 v16, v56  }
0xae: {  	v46 =	vld [tilespmem:s13+$0xFFFFFF00];
	v15 =	vmax.f32 v15, v57;
	v60 =	vadd.f32 v39, v50;
	v62 =	vadd.f32 v41, v59  }
0xaf: {  	v36 =	vld [tilespmem:s13+$0xFFFFFF70];
	v12 =	vmax.f32 v12, v61;
	v50 =	vadd.f32 v43, v59;
	v52 =	vbroadcast v3, $0x6  }
0xb0: {  	v38 =	vld [tilespmem:s13+$0xFFFFFF60];
	v53 =	vadd.f32 v42, v59;
	v39 =	vadd.f32 v39, v59;
	v10 =	vmax.f32 v10, v63  }
0xb1: {  	v48 =	vld [tilespmem:s13+$0xFFFFFF10];
	v9 =	vmax.f32 v9, v49;
	v4 =	vmax.f32 v4, v37;
	v21 =	vmax.f32 v21, v51  }
0xb2: {  	v17 =	vmax.f32 v17, v55;
	v13 =	vmax.f32 v13, v60;
	v11 =	vmax.f32 v11, v62  }
0xb3: {  	v51 =	vadd.f32 v40, v59;
	v8 =	vmax.f32 v8, v50;
	v54 =	vadd.f32 v46, v52  }
0xb4: {  	v41 =	vld [tilespmem:s13+$0xFFFFFF30];
	v6 =	vmax.f32 v6, v53;
	v5 =	vmax.f32 v5, v39;
	v56 =	vadd.f32 v45, v52  }
0xb5: {  	v42 =	vld [tilespmem:s13+$0xFFFFFF50];
	v60 =	vbroadcast v0, $0x6;
	v61 =	vadd.f32 v38, v52;
	v62 =	vadd.f32 v36, v52  }
0xb6: {  	v7 =	vmax.f32 v7, v51;
	v55 =	vadd.f32 v48, v52;
	v35 =	vmax.f32 v35, v54  }
0xb7: {  	v33 =	vmax.f32 v33, v56;
	v63 =	vadd.f32 v46, v60;
	v29 =	vmax.f32 v29, v61  }
0xb8: {  	v49 =	vadd.f32 v48, v60;
	v50 =	vadd.f32 v45, v60;
	v28 =	vmax.f32 v28, v62  }
0xb9: {  	v40 =	vld [tilespmem:s13+$0xFFFFFF40];
	v54 =	vbroadcast v2, $0x6;
	v56 =	vadd.f32 v36, v60;
	v57 =	vadd.f32 v41, v52  }
0xba: {  	v62 =	vbroadcast v1, $0x6;
	v59 =	vadd.f32 v42, v52;
	v51 =	vadd.f32 v41, v60  }
0xbb: {  	v53 =	vadd.f32 v42, v60;
	v34 =	vmax.f32 v34, v55;
	v27 =	vmax.f32 v27, v63  }
0xbc: {  	v26 =	vmax.f32 v26, v49;
	v25 =	vmax.f32 v25, v50;
	v55 =	vadd.f32 v38, v60  }
0xbd: {  	v20 =	vmax.f32 v20, v56;
	v63 =	vadd.f32 v42, v54;
	v56 =	vadd.f32 v45, v62  }
0xbe: {  	v50 =	vbroadcast v0, $0x7;
	v58 =	vadd.f32 v40, v52;
	v32 =	vmax.f32 v32, v57  }
0xbf: {  	v43 =	vld [tilespmem:s13+$0xFFFFFFB0];
	v30 =	vmax.f32 v30, v59;
	v52 =	vadd.f32 v40, v60;
	v57 =	vadd.f32 v46, v54  }
0xc0: {  	v24 =	vmax.f32 v24, v51;
	v59 =	vadd.f32 v45, v54;
	v60 =	vadd.f32 v41, v54  }
0xc1: {  	v22 =	vmax.f32 v22, v53;
	v61 =	vadd.f32 v40, v54;
	v53 =	vadd.f32 v36, v54  }
0xc2: {  	v40 =	vadd.f32 v40, v62;
	v36 =	vadd.f32 v36, v62;
	v21 =	vmax.f32 v21, v55  }
0xc3: {  	v14 =	vmax.f32 v14, v63;
	v55 =	vadd.f32 v48, v62;
	v9 =	vmax.f32 v9, v56  }
0xc4: {  	v47 =	vld [tilespmem:s13+$0xFFFFFFA0];
	v56 =	vadd.f32 v43, v50;
	v31 =	vmax.f32 v31, v58;
	v23 =	vmax.f32 v23, v52  }
0xc5: {  	v58 =	vadd.f32 v48, v54;
	v19 =	vmax.f32 v19, v57;
	v17 =	vmax.f32 v17, v59  }
0xc6: {  	v49 =	vld [tilespmem:s13+$0xFFFFFF80];
	v16 =	vmax.f32 v16, v60;
	v52 =	vadd.f32 v38, v54;
	v15 =	vmax.f32 v15, v61  }
0xc7: {  	v54 =	vadd.f32 v46, v62;
	v12 =	vmax.f32 v12, v53;
	v57 =	vadd.f32 v41, v62  }
0xc8: {  	v39 =	vld [tilespmem:s13+$0xFFFFFFF0];
	v59 =	vbroadcast v3, $0x7;
	v7 =	vmax.f32 v7, v40;
	v60 =	vadd.f32 v38, v62  }
0xc9: {  	v4 =	vmax.f32 v4, v36;
	v10 =	vmax.f32 v10, v55;
	v55 =	vadd.f32 v47, v50  }
0xca: {  	v46 =	vld [tilespmem:s13+$0xFFFFFF90];
	v24 =	vmax.f32 v24, v56;
	v18 =	vmax.f32 v18, v58;
	v13 =	vmax.f32 v13, v52  }
0xcb: {  	v41 =	vld [tilespmem:s13+$0xFFFFFFC0];
	v11 =	vmax.f32 v11, v54;
	v58 =	vadd.f32 v42, v62;
	v61 =	vadd.f32 v49, v59  }
0xcc: {  	v38 =	vld [tilespmem:s13+$0xFFFFFFE0];
	v8 =	vmax.f32 v8, v57;
	v63 =	vadd.f32 v47, v59;
	v40 =	vadd.f32 v43, v59  }
0xcd: {  	v5 =	vmax.f32 v5, v60;
	v52 =	vadd.f32 v39, v59;
	v53 =	vadd.f32 v49, v50  }
0xce: {  	v25 =	vmax.f32 v25, v55;
	v6 =	vmax.f32 v6, v58;
	v35 =	vmax.f32 v35, v61  }
0xcf: {  	v33 =	vmax.f32 v33, v63;
	v32 =	vmax.f32 v32, v40;
	v61 =	vadd.f32 v39, v50  }
0xd0: {  	v28 =	vmax.f32 v28, v52;
	v62 =	vadd.f32 v46, v59;
	v44 =	vadd.f32 v41, v59  }
0xd1: {  	v42 =	vld [tilespmem:s13+$0xFFFFFFD0];
	v58 =	vbroadcast v2, $0x7;
	v51 =	vadd.f32 v38, v59;
	v54 =	vadd.f32 v46, v50  }
0xd2: {  	v52 =	vbroadcast v1, $0x7;
	v57 =	vadd.f32 v41, v50;
	v60 =	vadd.f32 v38, v50  }
0xd3: {  	v27 =	vmax.f32 v27, v53;
	v63 =	vadd.f32 v46, v58;
	v45 =	vadd.f32 v47, v58  }
0xd4: {  	v20 =	vmax.f32 v20, v61;
	v53 =	vadd.f32 v38, v58;
	v55 =	vadd.f32 v49, v52  }
0xd5: {  	v56 =	vadd.f32 v46, v52;
	v61 =	vbroadcast v3, $0x8;
	v34 =	vmax.f32 v34, v62  }
0xd6: {  	v48 =	vadd.f32 v42, v59;
	v31 =	vmax.f32 v31, v44;
	v29 =	vmax.f32 v29, v51  }
0xd7: {  	v26 =	vmax.f32 v26, v54;
	v59 =	vadd.f32 v42, v50;
	v62 =	vadd.f32 v49, v58  }
0xd8: {  	v23 =	vmax.f32 v23, v57;
	v50 =	vadd.f32 v41, v58;
	v51 =	vadd.f32 v42, v58  }
0xd9: {  	v21 =	vmax.f32 v21, v60;
	v54 =	vadd.f32 v39, v58;
	v57 =	vadd.f32 v47, v52  }
0xda: {  	v60 =	vadd.f32 v42, v52;
	v18 =	vmax.f32 v18, v63;
	v17 =	vmax.f32 v17, v45  }
0xdb: {  	v40 =	vld [tilespmem:s13+$0x0];
	v13 =	vmax.f32 v13, v53;
	v11 =	vmax.f32 v11, v55;
	v10 =	vmax.f32 v10, v56  }
0xdc: {  	v37 =	vld [tilespmem:s13+$0x70];
	v63 =	vadd.f32 v39, v52;
	v30 =	vmax.f32 v30, v48;
	v22 =	vmax.f32 v22, v59  }
0xdd: {  	v19 =	vmax.f32 v19, v62;
	v48 =	vadd.f32 v43, v58;
	v15 =	vmax.f32 v15, v50  }
0xde: {  	v47 =	vld [tilespmem:s13+$0x20];
	v14 =	vmax.f32 v14, v51;
	v12 =	vmax.f32 v12, v54;
	v58 =	vadd.f32 v43, v52  }
0xdf: {  	v42 =	vld [tilespmem:s13+$0x50];
	v9 =	vmax.f32 v9, v57;
	v59 =	vadd.f32 v41, v52;
	v62 =	vadd.f32 v38, v52  }
0xe0: {  	v39 =	vld [tilespmem:s13+$0x60];
	v6 =	vmax.f32 v6, v60;
	v49 =	vadd.f32 v40, v61;
	v54 =	vbroadcast v0, $0x8  }
0xe1: {  	v43 =	vld [tilespmem:s13+$0x30];
	v57 =	vadd.f32 v37, v61;
	v4 =	vmax.f32 v4, v63;
	v16 =	vmax.f32 v16, v48  }
0xe2: {  	v41 =	vld [tilespmem:s13+$0x40];
	v8 =	vmax.f32 v8, v58;
	v7 =	vmax.f32 v7, v59;
	v5 =	vmax.f32 v5, v62  }
0xe3: {  	v35 =	vmax.f32 v35, v49;
	v58 =	vadd.f32 v40, v54;
	v51 =	vadd.f32 v47, v61  }
0xe4: {  	v49 =	vbroadcast v2, $0x8;
	v55 =	vadd.f32 v42, v61;
	v60 =	vadd.f32 v47, v54  }
0xe5: {  	v28 =	vmax.f32 v28, v57;
	v63 =	vadd.f32 v42, v54;
	v56 =	vadd.f32 v39, v61  }
0xe6: {  	v27 =	vmax.f32 v27, v58;
	v57 =	vadd.f32 v42, v49;
	v58 =	vbroadcast v1, $0x8  }
0xe7: {  	v48 =	vld [tilespmem:s13+$0x10];
	v52 =	vadd.f32 v43, v61;
	v33 =	vmax.f32 v33, v51;
	v53 =	vadd.f32 v41, v61  }
0xe8: {  	v30 =	vmax.f32 v30, v55;
	v62 =	vadd.f32 v41, v54;
	v25 =	vmax.f32 v25, v60  }
0xe9: {  	v22 =	vmax.f32 v22, v63;
	v51 =	vadd.f32 v37, v54;
	v55 =	vadd.f32 v43, v49  }
0xea: {  	v60 =	vadd.f32 v37, v49;
	v29 =	vmax.f32 v29, v56;
	v56 =	vadd.f32 v41, v49  }
0xeb: {  	v14 =	vmax.f32 v14, v57;
	v63 =	vadd.f32 v47, v58;
	v37 =	vadd.f32 v37, v58  }
0xec: {  	v50 =	vadd.f32 v48, v61;
	v32 =	vmax.f32 v32, v52;
	v31 =	vmax.f32 v31, v53  }
0xed: {  	v59 =	vadd.f32 v48, v54;
	v61 =	vadd.f32 v43, v54;
	v23 =	vmax.f32 v23, v62  }
0xee: {  	v52 =	vadd.f32 v40, v49;
	v53 =	vadd.f32 v48, v49;
	v20 =	vmax.f32 v20, v51  }
0xef: {  	v46 =	vld [tilespmem:s13+$0x80];
	v16 =	vmax.f32 v16, v55;
	v62 =	vadd.f32 v48, v58;
	v12 =	vmax.f32 v12, v60  }
0xf0: {  	v45 =	vld [tilespmem:s13+$0xA0];
	v51 =	vbroadcast v3, $0x9;
	v15 =	vmax.f32 v15, v56;
	v9 =	vmax.f32 v9, v63  }
0xf1: {  	v38 =	vld [tilespmem:s13+$0xE0];
	v4 =	vmax.f32 v4, v37;
	v34 =	vmax.f32 v34, v50;
	v26 =	vmax.f32 v26, v59  }
0xf2: {  	v24 =	vmax.f32 v24, v61;
	v50 =	vadd.f32 v39, v54;
	v54 =	vadd.f32 v47, v49  }
0xf3: {  	v19 =	vmax.f32 v19, v52;
	v59 =	vadd.f32 v39, v49;
	v61 =	vadd.f32 v40, v58  }
0xf4: {  	v18 =	vmax.f32 v18, v53;
	v49 =	vadd.f32 v43, v58;
	v52 =	vadd.f32 v42, v58  }
0xf5: {  	v36 =	vld [tilespmem:s13+$0xF0];
	v10 =	vmax.f32 v10, v62;
	v39 =	vadd.f32 v39, v58;
	v53 =	vadd.f32 v46, v51  }
0xf6: {  	v48 =	vld [tilespmem:s13+$0x90];
	v55 =	vadd.f32 v45, v51;
	v60 =	vadd.f32 v38, v51;
	v21 =	vmax.f32 v21, v50  }
0xf7: {  	v17 =	vmax.f32 v17, v54;
	v13 =	vmax.f32 v13, v59;
	v11 =	vmax.f32 v11, v61  }
0xf8: {  	v40 =	vld [tilespmem:s13+$0xB0];
	v50 =	vadd.f32 v41, v58;
	v8 =	vmax.f32 v8, v49;
	v6 =	vmax.f32 v6, v52  }
0xf9: {  	v42 =	vld [tilespmem:s13+$0xD0];
	v5 =	vmax.f32 v5, v39;
	v35 =	vmax.f32 v35, v53;
	v59 =	vbroadcast v0, $0x9  }
0xfa: {  	v33 =	vmax.f32 v33, v55;
	v61 =	vadd.f32 v36, v51;
	v29 =	vmax.f32 v29, v60  }
0xfb: {  	v53 =	vbroadcast v2, $0x9;
	v54 =	vadd.f32 v48, v51;
	v62 =	vadd.f32 v46, v59  }
0xfc: {  	v7 =	vmax.f32 v7, v50;
	v63 =	vadd.f32 v48, v59;
	v49 =	vadd.f32 v45, v59  }
0xfd: {  	v41 =	vld [tilespmem:s13+$0xC0];
	v28 =	vmax.f32 v28, v61;
	v55 =	vadd.f32 v36, v59;
	v56 =	vadd.f32 v40, v51  }
0xfe: {  	v61 =	vbroadcast v1, $0x9;
	v58 =	vadd.f32 v42, v51;
	v50 =	vadd.f32 v40, v59  }
0xff: {  	v34 =	vmax.f32 v34, v54;
	v52 =	vadd.f32 v42, v59;
	v54 =	vadd.f32 v38, v59  }
0x100: {  	v27 =	vmax.f32 v27, v62;
	v26 =	vmax.f32 v26, v63;
	v25 =	vmax.f32 v25, v49  }
0x101: {  	v20 =	vmax.f32 v20, v55;
	v62 =	vadd.f32 v42, v53;
	v63 =	vadd.f32 v38, v53  }
0x102: {  	v55 =	vadd.f32 v45, v61;
	v57 =	vadd.f32 v41, v51;
	v32 =	vmax.f32 v32, v56  }
0x103: {  	v30 =	vmax.f32 v30, v58;
	v51 =	vadd.f32 v41, v59;
	v56 =	vadd.f32 v46, v53  }
0x104: {  	v24 =	vmax.f32 v24, v50;
	v58 =	vadd.f32 v45, v53;
	v59 =	vadd.f32 v40, v53  }
0x105: {  	v22 =	vmax.f32 v22, v52;
	v60 =	vadd.f32 v41, v53;
	v52 =	vadd.f32 v36, v53  }
0x106: {  	v21 =	vmax.f32 v21, v54;
	v54 =	vadd.f32 v48, v61;
	v36 =	vadd.f32 v36, v61  }
0x107: {  	v14 =	vmax.f32 v14, v62;
	v13 =	vmax.f32 v13, v63;
	v9 =	vmax.f32 v9, v55  }
0x108: {  	v47 =	vld [tilespmem:s13+$0x120];
	v31 =	vmax.f32 v31, v57;
	v23 =	vmax.f32 v23, v51;
	v57 =	vadd.f32 v48, v53  }
0x109: {  	v49 =	vld [tilespmem:s13+$0x100];
	v19 =	vmax.f32 v19, v56;
	v17 =	vmax.f32 v17, v58;
	v16 =	vmax.f32 v16, v59  }
0x10a: {  	v43 =	vld [tilespmem:s13+$0x130];
	v15 =	vmax.f32 v15, v60;
	v53 =	vadd.f32 v46, v61;
	v12 =	vmax.f32 v12, v52  }
0x10b: {  	v39 =	vld [tilespmem:s13+$0x170];
	v10 =	vmax.f32 v10, v54;
	v56 =	vadd.f32 v40, v61;
	v58 =	vadd.f32 v42, v61  }
0x10c: {  	v59 =	vbroadcast v3, $0xA;
	v60 =	vadd.f32 v38, v61;
	v4 =	vmax.f32 v4, v36  }
0x10d: {  	v46 =	vld [tilespmem:s13+$0x110];
	v51 =	vbroadcast v0, $0xA;
	v18 =	vmax.f32 v18, v57;
	v11 =	vmax.f32 v11, v53  }
0x10e: {  	v42 =	vld [tilespmem:s13+$0x150];
	v57 =	vadd.f32 v41, v61;
	v8 =	vmax.f32 v8, v56;
	v61 =	vadd.f32 v49, v59  }
0x10f: {  	v38 =	vld [tilespmem:s13+$0x160];
	v6 =	vmax.f32 v6, v58;
	v63 =	vadd.f32 v47, v59;
	v40 =	vadd.f32 v43, v59  }
0x110: {  	v5 =	vmax.f32 v5, v60;
	v53 =	vadd.f32 v39, v59;
	v54 =	vadd.f32 v49, v51  }
0x111: {  	v56 =	vadd.f32 v47, v51;
	v7 =	vmax.f32 v7, v57;
	v35 =	vmax.f32 v35, v61  }
0x112: {  	v41 =	vld [tilespmem:s13+$0x140];
	v33 =	vmax.f32 v33, v63;
	v32 =	vmax.f32 v32, v40;
	v28 =	vmax.f32 v28, v53  }
0x113: {  	v27 =	vmax.f32 v27, v54;
	v57 =	vadd.f32 v43, v51;
	v62 =	vadd.f32 v46, v59  }
0x114: {  	v53 =	vbroadcast v1, $0xA;
	v50 =	vadd.f32 v42, v59;
	v52 =	vadd.f32 v38, v59  }
0x115: {  	v25 =	vmax.f32 v25, v56;
	v55 =	vadd.f32 v46, v51;
	v60 =	vadd.f32 v42, v51  }
0x116: {  	v61 =	vadd.f32 v38, v51;
	v24 =	vmax.f32 v24, v57;
	v56 =	vadd.f32 v49, v53  }
0x117: {  	v57 =	vadd.f32 v46, v53;
	v34 =	vmax.f32 v34, v62;
	v48 =	vadd.f32 v41, v59  }
0x118: {  	v30 =	vmax.f32 v30, v50;
	v29 =	vmax.f32 v29, v52;
	v26 =	vmax.f32 v26, v55  }
0x119: {  	v58 =	vadd.f32 v41, v51;
	v59 =	vbroadcast v2, $0xA;
	v62 =	vadd.f32 v39, v51  }
0x11a: {  	v22 =	vmax.f32 v22, v60;
	v21 =	vmax.f32 v21, v61;
	v60 =	vadd.f32 v41, v53  }
0x11b: {  	v61 =	vadd.f32 v42, v53;
	v11 =	vmax.f32 v11, v56;
	v63 =	vadd.f32 v49, v59  }
0x11c: {  	v31 =	vmax.f32 v31, v48;
	v45 =	vadd.f32 v46, v59;
	v48 =	vadd.f32 v47, v59  }
0x11d: {  	v10 =	vmax.f32 v10, v57;
	v50 =	vadd.f32 v43, v59;
	v51 =	vadd.f32 v41, v59  }
0x11e: {  	v37 =	vld [tilespmem:s13+$0x1F0];
	v23 =	vmax.f32 v23, v58;
	v52 =	vadd.f32 v42, v59;
	v54 =	vadd.f32 v38, v59  }
0x11f: {  	v40 =	vld [tilespmem:s13+$0x180];
	v20 =	vmax.f32 v20, v62;
	v55 =	vadd.f32 v39, v59;
	v58 =	vadd.f32 v47, v53  }
0x120: {  	v47 =	vld [tilespmem:s13+$0x1A0];
	v59 =	vadd.f32 v43, v53;
	v62 =	vbroadcast v3, $0xB;
	v7 =	vmax.f32 v7, v60  }
0x121: {  	v43 =	vld [tilespmem:s13+$0x1B0];
	v49 =	vadd.f32 v39, v53;
	v6 =	vmax.f32 v6, v61;
	v19 =	vmax.f32 v19, v63  }
0x122: {  	v41 =	vld [tilespmem:s13+$0x1C0];
	v18 =	vmax.f32 v18, v45;
	v17 =	vmax.f32 v17, v48;
	v16 =	vmax.f32 v16, v50  }
0x123: {  	v42 =	vld [tilespmem:s13+$0x1D0];
	v15 =	vmax.f32 v15, v51;
	v14 =	vmax.f32 v14, v52;
	v13 =	vmax.f32 v13, v54  }
0x124: {  	v39 =	vld [tilespmem:s13+$0x1E0];
	v12 =	vmax.f32 v12, v55;
	v9 =	vmax.f32 v9, v58;
	v55 =	vbroadcast v0, $0xB  }
0x125: {  	v8 =	vmax.f32 v8, v59;
	v63 =	vadd.f32 v38, v53;
	v50 =	vadd.f32 v40, v62  }
0x126: {  	v4 =	vmax.f32 v4, v49;
	v58 =	vadd.f32 v37, v62;
	v59 =	vadd.f32 v40, v55  }
0x127: {  	v48 =	vld [tilespmem:s13+$0x190];
	v5 =	vmax.f32 v5, v63;
	v52 =	vadd.f32 v47, v62;
	v53 =	vadd.f32 v43, v62  }
0x128: {  	v35 =	vmax.f32 v35, v50;
	v54 =	vadd.f32 v41, v62;
	v56 =	vadd.f32 v42, v62  }
0x129: {  	v50 =	vbroadcast v2, $0xB;
	v57 =	vadd.f32 v39, v62;
	v61 =	vadd.f32 v47, v55  }
0x12a: {  	v28 =	vmax.f32 v28, v58;
	v63 =	vadd.f32 v41, v55;
	v49 =	vadd.f32 v42, v55  }
0x12b: {  	v27 =	vmax.f32 v27, v59;
	v58 =	vadd.f32 v42, v50;
	v59 =	vbroadcast v1, $0xB  }
0x12c: {  	v51 =	vadd.f32 v48, v62;
	v33 =	vmax.f32 v33, v52;
	v32 =	vmax.f32 v32, v53  }
0x12d: {  	v31 =	vmax.f32 v31, v54;
	v30 =	vmax.f32 v30, v56;
	v29 =	vmax.f32 v29, v57  }
0x12e: {  	v60 =	vadd.f32 v48, v55;
	v62 =	vadd.f32 v43, v55;
	v25 =	vmax.f32 v25, v61  }
0x12f: {  	v23 =	vmax.f32 v23, v63;
	v52 =	vadd.f32 v37, v55;
	v53 =	vadd.f32 v40, v50  }
0x130: {  	v22 =	vmax.f32 v22, v49;
	v54 =	vadd.f32 v48, v50;
	v56 =	vadd.f32 v43, v50  }
0x131: {  	v57 =	vadd.f32 v41, v50;
	v61 =	vadd.f32 v37, v50;
	v14 =	vmax.f32 v14, v58  }
0x132: {  	v63 =	vadd.f32 v48, v59;
	v37 =	vadd.f32 v37, v59;
	v34 =	vmax.f32 v34, v51  }
0x133: {  	v26 =	vmax.f32 v26, v60;
	v24 =	vmax.f32 v24, v62;
	v51 =	vadd.f32 v39, v55  }
0x134: {  	v55 =	vadd.f32 v47, v50;
	v20 =	vmax.f32 v20, v52;
	v19 =	vmax.f32 v19, v53  }
0x135: {  	v36 =	vld [tilespmem:s13+$0x270];
	v18 =	vmax.f32 v18, v54;
	v16 =	vmax.f32 v16, v56;
	v15 =	vmax.f32 v15, v57  }
0x136: {  	v46 =	vld [tilespmem:s13+$0x200];
	v60 =	vadd.f32 v39, v50;
	v62 =	vadd.f32 v40, v59;
	v12 =	vmax.f32 v12, v61  }
0x137: {  	v45 =	vld [tilespmem:s13+$0x220];
	v50 =	vadd.f32 v47, v59;
	v52 =	vadd.f32 v41, v59;
	v53 =	vbroadcast v3, $0xC  }
0x138: {  	v38 =	vld [tilespmem:s13+$0x260];
	v54 =	vadd.f32 v42, v59;
	v39 =	vadd.f32 v39, v59;
	v61 =	vbroadcast v0, $0xC  }
0x139: {  	v48 =	vld [tilespmem:s13+$0x210];
	v10 =	vmax.f32 v10, v63;
	v4 =	vmax.f32 v4, v37;
	v21 =	vmax.f32 v21, v51  }
0x13a: {  	v17 =	vmax.f32 v17, v55;
	v13 =	vmax.f32 v13, v60;
	v11 =	vmax.f32 v11, v62  }
0x13b: {  	v40 =	vld [tilespmem:s13+$0x230];
	v51 =	vadd.f32 v43, v59;
	v9 =	vmax.f32 v9, v50;
	v7 =	vmax.f32 v7, v52  }
0x13c: {  	v41 =	vld [tilespmem:s13+$0x240];
	v55 =	vadd.f32 v46, v53;
	v6 =	vmax.f32 v6, v54;
	v57 =	vadd.f32 v45, v53  }
0x13d: {  	v42 =	vld [tilespmem:s13+$0x250];
	v5 =	vmax.f32 v5, v39;
	v62 =	vadd.f32 v38, v53;
	v63 =	vadd.f32 v36, v53  }
0x13e: {  	v49 =	vadd.f32 v46, v61;
	v8 =	vmax.f32 v8, v51;
	v56 =	vadd.f32 v48, v53  }
0x13f: {  	v35 =	vmax.f32 v35, v55;
	v33 =	vmax.f32 v33, v57;
	v29 =	vmax.f32 v29, v62  }
0x140: {  	v50 =	vadd.f32 v48, v61;
	v51 =	vadd.f32 v45, v61;
	v28 =	vmax.f32 v28, v63  }
0x141: {  	v27 =	vmax.f32 v27, v49;
	v57 =	vadd.f32 v36, v61;
	v58 =	vadd.f32 v40, v53  }
0x142: {  	v55 =	vbroadcast v2, $0xC;
	v59 =	vadd.f32 v41, v53;
	v60 =	vadd.f32 v42, v53  }
0x143: {  	v63 =	vbroadcast v1, $0xC;
	v52 =	vadd.f32 v40, v61;
	v53 =	vadd.f32 v41, v61  }
0x144: {  	v54 =	vadd.f32 v42, v61;
	v34 =	vmax.f32 v34, v56;
	v26 =	vmax.f32 v26, v50  }
0x145: {  	v25 =	vmax.f32 v25, v51;
	v56 =	vadd.f32 v38, v61;
	v61 =	vadd.f32 v40, v55  }
0x146: {  	v20 =	vmax.f32 v20, v57;
	v62 =	vadd.f32 v41, v55;
	v57 =	vadd.f32 v45, v63  }
0x147: {  	v32 =	vmax.f32 v32, v58;
	v31 =	vmax.f32 v31, v59;
	v30 =	vmax.f32 v30, v60  }
0x148: {  	v24 =	vmax.f32 v24, v52;
	v58 =	vadd.f32 v46, v55;
	v59 =	vadd.f32 v48, v55  }
0x149: {  	v23 =	vmax.f32 v23, v53;
	v60 =	vadd.f32 v45, v55;
	v52 =	vadd.f32 v42, v55  }
0x14a: {  	v22 =	vmax.f32 v22, v54;
	v53 =	vadd.f32 v38, v55;
	v54 =	vadd.f32 v36, v55  }
0x14b: {  	v47 =	vld [tilespmem:s13+$0x2A0];
	v55 =	vadd.f32 v46, v63;
	v36 =	vadd.f32 v36, v63;
	v21 =	vmax.f32 v21, v56  }
0x14c: {  	v43 =	vld [tilespmem:s13+$0x2B0];
	v16 =	vmax.f32 v16, v61;
	v15 =	vmax.f32 v15, v62;
	v56 =	vadd.f32 v48, v63  }
0x14d: {  	v49 =	vld [tilespmem:s13+$0x280];
	v9 =	vmax.f32 v9, v57;
	v61 =	vbroadcast v3, $0xD;
	v62 =	vadd.f32 v38, v63  }
0x14e: {  	v39 =	vld [tilespmem:s13+$0x2F0];
	v19 =	vmax.f32 v19, v58;
	v18 =	vmax.f32 v18, v59;
	v17 =	vmax.f32 v17, v60  }
0x14f: {  	v14 =	vmax.f32 v14, v52;
	v13 =	vmax.f32 v13, v53;
	v12 =	vmax.f32 v12, v54  }
0x150: {  	v11 =	vmax.f32 v11, v55;
	v58 =	vadd.f32 v40, v63;
	v59 =	vadd.f32 v41, v63  }
0x151: {  	v46 =	vld [tilespmem:s13+$0x290];
	v60 =	vadd.f32 v42, v63;
	v4 =	vmax.f32 v4, v36;
	v54 =	vbroadcast v0, $0xD  }
0x152: {  	v10 =	vmax.f32 v10, v56;
	v63 =	vadd.f32 v49, v61;
	v50 =	vadd.f32 v47, v61  }
0x153: {  	v5 =	vmax.f32 v5, v62;
	v51 =	vadd.f32 v43, v61;
	v56 =	vadd.f32 v39, v61  }
0x154: {  	v38 =	vld [tilespmem:s13+$0x2E0];
	v62 =	vbroadcast v2, $0xD;
	v8 =	vmax.f32 v8, v58;
	v7 =	vmax.f32 v7, v59  }
0x155: {  	v41 =	vld [tilespmem:s13+$0x2C0];
	v6 =	vmax.f32 v6, v60;
	v57 =	vadd.f32 v49, v54;
	v59 =	vadd.f32 v47, v54  }
0x156: {  	v42 =	vld [tilespmem:s13+$0x2D0];
	v60 =	vadd.f32 v43, v54;
	v48 =	vadd.f32 v46, v61;
	v35 =	vmax.f32 v35, v63  }
0x157: {  	v33 =	vmax.f32 v33, v50;
	v32 =	vmax.f32 v32, v51;
	v58 =	vadd.f32 v46, v54  }
0x158: {  	v28 =	vmax.f32 v28, v56;
	v50 =	vadd.f32 v39, v54;
	v51 =	vadd.f32 v49, v62  }
0x159: {  	v55 =	vadd.f32 v38, v61;
	v27 =	vmax.f32 v27, v57;
	v25 =	vmax.f32 v25, v59  }
0x15a: {  	v24 =	vmax.f32 v24, v60;
	v57 =	vbroadcast v1, $0xD;
	v59 =	vadd.f32 v39, v62  }
0x15b: {  	v34 =	vmax.f32 v34, v48;
	v52 =	vadd.f32 v41, v61;
	v53 =	vadd.f32 v42, v61  }
0x15c: {  	v26 =	vmax.f32 v26, v58;
	v61 =	vadd.f32 v41, v54;
	v63 =	vadd.f32 v42, v54  }
0x15d: {  	v48 =	vadd.f32 v38, v54;
	v20 =	vmax.f32 v20, v50;
	v54 =	vadd.f32 v43, v62  }
0x15e: {  	v19 =	vmax.f32 v19, v51;
	v56 =	vadd.f32 v42, v62;
	v58 =	vadd.f32 v38, v62  }
0x15f: {  	v51 =	vbroadcast v3, $0xE;
	v3 =	vbroadcast v3, $0xF;
	v29 =	vmax.f32 v29, v55  }
0x160: {  	v55 =	vadd.f32 v41, v62;
	v60 =	vadd.f32 v49, v57;
	v12 =	vmax.f32 v12, v59  }
0x161: {  	v40 =	vld [tilespmem:s13+$0x300];
	v49 =	vadd.f32 v41, v57;
	v50 =	vadd.f32 v42, v57;
	v59 =	vbroadcast v0, $0xE  }
0x162: {  	v0 =	vbroadcast v0, $0xF;
	v31 =	vmax.f32 v31, v52;
	v30 =	vmax.f32 v30, v53  }
0x163: {  	v23 =	vmax.f32 v23, v61;
	v22 =	vmax.f32 v22, v63;
	v21 =	vmax.f32 v21, v48  }
0x164: {  	v52 =	vadd.f32 v46, v62;
	v53 =	vadd.f32 v47, v62;
	v16 =	vmax.f32 v16, v54  }
0x165: {  	v37 =	vld [tilespmem:s13+$0x370];
	v14 =	vmax.f32 v14, v56;
	v61 =	vadd.f32 v46, v57;
	v62 =	vadd.f32 v47, v57  }
0x166: {  	v41 =	vld [tilespmem:s13+$0x340];
	v13 =	vmax.f32 v13, v58;
	v63 =	vadd.f32 v43, v57;
	v54 =	vadd.f32 v40, v51  }
0x167: {  	v42 =	vld [tilespmem:s13+$0x350];
	v15 =	vmax.f32 v15, v55;
	v11 =	vmax.f32 v11, v60;
	v7 =	vmax.f32 v7, v49  }
0x168: {  	v48 =	vld [tilespmem:s13+$0x310];
	v6 =	vmax.f32 v6, v50;
	v18 =	vmax.f32 v18, v52;
	v17 =	vmax.f32 v17, v53  }
0x169: {  	v47 =	vld [tilespmem:s13+$0x320];
	v10 =	vmax.f32 v10, v61;
	v9 =	vmax.f32 v9, v62;
	v52 =	vadd.f32 v38, v57  }
0x16a: {  	v43 =	vld [tilespmem:s13+$0x330];
	v8 =	vmax.f32 v8, v63;
	v53 =	vadd.f32 v39, v57;
	v35 =	vmax.f32 v35, v54  }
0x16b: {  	v62 =	vadd.f32 v37, v51;
	v63 =	vadd.f32 v40, v59;
	v5 =	vmax.f32 v5, v52  }
0x16c: {  	v4 =	vmax.f32 v4, v53;
	v58 =	vadd.f32 v41, v51;
	v60 =	vadd.f32 v42, v51  }
0x16d: {  	v28 =	vmax.f32 v28, v62;
	v27 =	vmax.f32 v27, v63;
	v52 =	vadd.f32 v42, v59  }
0x16e: {  	v53 =	vbroadcast v2, $0xE;
	v62 =	vbroadcast v1, $0xE;
	v55 =	vadd.f32 v48, v51  }
0x16f: {  	v39 =	vld [tilespmem:s13+$0x360];
	v2 =	vbroadcast v2, $0xF;
	v56 =	vadd.f32 v47, v51;
	v57 =	vadd.f32 v43, v51  }
0x170: {  	v1 =	vbroadcast v1, $0xF;
	v46 =	vadd.f32 v48, v59;
	v49 =	vadd.f32 v47, v59  }
0x171: {  	v50 =	vadd.f32 v43, v59;
	v31 =	vmax.f32 v31, v58;
	v30 =	vmax.f32 v30, v60  }
0x172: {  	v22 =	vmax.f32 v22, v52;
	v58 =	vadd.f32 v47, v53;
	v60 =	vadd.f32 v41, v53  }
0x173: {  	v52 =	vadd.f32 v37, v53;
	v34 =	vmax.f32 v34, v55;
	v33 =	vmax.f32 v33, v56  }
0x174: {  	v32 =	vmax.f32 v32, v57;
	v61 =	vadd.f32 v39, v51;
	v51 =	vadd.f32 v41, v59  }
0x175: {  	v26 =	vmax.f32 v26, v46;
	v54 =	vadd.f32 v39, v59;
	v55 =	vadd.f32 v37, v59  }
0x176: {  	v25 =	vmax.f32 v25, v49;
	v56 =	vadd.f32 v40, v53;
	v57 =	vadd.f32 v48, v53  }
0x177: {  	v24 =	vmax.f32 v24, v50;
	v59 =	vadd.f32 v43, v53;
	v63 =	vadd.f32 v39, v53  }
0x178: {  	v39 =	vadd.f32 v39, v62;
	v37 =	vadd.f32 v37, v62;
	v17 =	vmax.f32 v17, v58  }
0x179: {  	v45 =	vld [tilespmem:s13+$0x3A0];
	v15 =	vmax.f32 v15, v60;
	v12 =	vmax.f32 v12, v52;
	v58 =	vadd.f32 v42, v62  }
0x17a: {  	v38 =	vld [tilespmem:s13+$0x3E0];
	v29 =	vmax.f32 v29, v61;
	v23 =	vmax.f32 v23, v51;
	v21 =	vmax.f32 v21, v54  }
0x17b: {  	v36 =	vld [tilespmem:s13+$0x3F0];
	v20 =	vmax.f32 v20, v55;
	v19 =	vmax.f32 v19, v56;
	v18 =	vmax.f32 v18, v57  }
0x17c: {  	v16 =	vmax.f32 v16, v59;
	v61 =	vadd.f32 v42, v53;
	v53 =	vadd.f32 v40, v62  }
0x17d: {  	v46 =	vld [tilespmem:s13+$0x380];
	v54 =	vadd.f32 v48, v62;
	v13 =	vmax.f32 v13, v63;
	v55 =	vadd.f32 v47, v62  }
0x17e: {  	v48 =	vld [tilespmem:s13+$0x390];
	v56 =	vadd.f32 v43, v62;
	v57 =	vadd.f32 v41, v62;
	v5 =	vmax.f32 v5, v39  }
0x17f: {  	v40 =	vld [tilespmem:s13+$0x3B0];
	v4 =	vmax.f32 v4, v37;
	v47 =	vadd.f32 v38, v3;
	v51 =	vadd.f32 v45, v0  }
0x180: {  	v41 =	vld [tilespmem:s13+$0x3C0];
	v6 =	vmax.f32 v6, v58;
	v58 =	vadd.f32 v36, v2;
	v14 =	vmax.f32 v14, v61  }
0x181: {  	v42 =	vld [tilespmem:s13+$0x3D0];
	v11 =	vmax.f32 v11, v53;
	v10 =	vmax.f32 v10, v54;
	v9 =	vmax.f32 v9, v55  }
0x182: {  	v8 =	vmax.f32 v8, v56;
	v61 =	vadd.f32 v45, v3;
	v53 =	vadd.f32 v38, v0  }
0x183: {  	v7 =	vmax.f32 v7, v57;
	v55 =	vadd.f32 v45, v2;
	v59 =	vadd.f32 v46, v3  }
0x184: {  	v29 =	vmax.f32 v29, v47;
	v49 =	vadd.f32 v46, v0;
	v60 =	vadd.f32 v48, v3  }
0x185: {  	v25 =	vmax.f32 v25, v51;
	v62 =	vadd.f32 v40, v3;
	v63 =	vadd.f32 v41, v3  }
0x186: {  	v12 =	vmax.f32 v12, v58;
	v44 =	vadd.f32 v42, v3;
	v3 =	vadd.f32 v36, v3  }
0x187: {  	v33 =	vmax.f32 v33, v61;
	v21 =	vmax.f32 v21, v53;
	v17 =	vmax.f32 v17, v55  }
0x188: {  	v50 =	vadd.f32 v48, v0;
	v28 =	vmax.f32 v28, v3;
	v3 =	vadd.f32 v40, v0  }
0x189: {  	v35 =	vmax.f32 v35, v59;
	v52 =	vadd.f32 v41, v0;
	v54 =	vadd.f32 v48, v2  }
0x18a: {  	v56 =	vadd.f32 v41, v2;
	v24 =	vmax.f32 v24, v3;
	v3 =	vadd.f32 v42, v0  }
0x18b: {  	v27 =	vmax.f32 v27, v49;
	v57 =	vadd.f32 v42, v2;
	v59 =	vadd.f32 v46, v1  }
0x18c: {  	v61 =	vadd.f32 v40, v1;
	v22 =	vmax.f32 v22, v3;
	v3 =	vadd.f32 v46, v2  }
0x18d: {  	v34 =	vmax.f32 v34, v60;
	v32 =	vmax.f32 v32, v62;
	v31 =	vmax.f32 v31, v63  }
0x18e: {  	v30 =	vmax.f32 v30, v44;
	v19 =	vmax.f32 v19, v3;
	v3 =	vadd.f32 v40, v2  }
0x18f: {  	v26 =	vmax.f32 v26, v50;
	v23 =	vmax.f32 v23, v52;
	v18 =	vmax.f32 v18, v54  }
0x190: {  	v15 =	vmax.f32 v15, v56;
	v16 =	vmax.f32 v16, v3;
	v3 =	vadd.f32 v38, v2  }
0x191: {  	p1 =	sne.s32 s14, $0xF0;
	v14 =	vmax.f32 v14, v57;
	v60 =	vadd.f32 v45, v1;
	v11 =	vmax.f32 v11, v59  }
.Ltmp0:
0x192: {  	v62 =	vadd.f32 v41, v1;
	v13 =	vmax.f32 v13, v3;
	v3 =	vadd.f32 v48, v1;
	(pc) =	sbr.rel @p1 .LBB2_3-.Ltmp0, $4  }
0x193: {  	v63 =	vadd.f32 v42, v1;
	v8 =	vmax.f32 v8, v61;
	v0 =	vadd.f32 v36, v0  }
0x194: {  	v10 =	vmax.f32 v10, v3;
	v3 =	vadd.f32 v38, v1;
	v1 =	vadd.f32 v36, v1  }
0x195: {  	v9 =	vmax.f32 v9, v60;
	v7 =	vmax.f32 v7, v62;
	v6 =	vmax.f32 v6, v63  }
0x196: {  	s12 =	sadd.s32 $0x80, s12;
	s14 =	sadd.s32 $0x10, s14;
	s13 =	sadd.s32 $0x800, s13;
	v20 =	vmax.f32 v20, v0;
	v5 =	vmax.f32 v5, v3;
	v4 =	vmax.f32 v4, v1  }
0x197: {  	[tilespmem:s11+$0x8800] =	vst v35  }
0x198: {  	[tilespmem:s11+$0x8810] =	vst v34  }
0x199: {  	[tilespmem:s11+$0x8820] =	vst v33  }
0x19a: {  	[tilespmem:s11+$0x8830] =	vst v32  }
0x19b: {  	[tilespmem:s11+$0x8840] =	vst v31  }
0x19c: {  	[tilespmem:s11+$0x8850] =	vst v30  }
0x19d: {  	[tilespmem:s11+$0x8860] =	vst v29  }
0x19e: {  	[tilespmem:s11+$0x8870] =	vst v28  }
0x19f: {  	[tilespmem:s11+$0x8880] =	vst v27  }
0x1a0: {  	[tilespmem:s11+$0x8890] =	vst v26  }
0x1a1: {  	[tilespmem:s11+$0x88A0] =	vst v25  }
0x1a2: {  	[tilespmem:s11+$0x88B0] =	vst v24  }
0x1a3: {  	[tilespmem:s11+$0x88C0] =	vst v23  }
0x1a4: {  	[tilespmem:s11+$0x88D0] =	vst v22  }
0x1a5: {  	[tilespmem:s11+$0x88E0] =	vst v21  }
0x1a6: {  	[tilespmem:s11+$0x88F0] =	vst v20  }
0x1a7: {  	[tilespmem:s11+$0x8900] =	vst v19  }
0x1a8: {  	[tilespmem:s11+$0x8910] =	vst v18  }
0x1a9: {  	[tilespmem:s11+$0x8920] =	vst v17  }
0x1aa: {  	[tilespmem:s11+$0x8930] =	vst v16  }
0x1ab: {  	[tilespmem:s11+$0x8940] =	vst v15  }
0x1ac: {  	[tilespmem:s11+$0x8950] =	vst v14  }
0x1ad: {  	[tilespmem:s11+$0x8960] =	vst v13  }
0x1ae: {  	[tilespmem:s11+$0x8970] =	vst v12  }
0x1af: {  	[tilespmem:s11+$0x8980] =	vst v11  }
0x1b0: {  	[tilespmem:s11+$0x8990] =	vst v10  }
0x1b1: {  	[tilespmem:s11+$0x89A0] =	vst v9  }
.Ltmp1:
0x1b2: {  	[tilespmem:s11+$0x89B0] =	vst v8;
	(pc) =	sbr.rel @p0 .LBB2_2-.Ltmp1, $4  }
0x1b3: {  	[tilespmem:s11+$0x89C0] =	vst v7  }
0x1b4: {  	[tilespmem:s11+$0x89D0] =	vst v6  }
0x1b5: {  	[tilespmem:s11+$0x89E0] =	vst v5  }
0x1b6: {  	[tilespmem:s11+$0x89F0] =	vst v4;
	s11 =	simm.s32 $0x800;
	p1 =	por $0x0, $0x0  }
0x1b7: {  	s10 =	sadd.s32 $0x1, s10  }
0x1b8: {  	p0 =	sne.s32 s10, s6  }
.Ltmp2:
0x1b9: {  	_ = 	snop;
	(pc) =	sbr.rel @p0 .LBB2_1-.Ltmp2, $4  }
0x1ba: {  	[hbm4b:s5+s2] =	stream.linear.scatter [tilespmem:s9], [sflag:$0x1], $0x400, $0x38;
	[tilespmem:$0x8C00] =	vst v63  }
0x1bb: {  	_ =	swait.ge [sflag:s7], $0x400  }
0x1bc: {  	[sflag:s7] =	ssyncset.done $0x0  }
0x1bd: {  	[sflag:s7] =	ssyncadd.s32 $0xFFFFFC00  }
0x1be: {  	_ =	sfence.sel $0x180000  }
0x1bf: {  	[bflag:$0x0] =	sbarrier.arrive $0xFFFF  }
0x1c0: {  	p0 =	sne.s32 s1, $0x0;
	_ =	strace $0x90000047  }
0x1c1: {  	s0 =	sadd.s32 @!p0 $0x100000, s0;
	[bflag:$0x2] =	sbarrier.arrive $0xFFFF  }
0x1c2: {  	[sflag:s0] =	ssyncadd.tile.s32 @!p0 $0x1;
	_ =	shalt  }
.Lfunc_end2:
_tile_overlayer_lowered:
.L_overlay_start_2:
0x1c3: {  	(tag) =	ssettag $0x2  }
0x1c4: {  	s0 =	rddreg [dreg:$0x0];
	s2 =	stileid.u32  }
0x1c5: {  	s1 =	rddreg [dreg:$0x1];
	p0 =	sne.s32 s2, $0x0  }
0x1c6: {  	s3 =	rddreg [dreg:$0x2];
	[bflag:$0x3] =	sbarrier.arrive $0xFFFF;
	s2 =	simm.s32 @!p0 $0x1C01  }
0x1c7: {  	[timem:s3], [sflag:s2] =	dma.local @!p0 [hbm:s0], s1  }
0x1c8: {  	s0 =	simm.s32 @!p0 $0x1  }
0x1c9: {  	_ =	swait.ge @!p0 [sflag:s0], s1  }
0x1ca: {  	s1 =	ssub.s32 @!p0 $0x0, s1;
	[sflag:s0] =	ssyncset.done @!p0 $0x0  }
0x1cb: {  	[sflag:s0] =	ssyncadd.s32 @!p0 s1  }
0x1cc: {  	[bflag:$0x3] =	sbarrier.arrive $0xFFFF  }
0x1cd: {  	_ =	shalt  }

</sc_bundles>
